<compile_context>
chip_gen: v7x
topology: tpu7x:2x2x1
jax: 0.10.2.dev20260603
libtpu: 0.0.44.dev20260713+nightly
codegen_flags: <defaults>
</compile_context>

<pallas_src>
import functools

import jax
import jax.numpy as jnp
from jax import lax
from jax.experimental import pallas as pl
from jax.experimental.pallas import tpu as pltpu
from jax.experimental.pallas import tpu_sc as plsc


def _make_pool(batch, hist, d, nc, ns):
    nw = nc * ns
    cb = 2
    ct = cb * hist
    chunks_per_w = batch // (cb * nw)
    bags_per_w = batch // nw
    half = chunks_per_w // 2
    assert batch % (cb * nw) == 0 and chunks_per_w % 2 == 0 and d % 16 == 0
    nd = d // 16

    mesh = plsc.VectorSubcoreMesh(core_axis_name="c", subcore_axis_name="s")

    @functools.partial(
        pl.kernel,
        mesh=mesh,
        out_type=jax.ShapeDtypeStruct((batch, d), jnp.float32),
        compiler_params=pltpu.CompilerParams(use_tc_tiling_on_sc=False),
        scratch_types=[
            pltpu.VMEM((chunks_per_w, ct), jnp.int32),
            pltpu.VMEM((ct, d), jnp.float32),
            pltpu.VMEM((ct, d), jnp.float32),
            pltpu.VMEM((bags_per_w, d), jnp.float32),
            pltpu.SemaphoreType.DMA,
            pltpu.SemaphoreType.DMA,
        ],
    )
    def pool(tok_hbm, table_hbm, out_hbm, idx_v, buf0, buf1, pooled_v,
             sem0, sem1):
        wid = lax.axis_index("s") * nc + lax.axis_index("c")
        pltpu.sync_copy(tok_hbm.at[pl.ds(wid * chunks_per_w, chunks_per_w)],
                        idx_v)

        def start(c, buf, sem):
            pltpu.make_async_copy(table_hbm.at[idx_v.at[c]], buf, sem).start()

        def wait(buf, sem):
            pltpu.make_async_copy(table_hbm.at[idx_v.at[0]], buf, sem).wait()

        def accum(buf, bag_base):
            for j in range(cb):
                accs = [buf[j * hist, pl.ds(k * 16, 16)] for k in range(nd)]
                for t in range(1, hist):
                    for k in range(nd):
                        accs[k] = accs[k] + buf[j * hist + t,
                                                pl.ds(k * 16, 16)]
                for k in range(nd):
                    pooled_v[bag_base + j, pl.ds(k * 16, 16)] = accs[k]

        start(0, buf0, sem0)

        def step(g, carry):
            start(2 * g + 1, buf1, sem1)
            wait(buf0, sem0)
            accum(buf0, 2 * cb * g)

            @pl.when(g < half - 1)
            def _():
                start(2 * g + 2, buf0, sem0)

            wait(buf1, sem1)
            accum(buf1, 2 * cb * g + cb)
            return carry

        lax.fori_loop(0, half, step, 0)
        pltpu.sync_copy(pooled_v,
                        out_hbm.at[pl.ds(wid * bags_per_w, bags_per_w)])

    return pool


def _fc_body(scale, pooled_ref, wt_ref, b_ref, out_ref):
    out_ref[...] = (
        jnp.dot(pooled_ref[...] * scale, wt_ref[...],
                preferred_element_type=jnp.float32)
        + b_ref[...]
    )


def kernel(concated_token_lists, offsets, emb_weight, fc_weight, fc_bias):
    total = concated_token_lists.shape[0]
    batch = offsets.shape[0]
    hist = total // batch
    d = emb_weight.shape[1]
    ncls = fc_weight.shape[0]

    info = plsc.get_sparse_core_info()
    nc, ns = info.num_cores, info.num_subcores

    cb = 2
    tok2d = concated_token_lists.astype(jnp.int32).reshape(
        batch // cb, hist * cb)
    pooled = _make_pool(batch, hist, d, nc, ns)(tok2d, emb_weight)

    wt = fc_weight.T.astype(jnp.float32)
    b2 = fc_bias.reshape(1, ncls).astype(jnp.float32)
    fc = pl.pallas_call(
        functools.partial(_fc_body, 1.0 / float(hist)),
        out_shape=jax.ShapeDtypeStruct((batch, ncls), jnp.float32),
    )
    return fc(pooled, wt, b2)

# --- scband reference (transcript-rebuilt; emitter-appended) ---
"""Pipeline reference for scband-text-sentiment-46617575031431 (READ-ONLY COPY).

The authoritative reference and input builder live on the scoring server;
editing this copy changes nothing except your own understanding.
"""

import jax, jax.numpy as jnp
import numpy as np

VOCAB = 1000000
EMBED_DIM = 64
NUM_CLASS = 4
BATCH = 4096
HIST = 50
TOTAL = BATCH * HIST


def setup_inputs(seed: int = 0) -> dict:
    key = jax.random.key(seed)
    k_tok, k_emb, k_fc = jax.random.split(key, 3)
    concated_token_lists = jax.random.randint(k_tok, (TOTAL,), 0, VOCAB, dtype=jnp.int64 if jax.config.jax_enable_x64 else jnp.int32)
    offsets = jnp.arange(BATCH, dtype=concated_token_lists.dtype) * HIST
    initrange = 0.5
    emb_weight = jax.random.uniform(k_emb, (VOCAB, EMBED_DIM), dtype=jnp.float32, minval=-initrange, maxval=initrange)
    fc_weight = jax.random.uniform(k_fc, (NUM_CLASS, EMBED_DIM), dtype=jnp.float32, minval=-initrange, maxval=initrange)
    fc_bias = jnp.zeros((NUM_CLASS,), dtype=jnp.float32)
    return {
        'concated_token_lists': concated_token_lists,
        'offsets': offsets,
        'emb_weight': emb_weight,
        'fc_weight': fc_weight,
        'fc_bias': fc_bias,
    }


def reference(concated_token_lists, offsets, emb_weight, fc_weight, fc_bias):
    total = concated_token_lists.shape[0]
    batch = offsets.shape[0]
    # EmbeddingBag(mode='mean'): gather then segment-mean per bag defined by offsets
    gathered = jnp.take(emb_weight, concated_token_lists, axis=0)  # [total, D]
    positions = jnp.arange(total)
    seg_ids = jnp.searchsorted(offsets, positions, side='right') - 1  # [total]
    sums = jax.ops.segment_sum(gathered, seg_ids, num_segments=batch)  # [B, D]
    counts = jax.ops.segment_sum(jnp.ones((total,), dtype=jnp.float32), seg_ids, num_segments=batch)
    counts = jnp.maximum(counts, 1.0)
    pooled = sums / counts[:, None]  # [B, D]
    # Linear
    outputs = pooled @ fc_weight.T + fc_bias  # [B, num_class]
    return outputs

if __name__ == "__main__":
    import jax
    _d = setup_inputs()
    print(jax.jit(kernel)(*tuple(_d.values())))

</pallas_src>

<mosaic_0001>
#map = affine_map<(d0, d1) -> (0, 0)>
module attributes {stable_mosaic.version = 14 : i64} {
  func.func @pool(%arg0: i32, %arg1: i32, %arg2: memref<2048x100xi32, #tpu.memory_space<hbm>>, %arg3: memref<1000000x64xf32, #tpu.memory_space<hbm>>, %arg4: memref<4096x64xf32, #tpu.memory_space<hbm>>, %arg5: memref<64x100xi32, #tpu.memory_space<vmem>>, %arg6: memref<100x64xf32, #tpu.memory_space<vmem>>, %arg7: memref<100x64xf32, #tpu.memory_space<vmem>>, %arg8: memref<128x64xf32, #tpu.memory_space<vmem>>, %arg9: memref<!tpu.dma_semaphore, #tpu.memory_space<semaphore_mem>>, %arg10: memref<!tpu.dma_semaphore, #tpu.memory_space<semaphore_mem>>) attributes {dimension_semantics = [#tpu.dimension_semantics<core_parallel>, #tpu.dimension_semantics<subcore_parallel>], iteration_bounds = array<i64: 2, 16>, scalar_prefetch = 0 : i64, scratch_operands = 6 : i64, tpu.core_type = #tpu.core_type<sc_vector_subcore>, window_params = [{transform_indices = #map}, {transform_indices = #map}, {transform_indices = #map}]} {
    %mul3A = arith.constant 2 : i32
    %mul3A_0 = arith.muli %arg1, %mul3A : i32
    %add3A = arith.addi %mul3A_0, %arg0 : i32
    %mul3A_1 = arith.constant 64 : i32
    %mul3A_2 = arith.muli %add3A, %mul3A_1 : i32
    "tpu.region"() ({
      %run_scoped3A = tpu.sem_alloc : memref<!tpu.dma_semaphore, #tpu.memory_space<semaphore_mem>>
      %dma_start3A_16 = arith.constant 0 : i32
      %dma_start3A_17 = tpu.memref_slice %arg2[%mul3A_2, %dma_start3A_16] : memref<2048x100xi32, #tpu.memory_space<hbm>> -> memref<64x100xi32, #tpu.memory_space<hbm>>
      %dma_start3A_18 = arith.constant 0 : i32
      %dma_start3A_19 = tpu.memref_slice %arg2[%mul3A_2, %dma_start3A_18] : memref<2048x100xi32, #tpu.memory_space<hbm>> -> memref<64x100xi32, #tpu.memory_space<hbm>>
      tpu.enqueue_dma source(%dma_start3A_19 : memref<64x100xi32, #tpu.memory_space<hbm>>) target(%arg5 : memref<64x100xi32, #tpu.memory_space<vmem>>) target_semaphore(%run_scoped3A : memref<!tpu.dma_semaphore, #tpu.memory_space<semaphore_mem>>)
      %dma_wait3A = arith.constant 0 : i32
      %dma_wait3A_20 = tpu.memref_slice %arg2[%mul3A_2, %dma_wait3A] : memref<2048x100xi32, #tpu.memory_space<hbm>> -> memref<64x100xi32, #tpu.memory_space<hbm>>
      %dma_wait3A_21 = arith.constant 0 : i32
      %dma_wait3A_22 = tpu.memref_slice %arg2[%mul3A_2, %dma_wait3A_21] : memref<2048x100xi32, #tpu.memory_space<hbm>> -> memref<64x100xi32, #tpu.memory_space<hbm>>
      tpu.wait_dma2 semaphore(%run_scoped3A : memref<!tpu.dma_semaphore, #tpu.memory_space<semaphore_mem>>) src(%dma_wait3A_22 : memref<64x100xi32, #tpu.memory_space<hbm>>) dst(%arg5 : memref<64x100xi32, #tpu.memory_space<vmem>>)
      tpu.yield
    }) : () -> ()
    %dma_start3A = arith.constant 0 : i32
    %dma_start3A_3 = arith.constant 0 : i32
    %dma_start3A_4 = tpu.memref_slice %arg5[%dma_start3A, %dma_start3A_3] : memref<64x100xi32, #tpu.memory_space<vmem>> -> memref<1x100xi32, #tpu.memory_space<vmem>>
    %dma_start3A_5 = tpu.memref_squeeze %dma_start3A_4 : memref<1x100xi32, #tpu.memory_space<vmem>> -> memref<100xi32, #tpu.memory_space<vmem>>
    %dma_start3A_6 = arith.constant 0 : i32
    %dma_start3A_7 = arith.constant 0 : i32
    %dma_start3A_8 = tpu.memref_slice %arg3[%dma_start3A_6, %dma_start3A_7] : memref<1000000x64xf32, #tpu.memory_space<hbm>> -> memref<1000000x64xf32, #tpu.memory_space<hbm>>
    tpu.enqueue_indirect_dma source(%dma_start3A_8 : memref<1000000x64xf32, #tpu.memory_space<hbm>>) target(%arg6 : memref<100x64xf32, #tpu.memory_space<vmem>>) offsets(%dma_start3A_5 : memref<100xi32, #tpu.memory_space<vmem>>) semaphore(%arg9 : memref<!tpu.dma_semaphore, #tpu.memory_space<semaphore_mem>>)
    %scan3A = arith.constant 0 : i32
    %scan3A_9 = arith.constant 0 : i32
    %scan3A_10 = arith.constant 32 : i32
    %scan3A_11 = arith.addi %scan3A_9, %scan3A_10 : i32
    %scan3A_12 = arith.constant 1 : i32
    scf.for %scan3A_16 = %scan3A_9 to %scan3A_11 step %scan3A_12  : i32 {
      %mul3A_17 = arith.constant 2 : i32
      %mul3A_18 = arith.muli %mul3A_17, %scan3A_16 : i32
      %add3A_19 = arith.constant 1 : i32
      %add3A_20 = arith.addi %mul3A_18, %add3A_19 : i32
      %dma_start3A_21 = arith.constant 0 : i32
      %dma_start3A_22 = tpu.memref_slice %arg5[%add3A_20, %dma_start3A_21] : memref<64x100xi32, #tpu.memory_space<vmem>> -> memref<1x100xi32, #tpu.memory_space<vmem>>
      %dma_start3A_23 = tpu.memref_squeeze %dma_start3A_22 : memref<1x100xi32, #tpu.memory_space<vmem>> -> memref<100xi32, #tpu.memory_space<vmem>>
      %dma_start3A_24 = arith.constant 0 : i32
      %dma_start3A_25 = arith.constant 0 : i32
      %dma_start3A_26 = tpu.memref_slice %arg3[%dma_start3A_24, %dma_start3A_25] : memref<1000000x64xf32, #tpu.memory_space<hbm>> -> memref<1000000x64xf32, #tpu.memory_space<hbm>>
      tpu.enqueue_indirect_dma source(%dma_start3A_26 : memref<1000000x64xf32, #tpu.memory_space<hbm>>) target(%arg7 : memref<100x64xf32, #tpu.memory_space<vmem>>) offsets(%dma_start3A_23 : memref<100xi32, #tpu.memory_space<vmem>>) semaphore(%arg10 : memref<!tpu.dma_semaphore, #tpu.memory_space<semaphore_mem>>)
      %dma_wait3A = arith.constant 0 : i32
      %dma_wait3A_27 = arith.constant 0 : i32
      %dma_wait3A_28 = tpu.memref_slice %arg5[%dma_wait3A, %dma_wait3A_27] : memref<64x100xi32, #tpu.memory_space<vmem>> -> memref<1x100xi32, #tpu.memory_space<vmem>>
      %dma_wait3A_29 = tpu.memref_squeeze %dma_wait3A_28 : memref<1x100xi32, #tpu.memory_space<vmem>> -> memref<100xi32, #tpu.memory_space<vmem>>
      %dma_wait3A_30 = arith.constant 0 : i32
      %dma_wait3A_31 = arith.constant 0 : i32
      %dma_wait3A_32 = tpu.memref_slice %arg3[%dma_wait3A_30, %dma_wait3A_31] : memref<1000000x64xf32, #tpu.memory_space<hbm>> -> memref<1000000x64xf32, #tpu.memory_space<hbm>>
      tpu.wait_indirect_dma semaphore(%arg9 : memref<!tpu.dma_semaphore, #tpu.memory_space<semaphore_mem>>) src(%dma_wait3A_32 : memref<1000000x64xf32, #tpu.memory_space<hbm>>) dst(%arg6 : memref<100x64xf32, #tpu.memory_space<vmem>>)
      %mul3A_33 = arith.constant 4 : i32
      %mul3A_34 = arith.muli %mul3A_33, %scan3A_16 : i32
      %get3A = arith.constant 0 : i32
      %get3A_35 = arith.index_cast %get3A : i32 to index
      %get3A_36 = arith.constant 0 : index
      %get3A_37 = tpu.vector_load %arg6[%get3A_35, %get3A_36] {strides = array<i32>} : memref<100x64xf32, #tpu.memory_space<vmem>>, vector<1x16xf32>,
      %get3A_38 = vector.shape_cast %get3A_37 : vector<1x16xf32> to vector<16xf32>
      %get3A_39 = arith.constant 0 : i32
      %get3A_40 = arith.index_cast %get3A_39 : i32 to index
      %get3A_41 = arith.constant 16 : index
      %get3A_42 = tpu.vector_load %arg6[%get3A_40, %get3A_41] {strides = array<i32>} : memref<100x64xf32, #tpu.memory_space<vmem>>, vector<1x16xf32>,
      %get3A_43 = vector.shape_cast %get3A_42 : vector<1x16xf32> to vector<16xf32>
      %get3A_44 = arith.constant 0 : i32
      %get3A_45 = arith.index_cast %get3A_44 : i32 to index
      %get3A_46 = arith.constant 32 : index
      %get3A_47 = tpu.vector_load %arg6[%get3A_45, %get3A_46] {strides = array<i32>} : memref<100x64xf32, #tpu.memory_space<vmem>>, vector<1x16xf32>,
      %get3A_48 = vector.shape_cast %get3A_47 : vector<1x16xf32> to vector<16xf32>
      %get3A_49 = arith.constant 0 : i32
      %get3A_50 = arith.index_cast %get3A_49 : i32 to index
      %get3A_51 = arith.constant 48 : index
      %get3A_52 = tpu.vector_load %arg6[%get3A_50, %get3A_51] {strides = array<i32>} : memref<100x64xf32, #tpu.memory_space<vmem>>, vector<1x16xf32>,
      %get3A_53 = vector.shape_cast %get3A_52 : vector<1x16xf32> to vector<16xf32>
      %get3A_54 = arith.constant 1 : i32
      %get3A_55 = arith.index_cast %get3A_54 : i32 to index
      %get3A_56 = arith.constant 0 : index
      %get3A_57 = tpu.vector_load %arg6[%get3A_55, %get3A_56] {strides = array<i32>} : memref<100x64xf32, #tpu.memory_space<vmem>>, vector<1x16xf32>,
      %get3A_58 = vector.shape_cast %get3A_57 : vector<1x16xf32> to vector<16xf32>
      %add3A_59 = arith.addf %get3A_38, %get3A_58 : vector<16xf32>
      %get3A_60 = arith.constant 1 : i32
      %get3A_61 = arith.index_cast %get3A_60 : i32 to index
      %get3A_62 = arith.constant 16 : index
      %get3A_63 = tpu.vector_load %arg6[%get3A_61, %get3A_62] {strides = array<i32>} : memref<100x64xf32, #tpu.memory_space<vmem>>, vector<1x16xf32>,
      %get3A_64 = vector.shape_cast %get3A_63 : vector<1x16xf32> to vector<16xf32>
      %add3A_65 = arith.addf %get3A_43, %get3A_64 : vector<16xf32>
      %get3A_66 = arith.constant 1 : i32
      %get3A_67 = arith.index_cast %get3A_66 : i32 to index
      %get3A_68 = arith.constant 32 : index
      %get3A_69 = tpu.vector_load %arg6[%get3A_67, %get3A_68] {strides = array<i32>} : memref<100x64xf32, #tpu.memory_space<vmem>>, vector<1x16xf32>,
      %get3A_70 = vector.shape_cast %get3A_69 : vector<1x16xf32> to vector<16xf32>
      %add3A_71 = arith.addf %get3A_48, %get3A_70 : vector<16xf32>
      %get3A_72 = arith.constant 1 : i32
      %get3A_73 = arith.index_cast %get3A_72 : i32 to index
      %get3A_74 = arith.constant 48 : index
      %get3A_75 = tpu.vector_load %arg6[%get3A_73, %get3A_74] {strides = array<i32>} : memref<100x64xf32, #tpu.memory_space<vmem>>, vector<1x16xf32>,
      %get3A_76 = vector.shape_cast %get3A_75 : vector<1x16xf32> to vector<16xf32>
      %add3A_77 = arith.addf %get3A_53, %get3A_76 : vector<16xf32>
      %get3A_78 = arith.constant 2 : i32
      %get3A_79 = arith.index_cast %get3A_78 : i32 to index
      %get3A_80 = arith.constant 0 : index
      %get3A_81 = tpu.vector_load %arg6[%get3A_79, %get3A_80] {strides = array<i32>} : memref<100x64xf32, #tpu.memory_space<vmem>>, vector<1x16xf32>,
      %get3A_82 = vector.shape_cast %get3A_81 : vector<1x16xf32> to vector<16xf32>
      %add3A_83 = arith.addf %add3A_59, %get3A_82 : vector<16xf32>
      %get3A_84 = arith.constant 2 : i32
      %get3A_85 = arith.index_cast %get3A_84 : i32 to index
      %get3A_86 = arith.constant 16 : index
      %get3A_87 = tpu.vector_load %arg6[%get3A_85, %get3A_86] {strides = array<i32>} : memref<100x64xf32, #tpu.memory_space<vmem>>, vector<1x16xf32>,
      %get3A_88 = vector.shape_cast %get3A_87 : vector<1x16xf32> to vector<16xf32>
      %add3A_89 = arith.addf %add3A_65, %get3A_88 : vector<16xf32>
      %get3A_90 = arith.constant 2 : i32
      %get3A_91 = arith.index_cast %get3A_90 : i32 to index
      %get3A_92 = arith.constant 32 : index
      %get3A_93 = tpu.vector_load %arg6[%get3A_91, %get3A_92] {strides = array<i32>} : memref<100x64xf32, #tpu.memory_space<vmem>>, vector<1x16xf32>,
      %get3A_94 = vector.shape_cast %get3A_93 : vector<1x16xf32> to vector<16xf32>
      %add3A_95 = arith.addf %add3A_71, %get3A_94 : vector<16xf32>
      %get3A_96 = arith.constant 2 : i32
      %get3A_97 = arith.index_cast %get3A_96 : i32 to index
      %get3A_98 = arith.constant 48 : index
      %get3A_99 = tpu.vector_load %arg6[%get3A_97, %get3A_98] {strides = array<i32>} : memref<100x64xf32, #tpu.memory_space<vmem>>, vector<1x16xf32>,
      %get3A_100 = vector.shape_cast %get3A_99 : vector<1x16xf32> to vector<16xf32>
      %add3A_101 = arith.addf %add3A_77, %get3A_100 : vector<16xf32>
      %get3A_102 = arith.constant 3 : i32
      %get3A_103 = arith.index_cast %get3A_102 : i32 to index
      %get3A_104 = arith.constant 0 : index
      %get3A_105 = tpu.vector_load %arg6[%get3A_103, %get3A_104] {strides = array<i32>} : memref<100x64xf32, #tpu.memory_space<vmem>>, vector<1x16xf32>,
      %get3A_106 = vector.shape_cast %get3A_105 : vector<1x16xf32> to vector<16xf32>
      %add3A_107 = arith.addf %add3A_83, %get3A_106 : vector<16xf32>
      %get3A_108 = arith.constant 3 : i32
      %get3A_109 = arith.index_cast %get3A_108 : i32 to index
      %get3A_110 = arith.constant 16 : index
      %get3A_111 = tpu.vector_load %arg6[%get3A_109, %get3A_110] {strides = array<i32>} : memref<100x64xf32, #tpu.memory_space<vmem>>, vector<1x16xf32>,
      %get3A_112 = vector.shape_cast %get3A_111 : vector<1x16xf32> to vector<16xf32>
      %add3A_113 = arith.addf %add3A_89, %get3A_112 : vector<16xf32>
      %get3A_114 = arith.constant 3 : i32
      %get3A_115 = arith.index_cast %get3A_114 : i32 to index
      %get3A_116 = arith.constant 32 : index
      %get3A_117 = tpu.vector_load %arg6[%get3A_115, %get3A_116] {strides = array<i32>} : memref<100x64xf32, #tpu.memory_space<vmem>>, vector<1x16xf32>,
      %get3A_118 = vector.shape_cast %get3A_117 : vector<1x16xf32> to vector<16xf32>
      %add3A_119 = arith.addf %add3A_95, %get3A_118 : vector<16xf32>
      %get3A_120 = arith.constant 3 : i32
      %get3A_121 = arith.index_cast %get3A_120 : i32 to index
      %get3A_122 = arith.constant 48 : index
      %get3A_123 = tpu.vector_load %arg6[%get3A_121, %get3A_122] {strides = array<i32>} : memref<100x64xf32, #tpu.memory_space<vmem>>, vector<1x16xf32>,
      %get3A_124 = vector.shape_cast %get3A_123 : vector<1x16xf32> to vector<16xf32>
      %add3A_125 = arith.addf %add3A_101, %get3A_124 : vector<16xf32>
      %get3A_126 = arith.constant 4 : i32
      %get3A_127 = arith.index_cast %get3A_126 : i32 to index
      %get3A_128 = arith.constant 0 : index
      %get3A_129 = tpu.vector_load %arg6[%get3A_127, %get3A_128] {strides = array<i32>} : memref<100x64xf32, #tpu.memory_space<vmem>>, vector<1x16xf32>,
      %get3A_130 = vector.shape_cast %get3A_129 : vector<1x16xf32> to vector<16xf32>
      %add3A_131 = arith.addf %add3A_107, %get3A_130 : vector<16xf32>
      %get3A_132 = arith.constant 4 : i32
      %get3A_133 = arith.index_cast %get3A_132 : i32 to index
      %get3A_134 = arith.constant 16 : index
      %get3A_135 = tpu.vector_load %arg6[%get3A_133, %get3A_134] {strides = array<i32>} : memref<100x64xf32, #tpu.memory_space<vmem>>, vector<1x16xf32>,
      %get3A_136 = vector.shape_cast %get3A_135 : vector<1x16xf32> to vector<16xf32>
      %add3A_137 = arith.addf %add3A_113, %get3A_136 : vector<16xf32>
      %get3A_138 = arith.constant 4 : i32
      %get3A_139 = arith.index_cast %get3A_138 : i32 to index
      %get3A_140 = arith.constant 32 : index
      %get3A_141 = tpu.vector_load %arg6[%get3A_139, %get3A_140] {strides = array<i32>} : memref<100x64xf32, #tpu.memory_space<vmem>>, vector<1x16xf32>,
      %get3A_142 = vector.shape_cast %get3A_141 : vector<1x16xf32> to vector<16xf32>
      %add3A_143 = arith.addf %add3A_119, %get3A_142 : vector<16xf32>
      %get3A_144 = arith.constant 4 : i32
      %get3A_145 = arith.index_cast %get3A_144 : i32 to index
      %get3A_146 = arith.constant 48 : index
      %get3A_147 = tpu.vector_load %arg6[%get3A_145, %get3A_146] {strides = array<i32>} : memref<100x64xf32, #tpu.memory_space<vmem>>, vector<1x16xf32>,
      %get3A_148 = vector.shape_cast %get3A_147 : vector<1x16xf32> to vector<16xf32>
      %add3A_149 = arith.addf %add3A_125, %get3A_148 : vector<16xf32>
      %get3A_150 = arith.constant 5 : i32
      %get3A_151 = arith.index_cast %get3A_150 : i32 to index
      %get3A_152 = arith.constant 0 : index
      %get3A_153 = tpu.vector_load %arg6[%get3A_151, %get3A_152] {strides = array<i32>} : memref<100x64xf32, #tpu.memory_space<vmem>>, vector<1x16xf32>,
      %get3A_154 = vector.shape_cast %get3A_153 : vector<1x16xf32> to vector<16xf32>
      %add3A_155 = arith.addf %add3A_131, %get3A_154 : vector<16xf32>
      %get3A_156 = arith.constant 5 : i32
      %get3A_157 = arith.index_cast %get3A_156 : i32 to index
      %get3A_158 = arith.constant 16 : index
      %get3A_159 = tpu.vector_load %arg6[%get3A_157, %get3A_158] {strides = array<i32>} : memref<100x64xf32, #tpu.memory_space<vmem>>, vector<1x16xf32>,
      %get3A_160 = vector.shape_cast %get3A_159 : vector<1x16xf32> to vector<16xf32>
      %add3A_161 = arith.addf %add3A_137, %get3A_160 : vector<16xf32>
      %get3A_162 = arith.constant 5 : i32
      %get3A_163 = arith.index_cast %get3A_162 : i32 to index
      %get3A_164 = arith.constant 32 : index
      %get3A_165 = tpu.vector_load %arg6[%get3A_163, %get3A_164] {strides = array<i32>} : memref<100x64xf32, #tpu.memory_space<vmem>>, vector<1x16xf32>,
      %get3A_166 = vector.shape_cast %get3A_165 : vector<1x16xf32> to vector<16xf32>
      %add3A_167 = arith.addf %add3A_143, %get3A_166 : vector<16xf32>
      %get3A_168 = arith.constant 5 : i32
      %get3A_169 = arith.index_cast %get3A_168 : i32 to index
      %get3A_170 = arith.constant 48 : index
      %get3A_171 = tpu.vector_load %arg6[%get3A_169, %get3A_170] {strides = array<i32>} : memref<100x64xf32, #tpu.memory_space<vmem>>, vector<1x16xf32>,
      %get3A_172 = vector.shape_cast %get3A_171 : vector<1x16xf32> to vector<16xf32>
      %add3A_173 = arith.addf %add3A_149, %get3A_172 : vector<16xf32>
      %get3A_174 = arith.constant 6 : i32
      %get3A_175 = arith.index_cast %get3A_174 : i32 to index
      %get3A_176 = arith.constant 0 : index
      %get3A_177 = tpu.vector_load %arg6[%get3A_175, %get3A_176] {strides = array<i32>} : memref<100x64xf32, #tpu.memory_space<vmem>>, vector<1x16xf32>,
      %get3A_178 = vector.shape_cast %get3A_177 : vector<1x16xf32> to vector<16xf32>
      %add3A_179 = arith.addf %add3A_155, %get3A_178 : vector<16xf32>
      %get3A_180 = arith.constant 6 : i32
      %get3A_181 = arith.index_cast %get3A_180 : i32 to index
      %get3A_182 = arith.constant 16 : index
      %get3A_183 = tpu.vector_load %arg6[%get3A_181, %get3A_182] {strides = array<i32>} : memref<100x64xf32, #tpu.memory_space<vmem>>, vector<1x16xf32>,
      %get3A_184 = vector.shape_cast %get3A_183 : vector<1x16xf32> to vector<16xf32>
      %add3A_185 = arith.addf %add3A_161, %get3A_184 : vector<16xf32>
      %get3A_186 = arith.constant 6 : i32
      %get3A_187 = arith.index_cast %get3A_186 : i32 to index
      %get3A_188 = arith.constant 32 : index
      %get3A_189 = tpu.vector_load %arg6[%get3A_187, %get3A_188] {strides = array<i32>} : memref<100x64xf32, #tpu.memory_space<vmem>>, vector<1x16xf32>,
      %get3A_190 = vector.shape_cast %get3A_189 : vector<1x16xf32> to vector<16xf32>
      %add3A_191 = arith.addf %add3A_167, %get3A_190 : vector<16xf32>
      %get3A_192 = arith.constant 6 : i32
      %get3A_193 = arith.index_cast %get3A_192 : i32 to index
      %get3A_194 = arith.constant 48 : index
      %get3A_195 = tpu.vector_load %arg6[%get3A_193, %get3A_194] {strides = array<i32>} : memref<100x64xf32, #tpu.memory_space<vmem>>, vector<1x16xf32>,
      %get3A_196 = vector.shape_cast %get3A_195 : vector<1x16xf32> to vector<16xf32>
      %add3A_197 = arith.addf %add3A_173, %get3A_196 : vector<16xf32>
      %get3A_198 = arith.constant 7 : i32
      %get3A_199 = arith.index_cast %get3A_198 : i32 to index
      %get3A_200 = arith.constant 0 : index
      %get3A_201 = tpu.vector_load %arg6[%get3A_199, %get3A_200] {strides = array<i32>} : memref<100x64xf32, #tpu.memory_space<vmem>>, vector<1x16xf32>,
      %get3A_202 = vector.shape_cast %get3A_201 : vector<1x16xf32> to vector<16xf32>
      %add3A_203 = arith.addf %add3A_179, %get3A_202 : vector<16xf32>
      %get3A_204 = arith.constant 7 : i32
      %get3A_205 = arith.index_cast %get3A_204 : i32 to index
      %get3A_206 = arith.constant 16 : index
      %get3A_207 = tpu.vector_load %arg6[%get3A_205, %get3A_206] {strides = array<i32>} : memref<100x64xf32, #tpu.memory_space<vmem>>, vector<1x16xf32>,
      %get3A_208 = vector.shape_cast %get3A_207 : vector<1x16xf32> to vector<16xf32>
      %add3A_209 = arith.addf %add3A_185, %get3A_208 : vector<16xf32>
      %get3A_210 = arith.constant 7 : i32
      %get3A_211 = arith.index_cast %get3A_210 : i32 to index
      %get3A_212 = arith.constant 32 : index
      %get3A_213 = tpu.vector_load %arg6[%get3A_211, %get3A_212] {strides = array<i32>} : memref<100x64xf32, #tpu.memory_space<vmem>>, vector<1x16xf32>,
      %get3A_214 = vector.shape_cast %get3A_213 : vector<1x16xf32> to vector<16xf32>
      %add3A_215 = arith.addf %add3A_191, %get3A_214 : vector<16xf32>
      %get3A_216 = arith.constant 7 : i32
      %get3A_217 = arith.index_cast %get3A_216 : i32 to index
      %get3A_218 = arith.constant 48 : index
      %get3A_219 = tpu.vector_load %arg6[%get3A_217, %get3A_218] {strides = array<i32>} : memref<100x64xf32, #tpu.memory_space<vmem>>, vector<1x16xf32>,
      %get3A_220 = vector.shape_cast %get3A_219 : vector<1x16xf32> to vector<16xf32>
      %add3A_221 = arith.addf %add3A_197, %get3A_220 : vector<16xf32>
      %get3A_222 = arith.constant 8 : i32
      %get3A_223 = arith.index_cast %get3A_222 : i32 to index
      %get3A_224 = arith.constant 0 : index
      %get3A_225 = tpu.vector_load %arg6[%get3A_223, %get3A_224] {strides = array<i32>} : memref<100x64xf32, #tpu.memory_space<vmem>>, vector<1x16xf32>,
      %get3A_226 = vector.shape_cast %get3A_225 : vector<1x16xf32> to vector<16xf32>
      %add3A_227 = arith.addf %add3A_203, %get3A_226 : vector<16xf32>
      %get3A_228 = arith.constant 8 : i32
      %get3A_229 = arith.index_cast %get3A_228 : i32 to index
      %get3A_230 = arith.constant 16 : index
      %get3A_231 = tpu.vector_load %arg6[%get3A_229, %get3A_230] {strides = array<i32>} : memref<100x64xf32, #tpu.memory_space<vmem>>, vector<1x16xf32>,
      %get3A_232 = vector.shape_cast %get3A_231 : vector<1x16xf32> to vector<16xf32>
      %add3A_233 = arith.addf %add3A_209, %get3A_232 : vector<16xf32>
      %get3A_234 = arith.constant 8 : i32
      %get3A_235 = arith.index_cast %get3A_234 : i32 to index
      %get3A_236 = arith.constant 32 : index
      %get3A_237 = tpu.vector_load %arg6[%get3A_235, %get3A_236] {strides = array<i32>} : memref<100x64xf32, #tpu.memory_space<vmem>>, vector<1x16xf32>,
      %get3A_238 = vector.shape_cast %get3A_237 : vector<1x16xf32> to vector<16xf32>
      %add3A_239 = arith.addf %add3A_215, %get3A_238 : vector<16xf32>
      %get3A_240 = arith.constant 8 : i32
      %get3A_241 = arith.index_cast %get3A_240 : i32 to index
      %get3A_242 = arith.constant 48 : index
      %get3A_243 = tpu.vector_load %arg6[%get3A_241, %get3A_242] {strides = array<i32>} : memref<100x64xf32, #tpu.memory_space<vmem>>, vector<1x16xf32>,
      %get3A_244 = vector.shape_cast %get3A_243 : vector<1x16xf32> to vector<16xf32>
      %add3A_245 = arith.addf %add3A_221, %get3A_244 : vector<16xf32>
      %get3A_246 = arith.constant 9 : i32
      %get3A_247 = arith.index_cast %get3A_246 : i32 to index
      %get3A_248 = arith.constant 0 : index
      %get3A_249 = tpu.vector_load %arg6[%get3A_247, %get3A_248] {strides = array<i32>} : memref<100x64xf32, #tpu.memory_space<vmem>>, vector<1x16xf32>,
      %get3A_250 = vector.shape_cast %get3A_249 : vector<1x16xf32> to vector<16xf32>
      %add3A_251 = arith.addf %add3A_227, %get3A_250 : vector<16xf32>
      %get3A_252 = arith.constant 9 : i32
      %get3A_253 = arith.index_cast %get3A_252 : i32 to index
      %get3A_254 = arith.constant 16 : index
      %get3A_255 = tpu.vector_load %arg6[%get3A_253, %get3A_254] {strides = array<i32>} : memref<100x64xf32, #tpu.memory_space<vmem>>, vector<1x16xf32>,
      %get3A_256 = vector.shape_cast %get3A_255 : vector<1x16xf32> to vector<16xf32>
      %add3A_257 = arith.addf %add3A_233, %get3A_256 : vector<16xf32>
      %get3A_258 = arith.constant 9 : i32
      %get3A_259 = arith.index_cast %get3A_258 : i32 to index
      %get3A_260 = arith.constant 32 : index
      %get3A_261 = tpu.vector_load %arg6[%get3A_259, %get3A_260] {strides = array<i32>} : memref<100x64xf32, #tpu.memory_space<vmem>>, vector<1x16xf32>,
      %get3A_262 = vector.shape_cast %get3A_261 : vector<1x16xf32> to vector<16xf32>
      %add3A_263 = arith.addf %add3A_239, %get3A_262 : vector<16xf32>
      %get3A_264 = arith.constant 9 : i32
      %get3A_265 = arith.index_cast %get3A_264 : i32 to index
      %get3A_266 = arith.constant 48 : index
      %get3A_267 = tpu.vector_load %arg6[%get3A_265, %get3A_266] {strides = array<i32>} : memref<100x64xf32, #tpu.memory_space<vmem>>, vector<1x16xf32>,
      %get3A_268 = vector.shape_cast %get3A_267 : vector<1x16xf32> to vector<16xf32>
      %add3A_269 = arith.addf %add3A_245, %get3A_268 : vector<16xf32>
      %get3A_270 = arith.constant 10 : i32
      %get3A_271 = arith.index_cast %get3A_270 : i32 to index
      %get3A_272 = arith.constant 0 : index
      %get3A_273 = tpu.vector_load %arg6[%get3A_271, %get3A_272] {strides = array<i32>} : memref<100x64xf32, #tpu.memory_space<vmem>>, vector<1x16xf32>,
      %get3A_274 = vector.shape_cast %get3A_273 : vector<1x16xf32> to vector<16xf32>
      %add3A_275 = arith.addf %add3A_251, %get3A_274 : vector<16xf32>
      %get3A_276 = arith.constant 10 : i32
      %get3A_277 = arith.index_cast %get3A_276 : i32 to index
      %get3A_278 = arith.constant 16 : index
      %get3A_279 = tpu.vector_load %arg6[%get3A_277, %get3A_278] {strides = array<i32>} : memref<100x64xf32, #tpu.memory_space<vmem>>, vector<1x16xf32>,
      %get3A_280 = vector.shape_cast %get3A_279 : vector<1x16xf32> to vector<16xf32>
      %add3A_281 = arith.addf %add3A_257, %get3A_280 : vector<16xf32>
      %get3A_282 = arith.constant 10 : i32
      %get3A_283 = arith.index_cast %get3A_282 : i32 to index
      %get3A_284 = arith.constant 32 : index
      %get3A_285 = tpu.vector_load %arg6[%get3A_283, %get3A_284] {strides = array<i32>} : memref<100x64xf32, #tpu.memory_space<vmem>>, vector<1x16xf32>,
      %get3A_286 = vector.shape_cast %get3A_285 : vector<1x16xf32> to vector<16xf32>
      %add3A_287 = arith.addf %add3A_263, %get3A_286 : vector<16xf32>
      %get3A_288 = arith.constant 10 : i32
      %get3A_289 = arith.index_cast %get3A_288 : i32 to index
      %get3A_290 = arith.constant 48 : index
      %get3A_291 = tpu.vector_load %arg6[%get3A_289, %get3A_290] {strides = array<i32>} : memref<100x64xf32, #tpu.memory_space<vmem>>, vector<1x16xf32>,
      %get3A_292 = vector.shape_cast %get3A_291 : vector<1x16xf32> to vector<16xf32>
      %add3A_293 = arith.addf %add3A_269, %get3A_292 : vector<16xf32>
      %get3A_294 = arith.constant 11 : i32
      %get3A_295 = arith.index_cast %get3A_294 : i32 to index
      %get3A_296 = arith.constant 0 : index
      %get3A_297 = tpu.vector_load %arg6[%get3A_295, %get3A_296] {strides = array<i32>} : memref<100x64xf32, #tpu.memory_space<vmem>>, vector<1x16xf32>,
      %get3A_298 = vector.shape_cast %get3A_297 : vector<1x16xf32> to vector<16xf32>
      %add3A_299 = arith.addf %add3A_275, %get3A_298 : vector<16xf32>
      %get3A_300 = arith.constant 11 : i32
      %get3A_301 = arith.index_cast %get3A_300 : i32 to index
      %get3A_302 = arith.constant 16 : index
      %get3A_303 = tpu.vector_load %arg6[%get3A_301, %get3A_302] {strides = array<i32>} : memref<100x64xf32, #tpu.memory_space<vmem>>, vector<1x16xf32>,
      %get3A_304 = vector.shape_cast %get3A_303 : vector<1x16xf32> to vector<16xf32>
      %add3A_305 = arith.addf %add3A_281, %get3A_304 : vector<16xf32>
      %get3A_306 = arith.constant 11 : i32
      %get3A_307 = arith.index_cast %get3A_306 : i32 to index
      %get3A_308 = arith.constant 32 : index
      %get3A_309 = tpu.vector_load %arg6[%get3A_307, %get3A_308] {strides = array<i32>} : memref<100x64xf32, #tpu.memory_space<vmem>>, vector<1x16xf32>,
      %get3A_310 = vector.shape_cast %get3A_309 : vector<1x16xf32> to vector<16xf32>
      %add3A_311 = arith.addf %add3A_287, %get3A_310 : vector<16xf32>
      %get3A_312 = arith.constant 11 : i32
      %get3A_313 = arith.index_cast %get3A_312 : i32 to index
      %get3A_314 = arith.constant 48 : index
      %get3A_315 = tpu.vector_load %arg6[%get3A_313, %get3A_314] {strides = array<i32>} : memref<100x64xf32, #tpu.memory_space<vmem>>, vector<1x16xf32>,
      %get3A_316 = vector.shape_cast %get3A_315 : vector<1x16xf32> to vector<16xf32>
      %add3A_317 = arith.addf %add3A_293, %get3A_316 : vector<16xf32>
      %get3A_318 = arith.constant 12 : i32
      %get3A_319 = arith.index_cast %get3A_318 : i32 to index
      %get3A_320 = arith.constant 0 : index
      %get3A_321 = tpu.vector_load %arg6[%get3A_319, %get3A_320] {strides = array<i32>} : memref<100x64xf32, #tpu.memory_space<vmem>>, vector<1x16xf32>,
      %get3A_322 = vector.shape_cast %get3A_321 : vector<1x16xf32> to vector<16xf32>
      %add3A_323 = arith.addf %add3A_299, %get3A_322 : vector<16xf32>
      %get3A_324 = arith.constant 12 : i32
      %get3A_325 = arith.index_cast %get3A_324 : i32 to index
      %get3A_326 = arith.constant 16 : index
      %get3A_327 = tpu.vector_load %arg6[%get3A_325, %get3A_326] {strides = array<i32>} : memref<100x64xf32, #tpu.memory_space<vmem>>, vector<1x16xf32>,
      %get3A_328 = vector.shape_cast %get3A_327 : vector<1x16xf32> to vector<16xf32>
      %add3A_329 = arith.addf %add3A_305, %get3A_328 : vector<16xf32>
      %get3A_330 = arith.constant 12 : i32
      %get3A_331 = arith.index_cast %get3A_330 : i32 to index
      %get3A_332 = arith.constant 32 : index
      %get3A_333 = tpu.vector_load %arg6[%get3A_331, %get3A_332] {strides = array<i32>} : memref<100x64xf32, #tpu.memory_space<vmem>>, vector<1x16xf32>,
      %get3A_334 = vector.shape_cast %get3A_333 : vector<1x16xf32> to vector<16xf32>
      %add3A_335 = arith.addf %add3A_311, %get3A_334 : vector<16xf32>
      %get3A_336 = arith.constant 12 : i32
      %get3A_337 = arith.index_cast %get3A_336 : i32 to index
      %get3A_338 = arith.constant 48 : index
      %get3A_339 = tpu.vector_load %arg6[%get3A_337, %get3A_338] {strides = array<i32>} : memref<100x64xf32, #tpu.memory_space<vmem>>, vector<1x16xf32>,
      %get3A_340 = vector.shape_cast %get3A_339 : vector<1x16xf32> to vector<16xf32>
      %add3A_341 = arith.addf %add3A_317, %get3A_340 : vector<16xf32>
      %get3A_342 = arith.constant 13 : i32
      %get3A_343 = arith.index_cast %get3A_342 : i32 to index
      %get3A_344 = arith.constant 0 : index
      %get3A_345 = tpu.vector_load %arg6[%get3A_343, %get3A_344] {strides = array<i32>} : memref<100x64xf32, #tpu.memory_space<vmem>>, vector<1x16xf32>,
      %get3A_346 = vector.shape_cast %get3A_345 : vector<1x16xf32> to vector<16xf32>
      %add3A_347 = arith.addf %add3A_323, %get3A_346 : vector<16xf32>
      %get3A_348 = arith.constant 13 : i32
      %get3A_349 = arith.index_cast %get3A_348 : i32 to index
      %get3A_350 = arith.constant 16 : index
      %get3A_351 = tpu.vector_load %arg6[%get3A_349, %get3A_350] {strides = array<i32>} : memref<100x64xf32, #tpu.memory_space<vmem>>, vector<1x16xf32>,
      %get3A_352 = vector.shape_cast %get3A_351 : vector<1x16xf32> to vector<16xf32>
      %add3A_353 = arith.addf %add3A_329, %get3A_352 : vector<16xf32>
      %get3A_354 = arith.constant 13 : i32
      %get3A_355 = arith.index_cast %get3A_354 : i32 to index
      %get3A_356 = arith.constant 32 : index
      %get3A_357 = tpu.vector_load %arg6[%get3A_355, %get3A_356] {strides = array<i32>} : memref<100x64xf32, #tpu.memory_space<vmem>>, vector<1x16xf32>,
      %get3A_358 = vector.shape_cast %get3A_357 : vector<1x16xf32> to vector<16xf32>
      %add3A_359 = arith.addf %add3A_335, %get3A_358 : vector<16xf32>
      %get3A_360 = arith.constant 13 : i32
      %get3A_361 = arith.index_cast %get3A_360 : i32 to index
      %get3A_362 = arith.constant 48 : index
      %get3A_363 = tpu.vector_load %arg6[%get3A_361, %get3A_362] {strides = array<i32>} : memref<100x64xf32, #tpu.memory_space<vmem>>, vector<1x16xf32>,
      %get3A_364 = vector.shape_cast %get3A_363 : vector<1x16xf32> to vector<16xf32>
      %add3A_365 = arith.addf %add3A_341, %get3A_364 : vector<16xf32>
      %get3A_366 = arith.constant 14 : i32
      %get3A_367 = arith.index_cast %get3A_366 : i32 to index
      %get3A_368 = arith.constant 0 : index
      %get3A_369 = tpu.vector_load %arg6[%get3A_367, %get3A_368] {strides = array<i32>} : memref<100x64xf32, #tpu.memory_space<vmem>>, vector<1x16xf32>,
      %get3A_370 = vector.shape_cast %get3A_369 : vector<1x16xf32> to vector<16xf32>
      %add3A_371 = arith.addf %add3A_347, %get3A_370 : vector<16xf32>
      %get3A_372 = arith.constant 14 : i32
      %get3A_373 = arith.index_cast %get3A_372 : i32 to index
      %get3A_374 = arith.constant 16 : index
      %get3A_375 = tpu.vector_load %arg6[%get3A_373, %get3A_374] {strides = array<i32>} : memref<100x64xf32, #tpu.memory_space<vmem>>, vector<1x16xf32>,
      %get3A_376 = vector.shape_cast %get3A_375 : vector<1x16xf32> to vector<16xf32>
      %add3A_377 = arith.addf %add3A_353, %get3A_376 : vector<16xf32>
      %get3A_378 = arith.constant 14 : i32
      %get3A_379 = arith.index_cast %get3A_378 : i32 to index
      %get3A_380 = arith.constant 32 : index
      %get3A_381 = tpu.vector_load %arg6[%get3A_379, %get3A_380] {strides = array<i32>} : memref<100x64xf32, #tpu.memory_space<vmem>>, vector<1x16xf32>,
      %get3A_382 = vector.shape_cast %get3A_381 : vector<1x16xf32> to vector<16xf32>
      %add3A_383 = arith.addf %add3A_359, %get3A_382 : vector<16xf32>
      %get3A_384 = arith.constant 14 : i32
      %get3A_385 = arith.index_cast %get3A_384 : i32 to index
      %get3A_386 = arith.constant 48 : index
      %get3A_387 = tpu.vector_load %arg6[%get3A_385, %get3A_386] {strides = array<i32>} : memref<100x64xf32, #tpu.memory_space<vmem>>, vector<1x16xf32>,
      %get3A_388 = vector.shape_cast %get3A_387 : vector<1x16xf32> to vector<16xf32>
      %add3A_389 = arith.addf %add3A_365, %get3A_388 : vector<16xf32>
      %get3A_390 = arith.constant 15 : i32
      %get3A_391 = arith.index_cast %get3A_390 : i32 to index
      %get3A_392 = arith.constant 0 : index
      %get3A_393 = tpu.vector_load %arg6[%get3A_391, %get3A_392] {strides = array<i32>} : memref<100x64xf32, #tpu.memory_space<vmem>>, vector<1x16xf32>,
      %get3A_394 = vector.shape_cast %get3A_393 : vector<1x16xf32> to vector<16xf32>
      %add3A_395 = arith.addf %add3A_371, %get3A_394 : vector<16xf32>
      %get3A_396 = arith.constant 15 : i32
      %get3A_397 = arith.index_cast %get3A_396 : i32 to index
      %get3A_398 = arith.constant 16 : index
      %get3A_399 = tpu.vector_load %arg6[%get3A_397, %get3A_398] {strides = array<i32>} : memref<100x64xf32, #tpu.memory_space<vmem>>, vector<1x16xf32>,
      %get3A_400 = vector.shape_cast %get3A_399 : vector<1x16xf32> to vector<16xf32>
      %add3A_401 = arith.addf %add3A_377, %get3A_400 : vector<16xf32>
      %get3A_402 = arith.constant 15 : i32
      %get3A_403 = arith.index_cast %get3A_402 : i32 to index
      %get3A_404 = arith.constant 32 : index
      %get3A_405 = tpu.vector_load %arg6[%get3A_403, %get3A_404] {strides = array<i32>} : memref<100x64xf32, #tpu.memory_space<vmem>>, vector<1x16xf32>,
      %get3A_406 = vector.shape_cast %get3A_405 : vector<1x16xf32> to vector<16xf32>
      %add3A_407 = arith.addf %add3A_383, %get3A_406 : vector<16xf32>
      %get3A_408 = arith.constant 15 : i32
      %get3A_409 = arith.index_cast %get3A_408 : i32 to index
      %get3A_410 = arith.constant 48 : index
      %get3A_411 = tpu.vector_load %arg6[%get3A_409, %get3A_410] {strides = array<i32>} : memref<100x64xf32, #tpu.memory_space<vmem>>, vector<1x16xf32>,
      %get3A_412 = vector.shape_cast %get3A_411 : vector<1x16xf32> to vector<16xf32>
      %add3A_413 = arith.addf %add3A_389, %get3A_412 : vector<16xf32>
      %get3A_414 = arith.constant 16 : i32
      %get3A_415 = arith.index_cast %get3A_414 : i32 to index
      %get3A_416 = arith.constant 0 : index
      %get3A_417 = tpu.vector_load %arg6[%get3A_415, %get3A_416] {strides = array<i32>} : memref<100x64xf32, #tpu.memory_space<vmem>>, vector<1x16xf32>,
      %get3A_418 = vector.shape_cast %get3A_417 : vector<1x16xf32> to vector<16xf32>
      %add3A_419 = arith.addf %add3A_395, %get3A_418 : vector<16xf32>
      %get3A_420 = arith.constant 16 : i32
      %get3A_421 = arith.index_cast %get3A_420 : i32 to index
      %get3A_422 = arith.constant 16 : index
      %get3A_423 = tpu.vector_load %arg6[%get3A_421, %get3A_422] {strides = array<i32>} : memref<100x64xf32, #tpu.memory_space<vmem>>, vector<1x16xf32>,
      %get3A_424 = vector.shape_cast %get3A_423 : vector<1x16xf32> to vector<16xf32>
      %add3A_425 = arith.addf %add3A_401, %get3A_424 : vector<16xf32>
      %get3A_426 = arith.constant 16 : i32
      %get3A_427 = arith.index_cast %get3A_426 : i32 to index
      %get3A_428 = arith.constant 32 : index
      %get3A_429 = tpu.vector_load %arg6[%get3A_427, %get3A_428] {strides = array<i32>} : memref<100x64xf32, #tpu.memory_space<vmem>>, vector<1x16xf32>,
      %get3A_430 = vector.shape_cast %get3A_429 : vector<1x16xf32> to vector<16xf32>
      %add3A_431 = arith.addf %add3A_407, %get3A_430 : vector<16xf32>
      %get3A_432 = arith.constant 16 : i32
      %get3A_433 = arith.index_cast %get3A_432 : i32 to index
      %get3A_434 = arith.constant 48 : index
      %get3A_435 = tpu.vector_load %arg6[%get3A_433, %get3A_434] {strides = array<i32>} : memref<100x64xf32, #tpu.memory_space<vmem>>, vector<1x16xf32>,
      %get3A_436 = vector.shape_cast %get3A_435 : vector<1x16xf32> to vector<16xf32>
      %add3A_437 = arith.addf %add3A_413, %get3A_436 : vector<16xf32>
      %get3A_438 = arith.constant 17 : i32
      %get3A_439 = arith.index_cast %get3A_438 : i32 to index
      %get3A_440 = arith.constant 0 : index
      %get3A_441 = tpu.vector_load %arg6[%get3A_439, %get3A_440] {strides = array<i32>} : memref<100x64xf32, #tpu.memory_space<vmem>>, vector<1x16xf32>,
      %get3A_442 = vector.shape_cast %get3A_441 : vector<1x16xf32> to vector<16xf32>
      %add3A_443 = arith.addf %add3A_419, %get3A_442 : vector<16xf32>
      %get3A_444 = arith.constant 17 : i32
      %get3A_445 = arith.index_cast %get3A_444 : i32 to index
      %get3A_446 = arith.constant 16 : index
      %get3A_447 = tpu.vector_load %arg6[%get3A_445, %get3A_446] {strides = array<i32>} : memref<100x64xf32, #tpu.memory_space<vmem>>, vector<1x16xf32>,
      %get3A_448 = vector.shape_cast %get3A_447 : vector<1x16xf32> to vector<16xf32>
      %add3A_449 = arith.addf %add3A_425, %get3A_448 : vector<16xf32>
      %get3A_450 = arith.constant 17 : i32
      %get3A_451 = arith.index_cast %get3A_450 : i32 to index
      %get3A_452 = arith.constant 32 : index
      %get3A_453 = tpu.vector_load %arg6[%get3A_451, %get3A_452] {strides = array<i32>} : memref<100x64xf32, #tpu.memory_space<vmem>>, vector<1x16xf32>,
      %get3A_454 = vector.shape_cast %get3A_453 : vector<1x16xf32> to vector<16xf32>
      %add3A_455 = arith.addf %add3A_431, %get3A_454 : vector<16xf32>
      %get3A_456 = arith.constant 17 : i32
      %get3A_457 = arith.index_cast %get3A_456 : i32 to index
      %get3A_458 = arith.constant 48 : index
      %get3A_459 = tpu.vector_load %arg6[%get3A_457, %get3A_458] {strides = array<i32>} : memref<100x64xf32, #tpu.memory_space<vmem>>, vector<1x16xf32>,
      %get3A_460 = vector.shape_cast %get3A_459 : vector<1x16xf32> to vector<16xf32>
      %add3A_461 = arith.addf %add3A_437, %get3A_460 : vector<16xf32>
      %get3A_462 = arith.constant 18 : i32
      %get3A_463 = arith.index_cast %get3A_462 : i32 to index
      %get3A_464 = arith.constant 0 : index
      %get3A_465 = tpu.vector_load %arg6[%get3A_463, %get3A_464] {strides = array<i32>} : memref<100x64xf32, #tpu.memory_space<vmem>>, vector<1x16xf32>,
      %get3A_466 = vector.shape_cast %get3A_465 : vector<1x16xf32> to vector<16xf32>
      %add3A_467 = arith.addf %add3A_443, %get3A_466 : vector<16xf32>
      %get3A_468 = arith.constant 18 : i32
      %get3A_469 = arith.index_cast %get3A_468 : i32 to index
      %get3A_470 = arith.constant 16 : index
      %get3A_471 = tpu.vector_load %arg6[%get3A_469, %get3A_470] {strides = array<i32>} : memref<100x64xf32, #tpu.memory_space<vmem>>, vector<1x16xf32>,
      %get3A_472 = vector.shape_cast %get3A_471 : vector<1x16xf32> to vector<16xf32>
      %add3A_473 = arith.addf %add3A_449, %get3A_472 : vector<16xf32>
      %get3A_474 = arith.constant 18 : i32
      %get3A_475 = arith.index_cast %get3A_474 : i32 to index
      %get3A_476 = arith.constant 32 : index
      %get3A_477 = tpu.vector_load %arg6[%get3A_475, %get3A_476] {strides = array<i32>} : memref<100x64xf32, #tpu.memory_space<vmem>>, vector<1x16xf32>,
      %get3A_478 = vector.shape_cast %get3A_477 : vector<1x16xf32> to vector<16xf32>
      %add3A_479 = arith.addf %add3A_455, %get3A_478 : vector<16xf32>
      %get3A_480 = arith.constant 18 : i32
      %get3A_481 = arith.index_cast %get3A_480 : i32 to index
      %get3A_482 = arith.constant 48 : index
      %get3A_483 = tpu.vector_load %arg6[%get3A_481, %get3A_482] {strides = array<i32>} : memref<100x64xf32, #tpu.memory_space<vmem>>, vector<1x16xf32>,
      %get3A_484 = vector.shape_cast %get3A_483 : vector<1x16xf32> to vector<16xf32>
      %add3A_485 = arith.addf %add3A_461, %get3A_484 : vector<16xf32>
      %get3A_486 = arith.constant 19 : i32
      %get3A_487 = arith.index_cast %get3A_486 : i32 to index
      %get3A_488 = arith.constant 0 : index
      %get3A_489 = tpu.vector_load %arg6[%get3A_487, %get3A_488] {strides = array<i32>} : memref<100x64xf32, #tpu.memory_space<vmem>>, vector<1x16xf32>,
      %get3A_490 = vector.shape_cast %get3A_489 : vector<1x16xf32> to vector<16xf32>
      %add3A_491 = arith.addf %add3A_467, %get3A_490 : vector<16xf32>
      %get3A_492 = arith.constant 19 : i32
      %get3A_493 = arith.index_cast %get3A_492 : i32 to index
      %get3A_494 = arith.constant 16 : index
      %get3A_495 = tpu.vector_load %arg6[%get3A_493, %get3A_494] {strides = array<i32>} : memref<100x64xf32, #tpu.memory_space<vmem>>, vector<1x16xf32>,
      %get3A_496 = vector.shape_cast %get3A_495 : vector<1x16xf32> to vector<16xf32>
      %add3A_497 = arith.addf %add3A_473, %get3A_496 : vector<16xf32>
      %get3A_498 = arith.constant 19 : i32
      %get3A_499 = arith.index_cast %get3A_498 : i32 to index
      %get3A_500 = arith.constant 32 : index
      %get3A_501 = tpu.vector_load %arg6[%get3A_499, %get3A_500] {strides = array<i32>} : memref<100x64xf32, #tpu.memory_space<vmem>>, vector<1x16xf32>,
      %get3A_502 = vector.shape_cast %get3A_501 : vector<1x16xf32> to vector<16xf32>
      %add3A_503 = arith.addf %add3A_479, %get3A_502 : vector<16xf32>
      %get3A_504 = arith.constant 19 : i32
      %get3A_505 = arith.index_cast %get3A_504 : i32 to index
      %get3A_506 = arith.constant 48 : index
      %get3A_507 = tpu.vector_load %arg6[%get3A_505, %get3A_506] {strides = array<i32>} : memref<100x64xf32, #tpu.memory_space<vmem>>, vector<1x16xf32>,
      %get3A_508 = vector.shape_cast %get3A_507 : vector<1x16xf32> to vector<16xf32>
      %add3A_509 = arith.addf %add3A_485, %get3A_508 : vector<16xf32>
      %get3A_510 = arith.constant 20 : i32
      %get3A_511 = arith.index_cast %get3A_510 : i32 to index
      %get3A_512 = arith.constant 0 : index
      %get3A_513 = tpu.vector_load %arg6[%get3A_511, %get3A_512] {strides = array<i32>} : memref<100x64xf32, #tpu.memory_space<vmem>>, vector<1x16xf32>,
      %get3A_514 = vector.shape_cast %get3A_513 : vector<1x16xf32> to vector<16xf32>
      %add3A_515 = arith.addf %add3A_491, %get3A_514 : vector<16xf32>
      %get3A_516 = arith.constant 20 : i32
      %get3A_517 = arith.index_cast %get3A_516 : i32 to index
      %get3A_518 = arith.constant 16 : index
      %get3A_519 = tpu.vector_load %arg6[%get3A_517, %get3A_518] {strides = array<i32>} : memref<100x64xf32, #tpu.memory_space<vmem>>, vector<1x16xf32>,
      %get3A_520 = vector.shape_cast %get3A_519 : vector<1x16xf32> to vector<16xf32>
      %add3A_521 = arith.addf %add3A_497, %get3A_520 : vector<16xf32>
      %get3A_522 = arith.constant 20 : i32
      %get3A_523 = arith.index_cast %get3A_522 : i32 to index
      %get3A_524 = arith.constant 32 : index
      %get3A_525 = tpu.vector_load %arg6[%get3A_523, %get3A_524] {strides = array<i32>} : memref<100x64xf32, #tpu.memory_space<vmem>>, vector<1x16xf32>,
      %get3A_526 = vector.shape_cast %get3A_525 : vector<1x16xf32> to vector<16xf32>
      %add3A_527 = arith.addf %add3A_503, %get3A_526 : vector<16xf32>
      %get3A_528 = arith.constant 20 : i32
      %get3A_529 = arith.index_cast %get3A_528 : i32 to index
      %get3A_530 = arith.constant 48 : index
      %get3A_531 = tpu.vector_load %arg6[%get3A_529, %get3A_530] {strides = array<i32>} : memref<100x64xf32, #tpu.memory_space<vmem>>, vector<1x16xf32>,
      %get3A_532 = vector.shape_cast %get3A_531 : vector<1x16xf32> to vector<16xf32>
      %add3A_533 = arith.addf %add3A_509, %get3A_532 : vector<16xf32>
      %get3A_534 = arith.constant 21 : i32
      %get3A_535 = arith.index_cast %get3A_534 : i32 to index
      %get3A_536 = arith.constant 0 : index
      %get3A_537 = tpu.vector_load %arg6[%get3A_535, %get3A_536] {strides = array<i32>} : memref<100x64xf32, #tpu.memory_space<vmem>>, vector<1x16xf32>,
      %get3A_538 = vector.shape_cast %get3A_537 : vector<1x16xf32> to vector<16xf32>
      %add3A_539 = arith.addf %add3A_515, %get3A_538 : vector<16xf32>
      %get3A_540 = arith.constant 21 : i32
      %get3A_541 = arith.index_cast %get3A_540 : i32 to index
      %get3A_542 = arith.constant 16 : index
      %get3A_543 = tpu.vector_load %arg6[%get3A_541, %get3A_542] {strides = array<i32>} : memref<100x64xf32, #tpu.memory_space<vmem>>, vector<1x16xf32>,
      %get3A_544 = vector.shape_cast %get3A_543 : vector<1x16xf32> to vector<16xf32>
      %add3A_545 = arith.addf %add3A_521, %get3A_544 : vector<16xf32>
      %get3A_546 = arith.constant 21 : i32
      %get3A_547 = arith.index_cast %get3A_546 : i32 to index
      %get3A_548 = arith.constant 32 : index
      %get3A_549 = tpu.vector_load %arg6[%get3A_547, %get3A_548] {strides = array<i32>} : memref<100x64xf32, #tpu.memory_space<vmem>>, vector<1x16xf32>,
      %get3A_550 = vector.shape_cast %get3A_549 : vector<1x16xf32> to vector<16xf32>
      %add3A_551 = arith.addf %add3A_527, %get3A_550 : vector<16xf32>
      %get3A_552 = arith.constant 21 : i32
      %get3A_553 = arith.index_cast %get3A_552 : i32 to index
      %get3A_554 = arith.constant 48 : index
      %get3A_555 = tpu.vector_load %arg6[%get3A_553, %get3A_554] {strides = array<i32>} : memref<100x64xf32, #tpu.memory_space<vmem>>, vector<1x16xf32>,
      %get3A_556 = vector.shape_cast %get3A_555 : vector<1x16xf32> to vector<16xf32>
      %add3A_557 = arith.addf %add3A_533, %get3A_556 : vector<16xf32>
      %get3A_558 = arith.constant 22 : i32
      %get3A_559 = arith.index_cast %get3A_558 : i32 to index
      %get3A_560 = arith.constant 0 : index
      %get3A_561 = tpu.vector_load %arg6[%get3A_559, %get3A_560] {strides = array<i32>} : memref<100x64xf32, #tpu.memory_space<vmem>>, vector<1x16xf32>,
      %get3A_562 = vector.shape_cast %get3A_561 : vector<1x16xf32> to vector<16xf32>
      %add3A_563 = arith.addf %add3A_539, %get3A_562 : vector<16xf32>
      %get3A_564 = arith.constant 22 : i32
      %get3A_565 = arith.index_cast %get3A_564 : i32 to index
      %get3A_566 = arith.constant 16 : index
      %get3A_567 = tpu.vector_load %arg6[%get3A_565, %get3A_566] {strides = array<i32>} : memref<100x64xf32, #tpu.memory_space<vmem>>, vector<1x16xf32>,
      %get3A_568 = vector.shape_cast %get3A_567 : vector<1x16xf32> to vector<16xf32>
      %add3A_569 = arith.addf %add3A_545, %get3A_568 : vector<16xf32>
      %get3A_570 = arith.constant 22 : i32
      %get3A_571 = arith.index_cast %get3A_570 : i32 to index
      %get3A_572 = arith.constant 32 : index
      %get3A_573 = tpu.vector_load %arg6[%get3A_571, %get3A_572] {strides = array<i32>} : memref<100x64xf32, #tpu.memory_space<vmem>>, vector<1x16xf32>,
      %get3A_574 = vector.shape_cast %get3A_573 : vector<1x16xf32> to vector<16xf32>
      %add3A_575 = arith.addf %add3A_551, %get3A_574 : vector<16xf32>
      %get3A_576 = arith.constant 22 : i32
      %get3A_577 = arith.index_cast %get3A_576 : i32 to index
      %get3A_578 = arith.constant 48 : index
      %get3A_579 = tpu.vector_load %arg6[%get3A_577, %get3A_578] {strides = array<i32>} : memref<100x64xf32, #tpu.memory_space<vmem>>, vector<1x16xf32>,
      %get3A_580 = vector.shape_cast %get3A_579 : vector<1x16xf32> to vector<16xf32>
      %add3A_581 = arith.addf %add3A_557, %get3A_580 : vector<16xf32>
      %get3A_582 = arith.constant 23 : i32
      %get3A_583 = arith.index_cast %get3A_582 : i32 to index
      %get3A_584 = arith.constant 0 : index
      %get3A_585 = tpu.vector_load %arg6[%get3A_583, %get3A_584] {strides = array<i32>} : memref<100x64xf32, #tpu.memory_space<vmem>>, vector<1x16xf32>,
      %get3A_586 = vector.shape_cast %get3A_585 : vector<1x16xf32> to vector<16xf32>
      %add3A_587 = arith.addf %add3A_563, %get3A_586 : vector<16xf32>
      %get3A_588 = arith.constant 23 : i32
      %get3A_589 = arith.index_cast %get3A_588 : i32 to index
      %get3A_590 = arith.constant 16 : index
      %get3A_591 = tpu.vector_load %arg6[%get3A_589, %get3A_590] {strides = array<i32>} : memref<100x64xf32, #tpu.memory_space<vmem>>, vector<1x16xf32>,
      %get3A_592 = vector.shape_cast %get3A_591 : vector<1x16xf32> to vector<16xf32>
      %add3A_593 = arith.addf %add3A_569, %get3A_592 : vector<16xf32>
      %get3A_594 = arith.constant 23 : i32
      %get3A_595 = arith.index_cast %get3A_594 : i32 to index
      %get3A_596 = arith.constant 32 : index
      %get3A_597 = tpu.vector_load %arg6[%get3A_595, %get3A_596] {strides = array<i32>} : memref<100x64xf32, #tpu.memory_space<vmem>>, vector<1x16xf32>,
      %get3A_598 = vector.shape_cast %get3A_597 : vector<1x16xf32> to vector<16xf32>
      %add3A_599 = arith.addf %add3A_575, %get3A_598 : vector<16xf32>
      %get3A_600 = arith.constant 23 : i32
      %get3A_601 = arith.index_cast %get3A_600 : i32 to index
      %get3A_602 = arith.constant 48 : index
      %get3A_603 = tpu.vector_load %arg6[%get3A_601, %get3A_602] {strides = array<i32>} : memref<100x64xf32, #tpu.memory_space<vmem>>, vector<1x16xf32>,
      %get3A_604 = vector.shape_cast %get3A_603 : vector<1x16xf32> to vector<16xf32>
      %add3A_605 = arith.addf %add3A_581, %get3A_604 : vector<16xf32>
      %get3A_606 = arith.constant 24 : i32
      %get3A_607 = arith.index_cast %get3A_606 : i32 to index
      %get3A_608 = arith.constant 0 : index
      %get3A_609 = tpu.vector_load %arg6[%get3A_607, %get3A_608] {strides = array<i32>} : memref<100x64xf32, #tpu.memory_space<vmem>>, vector<1x16xf32>,
      %get3A_610 = vector.shape_cast %get3A_609 : vector<1x16xf32> to vector<16xf32>
      %add3A_611 = arith.addf %add3A_587, %get3A_610 : vector<16xf32>
      %get3A_612 = arith.constant 24 : i32
      %get3A_613 = arith.index_cast %get3A_612 : i32 to index
      %get3A_614 = arith.constant 16 : index
      %get3A_615 = tpu.vector_load %arg6[%get3A_613, %get3A_614] {strides = array<i32>} : memref<100x64xf32, #tpu.memory_space<vmem>>, vector<1x16xf32>,
      %get3A_616 = vector.shape_cast %get3A_615 : vector<1x16xf32> to vector<16xf32>
      %add3A_617 = arith.addf %add3A_593, %get3A_616 : vector<16xf32>
      %get3A_618 = arith.constant 24 : i32
      %get3A_619 = arith.index_cast %get3A_618 : i32 to index
      %get3A_620 = arith.constant 32 : index
      %get3A_621 = tpu.vector_load %arg6[%get3A_619, %get3A_620] {strides = array<i32>} : memref<100x64xf32, #tpu.memory_space<vmem>>, vector<1x16xf32>,
      %get3A_622 = vector.shape_cast %get3A_621 : vector<1x16xf32> to vector<16xf32>
      %add3A_623 = arith.addf %add3A_599, %get3A_622 : vector<16xf32>
      %get3A_624 = arith.constant 24 : i32
      %get3A_625 = arith.index_cast %get3A_624 : i32 to index
      %get3A_626 = arith.constant 48 : index
      %get3A_627 = tpu.vector_load %arg6[%get3A_625, %get3A_626] {strides = array<i32>} : memref<100x64xf32, #tpu.memory_space<vmem>>, vector<1x16xf32>,
      %get3A_628 = vector.shape_cast %get3A_627 : vector<1x16xf32> to vector<16xf32>
      %add3A_629 = arith.addf %add3A_605, %get3A_628 : vector<16xf32>
      %get3A_630 = arith.constant 25 : i32
      %get3A_631 = arith.index_cast %get3A_630 : i32 to index
      %get3A_632 = arith.constant 0 : index
      %get3A_633 = tpu.vector_load %arg6[%get3A_631, %get3A_632] {strides = array<i32>} : memref<100x64xf32, #tpu.memory_space<vmem>>, vector<1x16xf32>,
      %get3A_634 = vector.shape_cast %get3A_633 : vector<1x16xf32> to vector<16xf32>
      %add3A_635 = arith.addf %add3A_611, %get3A_634 : vector<16xf32>
      %get3A_636 = arith.constant 25 : i32
      %get3A_637 = arith.index_cast %get3A_636 : i32 to index
      %get3A_638 = arith.constant 16 : index
      %get3A_639 = tpu.vector_load %arg6[%get3A_637, %get3A_638] {strides = array<i32>} : memref<100x64xf32, #tpu.memory_space<vmem>>, vector<1x16xf32>,
      %get3A_640 = vector.shape_cast %get3A_639 : vector<1x16xf32> to vector<16xf32>
      %add3A_641 = arith.addf %add3A_617, %get3A_640 : vector<16xf32>
      %get3A_642 = arith.constant 25 : i32
      %get3A_643 = arith.index_cast %get3A_642 : i32 to index
      %get3A_644 = arith.constant 32 : index
      %get3A_645 = tpu.vector_load %arg6[%get3A_643, %get3A_644] {strides = array<i32>} : memref<100x64xf32, #tpu.memory_space<vmem>>, vector<1x16xf32>,
      %get3A_646 = vector.shape_cast %get3A_645 : vector<1x16xf32> to vector<16xf32>
      %add3A_647 = arith.addf %add3A_623, %get3A_646 : vector<16xf32>
      %get3A_648 = arith.constant 25 : i32
      %get3A_649 = arith.index_cast %get3A_648 : i32 to index
      %get3A_650 = arith.constant 48 : index
      %get3A_651 = tpu.vector_load %arg6[%get3A_649, %get3A_650] {strides = array<i32>} : memref<100x64xf32, #tpu.memory_space<vmem>>, vector<1x16xf32>,
      %get3A_652 = vector.shape_cast %get3A_651 : vector<1x16xf32> to vector<16xf32>
      %add3A_653 = arith.addf %add3A_629, %get3A_652 : vector<16xf32>
      %get3A_654 = arith.constant 26 : i32
      %get3A_655 = arith.index_cast %get3A_654 : i32 to index
      %get3A_656 = arith.constant 0 : index
      %get3A_657 = tpu.vector_load %arg6[%get3A_655, %get3A_656] {strides = array<i32>} : memref<100x64xf32, #tpu.memory_space<vmem>>, vector<1x16xf32>,
      %get3A_658 = vector.shape_cast %get3A_657 : vector<1x16xf32> to vector<16xf32>
      %add3A_659 = arith.addf %add3A_635, %get3A_658 : vector<16xf32>
      %get3A_660 = arith.constant 26 : i32
      %get3A_661 = arith.index_cast %get3A_660 : i32 to index
      %get3A_662 = arith.constant 16 : index
      %get3A_663 = tpu.vector_load %arg6[%get3A_661, %get3A_662] {strides = array<i32>} : memref<100x64xf32, #tpu.memory_space<vmem>>, vector<1x16xf32>,
      %get3A_664 = vector.shape_cast %get3A_663 : vector<1x16xf32> to vector<16xf32>
      %add3A_665 = arith.addf %add3A_641, %get3A_664 : vector<16xf32>
      %get3A_666 = arith.constant 26 : i32
      %get3A_667 = arith.index_cast %get3A_666 : i32 to index
      %get3A_668 = arith.constant 32 : index
      %get3A_669 = tpu.vector_load %arg6[%get3A_667, %get3A_668] {strides = array<i32>} : memref<100x64xf32, #tpu.memory_space<vmem>>, vector<1x16xf32>,
      %get3A_670 = vector.shape_cast %get3A_669 : vector<1x16xf32> to vector<16xf32>
      %add3A_671 = arith.addf %add3A_647, %get3A_670 : vector<16xf32>
      %get3A_672 = arith.constant 26 : i32
      %get3A_673 = arith.index_cast %get3A_672 : i32 to index
      %get3A_674 = arith.constant 48 : index
      %get3A_675 = tpu.vector_load %arg6[%get3A_673, %get3A_674] {strides = array<i32>} : memref<100x64xf32, #tpu.memory_space<vmem>>, vector<1x16xf32>,
      %get3A_676 = vector.shape_cast %get3A_675 : vector<1x16xf32> to vector<16xf32>
      %add3A_677 = arith.addf %add3A_653, %get3A_676 : vector<16xf32>
      %get3A_678 = arith.constant 27 : i32
      %get3A_679 = arith.index_cast %get3A_678 : i32 to index
      %get3A_680 = arith.constant 0 : index
      %get3A_681 = tpu.vector_load %arg6[%get3A_679, %get3A_680] {strides = array<i32>} : memref<100x64xf32, #tpu.memory_space<vmem>>, vector<1x16xf32>,
      %get3A_682 = vector.shape_cast %get3A_681 : vector<1x16xf32> to vector<16xf32>
      %add3A_683 = arith.addf %add3A_659, %get3A_682 : vector<16xf32>
      %get3A_684 = arith.constant 27 : i32
      %get3A_685 = arith.index_cast %get3A_684 : i32 to index
      %get3A_686 = arith.constant 16 : index
      %get3A_687 = tpu.vector_load %arg6[%get3A_685, %get3A_686] {strides = array<i32>} : memref<100x64xf32, #tpu.memory_space<vmem>>, vector<1x16xf32>,
      %get3A_688 = vector.shape_cast %get3A_687 : vector<1x16xf32> to vector<16xf32>
      %add3A_689 = arith.addf %add3A_665, %get3A_688 : vector<16xf32>
      %get3A_690 = arith.constant 27 : i32
      %get3A_691 = arith.index_cast %get3A_690 : i32 to index
      %get3A_692 = arith.constant 32 : index
      %get3A_693 = tpu.vector_load %arg6[%get3A_691, %get3A_692] {strides = array<i32>} : memref<100x64xf32, #tpu.memory_space<vmem>>, vector<1x16xf32>,
      %get3A_694 = vector.shape_cast %get3A_693 : vector<1x16xf32> to vector<16xf32>
      %add3A_695 = arith.addf %add3A_671, %get3A_694 : vector<16xf32>
      %get3A_696 = arith.constant 27 : i32
      %get3A_697 = arith.index_cast %get3A_696 : i32 to index
      %get3A_698 = arith.constant 48 : index
      %get3A_699 = tpu.vector_load %arg6[%get3A_697, %get3A_698] {strides = array<i32>} : memref<100x64xf32, #tpu.memory_space<vmem>>, vector<1x16xf32>,
      %get3A_700 = vector.shape_cast %get3A_699 : vector<1x16xf32> to vector<16xf32>
      %add3A_701 = arith.addf %add3A_677, %get3A_700 : vector<16xf32>
      %get3A_702 = arith.constant 28 : i32
      %get3A_703 = arith.index_cast %get3A_702 : i32 to index
      %get3A_704 = arith.constant 0 : index
      %get3A_705 = tpu.vector_load %arg6[%get3A_703, %get3A_704] {strides = array<i32>} : memref<100x64xf32, #tpu.memory_space<vmem>>, vector<1x16xf32>,
      %get3A_706 = vector.shape_cast %get3A_705 : vector<1x16xf32> to vector<16xf32>
      %add3A_707 = arith.addf %add3A_683, %get3A_706 : vector<16xf32>
      %get3A_708 = arith.constant 28 : i32
      %get3A_709 = arith.index_cast %get3A_708 : i32 to index
      %get3A_710 = arith.constant 16 : index
      %get3A_711 = tpu.vector_load %arg6[%get3A_709, %get3A_710] {strides = array<i32>} : memref<100x64xf32, #tpu.memory_space<vmem>>, vector<1x16xf32>,
      %get3A_712 = vector.shape_cast %get3A_711 : vector<1x16xf32> to vector<16xf32>
      %add3A_713 = arith.addf %add3A_689, %get3A_712 : vector<16xf32>
      %get3A_714 = arith.constant 28 : i32
      %get3A_715 = arith.index_cast %get3A_714 : i32 to index
      %get3A_716 = arith.constant 32 : index
      %get3A_717 = tpu.vector_load %arg6[%get3A_715, %get3A_716] {strides = array<i32>} : memref<100x64xf32, #tpu.memory_space<vmem>>, vector<1x16xf32>,
      %get3A_718 = vector.shape_cast %get3A_717 : vector<1x16xf32> to vector<16xf32>
      %add3A_719 = arith.addf %add3A_695, %get3A_718 : vector<16xf32>
      %get3A_720 = arith.constant 28 : i32
      %get3A_721 = arith.index_cast %get3A_720 : i32 to index
      %get3A_722 = arith.constant 48 : index
      %get3A_723 = tpu.vector_load %arg6[%get3A_721, %get3A_722] {strides = array<i32>} : memref<100x64xf32, #tpu.memory_space<vmem>>, vector<1x16xf32>,
      %get3A_724 = vector.shape_cast %get3A_723 : vector<1x16xf32> to vector<16xf32>
      %add3A_725 = arith.addf %add3A_701, %get3A_724 : vector<16xf32>
      %get3A_726 = arith.constant 29 : i32
      %get3A_727 = arith.index_cast %get3A_726 : i32 to index
      %get3A_728 = arith.constant 0 : index
      %get3A_729 = tpu.vector_load %arg6[%get3A_727, %get3A_728] {strides = array<i32>} : memref<100x64xf32, #tpu.memory_space<vmem>>, vector<1x16xf32>,
      %get3A_730 = vector.shape_cast %get3A_729 : vector<1x16xf32> to vector<16xf32>
      %add3A_731 = arith.addf %add3A_707, %get3A_730 : vector<16xf32>
      %get3A_732 = arith.constant 29 : i32
      %get3A_733 = arith.index_cast %get3A_732 : i32 to index
      %get3A_734 = arith.constant 16 : index
      %get3A_735 = tpu.vector_load %arg6[%get3A_733, %get3A_734] {strides = array<i32>} : memref<100x64xf32, #tpu.memory_space<vmem>>, vector<1x16xf32>,
      %get3A_736 = vector.shape_cast %get3A_735 : vector<1x16xf32> to vector<16xf32>
      %add3A_737 = arith.addf %add3A_713, %get3A_736 : vector<16xf32>
      %get3A_738 = arith.constant 29 : i32
      %get3A_739 = arith.index_cast %get3A_738 : i32 to index
      %get3A_740 = arith.constant 32 : index
      %get3A_741 = tpu.vector_load %arg6[%get3A_739, %get3A_740] {strides = array<i32>} : memref<100x64xf32, #tpu.memory_space<vmem>>, vector<1x16xf32>,
      %get3A_742 = vector.shape_cast %get3A_741 : vector<1x16xf32> to vector<16xf32>
      %add3A_743 = arith.addf %add3A_719, %get3A_742 : vector<16xf32>
      %get3A_744 = arith.constant 29 : i32
      %get3A_745 = arith.index_cast %get3A_744 : i32 to index
      %get3A_746 = arith.constant 48 : index
      %get3A_747 = tpu.vector_load %arg6[%get3A_745, %get3A_746] {strides = array<i32>} : memref<100x64xf32, #tpu.memory_space<vmem>>, vector<1x16xf32>,
      %get3A_748 = vector.shape_cast %get3A_747 : vector<1x16xf32> to vector<16xf32>
      %add3A_749 = arith.addf %add3A_725, %get3A_748 : vector<16xf32>
      %get3A_750 = arith.constant 30 : i32
      %get3A_751 = arith.index_cast %get3A_750 : i32 to index
      %get3A_752 = arith.constant 0 : index
      %get3A_753 = tpu.vector_load %arg6[%get3A_751, %get3A_752] {strides = array<i32>} : memref<100x64xf32, #tpu.memory_space<vmem>>, vector<1x16xf32>,
      %get3A_754 = vector.shape_cast %get3A_753 : vector<1x16xf32> to vector<16xf32>
      %add3A_755 = arith.addf %add3A_731, %get3A_754 : vector<16xf32>
      %get3A_756 = arith.constant 30 : i32
      %get3A_757 = arith.index_cast %get3A_756 : i32 to index
      %get3A_758 = arith.constant 16 : index
      %get3A_759 = tpu.vector_load %arg6[%get3A_757, %get3A_758] {strides = array<i32>} : memref<100x64xf32, #tpu.memory_space<vmem>>, vector<1x16xf32>,
      %get3A_760 = vector.shape_cast %get3A_759 : vector<1x16xf32> to vector<16xf32>
      %add3A_761 = arith.addf %add3A_737, %get3A_760 : vector<16xf32>
      %get3A_762 = arith.constant 30 : i32
      %get3A_763 = arith.index_cast %get3A_762 : i32 to index
      %get3A_764 = arith.constant 32 : index
      %get3A_765 = tpu.vector_load %arg6[%get3A_763, %get3A_764] {strides = array<i32>} : memref<100x64xf32, #tpu.memory_space<vmem>>, vector<1x16xf32>,
      %get3A_766 = vector.shape_cast %get3A_765 : vector<1x16xf32> to vector<16xf32>
      %add3A_767 = arith.addf %add3A_743, %get3A_766 : vector<16xf32>
      %get3A_768 = arith.constant 30 : i32
      %get3A_769 = arith.index_cast %get3A_768 : i32 to index
      %get3A_770 = arith.constant 48 : index
      %get3A_771 = tpu.vector_load %arg6[%get3A_769, %get3A_770] {strides = array<i32>} : memref<100x64xf32, #tpu.memory_space<vmem>>, vector<1x16xf32>,
      %get3A_772 = vector.shape_cast %get3A_771 : vector<1x16xf32> to vector<16xf32>
      %add3A_773 = arith.addf %add3A_749, %get3A_772 : vector<16xf32>
      %get3A_774 = arith.constant 31 : i32
      %get3A_775 = arith.index_cast %get3A_774 : i32 to index
      %get3A_776 = arith.constant 0 : index
      %get3A_777 = tpu.vector_load %arg6[%get3A_775, %get3A_776] {strides = array<i32>} : memref<100x64xf32, #tpu.memory_space<vmem>>, vector<1x16xf32>,
      %get3A_778 = vector.shape_cast %get3A_777 : vector<1x16xf32> to vector<16xf32>
      %add3A_779 = arith.addf %add3A_755, %get3A_778 : vector<16xf32>
      %get3A_780 = arith.constant 31 : i32
      %get3A_781 = arith.index_cast %get3A_780 : i32 to index
      %get3A_782 = arith.constant 16 : index
      %get3A_783 = tpu.vector_load %arg6[%get3A_781, %get3A_782] {strides = array<i32>} : memref<100x64xf32, #tpu.memory_space<vmem>>, vector<1x16xf32>,
      %get3A_784 = vector.shape_cast %get3A_783 : vector<1x16xf32> to vector<16xf32>
      %add3A_785 = arith.addf %add3A_761, %get3A_784 : vector<16xf32>
      %get3A_786 = arith.constant 31 : i32
      %get3A_787 = arith.index_cast %get3A_786 : i32 to index
      %get3A_788 = arith.constant 32 : index
      %get3A_789 = tpu.vector_load %arg6[%get3A_787, %get3A_788] {strides = array<i32>} : memref<100x64xf32, #tpu.memory_space<vmem>>, vector<1x16xf32>,
      %get3A_790 = vector.shape_cast %get3A_789 : vector<1x16xf32> to vector<16xf32>
      %add3A_791 = arith.addf %add3A_767, %get3A_790 : vector<16xf32>
      %get3A_792 = arith.constant 31 : i32
      %get3A_793 = arith.index_cast %get3A_792 : i32 to index
      %get3A_794 = arith.constant 48 : index
      %get3A_795 = tpu.vector_load %arg6[%get3A_793, %get3A_794] {strides = array<i32>} : memref<100x64xf32, #tpu.memory_space<vmem>>, vector<1x16xf32>,
      %get3A_796 = vector.shape_cast %get3A_795 : vector<1x16xf32> to vector<16xf32>
      %add3A_797 = arith.addf %add3A_773, %get3A_796 : vector<16xf32>
      %get3A_798 = arith.constant 32 : i32
      %get3A_799 = arith.index_cast %get3A_798 : i32 to index
      %get3A_800 = arith.constant 0 : index
      %get3A_801 = tpu.vector_load %arg6[%get3A_799, %get3A_800] {strides = array<i32>} : memref<100x64xf32, #tpu.memory_space<vmem>>, vector<1x16xf32>,
      %get3A_802 = vector.shape_cast %get3A_801 : vector<1x16xf32> to vector<16xf32>
      %add3A_803 = arith.addf %add3A_779, %get3A_802 : vector<16xf32>
      %get3A_804 = arith.constant 32 : i32
      %get3A_805 = arith.index_cast %get3A_804 : i32 to index
      %get3A_806 = arith.constant 16 : index
      %get3A_807 = tpu.vector_load %arg6[%get3A_805, %get3A_806] {strides = array<i32>} : memref<100x64xf32, #tpu.memory_space<vmem>>, vector<1x16xf32>,
      %get3A_808 = vector.shape_cast %get3A_807 : vector<1x16xf32> to vector<16xf32>
      %add3A_809 = arith.addf %add3A_785, %get3A_808 : vector<16xf32>
      %get3A_810 = arith.constant 32 : i32
      %get3A_811 = arith.index_cast %get3A_810 : i32 to index
      %get3A_812 = arith.constant 32 : index
      %get3A_813 = tpu.vector_load %arg6[%get3A_811, %get3A_812] {strides = array<i32>} : memref<100x64xf32, #tpu.memory_space<vmem>>, vector<1x16xf32>,
      %get3A_814 = vector.shape_cast %get3A_813 : vector<1x16xf32> to vector<16xf32>
      %add3A_815 = arith.addf %add3A_791, %get3A_814 : vector<16xf32>
      %get3A_816 = arith.constant 32 : i32
      %get3A_817 = arith.index_cast %get3A_816 : i32 to index
      %get3A_818 = arith.constant 48 : index
      %get3A_819 = tpu.vector_load %arg6[%get3A_817, %get3A_818] {strides = array<i32>} : memref<100x64xf32, #tpu.memory_space<vmem>>, vector<1x16xf32>,
      %get3A_820 = vector.shape_cast %get3A_819 : vector<1x16xf32> to vector<16xf32>
      %add3A_821 = arith.addf %add3A_797, %get3A_820 : vector<16xf32>
      %get3A_822 = arith.constant 33 : i32
      %get3A_823 = arith.index_cast %get3A_822 : i32 to index
      %get3A_824 = arith.constant 0 : index
      %get3A_825 = tpu.vector_load %arg6[%get3A_823, %get3A_824] {strides = array<i32>} : memref<100x64xf32, #tpu.memory_space<vmem>>, vector<1x16xf32>,
      %get3A_826 = vector.shape_cast %get3A_825 : vector<1x16xf32> to vector<16xf32>
      %add3A_827 = arith.addf %add3A_803, %get3A_826 : vector<16xf32>
      %get3A_828 = arith.constant 33 : i32
      %get3A_829 = arith.index_cast %get3A_828 : i32 to index
      %get3A_830 = arith.constant 16 : index
      %get3A_831 = tpu.vector_load %arg6[%get3A_829, %get3A_830] {strides = array<i32>} : memref<100x64xf32, #tpu.memory_space<vmem>>, vector<1x16xf32>,
      %get3A_832 = vector.shape_cast %get3A_831 : vector<1x16xf32> to vector<16xf32>
      %add3A_833 = arith.addf %add3A_809, %get3A_832 : vector<16xf32>
      %get3A_834 = arith.constant 33 : i32
      %get3A_835 = arith.index_cast %get3A_834 : i32 to index
      %get3A_836 = arith.constant 32 : index
      %get3A_837 = tpu.vector_load %arg6[%get3A_835, %get3A_836] {strides = array<i32>} : memref<100x64xf32, #tpu.memory_space<vmem>>, vector<1x16xf32>,
      %get3A_838 = vector.shape_cast %get3A_837 : vector<1x16xf32> to vector<16xf32>
      %add3A_839 = arith.addf %add3A_815, %get3A_838 : vector<16xf32>
      %get3A_840 = arith.constant 33 : i32
      %get3A_841 = arith.index_cast %get3A_840 : i32 to index
      %get3A_842 = arith.constant 48 : index
      %get3A_843 = tpu.vector_load %arg6[%get3A_841, %get3A_842] {strides = array<i32>} : memref<100x64xf32, #tpu.memory_space<vmem>>, vector<1x16xf32>,
      %get3A_844 = vector.shape_cast %get3A_843 : vector<1x16xf32> to vector<16xf32>
      %add3A_845 = arith.addf %add3A_821, %get3A_844 : vector<16xf32>
      %get3A_846 = arith.constant 34 : i32
      %get3A_847 = arith.index_cast %get3A_846 : i32 to index
      %get3A_848 = arith.constant 0 : index
      %get3A_849 = tpu.vector_load %arg6[%get3A_847, %get3A_848] {strides = array<i32>} : memref<100x64xf32, #tpu.memory_space<vmem>>, vector<1x16xf32>,
      %get3A_850 = vector.shape_cast %get3A_849 : vector<1x16xf32> to vector<16xf32>
      %add3A_851 = arith.addf %add3A_827, %get3A_850 : vector<16xf32>
      %get3A_852 = arith.constant 34 : i32
      %get3A_853 = arith.index_cast %get3A_852 : i32 to index
      %get3A_854 = arith.constant 16 : index
      %get3A_855 = tpu.vector_load %arg6[%get3A_853, %get3A_854] {strides = array<i32>} : memref<100x64xf32, #tpu.memory_space<vmem>>, vector<1x16xf32>,
      %get3A_856 = vector.shape_cast %get3A_855 : vector<1x16xf32> to vector<16xf32>
      %add3A_857 = arith.addf %add3A_833, %get3A_856 : vector<16xf32>
      %get3A_858 = arith.constant 34 : i32
      %get3A_859 = arith.index_cast %get3A_858 : i32 to index
      %get3A_860 = arith.constant 32 : index
      %get3A_861 = tpu.vector_load %arg6[%get3A_859, %get3A_860] {strides = array<i32>} : memref<100x64xf32, #tpu.memory_space<vmem>>, vector<1x16xf32>,
      %get3A_862 = vector.shape_cast %get3A_861 : vector<1x16xf32> to vector<16xf32>
      %add3A_863 = arith.addf %add3A_839, %get3A_862 : vector<16xf32>
      %get3A_864 = arith.constant 34 : i32
      %get3A_865 = arith.index_cast %get3A_864 : i32 to index
      %get3A_866 = arith.constant 48 : index
      %get3A_867 = tpu.vector_load %arg6[%get3A_865, %get3A_866] {strides = array<i32>} : memref<100x64xf32, #tpu.memory_space<vmem>>, vector<1x16xf32>,
      %get3A_868 = vector.shape_cast %get3A_867 : vector<1x16xf32> to vector<16xf32>
      %add3A_869 = arith.addf %add3A_845, %get3A_868 : vector<16xf32>
      %get3A_870 = arith.constant 35 : i32
      %get3A_871 = arith.index_cast %get3A_870 : i32 to index
      %get3A_872 = arith.constant 0 : index
      %get3A_873 = tpu.vector_load %arg6[%get3A_871, %get3A_872] {strides = array<i32>} : memref<100x64xf32, #tpu.memory_space<vmem>>, vector<1x16xf32>,
      %get3A_874 = vector.shape_cast %get3A_873 : vector<1x16xf32> to vector<16xf32>
      %add3A_875 = arith.addf %add3A_851, %get3A_874 : vector<16xf32>
      %get3A_876 = arith.constant 35 : i32
      %get3A_877 = arith.index_cast %get3A_876 : i32 to index
      %get3A_878 = arith.constant 16 : index
      %get3A_879 = tpu.vector_load %arg6[%get3A_877, %get3A_878] {strides = array<i32>} : memref<100x64xf32, #tpu.memory_space<vmem>>, vector<1x16xf32>,
      %get3A_880 = vector.shape_cast %get3A_879 : vector<1x16xf32> to vector<16xf32>
      %add3A_881 = arith.addf %add3A_857, %get3A_880 : vector<16xf32>
      %get3A_882 = arith.constant 35 : i32
      %get3A_883 = arith.index_cast %get3A_882 : i32 to index
      %get3A_884 = arith.constant 32 : index
      %get3A_885 = tpu.vector_load %arg6[%get3A_883, %get3A_884] {strides = array<i32>} : memref<100x64xf32, #tpu.memory_space<vmem>>, vector<1x16xf32>,
      %get3A_886 = vector.shape_cast %get3A_885 : vector<1x16xf32> to vector<16xf32>
      %add3A_887 = arith.addf %add3A_863, %get3A_886 : vector<16xf32>
      %get3A_888 = arith.constant 35 : i32
      %get3A_889 = arith.index_cast %get3A_888 : i32 to index
      %get3A_890 = arith.constant 48 : index
      %get3A_891 = tpu.vector_load %arg6[%get3A_889, %get3A_890] {strides = array<i32>} : memref<100x64xf32, #tpu.memory_space<vmem>>, vector<1x16xf32>,
      %get3A_892 = vector.shape_cast %get3A_891 : vector<1x16xf32> to vector<16xf32>
      %add3A_893 = arith.addf %add3A_869, %get3A_892 : vector<16xf32>
      %get3A_894 = arith.constant 36 : i32
      %get3A_895 = arith.index_cast %get3A_894 : i32 to index
      %get3A_896 = arith.constant 0 : index
      %get3A_897 = tpu.vector_load %arg6[%get3A_895, %get3A_896] {strides = array<i32>} : memref<100x64xf32, #tpu.memory_space<vmem>>, vector<1x16xf32>,
      %get3A_898 = vector.shape_cast %get3A_897 : vector<1x16xf32> to vector<16xf32>
      %add3A_899 = arith.addf %add3A_875, %get3A_898 : vector<16xf32>
      %get3A_900 = arith.constant 36 : i32
      %get3A_901 = arith.index_cast %get3A_900 : i32 to index
      %get3A_902 = arith.constant 16 : index
      %get3A_903 = tpu.vector_load %arg6[%get3A_901, %get3A_902] {strides = array<i32>} : memref<100x64xf32, #tpu.memory_space<vmem>>, vector<1x16xf32>,
      %get3A_904 = vector.shape_cast %get3A_903 : vector<1x16xf32> to vector<16xf32>
      %add3A_905 = arith.addf %add3A_881, %get3A_904 : vector<16xf32>
      %get3A_906 = arith.constant 36 : i32
      %get3A_907 = arith.index_cast %get3A_906 : i32 to index
      %get3A_908 = arith.constant 32 : index
      %get3A_909 = tpu.vector_load %arg6[%get3A_907, %get3A_908] {strides = array<i32>} : memref<100x64xf32, #tpu.memory_space<vmem>>, vector<1x16xf32>,
      %get3A_910 = vector.shape_cast %get3A_909 : vector<1x16xf32> to vector<16xf32>
      %add3A_911 = arith.addf %add3A_887, %get3A_910 : vector<16xf32>
      %get3A_912 = arith.constant 36 : i32
      %get3A_913 = arith.index_cast %get3A_912 : i32 to index
      %get3A_914 = arith.constant 48 : index
      %get3A_915 = tpu.vector_load %arg6[%get3A_913, %get3A_914] {strides = array<i32>} : memref<100x64xf32, #tpu.memory_space<vmem>>, vector<1x16xf32>,
      %get3A_916 = vector.shape_cast %get3A_915 : vector<1x16xf32> to vector<16xf32>
      %add3A_917 = arith.addf %add3A_893, %get3A_916 : vector<16xf32>
      %get3A_918 = arith.constant 37 : i32
      %get3A_919 = arith.index_cast %get3A_918 : i32 to index
      %get3A_920 = arith.constant 0 : index
      %get3A_921 = tpu.vector_load %arg6[%get3A_919, %get3A_920] {strides = array<i32>} : memref<100x64xf32, #tpu.memory_space<vmem>>, vector<1x16xf32>,
      %get3A_922 = vector.shape_cast %get3A_921 : vector<1x16xf32> to vector<16xf32>
      %add3A_923 = arith.addf %add3A_899, %get3A_922 : vector<16xf32>
      %get3A_924 = arith.constant 37 : i32
      %get3A_925 = arith.index_cast %get3A_924 : i32 to index
      %get3A_926 = arith.constant 16 : index
      %get3A_927 = tpu.vector_load %arg6[%get3A_925, %get3A_926] {strides = array<i32>} : memref<100x64xf32, #tpu.memory_space<vmem>>, vector<1x16xf32>,
      %get3A_928 = vector.shape_cast %get3A_927 : vector<1x16xf32> to vector<16xf32>
      %add3A_929 = arith.addf %add3A_905, %get3A_928 : vector<16xf32>
      %get3A_930 = arith.constant 37 : i32
      %get3A_931 = arith.index_cast %get3A_930 : i32 to index
      %get3A_932 = arith.constant 32 : index
      %get3A_933 = tpu.vector_load %arg6[%get3A_931, %get3A_932] {strides = array<i32>} : memref<100x64xf32, #tpu.memory_space<vmem>>, vector<1x16xf32>,
      %get3A_934 = vector.shape_cast %get3A_933 : vector<1x16xf32> to vector<16xf32>
      %add3A_935 = arith.addf %add3A_911, %get3A_934 : vector<16xf32>
      %get3A_936 = arith.constant 37 : i32
      %get3A_937 = arith.index_cast %get3A_936 : i32 to index
      %get3A_938 = arith.constant 48 : index
      %get3A_939 = tpu.vector_load %arg6[%get3A_937, %get3A_938] {strides = array<i32>} : memref<100x64xf32, #tpu.memory_space<vmem>>, vector<1x16xf32>,
      %get3A_940 = vector.shape_cast %get3A_939 : vector<1x16xf32> to vector<16xf32>
      %add3A_941 = arith.addf %add3A_917, %get3A_940 : vector<16xf32>
      %get3A_942 = arith.constant 38 : i32
      %get3A_943 = arith.index_cast %get3A_942 : i32 to index
      %get3A_944 = arith.constant 0 : index
      %get3A_945 = tpu.vector_load %arg6[%get3A_943, %get3A_944] {strides = array<i32>} : memref<100x64xf32, #tpu.memory_space<vmem>>, vector<1x16xf32>,
      %get3A_946 = vector.shape_cast %get3A_945 : vector<1x16xf32> to vector<16xf32>
      %add3A_947 = arith.addf %add3A_923, %get3A_946 : vector<16xf32>
      %get3A_948 = arith.constant 38 : i32
      %get3A_949 = arith.index_cast %get3A_948 : i32 to index
      %get3A_950 = arith.constant 16 : index
      %get3A_951 = tpu.vector_load %arg6[%get3A_949, %get3A_950] {strides = array<i32>} : memref<100x64xf32, #tpu.memory_space<vmem>>, vector<1x16xf32>,
      %get3A_952 = vector.shape_cast %get3A_951 : vector<1x16xf32> to vector<16xf32>
      %add3A_953 = arith.addf %add3A_929, %get3A_952 : vector<16xf32>
      %get3A_954 = arith.constant 38 : i32
      %get3A_955 = arith.index_cast %get3A_954 : i32 to index
      %get3A_956 = arith.constant 32 : index
      %get3A_957 = tpu.vector_load %arg6[%get3A_955, %get3A_956] {strides = array<i32>} : memref<100x64xf32, #tpu.memory_space<vmem>>, vector<1x16xf32>,
      %get3A_958 = vector.shape_cast %get3A_957 : vector<1x16xf32> to vector<16xf32>
      %add3A_959 = arith.addf %add3A_935, %get3A_958 : vector<16xf32>
      %get3A_960 = arith.constant 38 : i32
      %get3A_961 = arith.index_cast %get3A_960 : i32 to index
      %get3A_962 = arith.constant 48 : index
      %get3A_963 = tpu.vector_load %arg6[%get3A_961, %get3A_962] {strides = array<i32>} : memref<100x64xf32, #tpu.memory_space<vmem>>, vector<1x16xf32>,
      %get3A_964 = vector.shape_cast %get3A_963 : vector<1x16xf32> to vector<16xf32>
      %add3A_965 = arith.addf %add3A_941, %get3A_964 : vector<16xf32>
      %get3A_966 = arith.constant 39 : i32
      %get3A_967 = arith.index_cast %get3A_966 : i32 to index
      %get3A_968 = arith.constant 0 : index
      %get3A_969 = tpu.vector_load %arg6[%get3A_967, %get3A_968] {strides = array<i32>} : memref<100x64xf32, #tpu.memory_space<vmem>>, vector<1x16xf32>,
      %get3A_970 = vector.shape_cast %get3A_969 : vector<1x16xf32> to vector<16xf32>
      %add3A_971 = arith.addf %add3A_947, %get3A_970 : vector<16xf32>
      %get3A_972 = arith.constant 39 : i32
      %get3A_973 = arith.index_cast %get3A_972 : i32 to index
      %get3A_974 = arith.constant 16 : index
      %get3A_975 = tpu.vector_load %arg6[%get3A_973, %get3A_974] {strides = array<i32>} : memref<100x64xf32, #tpu.memory_space<vmem>>, vector<1x16xf32>,
      %get3A_976 = vector.shape_cast %get3A_975 : vector<1x16xf32> to vector<16xf32>
      %add3A_977 = arith.addf %add3A_953, %get3A_976 : vector<16xf32>
      %get3A_978 = arith.constant 39 : i32
      %get3A_979 = arith.index_cast %get3A_978 : i32 to index
      %get3A_980 = arith.constant 32 : index
      %get3A_981 = tpu.vector_load %arg6[%get3A_979, %get3A_980] {strides = array<i32>} : memref<100x64xf32, #tpu.memory_space<vmem>>, vector<1x16xf32>,
      %get3A_982 = vector.shape_cast %get3A_981 : vector<1x16xf32> to vector<16xf32>
      %add3A_983 = arith.addf %add3A_959, %get3A_982 : vector<16xf32>
      %get3A_984 = arith.constant 39 : i32
      %get3A_985 = arith.index_cast %get3A_984 : i32 to index
      %get3A_986 = arith.constant 48 : index
      %get3A_987 = tpu.vector_load %arg6[%get3A_985, %get3A_986] {strides = array<i32>} : memref<100x64xf32, #tpu.memory_space<vmem>>, vector<1x16xf32>,
      %get3A_988 = vector.shape_cast %get3A_987 : vector<1x16xf32> to vector<16xf32>
      %add3A_989 = arith.addf %add3A_965, %get3A_988 : vector<16xf32>
      %get3A_990 = arith.constant 40 : i32
      %get3A_991 = arith.index_cast %get3A_990 : i32 to index
      %get3A_992 = arith.constant 0 : index
      %get3A_993 = tpu.vector_load %arg6[%get3A_991, %get3A_992] {strides = array<i32>} : memref<100x64xf32, #tpu.memory_space<vmem>>, vector<1x16xf32>,
      %get3A_994 = vector.shape_cast %get3A_993 : vector<1x16xf32> to vector<16xf32>
      %add3A_995 = arith.addf %add3A_971, %get3A_994 : vector<16xf32>
      %get3A_996 = arith.constant 40 : i32
      %get3A_997 = arith.index_cast %get3A_996 : i32 to index
      %get3A_998 = arith.constant 16 : index
      %get3A_999 = tpu.vector_load %arg6[%get3A_997, %get3A_998] {strides = array<i32>} : memref<100x64xf32, #tpu.memory_space<vmem>>, vector<1x16xf32>,
      %get3A_1000 = vector.shape_cast %get3A_999 : vector<1x16xf32> to vector<16xf32>
      %add3A_1001 = arith.addf %add3A_977, %get3A_1000 : vector<16xf32>
      %get3A_1002 = arith.constant 40 : i32
      %get3A_1003 = arith.index_cast %get3A_1002 : i32 to index
      %get3A_1004 = arith.constant 32 : index
      %get3A_1005 = tpu.vector_load %arg6[%get3A_1003, %get3A_1004] {strides = array<i32>} : memref<100x64xf32, #tpu.memory_space<vmem>>, vector<1x16xf32>,
      %get3A_1006 = vector.shape_cast %get3A_1005 : vector<1x16xf32> to vector<16xf32>
      %add3A_1007 = arith.addf %add3A_983, %get3A_1006 : vector<16xf32>
      %get3A_1008 = arith.constant 40 : i32
      %get3A_1009 = arith.index_cast %get3A_1008 : i32 to index
      %get3A_1010 = arith.constant 48 : index
      %get3A_1011 = tpu.vector_load %arg6[%get3A_1009, %get3A_1010] {strides = array<i32>} : memref<100x64xf32, #tpu.memory_space<vmem>>, vector<1x16xf32>,
      %get3A_1012 = vector.shape_cast %get3A_1011 : vector<1x16xf32> to vector<16xf32>
      %add3A_1013 = arith.addf %add3A_989, %get3A_1012 : vector<16xf32>
      %get3A_1014 = arith.constant 41 : i32
      %get3A_1015 = arith.index_cast %get3A_1014 : i32 to index
      %get3A_1016 = arith.constant 0 : index
      %get3A_1017 = tpu.vector_load %arg6[%get3A_1015, %get3A_1016] {strides = array<i32>} : memref<100x64xf32, #tpu.memory_space<vmem>>, vector<1x16xf32>,
      %get3A_1018 = vector.shape_cast %get3A_1017 : vector<1x16xf32> to vector<16xf32>
      %add3A_1019 = arith.addf %add3A_995, %get3A_1018 : vector<16xf32>
      %get3A_1020 = arith.constant 41 : i32
      %get3A_1021 = arith.index_cast %get3A_1020 : i32 to index
      %get3A_1022 = arith.constant 16 : index
      %get3A_1023 = tpu.vector_load %arg6[%get3A_1021, %get3A_1022] {strides = array<i32>} : memref<100x64xf32, #tpu.memory_space<vmem>>, vector<1x16xf32>,
      %get3A_1024 = vector.shape_cast %get3A_1023 : vector<1x16xf32> to vector<16xf32>
      %add3A_1025 = arith.addf %add3A_1001, %get3A_1024 : vector<16xf32>
      %get3A_1026 = arith.constant 41 : i32
      %get3A_1027 = arith.index_cast %get3A_1026 : i32 to index
      %get3A_1028 = arith.constant 32 : index
      %get3A_1029 = tpu.vector_load %arg6[%get3A_1027, %get3A_1028] {strides = array<i32>} : memref<100x64xf32, #tpu.memory_space<vmem>>, vector<1x16xf32>,
      %get3A_1030 = vector.shape_cast %get3A_1029 : vector<1x16xf32> to vector<16xf32>
      %add3A_1031 = arith.addf %add3A_1007, %get3A_1030 : vector<16xf32>
      %get3A_1032 = arith.constant 41 : i32
      %get3A_1033 = arith.index_cast %get3A_1032 : i32 to index
      %get3A_1034 = arith.constant 48 : index
      %get3A_1035 = tpu.vector_load %arg6[%get3A_1033, %get3A_1034] {strides = array<i32>} : memref<100x64xf32, #tpu.memory_space<vmem>>, vector<1x16xf32>,
      %get3A_1036 = vector.shape_cast %get3A_1035 : vector<1x16xf32> to vector<16xf32>
      %add3A_1037 = arith.addf %add3A_1013, %get3A_1036 : vector<16xf32>
      %get3A_1038 = arith.constant 42 : i32
      %get3A_1039 = arith.index_cast %get3A_1038 : i32 to index
      %get3A_1040 = arith.constant 0 : index
      %get3A_1041 = tpu.vector_load %arg6[%get3A_1039, %get3A_1040] {strides = array<i32>} : memref<100x64xf32, #tpu.memory_space<vmem>>, vector<1x16xf32>,
      %get3A_1042 = vector.shape_cast %get3A_1041 : vector<1x16xf32> to vector<16xf32>
      %add3A_1043 = arith.addf %add3A_1019, %get3A_1042 : vector<16xf32>
      %get3A_1044 = arith.constant 42 : i32
      %get3A_1045 = arith.index_cast %get3A_1044 : i32 to index
      %get3A_1046 = arith.constant 16 : index
      %get3A_1047 = tpu.vector_load %arg6[%get3A_1045, %get3A_1046] {strides = array<i32>} : memref<100x64xf32, #tpu.memory_space<vmem>>, vector<1x16xf32>,
      %get3A_1048 = vector.shape_cast %get3A_1047 : vector<1x16xf32> to vector<16xf32>
      %add3A_1049 = arith.addf %add3A_1025, %get3A_1048 : vector<16xf32>
      %get3A_1050 = arith.constant 42 : i32
      %get3A_1051 = arith.index_cast %get3A_1050 : i32 to index
      %get3A_1052 = arith.constant 32 : index
      %get3A_1053 = tpu.vector_load %arg6[%get3A_1051, %get3A_1052] {strides = array<i32>} : memref<100x64xf32, #tpu.memory_space<vmem>>, vector<1x16xf32>,
      %get3A_1054 = vector.shape_cast %get3A_1053 : vector<1x16xf32> to vector<16xf32>
      %add3A_1055 = arith.addf %add3A_1031, %get3A_1054 : vector<16xf32>
      %get3A_1056 = arith.constant 42 : i32
      %get3A_1057 = arith.index_cast %get3A_1056 : i32 to index
      %get3A_1058 = arith.constant 48 : index
      %get3A_1059 = tpu.vector_load %arg6[%get3A_1057, %get3A_1058] {strides = array<i32>} : memref<100x64xf32, #tpu.memory_space<vmem>>, vector<1x16xf32>,
      %get3A_1060 = vector.shape_cast %get3A_1059 : vector<1x16xf32> to vector<16xf32>
      %add3A_1061 = arith.addf %add3A_1037, %get3A_1060 : vector<16xf32>
      %get3A_1062 = arith.constant 43 : i32
      %get3A_1063 = arith.index_cast %get3A_1062 : i32 to index
      %get3A_1064 = arith.constant 0 : index
      %get3A_1065 = tpu.vector_load %arg6[%get3A_1063, %get3A_1064] {strides = array<i32>} : memref<100x64xf32, #tpu.memory_space<vmem>>, vector<1x16xf32>,
      %get3A_1066 = vector.shape_cast %get3A_1065 : vector<1x16xf32> to vector<16xf32>
      %add3A_1067 = arith.addf %add3A_1043, %get3A_1066 : vector<16xf32>
      %get3A_1068 = arith.constant 43 : i32
      %get3A_1069 = arith.index_cast %get3A_1068 : i32 to index
      %get3A_1070 = arith.constant 16 : index
      %get3A_1071 = tpu.vector_load %arg6[%get3A_1069, %get3A_1070] {strides = array<i32>} : memref<100x64xf32, #tpu.memory_space<vmem>>, vector<1x16xf32>,
      %get3A_1072 = vector.shape_cast %get3A_1071 : vector<1x16xf32> to vector<16xf32>
      %add3A_1073 = arith.addf %add3A_1049, %get3A_1072 : vector<16xf32>
      %get3A_1074 = arith.constant 43 : i32
      %get3A_1075 = arith.index_cast %get3A_1074 : i32 to index
      %get3A_1076 = arith.constant 32 : index
      %get3A_1077 = tpu.vector_load %arg6[%get3A_1075, %get3A_1076] {strides = array<i32>} : memref<100x64xf32, #tpu.memory_space<vmem>>, vector<1x16xf32>,
      %get3A_1078 = vector.shape_cast %get3A_1077 : vector<1x16xf32> to vector<16xf32>
      %add3A_1079 = arith.addf %add3A_1055, %get3A_1078 : vector<16xf32>
      %get3A_1080 = arith.constant 43 : i32
      %get3A_1081 = arith.index_cast %get3A_1080 : i32 to index
      %get3A_1082 = arith.constant 48 : index
      %get3A_1083 = tpu.vector_load %arg6[%get3A_1081, %get3A_1082] {strides = array<i32>} : memref<100x64xf32, #tpu.memory_space<vmem>>, vector<1x16xf32>,
      %get3A_1084 = vector.shape_cast %get3A_1083 : vector<1x16xf32> to vector<16xf32>
      %add3A_1085 = arith.addf %add3A_1061, %get3A_1084 : vector<16xf32>
      %get3A_1086 = arith.constant 44 : i32
      %get3A_1087 = arith.index_cast %get3A_1086 : i32 to index
      %get3A_1088 = arith.constant 0 : index
      %get3A_1089 = tpu.vector_load %arg6[%get3A_1087, %get3A_1088] {strides = array<i32>} : memref<100x64xf32, #tpu.memory_space<vmem>>, vector<1x16xf32>,
      %get3A_1090 = vector.shape_cast %get3A_1089 : vector<1x16xf32> to vector<16xf32>
      %add3A_1091 = arith.addf %add3A_1067, %get3A_1090 : vector<16xf32>
      %get3A_1092 = arith.constant 44 : i32
      %get3A_1093 = arith.index_cast %get3A_1092 : i32 to index
      %get3A_1094 = arith.constant 16 : index
      %get3A_1095 = tpu.vector_load %arg6[%get3A_1093, %get3A_1094] {strides = array<i32>} : memref<100x64xf32, #tpu.memory_space<vmem>>, vector<1x16xf32>,
      %get3A_1096 = vector.shape_cast %get3A_1095 : vector<1x16xf32> to vector<16xf32>
      %add3A_1097 = arith.addf %add3A_1073, %get3A_1096 : vector<16xf32>
      %get3A_1098 = arith.constant 44 : i32
      %get3A_1099 = arith.index_cast %get3A_1098 : i32 to index
      %get3A_1100 = arith.constant 32 : index
      %get3A_1101 = tpu.vector_load %arg6[%get3A_1099, %get3A_1100] {strides = array<i32>} : memref<100x64xf32, #tpu.memory_space<vmem>>, vector<1x16xf32>,
      %get3A_1102 = vector.shape_cast %get3A_1101 : vector<1x16xf32> to vector<16xf32>
      %add3A_1103 = arith.addf %add3A_1079, %get3A_1102 : vector<16xf32>
      %get3A_1104 = arith.constant 44 : i32
      %get3A_1105 = arith.index_cast %get3A_1104 : i32 to index
      %get3A_1106 = arith.constant 48 : index
      %get3A_1107 = tpu.vector_load %arg6[%get3A_1105, %get3A_1106] {strides = array<i32>} : memref<100x64xf32, #tpu.memory_space<vmem>>, vector<1x16xf32>,
      %get3A_1108 = vector.shape_cast %get3A_1107 : vector<1x16xf32> to vector<16xf32>
      %add3A_1109 = arith.addf %add3A_1085, %get3A_1108 : vector<16xf32>
      %get3A_1110 = arith.constant 45 : i32
      %get3A_1111 = arith.index_cast %get3A_1110 : i32 to index
      %get3A_1112 = arith.constant 0 : index
      %get3A_1113 = tpu.vector_load %arg6[%get3A_1111, %get3A_1112] {strides = array<i32>} : memref<100x64xf32, #tpu.memory_space<vmem>>, vector<1x16xf32>,
      %get3A_1114 = vector.shape_cast %get3A_1113 : vector<1x16xf32> to vector<16xf32>
      %add3A_1115 = arith.addf %add3A_1091, %get3A_1114 : vector<16xf32>
      %get3A_1116 = arith.constant 45 : i32
      %get3A_1117 = arith.index_cast %get3A_1116 : i32 to index
      %get3A_1118 = arith.constant 16 : index
      %get3A_1119 = tpu.vector_load %arg6[%get3A_1117, %get3A_1118] {strides = array<i32>} : memref<100x64xf32, #tpu.memory_space<vmem>>, vector<1x16xf32>,
      %get3A_1120 = vector.shape_cast %get3A_1119 : vector<1x16xf32> to vector<16xf32>
      %add3A_1121 = arith.addf %add3A_1097, %get3A_1120 : vector<16xf32>
      %get3A_1122 = arith.constant 45 : i32
      %get3A_1123 = arith.index_cast %get3A_1122 : i32 to index
      %get3A_1124 = arith.constant 32 : index
      %get3A_1125 = tpu.vector_load %arg6[%get3A_1123, %get3A_1124] {strides = array<i32>} : memref<100x64xf32, #tpu.memory_space<vmem>>, vector<1x16xf32>,
      %get3A_1126 = vector.shape_cast %get3A_1125 : vector<1x16xf32> to vector<16xf32>
      %add3A_1127 = arith.addf %add3A_1103, %get3A_1126 : vector<16xf32>
      %get3A_1128 = arith.constant 45 : i32
      %get3A_1129 = arith.index_cast %get3A_1128 : i32 to index
      %get3A_1130 = arith.constant 48 : index
      %get3A_1131 = tpu.vector_load %arg6[%get3A_1129, %get3A_1130] {strides = array<i32>} : memref<100x64xf32, #tpu.memory_space<vmem>>, vector<1x16xf32>,
      %get3A_1132 = vector.shape_cast %get3A_1131 : vector<1x16xf32> to vector<16xf32>
      %add3A_1133 = arith.addf %add3A_1109, %get3A_1132 : vector<16xf32>
      %get3A_1134 = arith.constant 46 : i32
      %get3A_1135 = arith.index_cast %get3A_1134 : i32 to index
      %get3A_1136 = arith.constant 0 : index
      %get3A_1137 = tpu.vector_load %arg6[%get3A_1135, %get3A_1136] {strides = array<i32>} : memref<100x64xf32, #tpu.memory_space<vmem>>, vector<1x16xf32>,
      %get3A_1138 = vector.shape_cast %get3A_1137 : vector<1x16xf32> to vector<16xf32>
      %add3A_1139 = arith.addf %add3A_1115, %get3A_1138 : vector<16xf32>
      %get3A_1140 = arith.constant 46 : i32
      %get3A_1141 = arith.index_cast %get3A_1140 : i32 to index
      %get3A_1142 = arith.constant 16 : index
      %get3A_1143 = tpu.vector_load %arg6[%get3A_1141, %get3A_1142] {strides = array<i32>} : memref<100x64xf32, #tpu.memory_space<vmem>>, vector<1x16xf32>,
      %get3A_1144 = vector.shape_cast %get3A_1143 : vector<1x16xf32> to vector<16xf32>
      %add3A_1145 = arith.addf %add3A_1121, %get3A_1144 : vector<16xf32>
      %get3A_1146 = arith.constant 46 : i32
      %get3A_1147 = arith.index_cast %get3A_1146 : i32 to index
      %get3A_1148 = arith.constant 32 : index
      %get3A_1149 = tpu.vector_load %arg6[%get3A_1147, %get3A_1148] {strides = array<i32>} : memref<100x64xf32, #tpu.memory_space<vmem>>, vector<1x16xf32>,
      %get3A_1150 = vector.shape_cast %get3A_1149 : vector<1x16xf32> to vector<16xf32>
      %add3A_1151 = arith.addf %add3A_1127, %get3A_1150 : vector<16xf32>
      %get3A_1152 = arith.constant 46 : i32
      %get3A_1153 = arith.index_cast %get3A_1152 : i32 to index
      %get3A_1154 = arith.constant 48 : index
      %get3A_1155 = tpu.vector_load %arg6[%get3A_1153, %get3A_1154] {strides = array<i32>} : memref<100x64xf32, #tpu.memory_space<vmem>>, vector<1x16xf32>,
      %get3A_1156 = vector.shape_cast %get3A_1155 : vector<1x16xf32> to vector<16xf32>
      %add3A_1157 = arith.addf %add3A_1133, %get3A_1156 : vector<16xf32>
      %get3A_1158 = arith.constant 47 : i32
      %get3A_1159 = arith.index_cast %get3A_1158 : i32 to index
      %get3A_1160 = arith.constant 0 : index
      %get3A_1161 = tpu.vector_load %arg6[%get3A_1159, %get3A_1160] {strides = array<i32>} : memref<100x64xf32, #tpu.memory_space<vmem>>, vector<1x16xf32>,
      %get3A_1162 = vector.shape_cast %get3A_1161 : vector<1x16xf32> to vector<16xf32>
      %add3A_1163 = arith.addf %add3A_1139, %get3A_1162 : vector<16xf32>
      %get3A_1164 = arith.constant 47 : i32
      %get3A_1165 = arith.index_cast %get3A_1164 : i32 to index
      %get3A_1166 = arith.constant 16 : index
      %get3A_1167 = tpu.vector_load %arg6[%get3A_1165, %get3A_1166] {strides = array<i32>} : memref<100x64xf32, #tpu.memory_space<vmem>>, vector<1x16xf32>,
      %get3A_1168 = vector.shape_cast %get3A_1167 : vector<1x16xf32> to vector<16xf32>
      %add3A_1169 = arith.addf %add3A_1145, %get3A_1168 : vector<16xf32>
      %get3A_1170 = arith.constant 47 : i32
      %get3A_1171 = arith.index_cast %get3A_1170 : i32 to index
      %get3A_1172 = arith.constant 32 : index
      %get3A_1173 = tpu.vector_load %arg6[%get3A_1171, %get3A_1172] {strides = array<i32>} : memref<100x64xf32, #tpu.memory_space<vmem>>, vector<1x16xf32>,
      %get3A_1174 = vector.shape_cast %get3A_1173 : vector<1x16xf32> to vector<16xf32>
      %add3A_1175 = arith.addf %add3A_1151, %get3A_1174 : vector<16xf32>
      %get3A_1176 = arith.constant 47 : i32
      %get3A_1177 = arith.index_cast %get3A_1176 : i32 to index
      %get3A_1178 = arith.constant 48 : index
      %get3A_1179 = tpu.vector_load %arg6[%get3A_1177, %get3A_1178] {strides = array<i32>} : memref<100x64xf32, #tpu.memory_space<vmem>>, vector<1x16xf32>,
      %get3A_1180 = vector.shape_cast %get3A_1179 : vector<1x16xf32> to vector<16xf32>
      %add3A_1181 = arith.addf %add3A_1157, %get3A_1180 : vector<16xf32>
      %get3A_1182 = arith.constant 48 : i32
      %get3A_1183 = arith.index_cast %get3A_1182 : i32 to index
      %get3A_1184 = arith.constant 0 : index
      %get3A_1185 = tpu.vector_load %arg6[%get3A_1183, %get3A_1184] {strides = array<i32>} : memref<100x64xf32, #tpu.memory_space<vmem>>, vector<1x16xf32>,
      %get3A_1186 = vector.shape_cast %get3A_1185 : vector<1x16xf32> to vector<16xf32>
      %add3A_1187 = arith.addf %add3A_1163, %get3A_1186 : vector<16xf32>
      %get3A_1188 = arith.constant 48 : i32
      %get3A_1189 = arith.index_cast %get3A_1188 : i32 to index
      %get3A_1190 = arith.constant 16 : index
      %get3A_1191 = tpu.vector_load %arg6[%get3A_1189, %get3A_1190] {strides = array<i32>} : memref<100x64xf32, #tpu.memory_space<vmem>>, vector<1x16xf32>,
      %get3A_1192 = vector.shape_cast %get3A_1191 : vector<1x16xf32> to vector<16xf32>
      %add3A_1193 = arith.addf %add3A_1169, %get3A_1192 : vector<16xf32>
      %get3A_1194 = arith.constant 48 : i32
      %get3A_1195 = arith.index_cast %get3A_1194 : i32 to index
      %get3A_1196 = arith.constant 32 : index
      %get3A_1197 = tpu.vector_load %arg6[%get3A_1195, %get3A_1196] {strides = array<i32>} : memref<100x64xf32, #tpu.memory_space<vmem>>, vector<1x16xf32>,
      %get3A_1198 = vector.shape_cast %get3A_1197 : vector<1x16xf32> to vector<16xf32>
      %add3A_1199 = arith.addf %add3A_1175, %get3A_1198 : vector<16xf32>
      %get3A_1200 = arith.constant 48 : i32
      %get3A_1201 = arith.index_cast %get3A_1200 : i32 to index
      %get3A_1202 = arith.constant 48 : index
      %get3A_1203 = tpu.vector_load %arg6[%get3A_1201, %get3A_1202] {strides = array<i32>} : memref<100x64xf32, #tpu.memory_space<vmem>>, vector<1x16xf32>,
      %get3A_1204 = vector.shape_cast %get3A_1203 : vector<1x16xf32> to vector<16xf32>
      %add3A_1205 = arith.addf %add3A_1181, %get3A_1204 : vector<16xf32>
      %get3A_1206 = arith.constant 49 : i32
      %get3A_1207 = arith.index_cast %get3A_1206 : i32 to index
      %get3A_1208 = arith.constant 0 : index
      %get3A_1209 = tpu.vector_load %arg6[%get3A_1207, %get3A_1208] {strides = array<i32>} : memref<100x64xf32, #tpu.memory_space<vmem>>, vector<1x16xf32>,
      %get3A_1210 = vector.shape_cast %get3A_1209 : vector<1x16xf32> to vector<16xf32>
      %add3A_1211 = arith.addf %add3A_1187, %get3A_1210 : vector<16xf32>
      %get3A_1212 = arith.constant 49 : i32
      %get3A_1213 = arith.index_cast %get3A_1212 : i32 to index
      %get3A_1214 = arith.constant 16 : index
      %get3A_1215 = tpu.vector_load %arg6[%get3A_1213, %get3A_1214] {strides = array<i32>} : memref<100x64xf32, #tpu.memory_space<vmem>>, vector<1x16xf32>,
      %get3A_1216 = vector.shape_cast %get3A_1215 : vector<1x16xf32> to vector<16xf32>
      %add3A_1217 = arith.addf %add3A_1193, %get3A_1216 : vector<16xf32>
      %get3A_1218 = arith.constant 49 : i32
      %get3A_1219 = arith.index_cast %get3A_1218 : i32 to index
      %get3A_1220 = arith.constant 32 : index
      %get3A_1221 = tpu.vector_load %arg6[%get3A_1219, %get3A_1220] {strides = array<i32>} : memref<100x64xf32, #tpu.memory_space<vmem>>, vector<1x16xf32>,
      %get3A_1222 = vector.shape_cast %get3A_1221 : vector<1x16xf32> to vector<16xf32>
      %add3A_1223 = arith.addf %add3A_1199, %get3A_1222 : vector<16xf32>
      %get3A_1224 = arith.constant 49 : i32
      %get3A_1225 = arith.index_cast %get3A_1224 : i32 to index
      %get3A_1226 = arith.constant 48 : index
      %get3A_1227 = tpu.vector_load %arg6[%get3A_1225, %get3A_1226] {strides = array<i32>} : memref<100x64xf32, #tpu.memory_space<vmem>>, vector<1x16xf32>,
      %get3A_1228 = vector.shape_cast %get3A_1227 : vector<1x16xf32> to vector<16xf32>
      %add3A_1229 = arith.addf %add3A_1205, %get3A_1228 : vector<16xf32>
      %add3A_1230 = arith.constant 0 : i32
      %add3A_1231 = arith.addi %mul3A_34, %add3A_1230 : i32
      %swap3A = arith.index_cast %add3A_1231 : i32 to index
      %swap3A_1232 = arith.constant 0 : index
      %swap3A_1233 = tpu.vector_load %arg8[%swap3A, %swap3A_1232] {strides = array<i32>} : memref<128x64xf32, #tpu.memory_space<vmem>>, vector<1x16xf32>,
      %swap3A_1234 = vector.shape_cast %swap3A_1233 : vector<1x16xf32> to vector<16xf32>
      %swap3A_1235 = vector.shape_cast %add3A_1211 : vector<16xf32> to vector<1x16xf32>
      tpu.vector_store %arg8[%swap3A, %swap3A_1232], %swap3A_1235 {strides = array<i32>} : memref<128x64xf32, #tpu.memory_space<vmem>>, vector<1x16xf32>,
      %add3A_1236 = arith.constant 0 : i32
      %add3A_1237 = arith.addi %mul3A_34, %add3A_1236 : i32
      %swap3A_1238 = arith.index_cast %add3A_1237 : i32 to index
      %swap3A_1239 = arith.constant 16 : index
      %swap3A_1240 = tpu.vector_load %arg8[%swap3A_1238, %swap3A_1239] {strides = array<i32>} : memref<128x64xf32, #tpu.memory_space<vmem>>, vector<1x16xf32>,
      %swap3A_1241 = vector.shape_cast %swap3A_1240 : vector<1x16xf32> to vector<16xf32>
      %swap3A_1242 = vector.shape_cast %add3A_1217 : vector<16xf32> to vector<1x16xf32>
      tpu.vector_store %arg8[%swap3A_1238, %swap3A_1239], %swap3A_1242 {strides = array<i32>} : memref<128x64xf32, #tpu.memory_space<vmem>>, vector<1x16xf32>,
      %add3A_1243 = arith.constant 0 : i32
      %add3A_1244 = arith.addi %mul3A_34, %add3A_1243 : i32
      %swap3A_1245 = arith.index_cast %add3A_1244 : i32 to index
      %swap3A_1246 = arith.constant 32 : index
      %swap3A_1247 = tpu.vector_load %arg8[%swap3A_1245, %swap3A_1246] {strides = array<i32>} : memref<128x64xf32, #tpu.memory_space<vmem>>, vector<1x16xf32>,
      %swap3A_1248 = vector.shape_cast %swap3A_1247 : vector<1x16xf32> to vector<16xf32>
      %swap3A_1249 = vector.shape_cast %add3A_1223 : vector<16xf32> to vector<1x16xf32>
      tpu.vector_store %arg8[%swap3A_1245, %swap3A_1246], %swap3A_1249 {strides = array<i32>} : memref<128x64xf32, #tpu.memory_space<vmem>>, vector<1x16xf32>,
      %add3A_1250 = arith.constant 0 : i32
      %add3A_1251 = arith.addi %mul3A_34, %add3A_1250 : i32
      %swap3A_1252 = arith.index_cast %add3A_1251 : i32 to index
      %swap3A_1253 = arith.constant 48 : index
      %swap3A_1254 = tpu.vector_load %arg8[%swap3A_1252, %swap3A_1253] {strides = array<i32>} : memref<128x64xf32, #tpu.memory_space<vmem>>, vector<1x16xf32>,
      %swap3A_1255 = vector.shape_cast %swap3A_1254 : vector<1x16xf32> to vector<16xf32>
      %swap3A_1256 = vector.shape_cast %add3A_1229 : vector<16xf32> to vector<1x16xf32>
      tpu.vector_store %arg8[%swap3A_1252, %swap3A_1253], %swap3A_1256 {strides = array<i32>} : memref<128x64xf32, #tpu.memory_space<vmem>>, vector<1x16xf32>,
      %get3A_1257 = arith.constant 50 : i32
      %get3A_1258 = arith.index_cast %get3A_1257 : i32 to index
      %get3A_1259 = arith.constant 0 : index
      %get3A_1260 = tpu.vector_load %arg6[%get3A_1258, %get3A_1259] {strides = array<i32>} : memref<100x64xf32, #tpu.memory_space<vmem>>, vector<1x16xf32>,
      %get3A_1261 = vector.shape_cast %get3A_1260 : vector<1x16xf32> to vector<16xf32>
      %get3A_1262 = arith.constant 50 : i32
      %get3A_1263 = arith.index_cast %get3A_1262 : i32 to index
      %get3A_1264 = arith.constant 16 : index
      %get3A_1265 = tpu.vector_load %arg6[%get3A_1263, %get3A_1264] {strides = array<i32>} : memref<100x64xf32, #tpu.memory_space<vmem>>, vector<1x16xf32>,
      %get3A_1266 = vector.shape_cast %get3A_1265 : vector<1x16xf32> to vector<16xf32>
      %get3A_1267 = arith.constant 50 : i32
      %get3A_1268 = arith.index_cast %get3A_1267 : i32 to index
      %get3A_1269 = arith.constant 32 : index
      %get3A_1270 = tpu.vector_load %arg6[%get3A_1268, %get3A_1269] {strides = array<i32>} : memref<100x64xf32, #tpu.memory_space<vmem>>, vector<1x16xf32>,
      %get3A_1271 = vector.shape_cast %get3A_1270 : vector<1x16xf32> to vector<16xf32>
      %get3A_1272 = arith.constant 50 : i32
      %get3A_1273 = arith.index_cast %get3A_1272 : i32 to index
      %get3A_1274 = arith.constant 48 : index
      %get3A_1275 = tpu.vector_load %arg6[%get3A_1273, %get3A_1274] {strides = array<i32>} : memref<100x64xf32, #tpu.memory_space<vmem>>, vector<1x16xf32>,
      %get3A_1276 = vector.shape_cast %get3A_1275 : vector<1x16xf32> to vector<16xf32>
      %get3A_1277 = arith.constant 51 : i32
      %get3A_1278 = arith.index_cast %get3A_1277 : i32 to index
      %get3A_1279 = arith.constant 0 : index
      %get3A_1280 = tpu.vector_load %arg6[%get3A_1278, %get3A_1279] {strides = array<i32>} : memref<100x64xf32, #tpu.memory_space<vmem>>, vector<1x16xf32>,
      %get3A_1281 = vector.shape_cast %get3A_1280 : vector<1x16xf32> to vector<16xf32>
      %add3A_1282 = arith.addf %get3A_1261, %get3A_1281 : vector<16xf32>
      %get3A_1283 = arith.constant 51 : i32
      %get3A_1284 = arith.index_cast %get3A_1283 : i32 to index
      %get3A_1285 = arith.constant 16 : index
      %get3A_1286 = tpu.vector_load %arg6[%get3A_1284, %get3A_1285] {strides = array<i32>} : memref<100x64xf32, #tpu.memory_space<vmem>>, vector<1x16xf32>,
      %get3A_1287 = vector.shape_cast %get3A_1286 : vector<1x16xf32> to vector<16xf32>
      %add3A_1288 = arith.addf %get3A_1266, %get3A_1287 : vector<16xf32>
      %get3A_1289 = arith.constant 51 : i32
      %get3A_1290 = arith.index_cast %get3A_1289 : i32 to index
      %get3A_1291 = arith.constant 32 : index
      %get3A_1292 = tpu.vector_load %arg6[%get3A_1290, %get3A_1291] {strides = array<i32>} : memref<100x64xf32, #tpu.memory_space<vmem>>, vector<1x16xf32>,
      %get3A_1293 = vector.shape_cast %get3A_1292 : vector<1x16xf32> to vector<16xf32>
      %add3A_1294 = arith.addf %get3A_1271, %get3A_1293 : vector<16xf32>
      %get3A_1295 = arith.constant 51 : i32
      %get3A_1296 = arith.index_cast %get3A_1295 : i32 to index
      %get3A_1297 = arith.constant 48 : index
      %get3A_1298 = tpu.vector_load %arg6[%get3A_1296, %get3A_1297] {strides = array<i32>} : memref<100x64xf32, #tpu.memory_space<vmem>>, vector<1x16xf32>,
      %get3A_1299 = vector.shape_cast %get3A_1298 : vector<1x16xf32> to vector<16xf32>
      %add3A_1300 = arith.addf %get3A_1276, %get3A_1299 : vector<16xf32>
      %get3A_1301 = arith.constant 52 : i32
      %get3A_1302 = arith.index_cast %get3A_1301 : i32 to index
      %get3A_1303 = arith.constant 0 : index
      %get3A_1304 = tpu.vector_load %arg6[%get3A_1302, %get3A_1303] {strides = array<i32>} : memref<100x64xf32, #tpu.memory_space<vmem>>, vector<1x16xf32>,
      %get3A_1305 = vector.shape_cast %get3A_1304 : vector<1x16xf32> to vector<16xf32>
      %add3A_1306 = arith.addf %add3A_1282, %get3A_1305 : vector<16xf32>
      %get3A_1307 = arith.constant 52 : i32
      %get3A_1308 = arith.index_cast %get3A_1307 : i32 to index
      %get3A_1309 = arith.constant 16 : index
      %get3A_1310 = tpu.vector_load %arg6[%get3A_1308, %get3A_1309] {strides = array<i32>} : memref<100x64xf32, #tpu.memory_space<vmem>>, vector<1x16xf32>,
      %get3A_1311 = vector.shape_cast %get3A_1310 : vector<1x16xf32> to vector<16xf32>
      %add3A_1312 = arith.addf %add3A_1288, %get3A_1311 : vector<16xf32>
      %get3A_1313 = arith.constant 52 : i32
      %get3A_1314 = arith.index_cast %get3A_1313 : i32 to index
      %get3A_1315 = arith.constant 32 : index
      %get3A_1316 = tpu.vector_load %arg6[%get3A_1314, %get3A_1315] {strides = array<i32>} : memref<100x64xf32, #tpu.memory_space<vmem>>, vector<1x16xf32>,
      %get3A_1317 = vector.shape_cast %get3A_1316 : vector<1x16xf32> to vector<16xf32>
      %add3A_1318 = arith.addf %add3A_1294, %get3A_1317 : vector<16xf32>
      %get3A_1319 = arith.constant 52 : i32
      %get3A_1320 = arith.index_cast %get3A_1319 : i32 to index
      %get3A_1321 = arith.constant 48 : index
      %get3A_1322 = tpu.vector_load %arg6[%get3A_1320, %get3A_1321] {strides = array<i32>} : memref<100x64xf32, #tpu.memory_space<vmem>>, vector<1x16xf32>,
      %get3A_1323 = vector.shape_cast %get3A_1322 : vector<1x16xf32> to vector<16xf32>
      %add3A_1324 = arith.addf %add3A_1300, %get3A_1323 : vector<16xf32>
      %get3A_1325 = arith.constant 53 : i32
      %get3A_1326 = arith.index_cast %get3A_1325 : i32 to index
      %get3A_1327 = arith.constant 0 : index
      %get3A_1328 = tpu.vector_load %arg6[%get3A_1326, %get3A_1327] {strides = array<i32>} : memref<100x64xf32, #tpu.memory_space<vmem>>, vector<1x16xf32>,
      %get3A_1329 = vector.shape_cast %get3A_1328 : vector<1x16xf32> to vector<16xf32>
      %add3A_1330 = arith.addf %add3A_1306, %get3A_1329 : vector<16xf32>
      %get3A_1331 = arith.constant 53 : i32
      %get3A_1332 = arith.index_cast %get3A_1331 : i32 to index
      %get3A_1333 = arith.constant 16 : index
      %get3A_1334 = tpu.vector_load %arg6[%get3A_1332, %get3A_1333] {strides = array<i32>} : memref<100x64xf32, #tpu.memory_space<vmem>>, vector<1x16xf32>,
      %get3A_1335 = vector.shape_cast %get3A_1334 : vector<1x16xf32> to vector<16xf32>
      %add3A_1336 = arith.addf %add3A_1312, %get3A_1335 : vector<16xf32>
      %get3A_1337 = arith.constant 53 : i32
      %get3A_1338 = arith.index_cast %get3A_1337 : i32 to index
      %get3A_1339 = arith.constant 32 : index
      %get3A_1340 = tpu.vector_load %arg6[%get3A_1338, %get3A_1339] {strides = array<i32>} : memref<100x64xf32, #tpu.memory_space<vmem>>, vector<1x16xf32>,
      %get3A_1341 = vector.shape_cast %get3A_1340 : vector<1x16xf32> to vector<16xf32>
      %add3A_1342 = arith.addf %add3A_1318, %get3A_1341 : vector<16xf32>
      %get3A_1343 = arith.constant 53 : i32
      %get3A_1344 = arith.index_cast %get3A_1343 : i32 to index
      %get3A_1345 = arith.constant 48 : index
      %get3A_1346 = tpu.vector_load %arg6[%get3A_1344, %get3A_1345] {strides = array<i32>} : memref<100x64xf32, #tpu.memory_space<vmem>>, vector<1x16xf32>,
      %get3A_1347 = vector.shape_cast %get3A_1346 : vector<1x16xf32> to vector<16xf32>
      %add3A_1348 = arith.addf %add3A_1324, %get3A_1347 : vector<16xf32>
      %get3A_1349 = arith.constant 54 : i32
      %get3A_1350 = arith.index_cast %get3A_1349 : i32 to index
      %get3A_1351 = arith.constant 0 : index
      %get3A_1352 = tpu.vector_load %arg6[%get3A_1350, %get3A_1351] {strides = array<i32>} : memref<100x64xf32, #tpu.memory_space<vmem>>, vector<1x16xf32>,
      %get3A_1353 = vector.shape_cast %get3A_1352 : vector<1x16xf32> to vector<16xf32>
      %add3A_1354 = arith.addf %add3A_1330, %get3A_1353 : vector<16xf32>
      %get3A_1355 = arith.constant 54 : i32
      %get3A_1356 = arith.index_cast %get3A_1355 : i32 to index
      %get3A_1357 = arith.constant 16 : index
      %get3A_1358 = tpu.vector_load %arg6[%get3A_1356, %get3A_1357] {strides = array<i32>} : memref<100x64xf32, #tpu.memory_space<vmem>>, vector<1x16xf32>,
      %get3A_1359 = vector.shape_cast %get3A_1358 : vector<1x16xf32> to vector<16xf32>
      %add3A_1360 = arith.addf %add3A_1336, %get3A_1359 : vector<16xf32>
      %get3A_1361 = arith.constant 54 : i32
      %get3A_1362 = arith.index_cast %get3A_1361 : i32 to index
      %get3A_1363 = arith.constant 32 : index
      %get3A_1364 = tpu.vector_load %arg6[%get3A_1362, %get3A_1363] {strides = array<i32>} : memref<100x64xf32, #tpu.memory_space<vmem>>, vector<1x16xf32>,
      %get3A_1365 = vector.shape_cast %get3A_1364 : vector<1x16xf32> to vector<16xf32>
      %add3A_1366 = arith.addf %add3A_1342, %get3A_1365 : vector<16xf32>
      %get3A_1367 = arith.constant 54 : i32
      %get3A_1368 = arith.index_cast %get3A_1367 : i32 to index
      %get3A_1369 = arith.constant 48 : index
      %get3A_1370 = tpu.vector_load %arg6[%get3A_1368, %get3A_1369] {strides = array<i32>} : memref<100x64xf32, #tpu.memory_space<vmem>>, vector<1x16xf32>,
      %get3A_1371 = vector.shape_cast %get3A_1370 : vector<1x16xf32> to vector<16xf32>
      %add3A_1372 = arith.addf %add3A_1348, %get3A_1371 : vector<16xf32>
      %get3A_1373 = arith.constant 55 : i32
      %get3A_1374 = arith.index_cast %get3A_1373 : i32 to index
      %get3A_1375 = arith.constant 0 : index
      %get3A_1376 = tpu.vector_load %arg6[%get3A_1374, %get3A_1375] {strides = array<i32>} : memref<100x64xf32, #tpu.memory_space<vmem>>, vector<1x16xf32>,
      %get3A_1377 = vector.shape_cast %get3A_1376 : vector<1x16xf32> to vector<16xf32>
      %add3A_1378 = arith.addf %add3A_1354, %get3A_1377 : vector<16xf32>
      %get3A_1379 = arith.constant 55 : i32
      %get3A_1380 = arith.index_cast %get3A_1379 : i32 to index
      %get3A_1381 = arith.constant 16 : index
      %get3A_1382 = tpu.vector_load %arg6[%get3A_1380, %get3A_1381] {strides = array<i32>} : memref<100x64xf32, #tpu.memory_space<vmem>>, vector<1x16xf32>,
      %get3A_1383 = vector.shape_cast %get3A_1382 : vector<1x16xf32> to vector<16xf32>
      %add3A_1384 = arith.addf %add3A_1360, %get3A_1383 : vector<16xf32>
      %get3A_1385 = arith.constant 55 : i32
      %get3A_1386 = arith.index_cast %get3A_1385 : i32 to index
      %get3A_1387 = arith.constant 32 : index
      %get3A_1388 = tpu.vector_load %arg6[%get3A_1386, %get3A_1387] {strides = array<i32>} : memref<100x64xf32, #tpu.memory_space<vmem>>, vector<1x16xf32>,
      %get3A_1389 = vector.shape_cast %get3A_1388 : vector<1x16xf32> to vector<16xf32>
      %add3A_1390 = arith.addf %add3A_1366, %get3A_1389 : vector<16xf32>
      %get3A_1391 = arith.constant 55 : i32
      %get3A_1392 = arith.index_cast %get3A_1391 : i32 to index
      %get3A_1393 = arith.constant 48 : index
      %get3A_1394 = tpu.vector_load %arg6[%get3A_1392, %get3A_1393] {strides = array<i32>} : memref<100x64xf32, #tpu.memory_space<vmem>>, vector<1x16xf32>,
      %get3A_1395 = vector.shape_cast %get3A_1394 : vector<1x16xf32> to vector<16xf32>
      %add3A_1396 = arith.addf %add3A_1372, %get3A_1395 : vector<16xf32>
      %get3A_1397 = arith.constant 56 : i32
      %get3A_1398 = arith.index_cast %get3A_1397 : i32 to index
      %get3A_1399 = arith.constant 0 : index
      %get3A_1400 = tpu.vector_load %arg6[%get3A_1398, %get3A_1399] {strides = array<i32>} : memref<100x64xf32, #tpu.memory_space<vmem>>, vector<1x16xf32>,
      %get3A_1401 = vector.shape_cast %get3A_1400 : vector<1x16xf32> to vector<16xf32>
      %add3A_1402 = arith.addf %add3A_1378, %get3A_1401 : vector<16xf32>
      %get3A_1403 = arith.constant 56 : i32
      %get3A_1404 = arith.index_cast %get3A_1403 : i32 to index
      %get3A_1405 = arith.constant 16 : index
      %get3A_1406 = tpu.vector_load %arg6[%get3A_1404, %get3A_1405] {strides = array<i32>} : memref<100x64xf32, #tpu.memory_space<vmem>>, vector<1x16xf32>,
      %get3A_1407 = vector.shape_cast %get3A_1406 : vector<1x16xf32> to vector<16xf32>
      %add3A_1408 = arith.addf %add3A_1384, %get3A_1407 : vector<16xf32>
      %get3A_1409 = arith.constant 56 : i32
      %get3A_1410 = arith.index_cast %get3A_1409 : i32 to index
      %get3A_1411 = arith.constant 32 : index
      %get3A_1412 = tpu.vector_load %arg6[%get3A_1410, %get3A_1411] {strides = array<i32>} : memref<100x64xf32, #tpu.memory_space<vmem>>, vector<1x16xf32>,
      %get3A_1413 = vector.shape_cast %get3A_1412 : vector<1x16xf32> to vector<16xf32>
      %add3A_1414 = arith.addf %add3A_1390, %get3A_1413 : vector<16xf32>
      %get3A_1415 = arith.constant 56 : i32
      %get3A_1416 = arith.index_cast %get3A_1415 : i32 to index
      %get3A_1417 = arith.constant 48 : index
      %get3A_1418 = tpu.vector_load %arg6[%get3A_1416, %get3A_1417] {strides = array<i32>} : memref<100x64xf32, #tpu.memory_space<vmem>>, vector<1x16xf32>,
      %get3A_1419 = vector.shape_cast %get3A_1418 : vector<1x16xf32> to vector<16xf32>
      %add3A_1420 = arith.addf %add3A_1396, %get3A_1419 : vector<16xf32>
      %get3A_1421 = arith.constant 57 : i32
      %get3A_1422 = arith.index_cast %get3A_1421 : i32 to index
      %get3A_1423 = arith.constant 0 : index
      %get3A_1424 = tpu.vector_load %arg6[%get3A_1422, %get3A_1423] {strides = array<i32>} : memref<100x64xf32, #tpu.memory_space<vmem>>, vector<1x16xf32>,
      %get3A_1425 = vector.shape_cast %get3A_1424 : vector<1x16xf32> to vector<16xf32>
      %add3A_1426 = arith.addf %add3A_1402, %get3A_1425 : vector<16xf32>
      %get3A_1427 = arith.constant 57 : i32
      %get3A_1428 = arith.index_cast %get3A_1427 : i32 to index
      %get3A_1429 = arith.constant 16 : index
      %get3A_1430 = tpu.vector_load %arg6[%get3A_1428, %get3A_1429] {strides = array<i32>} : memref<100x64xf32, #tpu.memory_space<vmem>>, vector<1x16xf32>,
      %get3A_1431 = vector.shape_cast %get3A_1430 : vector<1x16xf32> to vector<16xf32>
      %add3A_1432 = arith.addf %add3A_1408, %get3A_1431 : vector<16xf32>
      %get3A_1433 = arith.constant 57 : i32
      %get3A_1434 = arith.index_cast %get3A_1433 : i32 to index
      %get3A_1435 = arith.constant 32 : index
      %get3A_1436 = tpu.vector_load %arg6[%get3A_1434, %get3A_1435] {strides = array<i32>} : memref<100x64xf32, #tpu.memory_space<vmem>>, vector<1x16xf32>,
      %get3A_1437 = vector.shape_cast %get3A_1436 : vector<1x16xf32> to vector<16xf32>
      %add3A_1438 = arith.addf %add3A_1414, %get3A_1437 : vector<16xf32>
      %get3A_1439 = arith.constant 57 : i32
      %get3A_1440 = arith.index_cast %get3A_1439 : i32 to index
      %get3A_1441 = arith.constant 48 : index
      %get3A_1442 = tpu.vector_load %arg6[%get3A_1440, %get3A_1441] {strides = array<i32>} : memref<100x64xf32, #tpu.memory_space<vmem>>, vector<1x16xf32>,
      %get3A_1443 = vector.shape_cast %get3A_1442 : vector<1x16xf32> to vector<16xf32>
      %add3A_1444 = arith.addf %add3A_1420, %get3A_1443 : vector<16xf32>
      %get3A_1445 = arith.constant 58 : i32
      %get3A_1446 = arith.index_cast %get3A_1445 : i32 to index
      %get3A_1447 = arith.constant 0 : index
      %get3A_1448 = tpu.vector_load %arg6[%get3A_1446, %get3A_1447] {strides = array<i32>} : memref<100x64xf32, #tpu.memory_space<vmem>>, vector<1x16xf32>,
      %get3A_1449 = vector.shape_cast %get3A_1448 : vector<1x16xf32> to vector<16xf32>
      %add3A_1450 = arith.addf %add3A_1426, %get3A_1449 : vector<16xf32>
      %get3A_1451 = arith.constant 58 : i32
      %get3A_1452 = arith.index_cast %get3A_1451 : i32 to index
      %get3A_1453 = arith.constant 16 : index
      %get3A_1454 = tpu.vector_load %arg6[%get3A_1452, %get3A_1453] {strides = array<i32>} : memref<100x64xf32, #tpu.memory_space<vmem>>, vector<1x16xf32>,
      %get3A_1455 = vector.shape_cast %get3A_1454 : vector<1x16xf32> to vector<16xf32>
      %add3A_1456 = arith.addf %add3A_1432, %get3A_1455 : vector<16xf32>
      %get3A_1457 = arith.constant 58 : i32
      %get3A_1458 = arith.index_cast %get3A_1457 : i32 to index
      %get3A_1459 = arith.constant 32 : index
      %get3A_1460 = tpu.vector_load %arg6[%get3A_1458, %get3A_1459] {strides = array<i32>} : memref<100x64xf32, #tpu.memory_space<vmem>>, vector<1x16xf32>,
      %get3A_1461 = vector.shape_cast %get3A_1460 : vector<1x16xf32> to vector<16xf32>
      %add3A_1462 = arith.addf %add3A_1438, %get3A_1461 : vector<16xf32>
      %get3A_1463 = arith.constant 58 : i32
      %get3A_1464 = arith.index_cast %get3A_1463 : i32 to index
      %get3A_1465 = arith.constant 48 : index
      %get3A_1466 = tpu.vector_load %arg6[%get3A_1464, %get3A_1465] {strides = array<i32>} : memref<100x64xf32, #tpu.memory_space<vmem>>, vector<1x16xf32>,
      %get3A_1467 = vector.shape_cast %get3A_1466 : vector<1x16xf32> to vector<16xf32>
      %add3A_1468 = arith.addf %add3A_1444, %get3A_1467 : vector<16xf32>
      %get3A_1469 = arith.constant 59 : i32
      %get3A_1470 = arith.index_cast %get3A_1469 : i32 to index
      %get3A_1471 = arith.constant 0 : index
      %get3A_1472 = tpu.vector_load %arg6[%get3A_1470, %get3A_1471] {strides = array<i32>} : memref<100x64xf32, #tpu.memory_space<vmem>>, vector<1x16xf32>,
      %get3A_1473 = vector.shape_cast %get3A_1472 : vector<1x16xf32> to vector<16xf32>
      %add3A_1474 = arith.addf %add3A_1450, %get3A_1473 : vector<16xf32>
      %get3A_1475 = arith.constant 59 : i32
      %get3A_1476 = arith.index_cast %get3A_1475 : i32 to index
      %get3A_1477 = arith.constant 16 : index
      %get3A_1478 = tpu.vector_load %arg6[%get3A_1476, %get3A_1477] {strides = array<i32>} : memref<100x64xf32, #tpu.memory_space<vmem>>, vector<1x16xf32>,
      %get3A_1479 = vector.shape_cast %get3A_1478 : vector<1x16xf32> to vector<16xf32>
      %add3A_1480 = arith.addf %add3A_1456, %get3A_1479 : vector<16xf32>
      %get3A_1481 = arith.constant 59 : i32
      %get3A_1482 = arith.index_cast %get3A_1481 : i32 to index
      %get3A_1483 = arith.constant 32 : index
      %get3A_1484 = tpu.vector_load %arg6[%get3A_1482, %get3A_1483] {strides = array<i32>} : memref<100x64xf32, #tpu.memory_space<vmem>>, vector<1x16xf32>,
      %get3A_1485 = vector.shape_cast %get3A_1484 : vector<1x16xf32> to vector<16xf32>
      %add3A_1486 = arith.addf %add3A_1462, %get3A_1485 : vector<16xf32>
      %get3A_1487 = arith.constant 59 : i32
      %get3A_1488 = arith.index_cast %get3A_1487 : i32 to index
      %get3A_1489 = arith.constant 48 : index
      %get3A_1490 = tpu.vector_load %arg6[%get3A_1488, %get3A_1489] {strides = array<i32>} : memref<100x64xf32, #tpu.memory_space<vmem>>, vector<1x16xf32>,
      %get3A_1491 = vector.shape_cast %get3A_1490 : vector<1x16xf32> to vector<16xf32>
      %add3A_1492 = arith.addf %add3A_1468, %get3A_1491 : vector<16xf32>
      %get3A_1493 = arith.constant 60 : i32
      %get3A_1494 = arith.index_cast %get3A_1493 : i32 to index
      %get3A_1495 = arith.constant 0 : index
      %get3A_1496 = tpu.vector_load %arg6[%get3A_1494, %get3A_1495] {strides = array<i32>} : memref<100x64xf32, #tpu.memory_space<vmem>>, vector<1x16xf32>,
      %get3A_1497 = vector.shape_cast %get3A_1496 : vector<1x16xf32> to vector<16xf32>
      %add3A_1498 = arith.addf %add3A_1474, %get3A_1497 : vector<16xf32>
      %get3A_1499 = arith.constant 60 : i32
      %get3A_1500 = arith.index_cast %get3A_1499 : i32 to index
      %get3A_1501 = arith.constant 16 : index
      %get3A_1502 = tpu.vector_load %arg6[%get3A_1500, %get3A_1501] {strides = array<i32>} : memref<100x64xf32, #tpu.memory_space<vmem>>, vector<1x16xf32>,
      %get3A_1503 = vector.shape_cast %get3A_1502 : vector<1x16xf32> to vector<16xf32>
      %add3A_1504 = arith.addf %add3A_1480, %get3A_1503 : vector<16xf32>
      %get3A_1505 = arith.constant 60 : i32
      %get3A_1506 = arith.index_cast %get3A_1505 : i32 to index
      %get3A_1507 = arith.constant 32 : index
      %get3A_1508 = tpu.vector_load %arg6[%get3A_1506, %get3A_1507] {strides = array<i32>} : memref<100x64xf32, #tpu.memory_space<vmem>>, vector<1x16xf32>,
      %get3A_1509 = vector.shape_cast %get3A_1508 : vector<1x16xf32> to vector<16xf32>
      %add3A_1510 = arith.addf %add3A_1486, %get3A_1509 : vector<16xf32>
      %get3A_1511 = arith.constant 60 : i32
      %get3A_1512 = arith.index_cast %get3A_1511 : i32 to index
      %get3A_1513 = arith.constant 48 : index
      %get3A_1514 = tpu.vector_load %arg6[%get3A_1512, %get3A_1513] {strides = array<i32>} : memref<100x64xf32, #tpu.memory_space<vmem>>, vector<1x16xf32>,
      %get3A_1515 = vector.shape_cast %get3A_1514 : vector<1x16xf32> to vector<16xf32>
      %add3A_1516 = arith.addf %add3A_1492, %get3A_1515 : vector<16xf32>
      %get3A_1517 = arith.constant 61 : i32
      %get3A_1518 = arith.index_cast %get3A_1517 : i32 to index
      %get3A_1519 = arith.constant 0 : index
      %get3A_1520 = tpu.vector_load %arg6[%get3A_1518, %get3A_1519] {strides = array<i32>} : memref<100x64xf32, #tpu.memory_space<vmem>>, vector<1x16xf32>,
      %get3A_1521 = vector.shape_cast %get3A_1520 : vector<1x16xf32> to vector<16xf32>
      %add3A_1522 = arith.addf %add3A_1498, %get3A_1521 : vector<16xf32>
      %get3A_1523 = arith.constant 61 : i32
      %get3A_1524 = arith.index_cast %get3A_1523 : i32 to index
      %get3A_1525 = arith.constant 16 : index
      %get3A_1526 = tpu.vector_load %arg6[%get3A_1524, %get3A_1525] {strides = array<i32>} : memref<100x64xf32, #tpu.memory_space<vmem>>, vector<1x16xf32>,
      %get3A_1527 = vector.shape_cast %get3A_1526 : vector<1x16xf32> to vector<16xf32>
      %add3A_1528 = arith.addf %add3A_1504, %get3A_1527 : vector<16xf32>
      %get3A_1529 = arith.constant 61 : i32
      %get3A_1530 = arith.index_cast %get3A_1529 : i32 to index
      %get3A_1531 = arith.constant 32 : index
      %get3A_1532 = tpu.vector_load %arg6[%get3A_1530, %get3A_1531] {strides = array<i32>} : memref<100x64xf32, #tpu.memory_space<vmem>>, vector<1x16xf32>,
      %get3A_1533 = vector.shape_cast %get3A_1532 : vector<1x16xf32> to vector<16xf32>
      %add3A_1534 = arith.addf %add3A_1510, %get3A_1533 : vector<16xf32>
      %get3A_1535 = arith.constant 61 : i32
      %get3A_1536 = arith.index_cast %get3A_1535 : i32 to index
      %get3A_1537 = arith.constant 48 : index
      %get3A_1538 = tpu.vector_load %arg6[%get3A_1536, %get3A_1537] {strides = array<i32>} : memref<100x64xf32, #tpu.memory_space<vmem>>, vector<1x16xf32>,
      %get3A_1539 = vector.shape_cast %get3A_1538 : vector<1x16xf32> to vector<16xf32>
      %add3A_1540 = arith.addf %add3A_1516, %get3A_1539 : vector<16xf32>
      %get3A_1541 = arith.constant 62 : i32
      %get3A_1542 = arith.index_cast %get3A_1541 : i32 to index
      %get3A_1543 = arith.constant 0 : index
      %get3A_1544 = tpu.vector_load %arg6[%get3A_1542, %get3A_1543] {strides = array<i32>} : memref<100x64xf32, #tpu.memory_space<vmem>>, vector<1x16xf32>,
      %get3A_1545 = vector.shape_cast %get3A_1544 : vector<1x16xf32> to vector<16xf32>
      %add3A_1546 = arith.addf %add3A_1522, %get3A_1545 : vector<16xf32>
      %get3A_1547 = arith.constant 62 : i32
      %get3A_1548 = arith.index_cast %get3A_1547 : i32 to index
      %get3A_1549 = arith.constant 16 : index
      %get3A_1550 = tpu.vector_load %arg6[%get3A_1548, %get3A_1549] {strides = array<i32>} : memref<100x64xf32, #tpu.memory_space<vmem>>, vector<1x16xf32>,
      %get3A_1551 = vector.shape_cast %get3A_1550 : vector<1x16xf32> to vector<16xf32>
      %add3A_1552 = arith.addf %add3A_1528, %get3A_1551 : vector<16xf32>
      %get3A_1553 = arith.constant 62 : i32
      %get3A_1554 = arith.index_cast %get3A_1553 : i32 to index
      %get3A_1555 = arith.constant 32 : index
      %get3A_1556 = tpu.vector_load %arg6[%get3A_1554, %get3A_1555] {strides = array<i32>} : memref<100x64xf32, #tpu.memory_space<vmem>>, vector<1x16xf32>,
      %get3A_1557 = vector.shape_cast %get3A_1556 : vector<1x16xf32> to vector<16xf32>
      %add3A_1558 = arith.addf %add3A_1534, %get3A_1557 : vector<16xf32>
      %get3A_1559 = arith.constant 62 : i32
      %get3A_1560 = arith.index_cast %get3A_1559 : i32 to index
      %get3A_1561 = arith.constant 48 : index
      %get3A_1562 = tpu.vector_load %arg6[%get3A_1560, %get3A_1561] {strides = array<i32>} : memref<100x64xf32, #tpu.memory_space<vmem>>, vector<1x16xf32>,
      %get3A_1563 = vector.shape_cast %get3A_1562 : vector<1x16xf32> to vector<16xf32>
      %add3A_1564 = arith.addf %add3A_1540, %get3A_1563 : vector<16xf32>
      %get3A_1565 = arith.constant 63 : i32
      %get3A_1566 = arith.index_cast %get3A_1565 : i32 to index
      %get3A_1567 = arith.constant 0 : index
      %get3A_1568 = tpu.vector_load %arg6[%get3A_1566, %get3A_1567] {strides = array<i32>} : memref<100x64xf32, #tpu.memory_space<vmem>>, vector<1x16xf32>,
      %get3A_1569 = vector.shape_cast %get3A_1568 : vector<1x16xf32> to vector<16xf32>
      %add3A_1570 = arith.addf %add3A_1546, %get3A_1569 : vector<16xf32>
      %get3A_1571 = arith.constant 63 : i32
      %get3A_1572 = arith.index_cast %get3A_1571 : i32 to index
      %get3A_1573 = arith.constant 16 : index
      %get3A_1574 = tpu.vector_load %arg6[%get3A_1572, %get3A_1573] {strides = array<i32>} : memref<100x64xf32, #tpu.memory_space<vmem>>, vector<1x16xf32>,
      %get3A_1575 = vector.shape_cast %get3A_1574 : vector<1x16xf32> to vector<16xf32>
      %add3A_1576 = arith.addf %add3A_1552, %get3A_1575 : vector<16xf32>
      %get3A_1577 = arith.constant 63 : i32
      %get3A_1578 = arith.index_cast %get3A_1577 : i32 to index
      %get3A_1579 = arith.constant 32 : index
      %get3A_1580 = tpu.vector_load %arg6[%get3A_1578, %get3A_1579] {strides = array<i32>} : memref<100x64xf32, #tpu.memory_space<vmem>>, vector<1x16xf32>,
      %get3A_1581 = vector.shape_cast %get3A_1580 : vector<1x16xf32> to vector<16xf32>
      %add3A_1582 = arith.addf %add3A_1558, %get3A_1581 : vector<16xf32>
      %get3A_1583 = arith.constant 63 : i32
      %get3A_1584 = arith.index_cast %get3A_1583 : i32 to index
      %get3A_1585 = arith.constant 48 : index
      %get3A_1586 = tpu.vector_load %arg6[%get3A_1584, %get3A_1585] {strides = array<i32>} : memref<100x64xf32, #tpu.memory_space<vmem>>, vector<1x16xf32>,
      %get3A_1587 = vector.shape_cast %get3A_1586 : vector<1x16xf32> to vector<16xf32>
      %add3A_1588 = arith.addf %add3A_1564, %get3A_1587 : vector<16xf32>
      %get3A_1589 = arith.constant 64 : i32
      %get3A_1590 = arith.index_cast %get3A_1589 : i32 to index
      %get3A_1591 = arith.constant 0 : index
      %get3A_1592 = tpu.vector_load %arg6[%get3A_1590, %get3A_1591] {strides = array<i32>} : memref<100x64xf32, #tpu.memory_space<vmem>>, vector<1x16xf32>,
      %get3A_1593 = vector.shape_cast %get3A_1592 : vector<1x16xf32> to vector<16xf32>
      %add3A_1594 = arith.addf %add3A_1570, %get3A_1593 : vector<16xf32>
      %get3A_1595 = arith.constant 64 : i32
      %get3A_1596 = arith.index_cast %get3A_1595 : i32 to index
      %get3A_1597 = arith.constant 16 : index
      %get3A_1598 = tpu.vector_load %arg6[%get3A_1596, %get3A_1597] {strides = array<i32>} : memref<100x64xf32, #tpu.memory_space<vmem>>, vector<1x16xf32>,
      %get3A_1599 = vector.shape_cast %get3A_1598 : vector<1x16xf32> to vector<16xf32>
      %add3A_1600 = arith.addf %add3A_1576, %get3A_1599 : vector<16xf32>
      %get3A_1601 = arith.constant 64 : i32
      %get3A_1602 = arith.index_cast %get3A_1601 : i32 to index
      %get3A_1603 = arith.constant 32 : index
      %get3A_1604 = tpu.vector_load %arg6[%get3A_1602, %get3A_1603] {strides = array<i32>} : memref<100x64xf32, #tpu.memory_space<vmem>>, vector<1x16xf32>,
      %get3A_1605 = vector.shape_cast %get3A_1604 : vector<1x16xf32> to vector<16xf32>
      %add3A_1606 = arith.addf %add3A_1582, %get3A_1605 : vector<16xf32>
      %get3A_1607 = arith.constant 64 : i32
      %get3A_1608 = arith.index_cast %get3A_1607 : i32 to index
      %get3A_1609 = arith.constant 48 : index
      %get3A_1610 = tpu.vector_load %arg6[%get3A_1608, %get3A_1609] {strides = array<i32>} : memref<100x64xf32, #tpu.memory_space<vmem>>, vector<1x16xf32>,
      %get3A_1611 = vector.shape_cast %get3A_1610 : vector<1x16xf32> to vector<16xf32>
      %add3A_1612 = arith.addf %add3A_1588, %get3A_1611 : vector<16xf32>
      %get3A_1613 = arith.constant 65 : i32
      %get3A_1614 = arith.index_cast %get3A_1613 : i32 to index
      %get3A_1615 = arith.constant 0 : index
      %get3A_1616 = tpu.vector_load %arg6[%get3A_1614, %get3A_1615] {strides = array<i32>} : memref<100x64xf32, #tpu.memory_space<vmem>>, vector<1x16xf32>,
      %get3A_1617 = vector.shape_cast %get3A_1616 : vector<1x16xf32> to vector<16xf32>
      %add3A_1618 = arith.addf %add3A_1594, %get3A_1617 : vector<16xf32>
      %get3A_1619 = arith.constant 65 : i32
      %get3A_1620 = arith.index_cast %get3A_1619 : i32 to index
      %get3A_1621 = arith.constant 16 : index
      %get3A_1622 = tpu.vector_load %arg6[%get3A_1620, %get3A_1621] {strides = array<i32>} : memref<100x64xf32, #tpu.memory_space<vmem>>, vector<1x16xf32>,
      %get3A_1623 = vector.shape_cast %get3A_1622 : vector<1x16xf32> to vector<16xf32>
      %add3A_1624 = arith.addf %add3A_1600, %get3A_1623 : vector<16xf32>
      %get3A_1625 = arith.constant 65 : i32
      %get3A_1626 = arith.index_cast %get3A_1625 : i32 to index
      %get3A_1627 = arith.constant 32 : index
      %get3A_1628 = tpu.vector_load %arg6[%get3A_1626, %get3A_1627] {strides = array<i32>} : memref<100x64xf32, #tpu.memory_space<vmem>>, vector<1x16xf32>,
      %get3A_1629 = vector.shape_cast %get3A_1628 : vector<1x16xf32> to vector<16xf32>
      %add3A_1630 = arith.addf %add3A_1606, %get3A_1629 : vector<16xf32>
      %get3A_1631 = arith.constant 65 : i32
      %get3A_1632 = arith.index_cast %get3A_1631 : i32 to index
      %get3A_1633 = arith.constant 48 : index
      %get3A_1634 = tpu.vector_load %arg6[%get3A_1632, %get3A_1633] {strides = array<i32>} : memref<100x64xf32, #tpu.memory_space<vmem>>, vector<1x16xf32>,
      %get3A_1635 = vector.shape_cast %get3A_1634 : vector<1x16xf32> to vector<16xf32>
      %add3A_1636 = arith.addf %add3A_1612, %get3A_1635 : vector<16xf32>
      %get3A_1637 = arith.constant 66 : i32
      %get3A_1638 = arith.index_cast %get3A_1637 : i32 to index
      %get3A_1639 = arith.constant 0 : index
      %get3A_1640 = tpu.vector_load %arg6[%get3A_1638, %get3A_1639] {strides = array<i32>} : memref<100x64xf32, #tpu.memory_space<vmem>>, vector<1x16xf32>,
      %get3A_1641 = vector.shape_cast %get3A_1640 : vector<1x16xf32> to vector<16xf32>
      %add3A_1642 = arith.addf %add3A_1618, %get3A_1641 : vector<16xf32>
      %get3A_1643 = arith.constant 66 : i32
      %get3A_1644 = arith.index_cast %get3A_1643 : i32 to index
      %get3A_1645 = arith.constant 16 : index
      %get3A_1646 = tpu.vector_load %arg6[%get3A_1644, %get3A_1645] {strides = array<i32>} : memref<100x64xf32, #tpu.memory_space<vmem>>, vector<1x16xf32>,
      %get3A_1647 = vector.shape_cast %get3A_1646 : vector<1x16xf32> to vector<16xf32>
      %add3A_1648 = arith.addf %add3A_1624, %get3A_1647 : vector<16xf32>
      %get3A_1649 = arith.constant 66 : i32
      %get3A_1650 = arith.index_cast %get3A_1649 : i32 to index
      %get3A_1651 = arith.constant 32 : index
      %get3A_1652 = tpu.vector_load %arg6[%get3A_1650, %get3A_1651] {strides = array<i32>} : memref<100x64xf32, #tpu.memory_space<vmem>>, vector<1x16xf32>,
      %get3A_1653 = vector.shape_cast %get3A_1652 : vector<1x16xf32> to vector<16xf32>
      %add3A_1654 = arith.addf %add3A_1630, %get3A_1653 : vector<16xf32>
      %get3A_1655 = arith.constant 66 : i32
      %get3A_1656 = arith.index_cast %get3A_1655 : i32 to index
      %get3A_1657 = arith.constant 48 : index
      %get3A_1658 = tpu.vector_load %arg6[%get3A_1656, %get3A_1657] {strides = array<i32>} : memref<100x64xf32, #tpu.memory_space<vmem>>, vector<1x16xf32>,
      %get3A_1659 = vector.shape_cast %get3A_1658 : vector<1x16xf32> to vector<16xf32>
      %add3A_1660 = arith.addf %add3A_1636, %get3A_1659 : vector<16xf32>
      %get3A_1661 = arith.constant 67 : i32
      %get3A_1662 = arith.index_cast %get3A_1661 : i32 to index
      %get3A_1663 = arith.constant 0 : index
      %get3A_1664 = tpu.vector_load %arg6[%get3A_1662, %get3A_1663] {strides = array<i32>} : memref<100x64xf32, #tpu.memory_space<vmem>>, vector<1x16xf32>,
      %get3A_1665 = vector.shape_cast %get3A_1664 : vector<1x16xf32> to vector<16xf32>
      %add3A_1666 = arith.addf %add3A_1642, %get3A_1665 : vector<16xf32>
      %get3A_1667 = arith.constant 67 : i32
      %get3A_1668 = arith.index_cast %get3A_1667 : i32 to index
      %get3A_1669 = arith.constant 16 : index
      %get3A_1670 = tpu.vector_load %arg6[%get3A_1668, %get3A_1669] {strides = array<i32>} : memref<100x64xf32, #tpu.memory_space<vmem>>, vector<1x16xf32>,
      %get3A_1671 = vector.shape_cast %get3A_1670 : vector<1x16xf32> to vector<16xf32>
      %add3A_1672 = arith.addf %add3A_1648, %get3A_1671 : vector<16xf32>
      %get3A_1673 = arith.constant 67 : i32
      %get3A_1674 = arith.index_cast %get3A_1673 : i32 to index
      %get3A_1675 = arith.constant 32 : index
      %get3A_1676 = tpu.vector_load %arg6[%get3A_1674, %get3A_1675] {strides = array<i32>} : memref<100x64xf32, #tpu.memory_space<vmem>>, vector<1x16xf32>,
      %get3A_1677 = vector.shape_cast %get3A_1676 : vector<1x16xf32> to vector<16xf32>
      %add3A_1678 = arith.addf %add3A_1654, %get3A_1677 : vector<16xf32>
      %get3A_1679 = arith.constant 67 : i32
      %get3A_1680 = arith.index_cast %get3A_1679 : i32 to index
      %get3A_1681 = arith.constant 48 : index
      %get3A_1682 = tpu.vector_load %arg6[%get3A_1680, %get3A_1681] {strides = array<i32>} : memref<100x64xf32, #tpu.memory_space<vmem>>, vector<1x16xf32>,
      %get3A_1683 = vector.shape_cast %get3A_1682 : vector<1x16xf32> to vector<16xf32>
      %add3A_1684 = arith.addf %add3A_1660, %get3A_1683 : vector<16xf32>
      %get3A_1685 = arith.constant 68 : i32
      %get3A_1686 = arith.index_cast %get3A_1685 : i32 to index
      %get3A_1687 = arith.constant 0 : index
      %get3A_1688 = tpu.vector_load %arg6[%get3A_1686, %get3A_1687] {strides = array<i32>} : memref<100x64xf32, #tpu.memory_space<vmem>>, vector<1x16xf32>,
      %get3A_1689 = vector.shape_cast %get3A_1688 : vector<1x16xf32> to vector<16xf32>
      %add3A_1690 = arith.addf %add3A_1666, %get3A_1689 : vector<16xf32>
      %get3A_1691 = arith.constant 68 : i32
      %get3A_1692 = arith.index_cast %get3A_1691 : i32 to index
      %get3A_1693 = arith.constant 16 : index
      %get3A_1694 = tpu.vector_load %arg6[%get3A_1692, %get3A_1693] {strides = array<i32>} : memref<100x64xf32, #tpu.memory_space<vmem>>, vector<1x16xf32>,
      %get3A_1695 = vector.shape_cast %get3A_1694 : vector<1x16xf32> to vector<16xf32>
      %add3A_1696 = arith.addf %add3A_1672, %get3A_1695 : vector<16xf32>
      %get3A_1697 = arith.constant 68 : i32
      %get3A_1698 = arith.index_cast %get3A_1697 : i32 to index
      %get3A_1699 = arith.constant 32 : index
      %get3A_1700 = tpu.vector_load %arg6[%get3A_1698, %get3A_1699] {strides = array<i32>} : memref<100x64xf32, #tpu.memory_space<vmem>>, vector<1x16xf32>,
      %get3A_1701 = vector.shape_cast %get3A_1700 : vector<1x16xf32> to vector<16xf32>
      %add3A_1702 = arith.addf %add3A_1678, %get3A_1701 : vector<16xf32>
      %get3A_1703 = arith.constant 68 : i32
      %get3A_1704 = arith.index_cast %get3A_1703 : i32 to index
      %get3A_1705 = arith.constant 48 : index
      %get3A_1706 = tpu.vector_load %arg6[%get3A_1704, %get3A_1705] {strides = array<i32>} : memref<100x64xf32, #tpu.memory_space<vmem>>, vector<1x16xf32>,
      %get3A_1707 = vector.shape_cast %get3A_1706 : vector<1x16xf32> to vector<16xf32>
      %add3A_1708 = arith.addf %add3A_1684, %get3A_1707 : vector<16xf32>
      %get3A_1709 = arith.constant 69 : i32
      %get3A_1710 = arith.index_cast %get3A_1709 : i32 to index
      %get3A_1711 = arith.constant 0 : index
      %get3A_1712 = tpu.vector_load %arg6[%get3A_1710, %get3A_1711] {strides = array<i32>} : memref<100x64xf32, #tpu.memory_space<vmem>>, vector<1x16xf32>,
      %get3A_1713 = vector.shape_cast %get3A_1712 : vector<1x16xf32> to vector<16xf32>
      %add3A_1714 = arith.addf %add3A_1690, %get3A_1713 : vector<16xf32>
      %get3A_1715 = arith.constant 69 : i32
      %get3A_1716 = arith.index_cast %get3A_1715 : i32 to index
      %get3A_1717 = arith.constant 16 : index
      %get3A_1718 = tpu.vector_load %arg6[%get3A_1716, %get3A_1717] {strides = array<i32>} : memref<100x64xf32, #tpu.memory_space<vmem>>, vector<1x16xf32>,
      %get3A_1719 = vector.shape_cast %get3A_1718 : vector<1x16xf32> to vector<16xf32>
      %add3A_1720 = arith.addf %add3A_1696, %get3A_1719 : vector<16xf32>
      %get3A_1721 = arith.constant 69 : i32
      %get3A_1722 = arith.index_cast %get3A_1721 : i32 to index
      %get3A_1723 = arith.constant 32 : index
      %get3A_1724 = tpu.vector_load %arg6[%get3A_1722, %get3A_1723] {strides = array<i32>} : memref<100x64xf32, #tpu.memory_space<vmem>>, vector<1x16xf32>,
      %get3A_1725 = vector.shape_cast %get3A_1724 : vector<1x16xf32> to vector<16xf32>
      %add3A_1726 = arith.addf %add3A_1702, %get3A_1725 : vector<16xf32>
      %get3A_1727 = arith.constant 69 : i32
      %get3A_1728 = arith.index_cast %get3A_1727 : i32 to index
      %get3A_1729 = arith.constant 48 : index
      %get3A_1730 = tpu.vector_load %arg6[%get3A_1728, %get3A_1729] {strides = array<i32>} : memref<100x64xf32, #tpu.memory_space<vmem>>, vector<1x16xf32>,
      %get3A_1731 = vector.shape_cast %get3A_1730 : vector<1x16xf32> to vector<16xf32>
      %add3A_1732 = arith.addf %add3A_1708, %get3A_1731 : vector<16xf32>
      %get3A_1733 = arith.constant 70 : i32
      %get3A_1734 = arith.index_cast %get3A_1733 : i32 to index
      %get3A_1735 = arith.constant 0 : index
      %get3A_1736 = tpu.vector_load %arg6[%get3A_1734, %get3A_1735] {strides = array<i32>} : memref<100x64xf32, #tpu.memory_space<vmem>>, vector<1x16xf32>,
      %get3A_1737 = vector.shape_cast %get3A_1736 : vector<1x16xf32> to vector<16xf32>
      %add3A_1738 = arith.addf %add3A_1714, %get3A_1737 : vector<16xf32>
      %get3A_1739 = arith.constant 70 : i32
      %get3A_1740 = arith.index_cast %get3A_1739 : i32 to index
      %get3A_1741 = arith.constant 16 : index
      %get3A_1742 = tpu.vector_load %arg6[%get3A_1740, %get3A_1741] {strides = array<i32>} : memref<100x64xf32, #tpu.memory_space<vmem>>, vector<1x16xf32>,
      %get3A_1743 = vector.shape_cast %get3A_1742 : vector<1x16xf32> to vector<16xf32>
      %add3A_1744 = arith.addf %add3A_1720, %get3A_1743 : vector<16xf32>
      %get3A_1745 = arith.constant 70 : i32
      %get3A_1746 = arith.index_cast %get3A_1745 : i32 to index
      %get3A_1747 = arith.constant 32 : index
      %get3A_1748 = tpu.vector_load %arg6[%get3A_1746, %get3A_1747] {strides = array<i32>} : memref<100x64xf32, #tpu.memory_space<vmem>>, vector<1x16xf32>,
      %get3A_1749 = vector.shape_cast %get3A_1748 : vector<1x16xf32> to vector<16xf32>
      %add3A_1750 = arith.addf %add3A_1726, %get3A_1749 : vector<16xf32>
      %get3A_1751 = arith.constant 70 : i32
      %get3A_1752 = arith.index_cast %get3A_1751 : i32 to index
      %get3A_1753 = arith.constant 48 : index
      %get3A_1754 = tpu.vector_load %arg6[%get3A_1752, %get3A_1753] {strides = array<i32>} : memref<100x64xf32, #tpu.memory_space<vmem>>, vector<1x16xf32>,
      %get3A_1755 = vector.shape_cast %get3A_1754 : vector<1x16xf32> to vector<16xf32>
      %add3A_1756 = arith.addf %add3A_1732, %get3A_1755 : vector<16xf32>
      %get3A_1757 = arith.constant 71 : i32
      %get3A_1758 = arith.index_cast %get3A_1757 : i32 to index
      %get3A_1759 = arith.constant 0 : index
      %get3A_1760 = tpu.vector_load %arg6[%get3A_1758, %get3A_1759] {strides = array<i32>} : memref<100x64xf32, #tpu.memory_space<vmem>>, vector<1x16xf32>,
      %get3A_1761 = vector.shape_cast %get3A_1760 : vector<1x16xf32> to vector<16xf32>
      %add3A_1762 = arith.addf %add3A_1738, %get3A_1761 : vector<16xf32>
      %get3A_1763 = arith.constant 71 : i32
      %get3A_1764 = arith.index_cast %get3A_1763 : i32 to index
      %get3A_1765 = arith.constant 16 : index
      %get3A_1766 = tpu.vector_load %arg6[%get3A_1764, %get3A_1765] {strides = array<i32>} : memref<100x64xf32, #tpu.memory_space<vmem>>, vector<1x16xf32>,
      %get3A_1767 = vector.shape_cast %get3A_1766 : vector<1x16xf32> to vector<16xf32>
      %add3A_1768 = arith.addf %add3A_1744, %get3A_1767 : vector<16xf32>
      %get3A_1769 = arith.constant 71 : i32
      %get3A_1770 = arith.index_cast %get3A_1769 : i32 to index
      %get3A_1771 = arith.constant 32 : index
      %get3A_1772 = tpu.vector_load %arg6[%get3A_1770, %get3A_1771] {strides = array<i32>} : memref<100x64xf32, #tpu.memory_space<vmem>>, vector<1x16xf32>,
      %get3A_1773 = vector.shape_cast %get3A_1772 : vector<1x16xf32> to vector<16xf32>
      %add3A_1774 = arith.addf %add3A_1750, %get3A_1773 : vector<16xf32>
      %get3A_1775 = arith.constant 71 : i32
      %get3A_1776 = arith.index_cast %get3A_1775 : i32 to index
      %get3A_1777 = arith.constant 48 : index
      %get3A_1778 = tpu.vector_load %arg6[%get3A_1776, %get3A_1777] {strides = array<i32>} : memref<100x64xf32, #tpu.memory_space<vmem>>, vector<1x16xf32>,
      %get3A_1779 = vector.shape_cast %get3A_1778 : vector<1x16xf32> to vector<16xf32>
      %add3A_1780 = arith.addf %add3A_1756, %get3A_1779 : vector<16xf32>
      %get3A_1781 = arith.constant 72 : i32
      %get3A_1782 = arith.index_cast %get3A_1781 : i32 to index
      %get3A_1783 = arith.constant 0 : index
      %get3A_1784 = tpu.vector_load %arg6[%get3A_1782, %get3A_1783] {strides = array<i32>} : memref<100x64xf32, #tpu.memory_space<vmem>>, vector<1x16xf32>,
      %get3A_1785 = vector.shape_cast %get3A_1784 : vector<1x16xf32> to vector<16xf32>
      %add3A_1786 = arith.addf %add3A_1762, %get3A_1785 : vector<16xf32>
      %get3A_1787 = arith.constant 72 : i32
      %get3A_1788 = arith.index_cast %get3A_1787 : i32 to index
      %get3A_1789 = arith.constant 16 : index
      %get3A_1790 = tpu.vector_load %arg6[%get3A_1788, %get3A_1789] {strides = array<i32>} : memref<100x64xf32, #tpu.memory_space<vmem>>, vector<1x16xf32>,
      %get3A_1791 = vector.shape_cast %get3A_1790 : vector<1x16xf32> to vector<16xf32>
      %add3A_1792 = arith.addf %add3A_1768, %get3A_1791 : vector<16xf32>
      %get3A_1793 = arith.constant 72 : i32
      %get3A_1794 = arith.index_cast %get3A_1793 : i32 to index
      %get3A_1795 = arith.constant 32 : index
      %get3A_1796 = tpu.vector_load %arg6[%get3A_1794, %get3A_1795] {strides = array<i32>} : memref<100x64xf32, #tpu.memory_space<vmem>>, vector<1x16xf32>,
      %get3A_1797 = vector.shape_cast %get3A_1796 : vector<1x16xf32> to vector<16xf32>
      %add3A_1798 = arith.addf %add3A_1774, %get3A_1797 : vector<16xf32>
      %get3A_1799 = arith.constant 72 : i32
      %get3A_1800 = arith.index_cast %get3A_1799 : i32 to index
      %get3A_1801 = arith.constant 48 : index
      %get3A_1802 = tpu.vector_load %arg6[%get3A_1800, %get3A_1801] {strides = array<i32>} : memref<100x64xf32, #tpu.memory_space<vmem>>, vector<1x16xf32>,
      %get3A_1803 = vector.shape_cast %get3A_1802 : vector<1x16xf32> to vector<16xf32>
      %add3A_1804 = arith.addf %add3A_1780, %get3A_1803 : vector<16xf32>
      %get3A_1805 = arith.constant 73 : i32
      %get3A_1806 = arith.index_cast %get3A_1805 : i32 to index
      %get3A_1807 = arith.constant 0 : index
      %get3A_1808 = tpu.vector_load %arg6[%get3A_1806, %get3A_1807] {strides = array<i32>} : memref<100x64xf32, #tpu.memory_space<vmem>>, vector<1x16xf32>,
      %get3A_1809 = vector.shape_cast %get3A_1808 : vector<1x16xf32> to vector<16xf32>
      %add3A_1810 = arith.addf %add3A_1786, %get3A_1809 : vector<16xf32>
      %get3A_1811 = arith.constant 73 : i32
      %get3A_1812 = arith.index_cast %get3A_1811 : i32 to index
      %get3A_1813 = arith.constant 16 : index
      %get3A_1814 = tpu.vector_load %arg6[%get3A_1812, %get3A_1813] {strides = array<i32>} : memref<100x64xf32, #tpu.memory_space<vmem>>, vector<1x16xf32>,
      %get3A_1815 = vector.shape_cast %get3A_1814 : vector<1x16xf32> to vector<16xf32>
      %add3A_1816 = arith.addf %add3A_1792, %get3A_1815 : vector<16xf32>
      %get3A_1817 = arith.constant 73 : i32
      %get3A_1818 = arith.index_cast %get3A_1817 : i32 to index
      %get3A_1819 = arith.constant 32 : index
      %get3A_1820 = tpu.vector_load %arg6[%get3A_1818, %get3A_1819] {strides = array<i32>} : memref<100x64xf32, #tpu.memory_space<vmem>>, vector<1x16xf32>,
      %get3A_1821 = vector.shape_cast %get3A_1820 : vector<1x16xf32> to vector<16xf32>
      %add3A_1822 = arith.addf %add3A_1798, %get3A_1821 : vector<16xf32>
      %get3A_1823 = arith.constant 73 : i32
      %get3A_1824 = arith.index_cast %get3A_1823 : i32 to index
      %get3A_1825 = arith.constant 48 : index
      %get3A_1826 = tpu.vector_load %arg6[%get3A_1824, %get3A_1825] {strides = array<i32>} : memref<100x64xf32, #tpu.memory_space<vmem>>, vector<1x16xf32>,
      %get3A_1827 = vector.shape_cast %get3A_1826 : vector<1x16xf32> to vector<16xf32>
      %add3A_1828 = arith.addf %add3A_1804, %get3A_1827 : vector<16xf32>
      %get3A_1829 = arith.constant 74 : i32
      %get3A_1830 = arith.index_cast %get3A_1829 : i32 to index
      %get3A_1831 = arith.constant 0 : index
      %get3A_1832 = tpu.vector_load %arg6[%get3A_1830, %get3A_1831] {strides = array<i32>} : memref<100x64xf32, #tpu.memory_space<vmem>>, vector<1x16xf32>,
      %get3A_1833 = vector.shape_cast %get3A_1832 : vector<1x16xf32> to vector<16xf32>
      %add3A_1834 = arith.addf %add3A_1810, %get3A_1833 : vector<16xf32>
      %get3A_1835 = arith.constant 74 : i32
      %get3A_1836 = arith.index_cast %get3A_1835 : i32 to index
      %get3A_1837 = arith.constant 16 : index
      %get3A_1838 = tpu.vector_load %arg6[%get3A_1836, %get3A_1837] {strides = array<i32>} : memref<100x64xf32, #tpu.memory_space<vmem>>, vector<1x16xf32>,
      %get3A_1839 = vector.shape_cast %get3A_1838 : vector<1x16xf32> to vector<16xf32>
      %add3A_1840 = arith.addf %add3A_1816, %get3A_1839 : vector<16xf32>
      %get3A_1841 = arith.constant 74 : i32
      %get3A_1842 = arith.index_cast %get3A_1841 : i32 to index
      %get3A_1843 = arith.constant 32 : index
      %get3A_1844 = tpu.vector_load %arg6[%get3A_1842, %get3A_1843] {strides = array<i32>} : memref<100x64xf32, #tpu.memory_space<vmem>>, vector<1x16xf32>,
      %get3A_1845 = vector.shape_cast %get3A_1844 : vector<1x16xf32> to vector<16xf32>
      %add3A_1846 = arith.addf %add3A_1822, %get3A_1845 : vector<16xf32>
      %get3A_1847 = arith.constant 74 : i32
      %get3A_1848 = arith.index_cast %get3A_1847 : i32 to index
      %get3A_1849 = arith.constant 48 : index
      %get3A_1850 = tpu.vector_load %arg6[%get3A_1848, %get3A_1849] {strides = array<i32>} : memref<100x64xf32, #tpu.memory_space<vmem>>, vector<1x16xf32>,
      %get3A_1851 = vector.shape_cast %get3A_1850 : vector<1x16xf32> to vector<16xf32>
      %add3A_1852 = arith.addf %add3A_1828, %get3A_1851 : vector<16xf32>
      %get3A_1853 = arith.constant 75 : i32
      %get3A_1854 = arith.index_cast %get3A_1853 : i32 to index
      %get3A_1855 = arith.constant 0 : index
      %get3A_1856 = tpu.vector_load %arg6[%get3A_1854, %get3A_1855] {strides = array<i32>} : memref<100x64xf32, #tpu.memory_space<vmem>>, vector<1x16xf32>,
      %get3A_1857 = vector.shape_cast %get3A_1856 : vector<1x16xf32> to vector<16xf32>
      %add3A_1858 = arith.addf %add3A_1834, %get3A_1857 : vector<16xf32>
      %get3A_1859 = arith.constant 75 : i32
      %get3A_1860 = arith.index_cast %get3A_1859 : i32 to index
      %get3A_1861 = arith.constant 16 : index
      %get3A_1862 = tpu.vector_load %arg6[%get3A_1860, %get3A_1861] {strides = array<i32>} : memref<100x64xf32, #tpu.memory_space<vmem>>, vector<1x16xf32>,
      %get3A_1863 = vector.shape_cast %get3A_1862 : vector<1x16xf32> to vector<16xf32>
      %add3A_1864 = arith.addf %add3A_1840, %get3A_1863 : vector<16xf32>
      %get3A_1865 = arith.constant 75 : i32
      %get3A_1866 = arith.index_cast %get3A_1865 : i32 to index
      %get3A_1867 = arith.constant 32 : index
      %get3A_1868 = tpu.vector_load %arg6[%get3A_1866, %get3A_1867] {strides = array<i32>} : memref<100x64xf32, #tpu.memory_space<vmem>>, vector<1x16xf32>,
      %get3A_1869 = vector.shape_cast %get3A_1868 : vector<1x16xf32> to vector<16xf32>
      %add3A_1870 = arith.addf %add3A_1846, %get3A_1869 : vector<16xf32>
      %get3A_1871 = arith.constant 75 : i32
      %get3A_1872 = arith.index_cast %get3A_1871 : i32 to index
      %get3A_1873 = arith.constant 48 : index
      %get3A_1874 = tpu.vector_load %arg6[%get3A_1872, %get3A_1873] {strides = array<i32>} : memref<100x64xf32, #tpu.memory_space<vmem>>, vector<1x16xf32>,
      %get3A_1875 = vector.shape_cast %get3A_1874 : vector<1x16xf32> to vector<16xf32>
      %add3A_1876 = arith.addf %add3A_1852, %get3A_1875 : vector<16xf32>
      %get3A_1877 = arith.constant 76 : i32
      %get3A_1878 = arith.index_cast %get3A_1877 : i32 to index
      %get3A_1879 = arith.constant 0 : index
      %get3A_1880 = tpu.vector_load %arg6[%get3A_1878, %get3A_1879] {strides = array<i32>} : memref<100x64xf32, #tpu.memory_space<vmem>>, vector<1x16xf32>,
      %get3A_1881 = vector.shape_cast %get3A_1880 : vector<1x16xf32> to vector<16xf32>
      %add3A_1882 = arith.addf %add3A_1858, %get3A_1881 : vector<16xf32>
      %get3A_1883 = arith.constant 76 : i32
      %get3A_1884 = arith.index_cast %get3A_1883 : i32 to index
      %get3A_1885 = arith.constant 16 : index
      %get3A_1886 = tpu.vector_load %arg6[%get3A_1884, %get3A_1885] {strides = array<i32>} : memref<100x64xf32, #tpu.memory_space<vmem>>, vector<1x16xf32>,
      %get3A_1887 = vector.shape_cast %get3A_1886 : vector<1x16xf32> to vector<16xf32>
      %add3A_1888 = arith.addf %add3A_1864, %get3A_1887 : vector<16xf32>
      %get3A_1889 = arith.constant 76 : i32
      %get3A_1890 = arith.index_cast %get3A_1889 : i32 to index
      %get3A_1891 = arith.constant 32 : index
      %get3A_1892 = tpu.vector_load %arg6[%get3A_1890, %get3A_1891] {strides = array<i32>} : memref<100x64xf32, #tpu.memory_space<vmem>>, vector<1x16xf32>,
      %get3A_1893 = vector.shape_cast %get3A_1892 : vector<1x16xf32> to vector<16xf32>
      %add3A_1894 = arith.addf %add3A_1870, %get3A_1893 : vector<16xf32>
      %get3A_1895 = arith.constant 76 : i32
      %get3A_1896 = arith.index_cast %get3A_1895 : i32 to index
      %get3A_1897 = arith.constant 48 : index
      %get3A_1898 = tpu.vector_load %arg6[%get3A_1896, %get3A_1897] {strides = array<i32>} : memref<100x64xf32, #tpu.memory_space<vmem>>, vector<1x16xf32>,
      %get3A_1899 = vector.shape_cast %get3A_1898 : vector<1x16xf32> to vector<16xf32>
      %add3A_1900 = arith.addf %add3A_1876, %get3A_1899 : vector<16xf32>
      %get3A_1901 = arith.constant 77 : i32
      %get3A_1902 = arith.index_cast %get3A_1901 : i32 to index
      %get3A_1903 = arith.constant 0 : index
      %get3A_1904 = tpu.vector_load %arg6[%get3A_1902, %get3A_1903] {strides = array<i32>} : memref<100x64xf32, #tpu.memory_space<vmem>>, vector<1x16xf32>,
      %get3A_1905 = vector.shape_cast %get3A_1904 : vector<1x16xf32> to vector<16xf32>
      %add3A_1906 = arith.addf %add3A_1882, %get3A_1905 : vector<16xf32>
      %get3A_1907 = arith.constant 77 : i32
      %get3A_1908 = arith.index_cast %get3A_1907 : i32 to index
      %get3A_1909 = arith.constant 16 : index
      %get3A_1910 = tpu.vector_load %arg6[%get3A_1908, %get3A_1909] {strides = array<i32>} : memref<100x64xf32, #tpu.memory_space<vmem>>, vector<1x16xf32>,
      %get3A_1911 = vector.shape_cast %get3A_1910 : vector<1x16xf32> to vector<16xf32>
      %add3A_1912 = arith.addf %add3A_1888, %get3A_1911 : vector<16xf32>
      %get3A_1913 = arith.constant 77 : i32
      %get3A_1914 = arith.index_cast %get3A_1913 : i32 to index
      %get3A_1915 = arith.constant 32 : index
      %get3A_1916 = tpu.vector_load %arg6[%get3A_1914, %get3A_1915] {strides = array<i32>} : memref<100x64xf32, #tpu.memory_space<vmem>>, vector<1x16xf32>,
      %get3A_1917 = vector.shape_cast %get3A_1916 : vector<1x16xf32> to vector<16xf32>
      %add3A_1918 = arith.addf %add3A_1894, %get3A_1917 : vector<16xf32>
      %get3A_1919 = arith.constant 77 : i32
      %get3A_1920 = arith.index_cast %get3A_1919 : i32 to index
      %get3A_1921 = arith.constant 48 : index
      %get3A_1922 = tpu.vector_load %arg6[%get3A_1920, %get3A_1921] {strides = array<i32>} : memref<100x64xf32, #tpu.memory_space<vmem>>, vector<1x16xf32>,
      %get3A_1923 = vector.shape_cast %get3A_1922 : vector<1x16xf32> to vector<16xf32>
      %add3A_1924 = arith.addf %add3A_1900, %get3A_1923 : vector<16xf32>
      %get3A_1925 = arith.constant 78 : i32
      %get3A_1926 = arith.index_cast %get3A_1925 : i32 to index
      %get3A_1927 = arith.constant 0 : index
      %get3A_1928 = tpu.vector_load %arg6[%get3A_1926, %get3A_1927] {strides = array<i32>} : memref<100x64xf32, #tpu.memory_space<vmem>>, vector<1x16xf32>,
      %get3A_1929 = vector.shape_cast %get3A_1928 : vector<1x16xf32> to vector<16xf32>
      %add3A_1930 = arith.addf %add3A_1906, %get3A_1929 : vector<16xf32>
      %get3A_1931 = arith.constant 78 : i32
      %get3A_1932 = arith.index_cast %get3A_1931 : i32 to index
      %get3A_1933 = arith.constant 16 : index
      %get3A_1934 = tpu.vector_load %arg6[%get3A_1932, %get3A_1933] {strides = array<i32>} : memref<100x64xf32, #tpu.memory_space<vmem>>, vector<1x16xf32>,
      %get3A_1935 = vector.shape_cast %get3A_1934 : vector<1x16xf32> to vector<16xf32>
      %add3A_1936 = arith.addf %add3A_1912, %get3A_1935 : vector<16xf32>
      %get3A_1937 = arith.constant 78 : i32
      %get3A_1938 = arith.index_cast %get3A_1937 : i32 to index
      %get3A_1939 = arith.constant 32 : index
      %get3A_1940 = tpu.vector_load %arg6[%get3A_1938, %get3A_1939] {strides = array<i32>} : memref<100x64xf32, #tpu.memory_space<vmem>>, vector<1x16xf32>,
      %get3A_1941 = vector.shape_cast %get3A_1940 : vector<1x16xf32> to vector<16xf32>
      %add3A_1942 = arith.addf %add3A_1918, %get3A_1941 : vector<16xf32>
      %get3A_1943 = arith.constant 78 : i32
      %get3A_1944 = arith.index_cast %get3A_1943 : i32 to index
      %get3A_1945 = arith.constant 48 : index
      %get3A_1946 = tpu.vector_load %arg6[%get3A_1944, %get3A_1945] {strides = array<i32>} : memref<100x64xf32, #tpu.memory_space<vmem>>, vector<1x16xf32>,
      %get3A_1947 = vector.shape_cast %get3A_1946 : vector<1x16xf32> to vector<16xf32>
      %add3A_1948 = arith.addf %add3A_1924, %get3A_1947 : vector<16xf32>
      %get3A_1949 = arith.constant 79 : i32
      %get3A_1950 = arith.index_cast %get3A_1949 : i32 to index
      %get3A_1951 = arith.constant 0 : index
      %get3A_1952 = tpu.vector_load %arg6[%get3A_1950, %get3A_1951] {strides = array<i32>} : memref<100x64xf32, #tpu.memory_space<vmem>>, vector<1x16xf32>,
      %get3A_1953 = vector.shape_cast %get3A_1952 : vector<1x16xf32> to vector<16xf32>
      %add3A_1954 = arith.addf %add3A_1930, %get3A_1953 : vector<16xf32>
      %get3A_1955 = arith.constant 79 : i32
      %get3A_1956 = arith.index_cast %get3A_1955 : i32 to index
      %get3A_1957 = arith.constant 16 : index
      %get3A_1958 = tpu.vector_load %arg6[%get3A_1956, %get3A_1957] {strides = array<i32>} : memref<100x64xf32, #tpu.memory_space<vmem>>, vector<1x16xf32>,
      %get3A_1959 = vector.shape_cast %get3A_1958 : vector<1x16xf32> to vector<16xf32>
      %add3A_1960 = arith.addf %add3A_1936, %get3A_1959 : vector<16xf32>
      %get3A_1961 = arith.constant 79 : i32
      %get3A_1962 = arith.index_cast %get3A_1961 : i32 to index
      %get3A_1963 = arith.constant 32 : index
      %get3A_1964 = tpu.vector_load %arg6[%get3A_1962, %get3A_1963] {strides = array<i32>} : memref<100x64xf32, #tpu.memory_space<vmem>>, vector<1x16xf32>,
      %get3A_1965 = vector.shape_cast %get3A_1964 : vector<1x16xf32> to vector<16xf32>
      %add3A_1966 = arith.addf %add3A_1942, %get3A_1965 : vector<16xf32>
      %get3A_1967 = arith.constant 79 : i32
      %get3A_1968 = arith.index_cast %get3A_1967 : i32 to index
      %get3A_1969 = arith.constant 48 : index
      %get3A_1970 = tpu.vector_load %arg6[%get3A_1968, %get3A_1969] {strides = array<i32>} : memref<100x64xf32, #tpu.memory_space<vmem>>, vector<1x16xf32>,
      %get3A_1971 = vector.shape_cast %get3A_1970 : vector<1x16xf32> to vector<16xf32>
      %add3A_1972 = arith.addf %add3A_1948, %get3A_1971 : vector<16xf32>
      %get3A_1973 = arith.constant 80 : i32
      %get3A_1974 = arith.index_cast %get3A_1973 : i32 to index
      %get3A_1975 = arith.constant 0 : index
      %get3A_1976 = tpu.vector_load %arg6[%get3A_1974, %get3A_1975] {strides = array<i32>} : memref<100x64xf32, #tpu.memory_space<vmem>>, vector<1x16xf32>,
      %get3A_1977 = vector.shape_cast %get3A_1976 : vector<1x16xf32> to vector<16xf32>
      %add3A_1978 = arith.addf %add3A_1954, %get3A_1977 : vector<16xf32>
      %get3A_1979 = arith.constant 80 : i32
      %get3A_1980 = arith.index_cast %get3A_1979 : i32 to index
      %get3A_1981 = arith.constant 16 : index
      %get3A_1982 = tpu.vector_load %arg6[%get3A_1980, %get3A_1981] {strides = array<i32>} : memref<100x64xf32, #tpu.memory_space<vmem>>, vector<1x16xf32>,
      %get3A_1983 = vector.shape_cast %get3A_1982 : vector<1x16xf32> to vector<16xf32>
      %add3A_1984 = arith.addf %add3A_1960, %get3A_1983 : vector<16xf32>
      %get3A_1985 = arith.constant 80 : i32
      %get3A_1986 = arith.index_cast %get3A_1985 : i32 to index
      %get3A_1987 = arith.constant 32 : index
      %get3A_1988 = tpu.vector_load %arg6[%get3A_1986, %get3A_1987] {strides = array<i32>} : memref<100x64xf32, #tpu.memory_space<vmem>>, vector<1x16xf32>,
      %get3A_1989 = vector.shape_cast %get3A_1988 : vector<1x16xf32> to vector<16xf32>
      %add3A_1990 = arith.addf %add3A_1966, %get3A_1989 : vector<16xf32>
      %get3A_1991 = arith.constant 80 : i32
      %get3A_1992 = arith.index_cast %get3A_1991 : i32 to index
      %get3A_1993 = arith.constant 48 : index
      %get3A_1994 = tpu.vector_load %arg6[%get3A_1992, %get3A_1993] {strides = array<i32>} : memref<100x64xf32, #tpu.memory_space<vmem>>, vector<1x16xf32>,
      %get3A_1995 = vector.shape_cast %get3A_1994 : vector<1x16xf32> to vector<16xf32>
      %add3A_1996 = arith.addf %add3A_1972, %get3A_1995 : vector<16xf32>
      %get3A_1997 = arith.constant 81 : i32
      %get3A_1998 = arith.index_cast %get3A_1997 : i32 to index
      %get3A_1999 = arith.constant 0 : index
      %get3A_2000 = tpu.vector_load %arg6[%get3A_1998, %get3A_1999] {strides = array<i32>} : memref<100x64xf32, #tpu.memory_space<vmem>>, vector<1x16xf32>,
      %get3A_2001 = vector.shape_cast %get3A_2000 : vector<1x16xf32> to vector<16xf32>
      %add3A_2002 = arith.addf %add3A_1978, %get3A_2001 : vector<16xf32>
      %get3A_2003 = arith.constant 81 : i32
      %get3A_2004 = arith.index_cast %get3A_2003 : i32 to index
      %get3A_2005 = arith.constant 16 : index
      %get3A_2006 = tpu.vector_load %arg6[%get3A_2004, %get3A_2005] {strides = array<i32>} : memref<100x64xf32, #tpu.memory_space<vmem>>, vector<1x16xf32>,
      %get3A_2007 = vector.shape_cast %get3A_2006 : vector<1x16xf32> to vector<16xf32>
      %add3A_2008 = arith.addf %add3A_1984, %get3A_2007 : vector<16xf32>
      %get3A_2009 = arith.constant 81 : i32
      %get3A_2010 = arith.index_cast %get3A_2009 : i32 to index
      %get3A_2011 = arith.constant 32 : index
      %get3A_2012 = tpu.vector_load %arg6[%get3A_2010, %get3A_2011] {strides = array<i32>} : memref<100x64xf32, #tpu.memory_space<vmem>>, vector<1x16xf32>,
      %get3A_2013 = vector.shape_cast %get3A_2012 : vector<1x16xf32> to vector<16xf32>
      %add3A_2014 = arith.addf %add3A_1990, %get3A_2013 : vector<16xf32>
      %get3A_2015 = arith.constant 81 : i32
      %get3A_2016 = arith.index_cast %get3A_2015 : i32 to index
      %get3A_2017 = arith.constant 48 : index
      %get3A_2018 = tpu.vector_load %arg6[%get3A_2016, %get3A_2017] {strides = array<i32>} : memref<100x64xf32, #tpu.memory_space<vmem>>, vector<1x16xf32>,
      %get3A_2019 = vector.shape_cast %get3A_2018 : vector<1x16xf32> to vector<16xf32>
      %add3A_2020 = arith.addf %add3A_1996, %get3A_2019 : vector<16xf32>
      %get3A_2021 = arith.constant 82 : i32
      %get3A_2022 = arith.index_cast %get3A_2021 : i32 to index
      %get3A_2023 = arith.constant 0 : index
      %get3A_2024 = tpu.vector_load %arg6[%get3A_2022, %get3A_2023] {strides = array<i32>} : memref<100x64xf32, #tpu.memory_space<vmem>>, vector<1x16xf32>,
      %get3A_2025 = vector.shape_cast %get3A_2024 : vector<1x16xf32> to vector<16xf32>
      %add3A_2026 = arith.addf %add3A_2002, %get3A_2025 : vector<16xf32>
      %get3A_2027 = arith.constant 82 : i32
      %get3A_2028 = arith.index_cast %get3A_2027 : i32 to index
      %get3A_2029 = arith.constant 16 : index
      %get3A_2030 = tpu.vector_load %arg6[%get3A_2028, %get3A_2029] {strides = array<i32>} : memref<100x64xf32, #tpu.memory_space<vmem>>, vector<1x16xf32>,
      %get3A_2031 = vector.shape_cast %get3A_2030 : vector<1x16xf32> to vector<16xf32>
      %add3A_2032 = arith.addf %add3A_2008, %get3A_2031 : vector<16xf32>
      %get3A_2033 = arith.constant 82 : i32
      %get3A_2034 = arith.index_cast %get3A_2033 : i32 to index
      %get3A_2035 = arith.constant 32 : index
      %get3A_2036 = tpu.vector_load %arg6[%get3A_2034, %get3A_2035] {strides = array<i32>} : memref<100x64xf32, #tpu.memory_space<vmem>>, vector<1x16xf32>,
      %get3A_2037 = vector.shape_cast %get3A_2036 : vector<1x16xf32> to vector<16xf32>
      %add3A_2038 = arith.addf %add3A_2014, %get3A_2037 : vector<16xf32>
      %get3A_2039 = arith.constant 82 : i32
      %get3A_2040 = arith.index_cast %get3A_2039 : i32 to index
      %get3A_2041 = arith.constant 48 : index
      %get3A_2042 = tpu.vector_load %arg6[%get3A_2040, %get3A_2041] {strides = array<i32>} : memref<100x64xf32, #tpu.memory_space<vmem>>, vector<1x16xf32>,
      %get3A_2043 = vector.shape_cast %get3A_2042 : vector<1x16xf32> to vector<16xf32>
      %add3A_2044 = arith.addf %add3A_2020, %get3A_2043 : vector<16xf32>
      %get3A_2045 = arith.constant 83 : i32
      %get3A_2046 = arith.index_cast %get3A_2045 : i32 to index
      %get3A_2047 = arith.constant 0 : index
      %get3A_2048 = tpu.vector_load %arg6[%get3A_2046, %get3A_2047] {strides = array<i32>} : memref<100x64xf32, #tpu.memory_space<vmem>>, vector<1x16xf32>,
      %get3A_2049 = vector.shape_cast %get3A_2048 : vector<1x16xf32> to vector<16xf32>
      %add3A_2050 = arith.addf %add3A_2026, %get3A_2049 : vector<16xf32>
      %get3A_2051 = arith.constant 83 : i32
      %get3A_2052 = arith.index_cast %get3A_2051 : i32 to index
      %get3A_2053 = arith.constant 16 : index
      %get3A_2054 = tpu.vector_load %arg6[%get3A_2052, %get3A_2053] {strides = array<i32>} : memref<100x64xf32, #tpu.memory_space<vmem>>, vector<1x16xf32>,
      %get3A_2055 = vector.shape_cast %get3A_2054 : vector<1x16xf32> to vector<16xf32>
      %add3A_2056 = arith.addf %add3A_2032, %get3A_2055 : vector<16xf32>
      %get3A_2057 = arith.constant 83 : i32
      %get3A_2058 = arith.index_cast %get3A_2057 : i32 to index
      %get3A_2059 = arith.constant 32 : index
      %get3A_2060 = tpu.vector_load %arg6[%get3A_2058, %get3A_2059] {strides = array<i32>} : memref<100x64xf32, #tpu.memory_space<vmem>>, vector<1x16xf32>,
      %get3A_2061 = vector.shape_cast %get3A_2060 : vector<1x16xf32> to vector<16xf32>
      %add3A_2062 = arith.addf %add3A_2038, %get3A_2061 : vector<16xf32>
      %get3A_2063 = arith.constant 83 : i32
      %get3A_2064 = arith.index_cast %get3A_2063 : i32 to index
      %get3A_2065 = arith.constant 48 : index
      %get3A_2066 = tpu.vector_load %arg6[%get3A_2064, %get3A_2065] {strides = array<i32>} : memref<100x64xf32, #tpu.memory_space<vmem>>, vector<1x16xf32>,
      %get3A_2067 = vector.shape_cast %get3A_2066 : vector<1x16xf32> to vector<16xf32>
      %add3A_2068 = arith.addf %add3A_2044, %get3A_2067 : vector<16xf32>
      %get3A_2069 = arith.constant 84 : i32
      %get3A_2070 = arith.index_cast %get3A_2069 : i32 to index
      %get3A_2071 = arith.constant 0 : index
      %get3A_2072 = tpu.vector_load %arg6[%get3A_2070, %get3A_2071] {strides = array<i32>} : memref<100x64xf32, #tpu.memory_space<vmem>>, vector<1x16xf32>,
      %get3A_2073 = vector.shape_cast %get3A_2072 : vector<1x16xf32> to vector<16xf32>
      %add3A_2074 = arith.addf %add3A_2050, %get3A_2073 : vector<16xf32>
      %get3A_2075 = arith.constant 84 : i32
      %get3A_2076 = arith.index_cast %get3A_2075 : i32 to index
      %get3A_2077 = arith.constant 16 : index
      %get3A_2078 = tpu.vector_load %arg6[%get3A_2076, %get3A_2077] {strides = array<i32>} : memref<100x64xf32, #tpu.memory_space<vmem>>, vector<1x16xf32>,
      %get3A_2079 = vector.shape_cast %get3A_2078 : vector<1x16xf32> to vector<16xf32>
      %add3A_2080 = arith.addf %add3A_2056, %get3A_2079 : vector<16xf32>
      %get3A_2081 = arith.constant 84 : i32
      %get3A_2082 = arith.index_cast %get3A_2081 : i32 to index
      %get3A_2083 = arith.constant 32 : index
      %get3A_2084 = tpu.vector_load %arg6[%get3A_2082, %get3A_2083] {strides = array<i32>} : memref<100x64xf32, #tpu.memory_space<vmem>>, vector<1x16xf32>,
      %get3A_2085 = vector.shape_cast %get3A_2084 : vector<1x16xf32> to vector<16xf32>
      %add3A_2086 = arith.addf %add3A_2062, %get3A_2085 : vector<16xf32>
      %get3A_2087 = arith.constant 84 : i32
      %get3A_2088 = arith.index_cast %get3A_2087 : i32 to index
      %get3A_2089 = arith.constant 48 : index
      %get3A_2090 = tpu.vector_load %arg6[%get3A_2088, %get3A_2089] {strides = array<i32>} : memref<100x64xf32, #tpu.memory_space<vmem>>, vector<1x16xf32>,
      %get3A_2091 = vector.shape_cast %get3A_2090 : vector<1x16xf32> to vector<16xf32>
      %add3A_2092 = arith.addf %add3A_2068, %get3A_2091 : vector<16xf32>
      %get3A_2093 = arith.constant 85 : i32
      %get3A_2094 = arith.index_cast %get3A_2093 : i32 to index
      %get3A_2095 = arith.constant 0 : index
      %get3A_2096 = tpu.vector_load %arg6[%get3A_2094, %get3A_2095] {strides = array<i32>} : memref<100x64xf32, #tpu.memory_space<vmem>>, vector<1x16xf32>,
      %get3A_2097 = vector.shape_cast %get3A_2096 : vector<1x16xf32> to vector<16xf32>
      %add3A_2098 = arith.addf %add3A_2074, %get3A_2097 : vector<16xf32>
      %get3A_2099 = arith.constant 85 : i32
      %get3A_2100 = arith.index_cast %get3A_2099 : i32 to index
      %get3A_2101 = arith.constant 16 : index
      %get3A_2102 = tpu.vector_load %arg6[%get3A_2100, %get3A_2101] {strides = array<i32>} : memref<100x64xf32, #tpu.memory_space<vmem>>, vector<1x16xf32>,
      %get3A_2103 = vector.shape_cast %get3A_2102 : vector<1x16xf32> to vector<16xf32>
      %add3A_2104 = arith.addf %add3A_2080, %get3A_2103 : vector<16xf32>
      %get3A_2105 = arith.constant 85 : i32
      %get3A_2106 = arith.index_cast %get3A_2105 : i32 to index
      %get3A_2107 = arith.constant 32 : index
      %get3A_2108 = tpu.vector_load %arg6[%get3A_2106, %get3A_2107] {strides = array<i32>} : memref<100x64xf32, #tpu.memory_space<vmem>>, vector<1x16xf32>,
      %get3A_2109 = vector.shape_cast %get3A_2108 : vector<1x16xf32> to vector<16xf32>
      %add3A_2110 = arith.addf %add3A_2086, %get3A_2109 : vector<16xf32>
      %get3A_2111 = arith.constant 85 : i32
      %get3A_2112 = arith.index_cast %get3A_2111 : i32 to index
      %get3A_2113 = arith.constant 48 : index
      %get3A_2114 = tpu.vector_load %arg6[%get3A_2112, %get3A_2113] {strides = array<i32>} : memref<100x64xf32, #tpu.memory_space<vmem>>, vector<1x16xf32>,
      %get3A_2115 = vector.shape_cast %get3A_2114 : vector<1x16xf32> to vector<16xf32>
      %add3A_2116 = arith.addf %add3A_2092, %get3A_2115 : vector<16xf32>
      %get3A_2117 = arith.constant 86 : i32
      %get3A_2118 = arith.index_cast %get3A_2117 : i32 to index
      %get3A_2119 = arith.constant 0 : index
      %get3A_2120 = tpu.vector_load %arg6[%get3A_2118, %get3A_2119] {strides = array<i32>} : memref<100x64xf32, #tpu.memory_space<vmem>>, vector<1x16xf32>,
      %get3A_2121 = vector.shape_cast %get3A_2120 : vector<1x16xf32> to vector<16xf32>
      %add3A_2122 = arith.addf %add3A_2098, %get3A_2121 : vector<16xf32>
      %get3A_2123 = arith.constant 86 : i32
      %get3A_2124 = arith.index_cast %get3A_2123 : i32 to index
      %get3A_2125 = arith.constant 16 : index
      %get3A_2126 = tpu.vector_load %arg6[%get3A_2124, %get3A_2125] {strides = array<i32>} : memref<100x64xf32, #tpu.memory_space<vmem>>, vector<1x16xf32>,
      %get3A_2127 = vector.shape_cast %get3A_2126 : vector<1x16xf32> to vector<16xf32>
      %add3A_2128 = arith.addf %add3A_2104, %get3A_2127 : vector<16xf32>
      %get3A_2129 = arith.constant 86 : i32
      %get3A_2130 = arith.index_cast %get3A_2129 : i32 to index
      %get3A_2131 = arith.constant 32 : index
      %get3A_2132 = tpu.vector_load %arg6[%get3A_2130, %get3A_2131] {strides = array<i32>} : memref<100x64xf32, #tpu.memory_space<vmem>>, vector<1x16xf32>,
      %get3A_2133 = vector.shape_cast %get3A_2132 : vector<1x16xf32> to vector<16xf32>
      %add3A_2134 = arith.addf %add3A_2110, %get3A_2133 : vector<16xf32>
      %get3A_2135 = arith.constant 86 : i32
      %get3A_2136 = arith.index_cast %get3A_2135 : i32 to index
      %get3A_2137 = arith.constant 48 : index
      %get3A_2138 = tpu.vector_load %arg6[%get3A_2136, %get3A_2137] {strides = array<i32>} : memref<100x64xf32, #tpu.memory_space<vmem>>, vector<1x16xf32>,
      %get3A_2139 = vector.shape_cast %get3A_2138 : vector<1x16xf32> to vector<16xf32>
      %add3A_2140 = arith.addf %add3A_2116, %get3A_2139 : vector<16xf32>
      %get3A_2141 = arith.constant 87 : i32
      %get3A_2142 = arith.index_cast %get3A_2141 : i32 to index
      %get3A_2143 = arith.constant 0 : index
      %get3A_2144 = tpu.vector_load %arg6[%get3A_2142, %get3A_2143] {strides = array<i32>} : memref<100x64xf32, #tpu.memory_space<vmem>>, vector<1x16xf32>,
      %get3A_2145 = vector.shape_cast %get3A_2144 : vector<1x16xf32> to vector<16xf32>
      %add3A_2146 = arith.addf %add3A_2122, %get3A_2145 : vector<16xf32>
      %get3A_2147 = arith.constant 87 : i32
      %get3A_2148 = arith.index_cast %get3A_2147 : i32 to index
      %get3A_2149 = arith.constant 16 : index
      %get3A_2150 = tpu.vector_load %arg6[%get3A_2148, %get3A_2149] {strides = array<i32>} : memref<100x64xf32, #tpu.memory_space<vmem>>, vector<1x16xf32>,
      %get3A_2151 = vector.shape_cast %get3A_2150 : vector<1x16xf32> to vector<16xf32>
      %add3A_2152 = arith.addf %add3A_2128, %get3A_2151 : vector<16xf32>
      %get3A_2153 = arith.constant 87 : i32
      %get3A_2154 = arith.index_cast %get3A_2153 : i32 to index
      %get3A_2155 = arith.constant 32 : index
      %get3A_2156 = tpu.vector_load %arg6[%get3A_2154, %get3A_2155] {strides = array<i32>} : memref<100x64xf32, #tpu.memory_space<vmem>>, vector<1x16xf32>,
      %get3A_2157 = vector.shape_cast %get3A_2156 : vector<1x16xf32> to vector<16xf32>
      %add3A_2158 = arith.addf %add3A_2134, %get3A_2157 : vector<16xf32>
      %get3A_2159 = arith.constant 87 : i32
      %get3A_2160 = arith.index_cast %get3A_2159 : i32 to index
      %get3A_2161 = arith.constant 48 : index
      %get3A_2162 = tpu.vector_load %arg6[%get3A_2160, %get3A_2161] {strides = array<i32>} : memref<100x64xf32, #tpu.memory_space<vmem>>, vector<1x16xf32>,
      %get3A_2163 = vector.shape_cast %get3A_2162 : vector<1x16xf32> to vector<16xf32>
      %add3A_2164 = arith.addf %add3A_2140, %get3A_2163 : vector<16xf32>
      %get3A_2165 = arith.constant 88 : i32
      %get3A_2166 = arith.index_cast %get3A_2165 : i32 to index
      %get3A_2167 = arith.constant 0 : index
      %get3A_2168 = tpu.vector_load %arg6[%get3A_2166, %get3A_2167] {strides = array<i32>} : memref<100x64xf32, #tpu.memory_space<vmem>>, vector<1x16xf32>,
      %get3A_2169 = vector.shape_cast %get3A_2168 : vector<1x16xf32> to vector<16xf32>
      %add3A_2170 = arith.addf %add3A_2146, %get3A_2169 : vector<16xf32>
      %get3A_2171 = arith.constant 88 : i32
      %get3A_2172 = arith.index_cast %get3A_2171 : i32 to index
      %get3A_2173 = arith.constant 16 : index
      %get3A_2174 = tpu.vector_load %arg6[%get3A_2172, %get3A_2173] {strides = array<i32>} : memref<100x64xf32, #tpu.memory_space<vmem>>, vector<1x16xf32>,
      %get3A_2175 = vector.shape_cast %get3A_2174 : vector<1x16xf32> to vector<16xf32>
      %add3A_2176 = arith.addf %add3A_2152, %get3A_2175 : vector<16xf32>
      %get3A_2177 = arith.constant 88 : i32
      %get3A_2178 = arith.index_cast %get3A_2177 : i32 to index
      %get3A_2179 = arith.constant 32 : index
      %get3A_2180 = tpu.vector_load %arg6[%get3A_2178, %get3A_2179] {strides = array<i32>} : memref<100x64xf32, #tpu.memory_space<vmem>>, vector<1x16xf32>,
      %get3A_2181 = vector.shape_cast %get3A_2180 : vector<1x16xf32> to vector<16xf32>
      %add3A_2182 = arith.addf %add3A_2158, %get3A_2181 : vector<16xf32>
      %get3A_2183 = arith.constant 88 : i32
      %get3A_2184 = arith.index_cast %get3A_2183 : i32 to index
      %get3A_2185 = arith.constant 48 : index
      %get3A_2186 = tpu.vector_load %arg6[%get3A_2184, %get3A_2185] {strides = array<i32>} : memref<100x64xf32, #tpu.memory_space<vmem>>, vector<1x16xf32>,
      %get3A_2187 = vector.shape_cast %get3A_2186 : vector<1x16xf32> to vector<16xf32>
      %add3A_2188 = arith.addf %add3A_2164, %get3A_2187 : vector<16xf32>
      %get3A_2189 = arith.constant 89 : i32
      %get3A_2190 = arith.index_cast %get3A_2189 : i32 to index
      %get3A_2191 = arith.constant 0 : index
      %get3A_2192 = tpu.vector_load %arg6[%get3A_2190, %get3A_2191] {strides = array<i32>} : memref<100x64xf32, #tpu.memory_space<vmem>>, vector<1x16xf32>,
      %get3A_2193 = vector.shape_cast %get3A_2192 : vector<1x16xf32> to vector<16xf32>
      %add3A_2194 = arith.addf %add3A_2170, %get3A_2193 : vector<16xf32>
      %get3A_2195 = arith.constant 89 : i32
      %get3A_2196 = arith.index_cast %get3A_2195 : i32 to index
      %get3A_2197 = arith.constant 16 : index
      %get3A_2198 = tpu.vector_load %arg6[%get3A_2196, %get3A_2197] {strides = array<i32>} : memref<100x64xf32, #tpu.memory_space<vmem>>, vector<1x16xf32>,
      %get3A_2199 = vector.shape_cast %get3A_2198 : vector<1x16xf32> to vector<16xf32>
      %add3A_2200 = arith.addf %add3A_2176, %get3A_2199 : vector<16xf32>
      %get3A_2201 = arith.constant 89 : i32
      %get3A_2202 = arith.index_cast %get3A_2201 : i32 to index
      %get3A_2203 = arith.constant 32 : index
      %get3A_2204 = tpu.vector_load %arg6[%get3A_2202, %get3A_2203] {strides = array<i32>} : memref<100x64xf32, #tpu.memory_space<vmem>>, vector<1x16xf32>,
      %get3A_2205 = vector.shape_cast %get3A_2204 : vector<1x16xf32> to vector<16xf32>
      %add3A_2206 = arith.addf %add3A_2182, %get3A_2205 : vector<16xf32>
      %get3A_2207 = arith.constant 89 : i32
      %get3A_2208 = arith.index_cast %get3A_2207 : i32 to index
      %get3A_2209 = arith.constant 48 : index
      %get3A_2210 = tpu.vector_load %arg6[%get3A_2208, %get3A_2209] {strides = array<i32>} : memref<100x64xf32, #tpu.memory_space<vmem>>, vector<1x16xf32>,
      %get3A_2211 = vector.shape_cast %get3A_2210 : vector<1x16xf32> to vector<16xf32>
      %add3A_2212 = arith.addf %add3A_2188, %get3A_2211 : vector<16xf32>
      %get3A_2213 = arith.constant 90 : i32
      %get3A_2214 = arith.index_cast %get3A_2213 : i32 to index
      %get3A_2215 = arith.constant 0 : index
      %get3A_2216 = tpu.vector_load %arg6[%get3A_2214, %get3A_2215] {strides = array<i32>} : memref<100x64xf32, #tpu.memory_space<vmem>>, vector<1x16xf32>,
      %get3A_2217 = vector.shape_cast %get3A_2216 : vector<1x16xf32> to vector<16xf32>
      %add3A_2218 = arith.addf %add3A_2194, %get3A_2217 : vector<16xf32>
      %get3A_2219 = arith.constant 90 : i32
      %get3A_2220 = arith.index_cast %get3A_2219 : i32 to index
      %get3A_2221 = arith.constant 16 : index
      %get3A_2222 = tpu.vector_load %arg6[%get3A_2220, %get3A_2221] {strides = array<i32>} : memref<100x64xf32, #tpu.memory_space<vmem>>, vector<1x16xf32>,
      %get3A_2223 = vector.shape_cast %get3A_2222 : vector<1x16xf32> to vector<16xf32>
      %add3A_2224 = arith.addf %add3A_2200, %get3A_2223 : vector<16xf32>
      %get3A_2225 = arith.constant 90 : i32
      %get3A_2226 = arith.index_cast %get3A_2225 : i32 to index
      %get3A_2227 = arith.constant 32 : index
      %get3A_2228 = tpu.vector_load %arg6[%get3A_2226, %get3A_2227] {strides = array<i32>} : memref<100x64xf32, #tpu.memory_space<vmem>>, vector<1x16xf32>,
      %get3A_2229 = vector.shape_cast %get3A_2228 : vector<1x16xf32> to vector<16xf32>
      %add3A_2230 = arith.addf %add3A_2206, %get3A_2229 : vector<16xf32>
      %get3A_2231 = arith.constant 90 : i32
      %get3A_2232 = arith.index_cast %get3A_2231 : i32 to index
      %get3A_2233 = arith.constant 48 : index
      %get3A_2234 = tpu.vector_load %arg6[%get3A_2232, %get3A_2233] {strides = array<i32>} : memref<100x64xf32, #tpu.memory_space<vmem>>, vector<1x16xf32>,
      %get3A_2235 = vector.shape_cast %get3A_2234 : vector<1x16xf32> to vector<16xf32>
      %add3A_2236 = arith.addf %add3A_2212, %get3A_2235 : vector<16xf32>
      %get3A_2237 = arith.constant 91 : i32
      %get3A_2238 = arith.index_cast %get3A_2237 : i32 to index
      %get3A_2239 = arith.constant 0 : index
      %get3A_2240 = tpu.vector_load %arg6[%get3A_2238, %get3A_2239] {strides = array<i32>} : memref<100x64xf32, #tpu.memory_space<vmem>>, vector<1x16xf32>,
      %get3A_2241 = vector.shape_cast %get3A_2240 : vector<1x16xf32> to vector<16xf32>
      %add3A_2242 = arith.addf %add3A_2218, %get3A_2241 : vector<16xf32>
      %get3A_2243 = arith.constant 91 : i32
      %get3A_2244 = arith.index_cast %get3A_2243 : i32 to index
      %get3A_2245 = arith.constant 16 : index
      %get3A_2246 = tpu.vector_load %arg6[%get3A_2244, %get3A_2245] {strides = array<i32>} : memref<100x64xf32, #tpu.memory_space<vmem>>, vector<1x16xf32>,
      %get3A_2247 = vector.shape_cast %get3A_2246 : vector<1x16xf32> to vector<16xf32>
      %add3A_2248 = arith.addf %add3A_2224, %get3A_2247 : vector<16xf32>
      %get3A_2249 = arith.constant 91 : i32
      %get3A_2250 = arith.index_cast %get3A_2249 : i32 to index
      %get3A_2251 = arith.constant 32 : index
      %get3A_2252 = tpu.vector_load %arg6[%get3A_2250, %get3A_2251] {strides = array<i32>} : memref<100x64xf32, #tpu.memory_space<vmem>>, vector<1x16xf32>,
      %get3A_2253 = vector.shape_cast %get3A_2252 : vector<1x16xf32> to vector<16xf32>
      %add3A_2254 = arith.addf %add3A_2230, %get3A_2253 : vector<16xf32>
      %get3A_2255 = arith.constant 91 : i32
      %get3A_2256 = arith.index_cast %get3A_2255 : i32 to index
      %get3A_2257 = arith.constant 48 : index
      %get3A_2258 = tpu.vector_load %arg6[%get3A_2256, %get3A_2257] {strides = array<i32>} : memref<100x64xf32, #tpu.memory_space<vmem>>, vector<1x16xf32>,
      %get3A_2259 = vector.shape_cast %get3A_2258 : vector<1x16xf32> to vector<16xf32>
      %add3A_2260 = arith.addf %add3A_2236, %get3A_2259 : vector<16xf32>
      %get3A_2261 = arith.constant 92 : i32
      %get3A_2262 = arith.index_cast %get3A_2261 : i32 to index
      %get3A_2263 = arith.constant 0 : index
      %get3A_2264 = tpu.vector_load %arg6[%get3A_2262, %get3A_2263] {strides = array<i32>} : memref<100x64xf32, #tpu.memory_space<vmem>>, vector<1x16xf32>,
      %get3A_2265 = vector.shape_cast %get3A_2264 : vector<1x16xf32> to vector<16xf32>
      %add3A_2266 = arith.addf %add3A_2242, %get3A_2265 : vector<16xf32>
      %get3A_2267 = arith.constant 92 : i32
      %get3A_2268 = arith.index_cast %get3A_2267 : i32 to index
      %get3A_2269 = arith.constant 16 : index
      %get3A_2270 = tpu.vector_load %arg6[%get3A_2268, %get3A_2269] {strides = array<i32>} : memref<100x64xf32, #tpu.memory_space<vmem>>, vector<1x16xf32>,
      %get3A_2271 = vector.shape_cast %get3A_2270 : vector<1x16xf32> to vector<16xf32>
      %add3A_2272 = arith.addf %add3A_2248, %get3A_2271 : vector<16xf32>
      %get3A_2273 = arith.constant 92 : i32
      %get3A_2274 = arith.index_cast %get3A_2273 : i32 to index
      %get3A_2275 = arith.constant 32 : index
      %get3A_2276 = tpu.vector_load %arg6[%get3A_2274, %get3A_2275] {strides = array<i32>} : memref<100x64xf32, #tpu.memory_space<vmem>>, vector<1x16xf32>,
      %get3A_2277 = vector.shape_cast %get3A_2276 : vector<1x16xf32> to vector<16xf32>
      %add3A_2278 = arith.addf %add3A_2254, %get3A_2277 : vector<16xf32>
      %get3A_2279 = arith.constant 92 : i32
      %get3A_2280 = arith.index_cast %get3A_2279 : i32 to index
      %get3A_2281 = arith.constant 48 : index
      %get3A_2282 = tpu.vector_load %arg6[%get3A_2280, %get3A_2281] {strides = array<i32>} : memref<100x64xf32, #tpu.memory_space<vmem>>, vector<1x16xf32>,
      %get3A_2283 = vector.shape_cast %get3A_2282 : vector<1x16xf32> to vector<16xf32>
      %add3A_2284 = arith.addf %add3A_2260, %get3A_2283 : vector<16xf32>
      %get3A_2285 = arith.constant 93 : i32
      %get3A_2286 = arith.index_cast %get3A_2285 : i32 to index
      %get3A_2287 = arith.constant 0 : index
      %get3A_2288 = tpu.vector_load %arg6[%get3A_2286, %get3A_2287] {strides = array<i32>} : memref<100x64xf32, #tpu.memory_space<vmem>>, vector<1x16xf32>,
      %get3A_2289 = vector.shape_cast %get3A_2288 : vector<1x16xf32> to vector<16xf32>
      %add3A_2290 = arith.addf %add3A_2266, %get3A_2289 : vector<16xf32>
      %get3A_2291 = arith.constant 93 : i32
      %get3A_2292 = arith.index_cast %get3A_2291 : i32 to index
      %get3A_2293 = arith.constant 16 : index
      %get3A_2294 = tpu.vector_load %arg6[%get3A_2292, %get3A_2293] {strides = array<i32>} : memref<100x64xf32, #tpu.memory_space<vmem>>, vector<1x16xf32>,
      %get3A_2295 = vector.shape_cast %get3A_2294 : vector<1x16xf32> to vector<16xf32>
      %add3A_2296 = arith.addf %add3A_2272, %get3A_2295 : vector<16xf32>
      %get3A_2297 = arith.constant 93 : i32
      %get3A_2298 = arith.index_cast %get3A_2297 : i32 to index
      %get3A_2299 = arith.constant 32 : index
      %get3A_2300 = tpu.vector_load %arg6[%get3A_2298, %get3A_2299] {strides = array<i32>} : memref<100x64xf32, #tpu.memory_space<vmem>>, vector<1x16xf32>,
      %get3A_2301 = vector.shape_cast %get3A_2300 : vector<1x16xf32> to vector<16xf32>
      %add3A_2302 = arith.addf %add3A_2278, %get3A_2301 : vector<16xf32>
      %get3A_2303 = arith.constant 93 : i32
      %get3A_2304 = arith.index_cast %get3A_2303 : i32 to index
      %get3A_2305 = arith.constant 48 : index
      %get3A_2306 = tpu.vector_load %arg6[%get3A_2304, %get3A_2305] {strides = array<i32>} : memref<100x64xf32, #tpu.memory_space<vmem>>, vector<1x16xf32>,
      %get3A_2307 = vector.shape_cast %get3A_2306 : vector<1x16xf32> to vector<16xf32>
      %add3A_2308 = arith.addf %add3A_2284, %get3A_2307 : vector<16xf32>
      %get3A_2309 = arith.constant 94 : i32
      %get3A_2310 = arith.index_cast %get3A_2309 : i32 to index
      %get3A_2311 = arith.constant 0 : index
      %get3A_2312 = tpu.vector_load %arg6[%get3A_2310, %get3A_2311] {strides = array<i32>} : memref<100x64xf32, #tpu.memory_space<vmem>>, vector<1x16xf32>,
      %get3A_2313 = vector.shape_cast %get3A_2312 : vector<1x16xf32> to vector<16xf32>
      %add3A_2314 = arith.addf %add3A_2290, %get3A_2313 : vector<16xf32>
      %get3A_2315 = arith.constant 94 : i32
      %get3A_2316 = arith.index_cast %get3A_2315 : i32 to index
      %get3A_2317 = arith.constant 16 : index
      %get3A_2318 = tpu.vector_load %arg6[%get3A_2316, %get3A_2317] {strides = array<i32>} : memref<100x64xf32, #tpu.memory_space<vmem>>, vector<1x16xf32>,
      %get3A_2319 = vector.shape_cast %get3A_2318 : vector<1x16xf32> to vector<16xf32>
      %add3A_2320 = arith.addf %add3A_2296, %get3A_2319 : vector<16xf32>
      %get3A_2321 = arith.constant 94 : i32
      %get3A_2322 = arith.index_cast %get3A_2321 : i32 to index
      %get3A_2323 = arith.constant 32 : index
      %get3A_2324 = tpu.vector_load %arg6[%get3A_2322, %get3A_2323] {strides = array<i32>} : memref<100x64xf32, #tpu.memory_space<vmem>>, vector<1x16xf32>,
      %get3A_2325 = vector.shape_cast %get3A_2324 : vector<1x16xf32> to vector<16xf32>
      %add3A_2326 = arith.addf %add3A_2302, %get3A_2325 : vector<16xf32>
      %get3A_2327 = arith.constant 94 : i32
      %get3A_2328 = arith.index_cast %get3A_2327 : i32 to index
      %get3A_2329 = arith.constant 48 : index
      %get3A_2330 = tpu.vector_load %arg6[%get3A_2328, %get3A_2329] {strides = array<i32>} : memref<100x64xf32, #tpu.memory_space<vmem>>, vector<1x16xf32>,
      %get3A_2331 = vector.shape_cast %get3A_2330 : vector<1x16xf32> to vector<16xf32>
      %add3A_2332 = arith.addf %add3A_2308, %get3A_2331 : vector<16xf32>
      %get3A_2333 = arith.constant 95 : i32
      %get3A_2334 = arith.index_cast %get3A_2333 : i32 to index
      %get3A_2335 = arith.constant 0 : index
      %get3A_2336 = tpu.vector_load %arg6[%get3A_2334, %get3A_2335] {strides = array<i32>} : memref<100x64xf32, #tpu.memory_space<vmem>>, vector<1x16xf32>,
      %get3A_2337 = vector.shape_cast %get3A_2336 : vector<1x16xf32> to vector<16xf32>
      %add3A_2338 = arith.addf %add3A_2314, %get3A_2337 : vector<16xf32>
      %get3A_2339 = arith.constant 95 : i32
      %get3A_2340 = arith.index_cast %get3A_2339 : i32 to index
      %get3A_2341 = arith.constant 16 : index
      %get3A_2342 = tpu.vector_load %arg6[%get3A_2340, %get3A_2341] {strides = array<i32>} : memref<100x64xf32, #tpu.memory_space<vmem>>, vector<1x16xf32>,
      %get3A_2343 = vector.shape_cast %get3A_2342 : vector<1x16xf32> to vector<16xf32>
      %add3A_2344 = arith.addf %add3A_2320, %get3A_2343 : vector<16xf32>
      %get3A_2345 = arith.constant 95 : i32
      %get3A_2346 = arith.index_cast %get3A_2345 : i32 to index
      %get3A_2347 = arith.constant 32 : index
      %get3A_2348 = tpu.vector_load %arg6[%get3A_2346, %get3A_2347] {strides = array<i32>} : memref<100x64xf32, #tpu.memory_space<vmem>>, vector<1x16xf32>,
      %get3A_2349 = vector.shape_cast %get3A_2348 : vector<1x16xf32> to vector<16xf32>
      %add3A_2350 = arith.addf %add3A_2326, %get3A_2349 : vector<16xf32>
      %get3A_2351 = arith.constant 95 : i32
      %get3A_2352 = arith.index_cast %get3A_2351 : i32 to index
      %get3A_2353 = arith.constant 48 : index
      %get3A_2354 = tpu.vector_load %arg6[%get3A_2352, %get3A_2353] {strides = array<i32>} : memref<100x64xf32, #tpu.memory_space<vmem>>, vector<1x16xf32>,
      %get3A_2355 = vector.shape_cast %get3A_2354 : vector<1x16xf32> to vector<16xf32>
      %add3A_2356 = arith.addf %add3A_2332, %get3A_2355 : vector<16xf32>
      %get3A_2357 = arith.constant 96 : i32
      %get3A_2358 = arith.index_cast %get3A_2357 : i32 to index
      %get3A_2359 = arith.constant 0 : index
      %get3A_2360 = tpu.vector_load %arg6[%get3A_2358, %get3A_2359] {strides = array<i32>} : memref<100x64xf32, #tpu.memory_space<vmem>>, vector<1x16xf32>,
      %get3A_2361 = vector.shape_cast %get3A_2360 : vector<1x16xf32> to vector<16xf32>
      %add3A_2362 = arith.addf %add3A_2338, %get3A_2361 : vector<16xf32>
      %get3A_2363 = arith.constant 96 : i32
      %get3A_2364 = arith.index_cast %get3A_2363 : i32 to index
      %get3A_2365 = arith.constant 16 : index
      %get3A_2366 = tpu.vector_load %arg6[%get3A_2364, %get3A_2365] {strides = array<i32>} : memref<100x64xf32, #tpu.memory_space<vmem>>, vector<1x16xf32>,
      %get3A_2367 = vector.shape_cast %get3A_2366 : vector<1x16xf32> to vector<16xf32>
      %add3A_2368 = arith.addf %add3A_2344, %get3A_2367 : vector<16xf32>
      %get3A_2369 = arith.constant 96 : i32
      %get3A_2370 = arith.index_cast %get3A_2369 : i32 to index
      %get3A_2371 = arith.constant 32 : index
      %get3A_2372 = tpu.vector_load %arg6[%get3A_2370, %get3A_2371] {strides = array<i32>} : memref<100x64xf32, #tpu.memory_space<vmem>>, vector<1x16xf32>,
      %get3A_2373 = vector.shape_cast %get3A_2372 : vector<1x16xf32> to vector<16xf32>
      %add3A_2374 = arith.addf %add3A_2350, %get3A_2373 : vector<16xf32>
      %get3A_2375 = arith.constant 96 : i32
      %get3A_2376 = arith.index_cast %get3A_2375 : i32 to index
      %get3A_2377 = arith.constant 48 : index
      %get3A_2378 = tpu.vector_load %arg6[%get3A_2376, %get3A_2377] {strides = array<i32>} : memref<100x64xf32, #tpu.memory_space<vmem>>, vector<1x16xf32>,
      %get3A_2379 = vector.shape_cast %get3A_2378 : vector<1x16xf32> to vector<16xf32>
      %add3A_2380 = arith.addf %add3A_2356, %get3A_2379 : vector<16xf32>
      %get3A_2381 = arith.constant 97 : i32
      %get3A_2382 = arith.index_cast %get3A_2381 : i32 to index
      %get3A_2383 = arith.constant 0 : index
      %get3A_2384 = tpu.vector_load %arg6[%get3A_2382, %get3A_2383] {strides = array<i32>} : memref<100x64xf32, #tpu.memory_space<vmem>>, vector<1x16xf32>,
      %get3A_2385 = vector.shape_cast %get3A_2384 : vector<1x16xf32> to vector<16xf32>
      %add3A_2386 = arith.addf %add3A_2362, %get3A_2385 : vector<16xf32>
      %get3A_2387 = arith.constant 97 : i32
      %get3A_2388 = arith.index_cast %get3A_2387 : i32 to index
      %get3A_2389 = arith.constant 16 : index
      %get3A_2390 = tpu.vector_load %arg6[%get3A_2388, %get3A_2389] {strides = array<i32>} : memref<100x64xf32, #tpu.memory_space<vmem>>, vector<1x16xf32>,
      %get3A_2391 = vector.shape_cast %get3A_2390 : vector<1x16xf32> to vector<16xf32>
      %add3A_2392 = arith.addf %add3A_2368, %get3A_2391 : vector<16xf32>
      %get3A_2393 = arith.constant 97 : i32
      %get3A_2394 = arith.index_cast %get3A_2393 : i32 to index
      %get3A_2395 = arith.constant 32 : index
      %get3A_2396 = tpu.vector_load %arg6[%get3A_2394, %get3A_2395] {strides = array<i32>} : memref<100x64xf32, #tpu.memory_space<vmem>>, vector<1x16xf32>,
      %get3A_2397 = vector.shape_cast %get3A_2396 : vector<1x16xf32> to vector<16xf32>
      %add3A_2398 = arith.addf %add3A_2374, %get3A_2397 : vector<16xf32>
      %get3A_2399 = arith.constant 97 : i32
      %get3A_2400 = arith.index_cast %get3A_2399 : i32 to index
      %get3A_2401 = arith.constant 48 : index
      %get3A_2402 = tpu.vector_load %arg6[%get3A_2400, %get3A_2401] {strides = array<i32>} : memref<100x64xf32, #tpu.memory_space<vmem>>, vector<1x16xf32>,
      %get3A_2403 = vector.shape_cast %get3A_2402 : vector<1x16xf32> to vector<16xf32>
      %add3A_2404 = arith.addf %add3A_2380, %get3A_2403 : vector<16xf32>
      %get3A_2405 = arith.constant 98 : i32
      %get3A_2406 = arith.index_cast %get3A_2405 : i32 to index
      %get3A_2407 = arith.constant 0 : index
      %get3A_2408 = tpu.vector_load %arg6[%get3A_2406, %get3A_2407] {strides = array<i32>} : memref<100x64xf32, #tpu.memory_space<vmem>>, vector<1x16xf32>,
      %get3A_2409 = vector.shape_cast %get3A_2408 : vector<1x16xf32> to vector<16xf32>
      %add3A_2410 = arith.addf %add3A_2386, %get3A_2409 : vector<16xf32>
      %get3A_2411 = arith.constant 98 : i32
      %get3A_2412 = arith.index_cast %get3A_2411 : i32 to index
      %get3A_2413 = arith.constant 16 : index
      %get3A_2414 = tpu.vector_load %arg6[%get3A_2412, %get3A_2413] {strides = array<i32>} : memref<100x64xf32, #tpu.memory_space<vmem>>, vector<1x16xf32>,
      %get3A_2415 = vector.shape_cast %get3A_2414 : vector<1x16xf32> to vector<16xf32>
      %add3A_2416 = arith.addf %add3A_2392, %get3A_2415 : vector<16xf32>
      %get3A_2417 = arith.constant 98 : i32
      %get3A_2418 = arith.index_cast %get3A_2417 : i32 to index
      %get3A_2419 = arith.constant 32 : index
      %get3A_2420 = tpu.vector_load %arg6[%get3A_2418, %get3A_2419] {strides = array<i32>} : memref<100x64xf32, #tpu.memory_space<vmem>>, vector<1x16xf32>,
      %get3A_2421 = vector.shape_cast %get3A_2420 : vector<1x16xf32> to vector<16xf32>
      %add3A_2422 = arith.addf %add3A_2398, %get3A_2421 : vector<16xf32>
      %get3A_2423 = arith.constant 98 : i32
      %get3A_2424 = arith.index_cast %get3A_2423 : i32 to index
      %get3A_2425 = arith.constant 48 : index
      %get3A_2426 = tpu.vector_load %arg6[%get3A_2424, %get3A_2425] {strides = array<i32>} : memref<100x64xf32, #tpu.memory_space<vmem>>, vector<1x16xf32>,
      %get3A_2427 = vector.shape_cast %get3A_2426 : vector<1x16xf32> to vector<16xf32>
      %add3A_2428 = arith.addf %add3A_2404, %get3A_2427 : vector<16xf32>
      %get3A_2429 = arith.constant 99 : i32
      %get3A_2430 = arith.index_cast %get3A_2429 : i32 to index
      %get3A_2431 = arith.constant 0 : index
      %get3A_2432 = tpu.vector_load %arg6[%get3A_2430, %get3A_2431] {strides = array<i32>} : memref<100x64xf32, #tpu.memory_space<vmem>>, vector<1x16xf32>,
      %get3A_2433 = vector.shape_cast %get3A_2432 : vector<1x16xf32> to vector<16xf32>
      %add3A_2434 = arith.addf %add3A_2410, %get3A_2433 : vector<16xf32>
      %get3A_2435 = arith.constant 99 : i32
      %get3A_2436 = arith.index_cast %get3A_2435 : i32 to index
      %get3A_2437 = arith.constant 16 : index
      %get3A_2438 = tpu.vector_load %arg6[%get3A_2436, %get3A_2437] {strides = array<i32>} : memref<100x64xf32, #tpu.memory_space<vmem>>, vector<1x16xf32>,
      %get3A_2439 = vector.shape_cast %get3A_2438 : vector<1x16xf32> to vector<16xf32>
      %add3A_2440 = arith.addf %add3A_2416, %get3A_2439 : vector<16xf32>
      %get3A_2441 = arith.constant 99 : i32
      %get3A_2442 = arith.index_cast %get3A_2441 : i32 to index
      %get3A_2443 = arith.constant 32 : index
      %get3A_2444 = tpu.vector_load %arg6[%get3A_2442, %get3A_2443] {strides = array<i32>} : memref<100x64xf32, #tpu.memory_space<vmem>>, vector<1x16xf32>,
      %get3A_2445 = vector.shape_cast %get3A_2444 : vector<1x16xf32> to vector<16xf32>
      %add3A_2446 = arith.addf %add3A_2422, %get3A_2445 : vector<16xf32>
      %get3A_2447 = arith.constant 99 : i32
      %get3A_2448 = arith.index_cast %get3A_2447 : i32 to index
      %get3A_2449 = arith.constant 48 : index
      %get3A_2450 = tpu.vector_load %arg6[%get3A_2448, %get3A_2449] {strides = array<i32>} : memref<100x64xf32, #tpu.memory_space<vmem>>, vector<1x16xf32>,
      %get3A_2451 = vector.shape_cast %get3A_2450 : vector<1x16xf32> to vector<16xf32>
      %add3A_2452 = arith.addf %add3A_2428, %get3A_2451 : vector<16xf32>
      %add3A_2453 = arith.constant 1 : i32
      %add3A_2454 = arith.addi %mul3A_34, %add3A_2453 : i32
      %swap3A_2455 = arith.index_cast %add3A_2454 : i32 to index
      %swap3A_2456 = arith.constant 0 : index
      %swap3A_2457 = tpu.vector_load %arg8[%swap3A_2455, %swap3A_2456] {strides = array<i32>} : memref<128x64xf32, #tpu.memory_space<vmem>>, vector<1x16xf32>,
      %swap3A_2458 = vector.shape_cast %swap3A_2457 : vector<1x16xf32> to vector<16xf32>
      %swap3A_2459 = vector.shape_cast %add3A_2434 : vector<16xf32> to vector<1x16xf32>
      tpu.vector_store %arg8[%swap3A_2455, %swap3A_2456], %swap3A_2459 {strides = array<i32>} : memref<128x64xf32, #tpu.memory_space<vmem>>, vector<1x16xf32>,
      %add3A_2460 = arith.constant 1 : i32
      %add3A_2461 = arith.addi %mul3A_34, %add3A_2460 : i32
      %swap3A_2462 = arith.index_cast %add3A_2461 : i32 to index
      %swap3A_2463 = arith.constant 16 : index
      %swap3A_2464 = tpu.vector_load %arg8[%swap3A_2462, %swap3A_2463] {strides = array<i32>} : memref<128x64xf32, #tpu.memory_space<vmem>>, vector<1x16xf32>,
      %swap3A_2465 = vector.shape_cast %swap3A_2464 : vector<1x16xf32> to vector<16xf32>
      %swap3A_2466 = vector.shape_cast %add3A_2440 : vector<16xf32> to vector<1x16xf32>
      tpu.vector_store %arg8[%swap3A_2462, %swap3A_2463], %swap3A_2466 {strides = array<i32>} : memref<128x64xf32, #tpu.memory_space<vmem>>, vector<1x16xf32>,
      %add3A_2467 = arith.constant 1 : i32
      %add3A_2468 = arith.addi %mul3A_34, %add3A_2467 : i32
      %swap3A_2469 = arith.index_cast %add3A_2468 : i32 to index
      %swap3A_2470 = arith.constant 32 : index
      %swap3A_2471 = tpu.vector_load %arg8[%swap3A_2469, %swap3A_2470] {strides = array<i32>} : memref<128x64xf32, #tpu.memory_space<vmem>>, vector<1x16xf32>,
      %swap3A_2472 = vector.shape_cast %swap3A_2471 : vector<1x16xf32> to vector<16xf32>
      %swap3A_2473 = vector.shape_cast %add3A_2446 : vector<16xf32> to vector<1x16xf32>
      tpu.vector_store %arg8[%swap3A_2469, %swap3A_2470], %swap3A_2473 {strides = array<i32>} : memref<128x64xf32, #tpu.memory_space<vmem>>, vector<1x16xf32>,
      %add3A_2474 = arith.constant 1 : i32
      %add3A_2475 = arith.addi %mul3A_34, %add3A_2474 : i32
      %swap3A_2476 = arith.index_cast %add3A_2475 : i32 to index
      %swap3A_2477 = arith.constant 48 : index
      %swap3A_2478 = tpu.vector_load %arg8[%swap3A_2476, %swap3A_2477] {strides = array<i32>} : memref<128x64xf32, #tpu.memory_space<vmem>>, vector<1x16xf32>,
      %swap3A_2479 = vector.shape_cast %swap3A_2478 : vector<1x16xf32> to vector<16xf32>
      %swap3A_2480 = vector.shape_cast %add3A_2452 : vector<16xf32> to vector<1x16xf32>
      tpu.vector_store %arg8[%swap3A_2476, %swap3A_2477], %swap3A_2480 {strides = array<i32>} : memref<128x64xf32, #tpu.memory_space<vmem>>, vector<1x16xf32>,
      %lt3A = arith.constant 31 : i32
      %lt3A_2481 = arith.cmpi slt, %scan3A_16, %lt3A : i32
      %convert_element_type3A = arith.extui %lt3A_2481 : i1 to i32
      %cond3A = arith.constant 0 : i32
      %cond3A_2482 = arith.cmpi ne, %convert_element_type3A, %cond3A : i32
      scf.if %cond3A_2482 {
        %mul3A_4942 = arith.constant 2 : i32
        %mul3A_4943 = arith.muli %mul3A_4942, %scan3A_16 : i32
        %add3A_4944 = arith.constant 2 : i32
        %add3A_4945 = arith.addi %mul3A_4943, %add3A_4944 : i32
        %dma_start3A_4946 = arith.constant 0 : i32
        %dma_start3A_4947 = tpu.memref_slice %arg5[%add3A_4945, %dma_start3A_4946] : memref<64x100xi32, #tpu.memory_space<vmem>> -> memref<1x100xi32, #tpu.memory_space<vmem>>
        %dma_start3A_4948 = tpu.memref_squeeze %dma_start3A_4947 : memref<1x100xi32, #tpu.memory_space<vmem>> -> memref<100xi32, #tpu.memory_space<vmem>>
        %dma_start3A_4949 = arith.constant 0 : i32
        %dma_start3A_4950 = arith.constant 0 : i32
        %dma_start3A_4951 = tpu.memref_slice %arg3[%dma_start3A_4949, %dma_start3A_4950] : memref<1000000x64xf32, #tpu.memory_space<hbm>> -> memref<1000000x64xf32, #tpu.memory_space<hbm>>
        tpu.enqueue_indirect_dma source(%dma_start3A_4951 : memref<1000000x64xf32, #tpu.memory_space<hbm>>) target(%arg6 : memref<100x64xf32, #tpu.memory_space<vmem>>) offsets(%dma_start3A_4948 : memref<100xi32, #tpu.memory_space<vmem>>) semaphore(%arg9 : memref<!tpu.dma_semaphore, #tpu.memory_space<semaphore_mem>>)
      } else {
      }
      %dma_wait3A_2483 = arith.constant 0 : i32
      %dma_wait3A_2484 = arith.constant 0 : i32
      %dma_wait3A_2485 = tpu.memref_slice %arg5[%dma_wait3A_2483, %dma_wait3A_2484] : memref<64x100xi32, #tpu.memory_space<vmem>> -> memref<1x100xi32, #tpu.memory_space<vmem>>
      %dma_wait3A_2486 = tpu.memref_squeeze %dma_wait3A_2485 : memref<1x100xi32, #tpu.memory_space<vmem>> -> memref<100xi32, #tpu.memory_space<vmem>>
      %dma_wait3A_2487 = arith.constant 0 : i32
      %dma_wait3A_2488 = arith.constant 0 : i32
      %dma_wait3A_2489 = tpu.memref_slice %arg3[%dma_wait3A_2487, %dma_wait3A_2488] : memref<1000000x64xf32, #tpu.memory_space<hbm>> -> memref<1000000x64xf32, #tpu.memory_space<hbm>>
      tpu.wait_indirect_dma semaphore(%arg10 : memref<!tpu.dma_semaphore, #tpu.memory_space<semaphore_mem>>) src(%dma_wait3A_2489 : memref<1000000x64xf32, #tpu.memory_space<hbm>>) dst(%arg7 : memref<100x64xf32, #tpu.memory_space<vmem>>)
      %mul3A_2490 = arith.constant 4 : i32
      %mul3A_2491 = arith.muli %mul3A_2490, %scan3A_16 : i32
      %add3A_2492 = arith.constant 2 : i32
      %add3A_2493 = arith.addi %mul3A_2491, %add3A_2492 : i32
      %get3A_2494 = arith.constant 0 : i32
      %get3A_2495 = arith.index_cast %get3A_2494 : i32 to index
      %get3A_2496 = arith.constant 0 : index
      %get3A_2497 = tpu.vector_load %arg7[%get3A_2495, %get3A_2496] {strides = array<i32>} : memref<100x64xf32, #tpu.memory_space<vmem>>, vector<1x16xf32>,
      %get3A_2498 = vector.shape_cast %get3A_2497 : vector<1x16xf32> to vector<16xf32>
      %get3A_2499 = arith.constant 0 : i32
      %get3A_2500 = arith.index_cast %get3A_2499 : i32 to index
      %get3A_2501 = arith.constant 16 : index
      %get3A_2502 = tpu.vector_load %arg7[%get3A_2500, %get3A_2501] {strides = array<i32>} : memref<100x64xf32, #tpu.memory_space<vmem>>, vector<1x16xf32>,
      %get3A_2503 = vector.shape_cast %get3A_2502 : vector<1x16xf32> to vector<16xf32>
      %get3A_2504 = arith.constant 0 : i32
      %get3A_2505 = arith.index_cast %get3A_2504 : i32 to index
      %get3A_2506 = arith.constant 32 : index
      %get3A_2507 = tpu.vector_load %arg7[%get3A_2505, %get3A_2506] {strides = array<i32>} : memref<100x64xf32, #tpu.memory_space<vmem>>, vector<1x16xf32>,
      %get3A_2508 = vector.shape_cast %get3A_2507 : vector<1x16xf32> to vector<16xf32>
      %get3A_2509 = arith.constant 0 : i32
      %get3A_2510 = arith.index_cast %get3A_2509 : i32 to index
      %get3A_2511 = arith.constant 48 : index
      %get3A_2512 = tpu.vector_load %arg7[%get3A_2510, %get3A_2511] {strides = array<i32>} : memref<100x64xf32, #tpu.memory_space<vmem>>, vector<1x16xf32>,
      %get3A_2513 = vector.shape_cast %get3A_2512 : vector<1x16xf32> to vector<16xf32>
      %get3A_2514 = arith.constant 1 : i32
      %get3A_2515 = arith.index_cast %get3A_2514 : i32 to index
      %get3A_2516 = arith.constant 0 : index
      %get3A_2517 = tpu.vector_load %arg7[%get3A_2515, %get3A_2516] {strides = array<i32>} : memref<100x64xf32, #tpu.memory_space<vmem>>, vector<1x16xf32>,
      %get3A_2518 = vector.shape_cast %get3A_2517 : vector<1x16xf32> to vector<16xf32>
      %add3A_2519 = arith.addf %get3A_2498, %get3A_2518 : vector<16xf32>
      %get3A_2520 = arith.constant 1 : i32
      %get3A_2521 = arith.index_cast %get3A_2520 : i32 to index
      %get3A_2522 = arith.constant 16 : index
      %get3A_2523 = tpu.vector_load %arg7[%get3A_2521, %get3A_2522] {strides = array<i32>} : memref<100x64xf32, #tpu.memory_space<vmem>>, vector<1x16xf32>,
      %get3A_2524 = vector.shape_cast %get3A_2523 : vector<1x16xf32> to vector<16xf32>
      %add3A_2525 = arith.addf %get3A_2503, %get3A_2524 : vector<16xf32>
      %get3A_2526 = arith.constant 1 : i32
      %get3A_2527 = arith.index_cast %get3A_2526 : i32 to index
      %get3A_2528 = arith.constant 32 : index
      %get3A_2529 = tpu.vector_load %arg7[%get3A_2527, %get3A_2528] {strides = array<i32>} : memref<100x64xf32, #tpu.memory_space<vmem>>, vector<1x16xf32>,
      %get3A_2530 = vector.shape_cast %get3A_2529 : vector<1x16xf32> to vector<16xf32>
      %add3A_2531 = arith.addf %get3A_2508, %get3A_2530 : vector<16xf32>
      %get3A_2532 = arith.constant 1 : i32
      %get3A_2533 = arith.index_cast %get3A_2532 : i32 to index
      %get3A_2534 = arith.constant 48 : index
      %get3A_2535 = tpu.vector_load %arg7[%get3A_2533, %get3A_2534] {strides = array<i32>} : memref<100x64xf32, #tpu.memory_space<vmem>>, vector<1x16xf32>,
      %get3A_2536 = vector.shape_cast %get3A_2535 : vector<1x16xf32> to vector<16xf32>
      %add3A_2537 = arith.addf %get3A_2513, %get3A_2536 : vector<16xf32>
      %get3A_2538 = arith.constant 2 : i32
      %get3A_2539 = arith.index_cast %get3A_2538 : i32 to index
      %get3A_2540 = arith.constant 0 : index
      %get3A_2541 = tpu.vector_load %arg7[%get3A_2539, %get3A_2540] {strides = array<i32>} : memref<100x64xf32, #tpu.memory_space<vmem>>, vector<1x16xf32>,
      %get3A_2542 = vector.shape_cast %get3A_2541 : vector<1x16xf32> to vector<16xf32>
      %add3A_2543 = arith.addf %add3A_2519, %get3A_2542 : vector<16xf32>
      %get3A_2544 = arith.constant 2 : i32
      %get3A_2545 = arith.index_cast %get3A_2544 : i32 to index
      %get3A_2546 = arith.constant 16 : index
      %get3A_2547 = tpu.vector_load %arg7[%get3A_2545, %get3A_2546] {strides = array<i32>} : memref<100x64xf32, #tpu.memory_space<vmem>>, vector<1x16xf32>,
      %get3A_2548 = vector.shape_cast %get3A_2547 : vector<1x16xf32> to vector<16xf32>
      %add3A_2549 = arith.addf %add3A_2525, %get3A_2548 : vector<16xf32>
      %get3A_2550 = arith.constant 2 : i32
      %get3A_2551 = arith.index_cast %get3A_2550 : i32 to index
      %get3A_2552 = arith.constant 32 : index
      %get3A_2553 = tpu.vector_load %arg7[%get3A_2551, %get3A_2552] {strides = array<i32>} : memref<100x64xf32, #tpu.memory_space<vmem>>, vector<1x16xf32>,
      %get3A_2554 = vector.shape_cast %get3A_2553 : vector<1x16xf32> to vector<16xf32>
      %add3A_2555 = arith.addf %add3A_2531, %get3A_2554 : vector<16xf32>
      %get3A_2556 = arith.constant 2 : i32
      %get3A_2557 = arith.index_cast %get3A_2556 : i32 to index
      %get3A_2558 = arith.constant 48 : index
      %get3A_2559 = tpu.vector_load %arg7[%get3A_2557, %get3A_2558] {strides = array<i32>} : memref<100x64xf32, #tpu.memory_space<vmem>>, vector<1x16xf32>,
      %get3A_2560 = vector.shape_cast %get3A_2559 : vector<1x16xf32> to vector<16xf32>
      %add3A_2561 = arith.addf %add3A_2537, %get3A_2560 : vector<16xf32>
      %get3A_2562 = arith.constant 3 : i32
      %get3A_2563 = arith.index_cast %get3A_2562 : i32 to index
      %get3A_2564 = arith.constant 0 : index
      %get3A_2565 = tpu.vector_load %arg7[%get3A_2563, %get3A_2564] {strides = array<i32>} : memref<100x64xf32, #tpu.memory_space<vmem>>, vector<1x16xf32>,
      %get3A_2566 = vector.shape_cast %get3A_2565 : vector<1x16xf32> to vector<16xf32>
      %add3A_2567 = arith.addf %add3A_2543, %get3A_2566 : vector<16xf32>
      %get3A_2568 = arith.constant 3 : i32
      %get3A_2569 = arith.index_cast %get3A_2568 : i32 to index
      %get3A_2570 = arith.constant 16 : index
      %get3A_2571 = tpu.vector_load %arg7[%get3A_2569, %get3A_2570] {strides = array<i32>} : memref<100x64xf32, #tpu.memory_space<vmem>>, vector<1x16xf32>,
      %get3A_2572 = vector.shape_cast %get3A_2571 : vector<1x16xf32> to vector<16xf32>
      %add3A_2573 = arith.addf %add3A_2549, %get3A_2572 : vector<16xf32>
      %get3A_2574 = arith.constant 3 : i32
      %get3A_2575 = arith.index_cast %get3A_2574 : i32 to index
      %get3A_2576 = arith.constant 32 : index
      %get3A_2577 = tpu.vector_load %arg7[%get3A_2575, %get3A_2576] {strides = array<i32>} : memref<100x64xf32, #tpu.memory_space<vmem>>, vector<1x16xf32>,
      %get3A_2578 = vector.shape_cast %get3A_2577 : vector<1x16xf32> to vector<16xf32>
      %add3A_2579 = arith.addf %add3A_2555, %get3A_2578 : vector<16xf32>
      %get3A_2580 = arith.constant 3 : i32
      %get3A_2581 = arith.index_cast %get3A_2580 : i32 to index
      %get3A_2582 = arith.constant 48 : index
      %get3A_2583 = tpu.vector_load %arg7[%get3A_2581, %get3A_2582] {strides = array<i32>} : memref<100x64xf32, #tpu.memory_space<vmem>>, vector<1x16xf32>,
      %get3A_2584 = vector.shape_cast %get3A_2583 : vector<1x16xf32> to vector<16xf32>
      %add3A_2585 = arith.addf %add3A_2561, %get3A_2584 : vector<16xf32>
      %get3A_2586 = arith.constant 4 : i32
      %get3A_2587 = arith.index_cast %get3A_2586 : i32 to index
      %get3A_2588 = arith.constant 0 : index
      %get3A_2589 = tpu.vector_load %arg7[%get3A_2587, %get3A_2588] {strides = array<i32>} : memref<100x64xf32, #tpu.memory_space<vmem>>, vector<1x16xf32>,
      %get3A_2590 = vector.shape_cast %get3A_2589 : vector<1x16xf32> to vector<16xf32>
      %add3A_2591 = arith.addf %add3A_2567, %get3A_2590 : vector<16xf32>
      %get3A_2592 = arith.constant 4 : i32
      %get3A_2593 = arith.index_cast %get3A_2592 : i32 to index
      %get3A_2594 = arith.constant 16 : index
      %get3A_2595 = tpu.vector_load %arg7[%get3A_2593, %get3A_2594] {strides = array<i32>} : memref<100x64xf32, #tpu.memory_space<vmem>>, vector<1x16xf32>,
      %get3A_2596 = vector.shape_cast %get3A_2595 : vector<1x16xf32> to vector<16xf32>
      %add3A_2597 = arith.addf %add3A_2573, %get3A_2596 : vector<16xf32>
      %get3A_2598 = arith.constant 4 : i32
      %get3A_2599 = arith.index_cast %get3A_2598 : i32 to index
      %get3A_2600 = arith.constant 32 : index
      %get3A_2601 = tpu.vector_load %arg7[%get3A_2599, %get3A_2600] {strides = array<i32>} : memref<100x64xf32, #tpu.memory_space<vmem>>, vector<1x16xf32>,
      %get3A_2602 = vector.shape_cast %get3A_2601 : vector<1x16xf32> to vector<16xf32>
      %add3A_2603 = arith.addf %add3A_2579, %get3A_2602 : vector<16xf32>
      %get3A_2604 = arith.constant 4 : i32
      %get3A_2605 = arith.index_cast %get3A_2604 : i32 to index
      %get3A_2606 = arith.constant 48 : index
      %get3A_2607 = tpu.vector_load %arg7[%get3A_2605, %get3A_2606] {strides = array<i32>} : memref<100x64xf32, #tpu.memory_space<vmem>>, vector<1x16xf32>,
      %get3A_2608 = vector.shape_cast %get3A_2607 : vector<1x16xf32> to vector<16xf32>
      %add3A_2609 = arith.addf %add3A_2585, %get3A_2608 : vector<16xf32>
      %get3A_2610 = arith.constant 5 : i32
      %get3A_2611 = arith.index_cast %get3A_2610 : i32 to index
      %get3A_2612 = arith.constant 0 : index
      %get3A_2613 = tpu.vector_load %arg7[%get3A_2611, %get3A_2612] {strides = array<i32>} : memref<100x64xf32, #tpu.memory_space<vmem>>, vector<1x16xf32>,
      %get3A_2614 = vector.shape_cast %get3A_2613 : vector<1x16xf32> to vector<16xf32>
      %add3A_2615 = arith.addf %add3A_2591, %get3A_2614 : vector<16xf32>
      %get3A_2616 = arith.constant 5 : i32
      %get3A_2617 = arith.index_cast %get3A_2616 : i32 to index
      %get3A_2618 = arith.constant 16 : index
      %get3A_2619 = tpu.vector_load %arg7[%get3A_2617, %get3A_2618] {strides = array<i32>} : memref<100x64xf32, #tpu.memory_space<vmem>>, vector<1x16xf32>,
      %get3A_2620 = vector.shape_cast %get3A_2619 : vector<1x16xf32> to vector<16xf32>
      %add3A_2621 = arith.addf %add3A_2597, %get3A_2620 : vector<16xf32>
      %get3A_2622 = arith.constant 5 : i32
      %get3A_2623 = arith.index_cast %get3A_2622 : i32 to index
      %get3A_2624 = arith.constant 32 : index
      %get3A_2625 = tpu.vector_load %arg7[%get3A_2623, %get3A_2624] {strides = array<i32>} : memref<100x64xf32, #tpu.memory_space<vmem>>, vector<1x16xf32>,
      %get3A_2626 = vector.shape_cast %get3A_2625 : vector<1x16xf32> to vector<16xf32>
      %add3A_2627 = arith.addf %add3A_2603, %get3A_2626 : vector<16xf32>
      %get3A_2628 = arith.constant 5 : i32
      %get3A_2629 = arith.index_cast %get3A_2628 : i32 to index
      %get3A_2630 = arith.constant 48 : index
      %get3A_2631 = tpu.vector_load %arg7[%get3A_2629, %get3A_2630] {strides = array<i32>} : memref<100x64xf32, #tpu.memory_space<vmem>>, vector<1x16xf32>,
      %get3A_2632 = vector.shape_cast %get3A_2631 : vector<1x16xf32> to vector<16xf32>
      %add3A_2633 = arith.addf %add3A_2609, %get3A_2632 : vector<16xf32>
      %get3A_2634 = arith.constant 6 : i32
      %get3A_2635 = arith.index_cast %get3A_2634 : i32 to index
      %get3A_2636 = arith.constant 0 : index
      %get3A_2637 = tpu.vector_load %arg7[%get3A_2635, %get3A_2636] {strides = array<i32>} : memref<100x64xf32, #tpu.memory_space<vmem>>, vector<1x16xf32>,
      %get3A_2638 = vector.shape_cast %get3A_2637 : vector<1x16xf32> to vector<16xf32>
      %add3A_2639 = arith.addf %add3A_2615, %get3A_2638 : vector<16xf32>
      %get3A_2640 = arith.constant 6 : i32
      %get3A_2641 = arith.index_cast %get3A_2640 : i32 to index
      %get3A_2642 = arith.constant 16 : index
      %get3A_2643 = tpu.vector_load %arg7[%get3A_2641, %get3A_2642] {strides = array<i32>} : memref<100x64xf32, #tpu.memory_space<vmem>>, vector<1x16xf32>,
      %get3A_2644 = vector.shape_cast %get3A_2643 : vector<1x16xf32> to vector<16xf32>
      %add3A_2645 = arith.addf %add3A_2621, %get3A_2644 : vector<16xf32>
      %get3A_2646 = arith.constant 6 : i32
      %get3A_2647 = arith.index_cast %get3A_2646 : i32 to index
      %get3A_2648 = arith.constant 32 : index
      %get3A_2649 = tpu.vector_load %arg7[%get3A_2647, %get3A_2648] {strides = array<i32>} : memref<100x64xf32, #tpu.memory_space<vmem>>, vector<1x16xf32>,
      %get3A_2650 = vector.shape_cast %get3A_2649 : vector<1x16xf32> to vector<16xf32>
      %add3A_2651 = arith.addf %add3A_2627, %get3A_2650 : vector<16xf32>
      %get3A_2652 = arith.constant 6 : i32
      %get3A_2653 = arith.index_cast %get3A_2652 : i32 to index
      %get3A_2654 = arith.constant 48 : index
      %get3A_2655 = tpu.vector_load %arg7[%get3A_2653, %get3A_2654] {strides = array<i32>} : memref<100x64xf32, #tpu.memory_space<vmem>>, vector<1x16xf32>,
      %get3A_2656 = vector.shape_cast %get3A_2655 : vector<1x16xf32> to vector<16xf32>
      %add3A_2657 = arith.addf %add3A_2633, %get3A_2656 : vector<16xf32>
      %get3A_2658 = arith.constant 7 : i32
      %get3A_2659 = arith.index_cast %get3A_2658 : i32 to index
      %get3A_2660 = arith.constant 0 : index
      %get3A_2661 = tpu.vector_load %arg7[%get3A_2659, %get3A_2660] {strides = array<i32>} : memref<100x64xf32, #tpu.memory_space<vmem>>, vector<1x16xf32>,
      %get3A_2662 = vector.shape_cast %get3A_2661 : vector<1x16xf32> to vector<16xf32>
      %add3A_2663 = arith.addf %add3A_2639, %get3A_2662 : vector<16xf32>
      %get3A_2664 = arith.constant 7 : i32
      %get3A_2665 = arith.index_cast %get3A_2664 : i32 to index
      %get3A_2666 = arith.constant 16 : index
      %get3A_2667 = tpu.vector_load %arg7[%get3A_2665, %get3A_2666] {strides = array<i32>} : memref<100x64xf32, #tpu.memory_space<vmem>>, vector<1x16xf32>,
      %get3A_2668 = vector.shape_cast %get3A_2667 : vector<1x16xf32> to vector<16xf32>
      %add3A_2669 = arith.addf %add3A_2645, %get3A_2668 : vector<16xf32>
      %get3A_2670 = arith.constant 7 : i32
      %get3A_2671 = arith.index_cast %get3A_2670 : i32 to index
      %get3A_2672 = arith.constant 32 : index
      %get3A_2673 = tpu.vector_load %arg7[%get3A_2671, %get3A_2672] {strides = array<i32>} : memref<100x64xf32, #tpu.memory_space<vmem>>, vector<1x16xf32>,
      %get3A_2674 = vector.shape_cast %get3A_2673 : vector<1x16xf32> to vector<16xf32>
      %add3A_2675 = arith.addf %add3A_2651, %get3A_2674 : vector<16xf32>
      %get3A_2676 = arith.constant 7 : i32
      %get3A_2677 = arith.index_cast %get3A_2676 : i32 to index
      %get3A_2678 = arith.constant 48 : index
      %get3A_2679 = tpu.vector_load %arg7[%get3A_2677, %get3A_2678] {strides = array<i32>} : memref<100x64xf32, #tpu.memory_space<vmem>>, vector<1x16xf32>,
      %get3A_2680 = vector.shape_cast %get3A_2679 : vector<1x16xf32> to vector<16xf32>
      %add3A_2681 = arith.addf %add3A_2657, %get3A_2680 : vector<16xf32>
      %get3A_2682 = arith.constant 8 : i32
      %get3A_2683 = arith.index_cast %get3A_2682 : i32 to index
      %get3A_2684 = arith.constant 0 : index
      %get3A_2685 = tpu.vector_load %arg7[%get3A_2683, %get3A_2684] {strides = array<i32>} : memref<100x64xf32, #tpu.memory_space<vmem>>, vector<1x16xf32>,
      %get3A_2686 = vector.shape_cast %get3A_2685 : vector<1x16xf32> to vector<16xf32>
      %add3A_2687 = arith.addf %add3A_2663, %get3A_2686 : vector<16xf32>
      %get3A_2688 = arith.constant 8 : i32
      %get3A_2689 = arith.index_cast %get3A_2688 : i32 to index
      %get3A_2690 = arith.constant 16 : index
      %get3A_2691 = tpu.vector_load %arg7[%get3A_2689, %get3A_2690] {strides = array<i32>} : memref<100x64xf32, #tpu.memory_space<vmem>>, vector<1x16xf32>,
      %get3A_2692 = vector.shape_cast %get3A_2691 : vector<1x16xf32> to vector<16xf32>
      %add3A_2693 = arith.addf %add3A_2669, %get3A_2692 : vector<16xf32>
      %get3A_2694 = arith.constant 8 : i32
      %get3A_2695 = arith.index_cast %get3A_2694 : i32 to index
      %get3A_2696 = arith.constant 32 : index
      %get3A_2697 = tpu.vector_load %arg7[%get3A_2695, %get3A_2696] {strides = array<i32>} : memref<100x64xf32, #tpu.memory_space<vmem>>, vector<1x16xf32>,
      %get3A_2698 = vector.shape_cast %get3A_2697 : vector<1x16xf32> to vector<16xf32>
      %add3A_2699 = arith.addf %add3A_2675, %get3A_2698 : vector<16xf32>
      %get3A_2700 = arith.constant 8 : i32
      %get3A_2701 = arith.index_cast %get3A_2700 : i32 to index
      %get3A_2702 = arith.constant 48 : index
      %get3A_2703 = tpu.vector_load %arg7[%get3A_2701, %get3A_2702] {strides = array<i32>} : memref<100x64xf32, #tpu.memory_space<vmem>>, vector<1x16xf32>,
      %get3A_2704 = vector.shape_cast %get3A_2703 : vector<1x16xf32> to vector<16xf32>
      %add3A_2705 = arith.addf %add3A_2681, %get3A_2704 : vector<16xf32>
      %get3A_2706 = arith.constant 9 : i32
      %get3A_2707 = arith.index_cast %get3A_2706 : i32 to index
      %get3A_2708 = arith.constant 0 : index
      %get3A_2709 = tpu.vector_load %arg7[%get3A_2707, %get3A_2708] {strides = array<i32>} : memref<100x64xf32, #tpu.memory_space<vmem>>, vector<1x16xf32>,
      %get3A_2710 = vector.shape_cast %get3A_2709 : vector<1x16xf32> to vector<16xf32>
      %add3A_2711 = arith.addf %add3A_2687, %get3A_2710 : vector<16xf32>
      %get3A_2712 = arith.constant 9 : i32
      %get3A_2713 = arith.index_cast %get3A_2712 : i32 to index
      %get3A_2714 = arith.constant 16 : index
      %get3A_2715 = tpu.vector_load %arg7[%get3A_2713, %get3A_2714] {strides = array<i32>} : memref<100x64xf32, #tpu.memory_space<vmem>>, vector<1x16xf32>,
      %get3A_2716 = vector.shape_cast %get3A_2715 : vector<1x16xf32> to vector<16xf32>
      %add3A_2717 = arith.addf %add3A_2693, %get3A_2716 : vector<16xf32>
      %get3A_2718 = arith.constant 9 : i32
      %get3A_2719 = arith.index_cast %get3A_2718 : i32 to index
      %get3A_2720 = arith.constant 32 : index
      %get3A_2721 = tpu.vector_load %arg7[%get3A_2719, %get3A_2720] {strides = array<i32>} : memref<100x64xf32, #tpu.memory_space<vmem>>, vector<1x16xf32>,
      %get3A_2722 = vector.shape_cast %get3A_2721 : vector<1x16xf32> to vector<16xf32>
      %add3A_2723 = arith.addf %add3A_2699, %get3A_2722 : vector<16xf32>
      %get3A_2724 = arith.constant 9 : i32
      %get3A_2725 = arith.index_cast %get3A_2724 : i32 to index
      %get3A_2726 = arith.constant 48 : index
      %get3A_2727 = tpu.vector_load %arg7[%get3A_2725, %get3A_2726] {strides = array<i32>} : memref<100x64xf32, #tpu.memory_space<vmem>>, vector<1x16xf32>,
      %get3A_2728 = vector.shape_cast %get3A_2727 : vector<1x16xf32> to vector<16xf32>
      %add3A_2729 = arith.addf %add3A_2705, %get3A_2728 : vector<16xf32>
      %get3A_2730 = arith.constant 10 : i32
      %get3A_2731 = arith.index_cast %get3A_2730 : i32 to index
      %get3A_2732 = arith.constant 0 : index
      %get3A_2733 = tpu.vector_load %arg7[%get3A_2731, %get3A_2732] {strides = array<i32>} : memref<100x64xf32, #tpu.memory_space<vmem>>, vector<1x16xf32>,
      %get3A_2734 = vector.shape_cast %get3A_2733 : vector<1x16xf32> to vector<16xf32>
      %add3A_2735 = arith.addf %add3A_2711, %get3A_2734 : vector<16xf32>
      %get3A_2736 = arith.constant 10 : i32
      %get3A_2737 = arith.index_cast %get3A_2736 : i32 to index
      %get3A_2738 = arith.constant 16 : index
      %get3A_2739 = tpu.vector_load %arg7[%get3A_2737, %get3A_2738] {strides = array<i32>} : memref<100x64xf32, #tpu.memory_space<vmem>>, vector<1x16xf32>,
      %get3A_2740 = vector.shape_cast %get3A_2739 : vector<1x16xf32> to vector<16xf32>
      %add3A_2741 = arith.addf %add3A_2717, %get3A_2740 : vector<16xf32>
      %get3A_2742 = arith.constant 10 : i32
      %get3A_2743 = arith.index_cast %get3A_2742 : i32 to index
      %get3A_2744 = arith.constant 32 : index
      %get3A_2745 = tpu.vector_load %arg7[%get3A_2743, %get3A_2744] {strides = array<i32>} : memref<100x64xf32, #tpu.memory_space<vmem>>, vector<1x16xf32>,
      %get3A_2746 = vector.shape_cast %get3A_2745 : vector<1x16xf32> to vector<16xf32>
      %add3A_2747 = arith.addf %add3A_2723, %get3A_2746 : vector<16xf32>
      %get3A_2748 = arith.constant 10 : i32
      %get3A_2749 = arith.index_cast %get3A_2748 : i32 to index
      %get3A_2750 = arith.constant 48 : index
      %get3A_2751 = tpu.vector_load %arg7[%get3A_2749, %get3A_2750] {strides = array<i32>} : memref<100x64xf32, #tpu.memory_space<vmem>>, vector<1x16xf32>,
      %get3A_2752 = vector.shape_cast %get3A_2751 : vector<1x16xf32> to vector<16xf32>
      %add3A_2753 = arith.addf %add3A_2729, %get3A_2752 : vector<16xf32>
      %get3A_2754 = arith.constant 11 : i32
      %get3A_2755 = arith.index_cast %get3A_2754 : i32 to index
      %get3A_2756 = arith.constant 0 : index
      %get3A_2757 = tpu.vector_load %arg7[%get3A_2755, %get3A_2756] {strides = array<i32>} : memref<100x64xf32, #tpu.memory_space<vmem>>, vector<1x16xf32>,
      %get3A_2758 = vector.shape_cast %get3A_2757 : vector<1x16xf32> to vector<16xf32>
      %add3A_2759 = arith.addf %add3A_2735, %get3A_2758 : vector<16xf32>
      %get3A_2760 = arith.constant 11 : i32
      %get3A_2761 = arith.index_cast %get3A_2760 : i32 to index
      %get3A_2762 = arith.constant 16 : index
      %get3A_2763 = tpu.vector_load %arg7[%get3A_2761, %get3A_2762] {strides = array<i32>} : memref<100x64xf32, #tpu.memory_space<vmem>>, vector<1x16xf32>,
      %get3A_2764 = vector.shape_cast %get3A_2763 : vector<1x16xf32> to vector<16xf32>
      %add3A_2765 = arith.addf %add3A_2741, %get3A_2764 : vector<16xf32>
      %get3A_2766 = arith.constant 11 : i32
      %get3A_2767 = arith.index_cast %get3A_2766 : i32 to index
      %get3A_2768 = arith.constant 32 : index
      %get3A_2769 = tpu.vector_load %arg7[%get3A_2767, %get3A_2768] {strides = array<i32>} : memref<100x64xf32, #tpu.memory_space<vmem>>, vector<1x16xf32>,
      %get3A_2770 = vector.shape_cast %get3A_2769 : vector<1x16xf32> to vector<16xf32>
      %add3A_2771 = arith.addf %add3A_2747, %get3A_2770 : vector<16xf32>
      %get3A_2772 = arith.constant 11 : i32
      %get3A_2773 = arith.index_cast %get3A_2772 : i32 to index
      %get3A_2774 = arith.constant 48 : index
      %get3A_2775 = tpu.vector_load %arg7[%get3A_2773, %get3A_2774] {strides = array<i32>} : memref<100x64xf32, #tpu.memory_space<vmem>>, vector<1x16xf32>,
      %get3A_2776 = vector.shape_cast %get3A_2775 : vector<1x16xf32> to vector<16xf32>
      %add3A_2777 = arith.addf %add3A_2753, %get3A_2776 : vector<16xf32>
      %get3A_2778 = arith.constant 12 : i32
      %get3A_2779 = arith.index_cast %get3A_2778 : i32 to index
      %get3A_2780 = arith.constant 0 : index
      %get3A_2781 = tpu.vector_load %arg7[%get3A_2779, %get3A_2780] {strides = array<i32>} : memref<100x64xf32, #tpu.memory_space<vmem>>, vector<1x16xf32>,
      %get3A_2782 = vector.shape_cast %get3A_2781 : vector<1x16xf32> to vector<16xf32>
      %add3A_2783 = arith.addf %add3A_2759, %get3A_2782 : vector<16xf32>
      %get3A_2784 = arith.constant 12 : i32
      %get3A_2785 = arith.index_cast %get3A_2784 : i32 to index
      %get3A_2786 = arith.constant 16 : index
      %get3A_2787 = tpu.vector_load %arg7[%get3A_2785, %get3A_2786] {strides = array<i32>} : memref<100x64xf32, #tpu.memory_space<vmem>>, vector<1x16xf32>,
      %get3A_2788 = vector.shape_cast %get3A_2787 : vector<1x16xf32> to vector<16xf32>
      %add3A_2789 = arith.addf %add3A_2765, %get3A_2788 : vector<16xf32>
      %get3A_2790 = arith.constant 12 : i32
      %get3A_2791 = arith.index_cast %get3A_2790 : i32 to index
      %get3A_2792 = arith.constant 32 : index
      %get3A_2793 = tpu.vector_load %arg7[%get3A_2791, %get3A_2792] {strides = array<i32>} : memref<100x64xf32, #tpu.memory_space<vmem>>, vector<1x16xf32>,
      %get3A_2794 = vector.shape_cast %get3A_2793 : vector<1x16xf32> to vector<16xf32>
      %add3A_2795 = arith.addf %add3A_2771, %get3A_2794 : vector<16xf32>
      %get3A_2796 = arith.constant 12 : i32
      %get3A_2797 = arith.index_cast %get3A_2796 : i32 to index
      %get3A_2798 = arith.constant 48 : index
      %get3A_2799 = tpu.vector_load %arg7[%get3A_2797, %get3A_2798] {strides = array<i32>} : memref<100x64xf32, #tpu.memory_space<vmem>>, vector<1x16xf32>,
      %get3A_2800 = vector.shape_cast %get3A_2799 : vector<1x16xf32> to vector<16xf32>
      %add3A_2801 = arith.addf %add3A_2777, %get3A_2800 : vector<16xf32>
      %get3A_2802 = arith.constant 13 : i32
      %get3A_2803 = arith.index_cast %get3A_2802 : i32 to index
      %get3A_2804 = arith.constant 0 : index
      %get3A_2805 = tpu.vector_load %arg7[%get3A_2803, %get3A_2804] {strides = array<i32>} : memref<100x64xf32, #tpu.memory_space<vmem>>, vector<1x16xf32>,
      %get3A_2806 = vector.shape_cast %get3A_2805 : vector<1x16xf32> to vector<16xf32>
      %add3A_2807 = arith.addf %add3A_2783, %get3A_2806 : vector<16xf32>
      %get3A_2808 = arith.constant 13 : i32
      %get3A_2809 = arith.index_cast %get3A_2808 : i32 to index
      %get3A_2810 = arith.constant 16 : index
      %get3A_2811 = tpu.vector_load %arg7[%get3A_2809, %get3A_2810] {strides = array<i32>} : memref<100x64xf32, #tpu.memory_space<vmem>>, vector<1x16xf32>,
      %get3A_2812 = vector.shape_cast %get3A_2811 : vector<1x16xf32> to vector<16xf32>
      %add3A_2813 = arith.addf %add3A_2789, %get3A_2812 : vector<16xf32>
      %get3A_2814 = arith.constant 13 : i32
      %get3A_2815 = arith.index_cast %get3A_2814 : i32 to index
      %get3A_2816 = arith.constant 32 : index
      %get3A_2817 = tpu.vector_load %arg7[%get3A_2815, %get3A_2816] {strides = array<i32>} : memref<100x64xf32, #tpu.memory_space<vmem>>, vector<1x16xf32>,
      %get3A_2818 = vector.shape_cast %get3A_2817 : vector<1x16xf32> to vector<16xf32>
      %add3A_2819 = arith.addf %add3A_2795, %get3A_2818 : vector<16xf32>
      %get3A_2820 = arith.constant 13 : i32
      %get3A_2821 = arith.index_cast %get3A_2820 : i32 to index
      %get3A_2822 = arith.constant 48 : index
      %get3A_2823 = tpu.vector_load %arg7[%get3A_2821, %get3A_2822] {strides = array<i32>} : memref<100x64xf32, #tpu.memory_space<vmem>>, vector<1x16xf32>,
      %get3A_2824 = vector.shape_cast %get3A_2823 : vector<1x16xf32> to vector<16xf32>
      %add3A_2825 = arith.addf %add3A_2801, %get3A_2824 : vector<16xf32>
      %get3A_2826 = arith.constant 14 : i32
      %get3A_2827 = arith.index_cast %get3A_2826 : i32 to index
      %get3A_2828 = arith.constant 0 : index
      %get3A_2829 = tpu.vector_load %arg7[%get3A_2827, %get3A_2828] {strides = array<i32>} : memref<100x64xf32, #tpu.memory_space<vmem>>, vector<1x16xf32>,
      %get3A_2830 = vector.shape_cast %get3A_2829 : vector<1x16xf32> to vector<16xf32>
      %add3A_2831 = arith.addf %add3A_2807, %get3A_2830 : vector<16xf32>
      %get3A_2832 = arith.constant 14 : i32
      %get3A_2833 = arith.index_cast %get3A_2832 : i32 to index
      %get3A_2834 = arith.constant 16 : index
      %get3A_2835 = tpu.vector_load %arg7[%get3A_2833, %get3A_2834] {strides = array<i32>} : memref<100x64xf32, #tpu.memory_space<vmem>>, vector<1x16xf32>,
      %get3A_2836 = vector.shape_cast %get3A_2835 : vector<1x16xf32> to vector<16xf32>
      %add3A_2837 = arith.addf %add3A_2813, %get3A_2836 : vector<16xf32>
      %get3A_2838 = arith.constant 14 : i32
      %get3A_2839 = arith.index_cast %get3A_2838 : i32 to index
      %get3A_2840 = arith.constant 32 : index
      %get3A_2841 = tpu.vector_load %arg7[%get3A_2839, %get3A_2840] {strides = array<i32>} : memref<100x64xf32, #tpu.memory_space<vmem>>, vector<1x16xf32>,
      %get3A_2842 = vector.shape_cast %get3A_2841 : vector<1x16xf32> to vector<16xf32>
      %add3A_2843 = arith.addf %add3A_2819, %get3A_2842 : vector<16xf32>
      %get3A_2844 = arith.constant 14 : i32
      %get3A_2845 = arith.index_cast %get3A_2844 : i32 to index
      %get3A_2846 = arith.constant 48 : index
      %get3A_2847 = tpu.vector_load %arg7[%get3A_2845, %get3A_2846] {strides = array<i32>} : memref<100x64xf32, #tpu.memory_space<vmem>>, vector<1x16xf32>,
      %get3A_2848 = vector.shape_cast %get3A_2847 : vector<1x16xf32> to vector<16xf32>
      %add3A_2849 = arith.addf %add3A_2825, %get3A_2848 : vector<16xf32>
      %get3A_2850 = arith.constant 15 : i32
      %get3A_2851 = arith.index_cast %get3A_2850 : i32 to index
      %get3A_2852 = arith.constant 0 : index
      %get3A_2853 = tpu.vector_load %arg7[%get3A_2851, %get3A_2852] {strides = array<i32>} : memref<100x64xf32, #tpu.memory_space<vmem>>, vector<1x16xf32>,
      %get3A_2854 = vector.shape_cast %get3A_2853 : vector<1x16xf32> to vector<16xf32>
      %add3A_2855 = arith.addf %add3A_2831, %get3A_2854 : vector<16xf32>
      %get3A_2856 = arith.constant 15 : i32
      %get3A_2857 = arith.index_cast %get3A_2856 : i32 to index
      %get3A_2858 = arith.constant 16 : index
      %get3A_2859 = tpu.vector_load %arg7[%get3A_2857, %get3A_2858] {strides = array<i32>} : memref<100x64xf32, #tpu.memory_space<vmem>>, vector<1x16xf32>,
      %get3A_2860 = vector.shape_cast %get3A_2859 : vector<1x16xf32> to vector<16xf32>
      %add3A_2861 = arith.addf %add3A_2837, %get3A_2860 : vector<16xf32>
      %get3A_2862 = arith.constant 15 : i32
      %get3A_2863 = arith.index_cast %get3A_2862 : i32 to index
      %get3A_2864 = arith.constant 32 : index
      %get3A_2865 = tpu.vector_load %arg7[%get3A_2863, %get3A_2864] {strides = array<i32>} : memref<100x64xf32, #tpu.memory_space<vmem>>, vector<1x16xf32>,
      %get3A_2866 = vector.shape_cast %get3A_2865 : vector<1x16xf32> to vector<16xf32>
      %add3A_2867 = arith.addf %add3A_2843, %get3A_2866 : vector<16xf32>
      %get3A_2868 = arith.constant 15 : i32
      %get3A_2869 = arith.index_cast %get3A_2868 : i32 to index
      %get3A_2870 = arith.constant 48 : index
      %get3A_2871 = tpu.vector_load %arg7[%get3A_2869, %get3A_2870] {strides = array<i32>} : memref<100x64xf32, #tpu.memory_space<vmem>>, vector<1x16xf32>,
      %get3A_2872 = vector.shape_cast %get3A_2871 : vector<1x16xf32> to vector<16xf32>
      %add3A_2873 = arith.addf %add3A_2849, %get3A_2872 : vector<16xf32>
      %get3A_2874 = arith.constant 16 : i32
      %get3A_2875 = arith.index_cast %get3A_2874 : i32 to index
      %get3A_2876 = arith.constant 0 : index
      %get3A_2877 = tpu.vector_load %arg7[%get3A_2875, %get3A_2876] {strides = array<i32>} : memref<100x64xf32, #tpu.memory_space<vmem>>, vector<1x16xf32>,
      %get3A_2878 = vector.shape_cast %get3A_2877 : vector<1x16xf32> to vector<16xf32>
      %add3A_2879 = arith.addf %add3A_2855, %get3A_2878 : vector<16xf32>
      %get3A_2880 = arith.constant 16 : i32
      %get3A_2881 = arith.index_cast %get3A_2880 : i32 to index
      %get3A_2882 = arith.constant 16 : index
      %get3A_2883 = tpu.vector_load %arg7[%get3A_2881, %get3A_2882] {strides = array<i32>} : memref<100x64xf32, #tpu.memory_space<vmem>>, vector<1x16xf32>,
      %get3A_2884 = vector.shape_cast %get3A_2883 : vector<1x16xf32> to vector<16xf32>
      %add3A_2885 = arith.addf %add3A_2861, %get3A_2884 : vector<16xf32>
      %get3A_2886 = arith.constant 16 : i32
      %get3A_2887 = arith.index_cast %get3A_2886 : i32 to index
      %get3A_2888 = arith.constant 32 : index
      %get3A_2889 = tpu.vector_load %arg7[%get3A_2887, %get3A_2888] {strides = array<i32>} : memref<100x64xf32, #tpu.memory_space<vmem>>, vector<1x16xf32>,
      %get3A_2890 = vector.shape_cast %get3A_2889 : vector<1x16xf32> to vector<16xf32>
      %add3A_2891 = arith.addf %add3A_2867, %get3A_2890 : vector<16xf32>
      %get3A_2892 = arith.constant 16 : i32
      %get3A_2893 = arith.index_cast %get3A_2892 : i32 to index
      %get3A_2894 = arith.constant 48 : index
      %get3A_2895 = tpu.vector_load %arg7[%get3A_2893, %get3A_2894] {strides = array<i32>} : memref<100x64xf32, #tpu.memory_space<vmem>>, vector<1x16xf32>,
      %get3A_2896 = vector.shape_cast %get3A_2895 : vector<1x16xf32> to vector<16xf32>
      %add3A_2897 = arith.addf %add3A_2873, %get3A_2896 : vector<16xf32>
      %get3A_2898 = arith.constant 17 : i32
      %get3A_2899 = arith.index_cast %get3A_2898 : i32 to index
      %get3A_2900 = arith.constant 0 : index
      %get3A_2901 = tpu.vector_load %arg7[%get3A_2899, %get3A_2900] {strides = array<i32>} : memref<100x64xf32, #tpu.memory_space<vmem>>, vector<1x16xf32>,
      %get3A_2902 = vector.shape_cast %get3A_2901 : vector<1x16xf32> to vector<16xf32>
      %add3A_2903 = arith.addf %add3A_2879, %get3A_2902 : vector<16xf32>
      %get3A_2904 = arith.constant 17 : i32
      %get3A_2905 = arith.index_cast %get3A_2904 : i32 to index
      %get3A_2906 = arith.constant 16 : index
      %get3A_2907 = tpu.vector_load %arg7[%get3A_2905, %get3A_2906] {strides = array<i32>} : memref<100x64xf32, #tpu.memory_space<vmem>>, vector<1x16xf32>,
      %get3A_2908 = vector.shape_cast %get3A_2907 : vector<1x16xf32> to vector<16xf32>
      %add3A_2909 = arith.addf %add3A_2885, %get3A_2908 : vector<16xf32>
      %get3A_2910 = arith.constant 17 : i32
      %get3A_2911 = arith.index_cast %get3A_2910 : i32 to index
      %get3A_2912 = arith.constant 32 : index
      %get3A_2913 = tpu.vector_load %arg7[%get3A_2911, %get3A_2912] {strides = array<i32>} : memref<100x64xf32, #tpu.memory_space<vmem>>, vector<1x16xf32>,
      %get3A_2914 = vector.shape_cast %get3A_2913 : vector<1x16xf32> to vector<16xf32>
      %add3A_2915 = arith.addf %add3A_2891, %get3A_2914 : vector<16xf32>
      %get3A_2916 = arith.constant 17 : i32
      %get3A_2917 = arith.index_cast %get3A_2916 : i32 to index
      %get3A_2918 = arith.constant 48 : index
      %get3A_2919 = tpu.vector_load %arg7[%get3A_2917, %get3A_2918] {strides = array<i32>} : memref<100x64xf32, #tpu.memory_space<vmem>>, vector<1x16xf32>,
      %get3A_2920 = vector.shape_cast %get3A_2919 : vector<1x16xf32> to vector<16xf32>
      %add3A_2921 = arith.addf %add3A_2897, %get3A_2920 : vector<16xf32>
      %get3A_2922 = arith.constant 18 : i32
      %get3A_2923 = arith.index_cast %get3A_2922 : i32 to index
      %get3A_2924 = arith.constant 0 : index
      %get3A_2925 = tpu.vector_load %arg7[%get3A_2923, %get3A_2924] {strides = array<i32>} : memref<100x64xf32, #tpu.memory_space<vmem>>, vector<1x16xf32>,
      %get3A_2926 = vector.shape_cast %get3A_2925 : vector<1x16xf32> to vector<16xf32>
      %add3A_2927 = arith.addf %add3A_2903, %get3A_2926 : vector<16xf32>
      %get3A_2928 = arith.constant 18 : i32
      %get3A_2929 = arith.index_cast %get3A_2928 : i32 to index
      %get3A_2930 = arith.constant 16 : index
      %get3A_2931 = tpu.vector_load %arg7[%get3A_2929, %get3A_2930] {strides = array<i32>} : memref<100x64xf32, #tpu.memory_space<vmem>>, vector<1x16xf32>,
      %get3A_2932 = vector.shape_cast %get3A_2931 : vector<1x16xf32> to vector<16xf32>
      %add3A_2933 = arith.addf %add3A_2909, %get3A_2932 : vector<16xf32>
      %get3A_2934 = arith.constant 18 : i32
      %get3A_2935 = arith.index_cast %get3A_2934 : i32 to index
      %get3A_2936 = arith.constant 32 : index
      %get3A_2937 = tpu.vector_load %arg7[%get3A_2935, %get3A_2936] {strides = array<i32>} : memref<100x64xf32, #tpu.memory_space<vmem>>, vector<1x16xf32>,
      %get3A_2938 = vector.shape_cast %get3A_2937 : vector<1x16xf32> to vector<16xf32>
      %add3A_2939 = arith.addf %add3A_2915, %get3A_2938 : vector<16xf32>
      %get3A_2940 = arith.constant 18 : i32
      %get3A_2941 = arith.index_cast %get3A_2940 : i32 to index
      %get3A_2942 = arith.constant 48 : index
      %get3A_2943 = tpu.vector_load %arg7[%get3A_2941, %get3A_2942] {strides = array<i32>} : memref<100x64xf32, #tpu.memory_space<vmem>>, vector<1x16xf32>,
      %get3A_2944 = vector.shape_cast %get3A_2943 : vector<1x16xf32> to vector<16xf32>
      %add3A_2945 = arith.addf %add3A_2921, %get3A_2944 : vector<16xf32>
      %get3A_2946 = arith.constant 19 : i32
      %get3A_2947 = arith.index_cast %get3A_2946 : i32 to index
      %get3A_2948 = arith.constant 0 : index
      %get3A_2949 = tpu.vector_load %arg7[%get3A_2947, %get3A_2948] {strides = array<i32>} : memref<100x64xf32, #tpu.memory_space<vmem>>, vector<1x16xf32>,
      %get3A_2950 = vector.shape_cast %get3A_2949 : vector<1x16xf32> to vector<16xf32>
      %add3A_2951 = arith.addf %add3A_2927, %get3A_2950 : vector<16xf32>
      %get3A_2952 = arith.constant 19 : i32
      %get3A_2953 = arith.index_cast %get3A_2952 : i32 to index
      %get3A_2954 = arith.constant 16 : index
      %get3A_2955 = tpu.vector_load %arg7[%get3A_2953, %get3A_2954] {strides = array<i32>} : memref<100x64xf32, #tpu.memory_space<vmem>>, vector<1x16xf32>,
      %get3A_2956 = vector.shape_cast %get3A_2955 : vector<1x16xf32> to vector<16xf32>
      %add3A_2957 = arith.addf %add3A_2933, %get3A_2956 : vector<16xf32>
      %get3A_2958 = arith.constant 19 : i32
      %get3A_2959 = arith.index_cast %get3A_2958 : i32 to index
      %get3A_2960 = arith.constant 32 : index
      %get3A_2961 = tpu.vector_load %arg7[%get3A_2959, %get3A_2960] {strides = array<i32>} : memref<100x64xf32, #tpu.memory_space<vmem>>, vector<1x16xf32>,
      %get3A_2962 = vector.shape_cast %get3A_2961 : vector<1x16xf32> to vector<16xf32>
      %add3A_2963 = arith.addf %add3A_2939, %get3A_2962 : vector<16xf32>
      %get3A_2964 = arith.constant 19 : i32
      %get3A_2965 = arith.index_cast %get3A_2964 : i32 to index
      %get3A_2966 = arith.constant 48 : index
      %get3A_2967 = tpu.vector_load %arg7[%get3A_2965, %get3A_2966] {strides = array<i32>} : memref<100x64xf32, #tpu.memory_space<vmem>>, vector<1x16xf32>,
      %get3A_2968 = vector.shape_cast %get3A_2967 : vector<1x16xf32> to vector<16xf32>
      %add3A_2969 = arith.addf %add3A_2945, %get3A_2968 : vector<16xf32>
      %get3A_2970 = arith.constant 20 : i32
      %get3A_2971 = arith.index_cast %get3A_2970 : i32 to index
      %get3A_2972 = arith.constant 0 : index
      %get3A_2973 = tpu.vector_load %arg7[%get3A_2971, %get3A_2972] {strides = array<i32>} : memref<100x64xf32, #tpu.memory_space<vmem>>, vector<1x16xf32>,
      %get3A_2974 = vector.shape_cast %get3A_2973 : vector<1x16xf32> to vector<16xf32>
      %add3A_2975 = arith.addf %add3A_2951, %get3A_2974 : vector<16xf32>
      %get3A_2976 = arith.constant 20 : i32
      %get3A_2977 = arith.index_cast %get3A_2976 : i32 to index
      %get3A_2978 = arith.constant 16 : index
      %get3A_2979 = tpu.vector_load %arg7[%get3A_2977, %get3A_2978] {strides = array<i32>} : memref<100x64xf32, #tpu.memory_space<vmem>>, vector<1x16xf32>,
      %get3A_2980 = vector.shape_cast %get3A_2979 : vector<1x16xf32> to vector<16xf32>
      %add3A_2981 = arith.addf %add3A_2957, %get3A_2980 : vector<16xf32>
      %get3A_2982 = arith.constant 20 : i32
      %get3A_2983 = arith.index_cast %get3A_2982 : i32 to index
      %get3A_2984 = arith.constant 32 : index
      %get3A_2985 = tpu.vector_load %arg7[%get3A_2983, %get3A_2984] {strides = array<i32>} : memref<100x64xf32, #tpu.memory_space<vmem>>, vector<1x16xf32>,
      %get3A_2986 = vector.shape_cast %get3A_2985 : vector<1x16xf32> to vector<16xf32>
      %add3A_2987 = arith.addf %add3A_2963, %get3A_2986 : vector<16xf32>
      %get3A_2988 = arith.constant 20 : i32
      %get3A_2989 = arith.index_cast %get3A_2988 : i32 to index
      %get3A_2990 = arith.constant 48 : index
      %get3A_2991 = tpu.vector_load %arg7[%get3A_2989, %get3A_2990] {strides = array<i32>} : memref<100x64xf32, #tpu.memory_space<vmem>>, vector<1x16xf32>,
      %get3A_2992 = vector.shape_cast %get3A_2991 : vector<1x16xf32> to vector<16xf32>
      %add3A_2993 = arith.addf %add3A_2969, %get3A_2992 : vector<16xf32>
      %get3A_2994 = arith.constant 21 : i32
      %get3A_2995 = arith.index_cast %get3A_2994 : i32 to index
      %get3A_2996 = arith.constant 0 : index
      %get3A_2997 = tpu.vector_load %arg7[%get3A_2995, %get3A_2996] {strides = array<i32>} : memref<100x64xf32, #tpu.memory_space<vmem>>, vector<1x16xf32>,
      %get3A_2998 = vector.shape_cast %get3A_2997 : vector<1x16xf32> to vector<16xf32>
      %add3A_2999 = arith.addf %add3A_2975, %get3A_2998 : vector<16xf32>
      %get3A_3000 = arith.constant 21 : i32
      %get3A_3001 = arith.index_cast %get3A_3000 : i32 to index
      %get3A_3002 = arith.constant 16 : index
      %get3A_3003 = tpu.vector_load %arg7[%get3A_3001, %get3A_3002] {strides = array<i32>} : memref<100x64xf32, #tpu.memory_space<vmem>>, vector<1x16xf32>,
      %get3A_3004 = vector.shape_cast %get3A_3003 : vector<1x16xf32> to vector<16xf32>
      %add3A_3005 = arith.addf %add3A_2981, %get3A_3004 : vector<16xf32>
      %get3A_3006 = arith.constant 21 : i32
      %get3A_3007 = arith.index_cast %get3A_3006 : i32 to index
      %get3A_3008 = arith.constant 32 : index
      %get3A_3009 = tpu.vector_load %arg7[%get3A_3007, %get3A_3008] {strides = array<i32>} : memref<100x64xf32, #tpu.memory_space<vmem>>, vector<1x16xf32>,
      %get3A_3010 = vector.shape_cast %get3A_3009 : vector<1x16xf32> to vector<16xf32>
      %add3A_3011 = arith.addf %add3A_2987, %get3A_3010 : vector<16xf32>
      %get3A_3012 = arith.constant 21 : i32
      %get3A_3013 = arith.index_cast %get3A_3012 : i32 to index
      %get3A_3014 = arith.constant 48 : index
      %get3A_3015 = tpu.vector_load %arg7[%get3A_3013, %get3A_3014] {strides = array<i32>} : memref<100x64xf32, #tpu.memory_space<vmem>>, vector<1x16xf32>,
      %get3A_3016 = vector.shape_cast %get3A_3015 : vector<1x16xf32> to vector<16xf32>
      %add3A_3017 = arith.addf %add3A_2993, %get3A_3016 : vector<16xf32>
      %get3A_3018 = arith.constant 22 : i32
      %get3A_3019 = arith.index_cast %get3A_3018 : i32 to index
      %get3A_3020 = arith.constant 0 : index
      %get3A_3021 = tpu.vector_load %arg7[%get3A_3019, %get3A_3020] {strides = array<i32>} : memref<100x64xf32, #tpu.memory_space<vmem>>, vector<1x16xf32>,
      %get3A_3022 = vector.shape_cast %get3A_3021 : vector<1x16xf32> to vector<16xf32>
      %add3A_3023 = arith.addf %add3A_2999, %get3A_3022 : vector<16xf32>
      %get3A_3024 = arith.constant 22 : i32
      %get3A_3025 = arith.index_cast %get3A_3024 : i32 to index
      %get3A_3026 = arith.constant 16 : index
      %get3A_3027 = tpu.vector_load %arg7[%get3A_3025, %get3A_3026] {strides = array<i32>} : memref<100x64xf32, #tpu.memory_space<vmem>>, vector<1x16xf32>,
      %get3A_3028 = vector.shape_cast %get3A_3027 : vector<1x16xf32> to vector<16xf32>
      %add3A_3029 = arith.addf %add3A_3005, %get3A_3028 : vector<16xf32>
      %get3A_3030 = arith.constant 22 : i32
      %get3A_3031 = arith.index_cast %get3A_3030 : i32 to index
      %get3A_3032 = arith.constant 32 : index
      %get3A_3033 = tpu.vector_load %arg7[%get3A_3031, %get3A_3032] {strides = array<i32>} : memref<100x64xf32, #tpu.memory_space<vmem>>, vector<1x16xf32>,
      %get3A_3034 = vector.shape_cast %get3A_3033 : vector<1x16xf32> to vector<16xf32>
      %add3A_3035 = arith.addf %add3A_3011, %get3A_3034 : vector<16xf32>
      %get3A_3036 = arith.constant 22 : i32
      %get3A_3037 = arith.index_cast %get3A_3036 : i32 to index
      %get3A_3038 = arith.constant 48 : index
      %get3A_3039 = tpu.vector_load %arg7[%get3A_3037, %get3A_3038] {strides = array<i32>} : memref<100x64xf32, #tpu.memory_space<vmem>>, vector<1x16xf32>,
      %get3A_3040 = vector.shape_cast %get3A_3039 : vector<1x16xf32> to vector<16xf32>
      %add3A_3041 = arith.addf %add3A_3017, %get3A_3040 : vector<16xf32>
      %get3A_3042 = arith.constant 23 : i32
      %get3A_3043 = arith.index_cast %get3A_3042 : i32 to index
      %get3A_3044 = arith.constant 0 : index
      %get3A_3045 = tpu.vector_load %arg7[%get3A_3043, %get3A_3044] {strides = array<i32>} : memref<100x64xf32, #tpu.memory_space<vmem>>, vector<1x16xf32>,
      %get3A_3046 = vector.shape_cast %get3A_3045 : vector<1x16xf32> to vector<16xf32>
      %add3A_3047 = arith.addf %add3A_3023, %get3A_3046 : vector<16xf32>
      %get3A_3048 = arith.constant 23 : i32
      %get3A_3049 = arith.index_cast %get3A_3048 : i32 to index
      %get3A_3050 = arith.constant 16 : index
      %get3A_3051 = tpu.vector_load %arg7[%get3A_3049, %get3A_3050] {strides = array<i32>} : memref<100x64xf32, #tpu.memory_space<vmem>>, vector<1x16xf32>,
      %get3A_3052 = vector.shape_cast %get3A_3051 : vector<1x16xf32> to vector<16xf32>
      %add3A_3053 = arith.addf %add3A_3029, %get3A_3052 : vector<16xf32>
      %get3A_3054 = arith.constant 23 : i32
      %get3A_3055 = arith.index_cast %get3A_3054 : i32 to index
      %get3A_3056 = arith.constant 32 : index
      %get3A_3057 = tpu.vector_load %arg7[%get3A_3055, %get3A_3056] {strides = array<i32>} : memref<100x64xf32, #tpu.memory_space<vmem>>, vector<1x16xf32>,
      %get3A_3058 = vector.shape_cast %get3A_3057 : vector<1x16xf32> to vector<16xf32>
      %add3A_3059 = arith.addf %add3A_3035, %get3A_3058 : vector<16xf32>
      %get3A_3060 = arith.constant 23 : i32
      %get3A_3061 = arith.index_cast %get3A_3060 : i32 to index
      %get3A_3062 = arith.constant 48 : index
      %get3A_3063 = tpu.vector_load %arg7[%get3A_3061, %get3A_3062] {strides = array<i32>} : memref<100x64xf32, #tpu.memory_space<vmem>>, vector<1x16xf32>,
      %get3A_3064 = vector.shape_cast %get3A_3063 : vector<1x16xf32> to vector<16xf32>
      %add3A_3065 = arith.addf %add3A_3041, %get3A_3064 : vector<16xf32>
      %get3A_3066 = arith.constant 24 : i32
      %get3A_3067 = arith.index_cast %get3A_3066 : i32 to index
      %get3A_3068 = arith.constant 0 : index
      %get3A_3069 = tpu.vector_load %arg7[%get3A_3067, %get3A_3068] {strides = array<i32>} : memref<100x64xf32, #tpu.memory_space<vmem>>, vector<1x16xf32>,
      %get3A_3070 = vector.shape_cast %get3A_3069 : vector<1x16xf32> to vector<16xf32>
      %add3A_3071 = arith.addf %add3A_3047, %get3A_3070 : vector<16xf32>
      %get3A_3072 = arith.constant 24 : i32
      %get3A_3073 = arith.index_cast %get3A_3072 : i32 to index
      %get3A_3074 = arith.constant 16 : index
      %get3A_3075 = tpu.vector_load %arg7[%get3A_3073, %get3A_3074] {strides = array<i32>} : memref<100x64xf32, #tpu.memory_space<vmem>>, vector<1x16xf32>,
      %get3A_3076 = vector.shape_cast %get3A_3075 : vector<1x16xf32> to vector<16xf32>
      %add3A_3077 = arith.addf %add3A_3053, %get3A_3076 : vector<16xf32>
      %get3A_3078 = arith.constant 24 : i32
      %get3A_3079 = arith.index_cast %get3A_3078 : i32 to index
      %get3A_3080 = arith.constant 32 : index
      %get3A_3081 = tpu.vector_load %arg7[%get3A_3079, %get3A_3080] {strides = array<i32>} : memref<100x64xf32, #tpu.memory_space<vmem>>, vector<1x16xf32>,
      %get3A_3082 = vector.shape_cast %get3A_3081 : vector<1x16xf32> to vector<16xf32>
      %add3A_3083 = arith.addf %add3A_3059, %get3A_3082 : vector<16xf32>
      %get3A_3084 = arith.constant 24 : i32
      %get3A_3085 = arith.index_cast %get3A_3084 : i32 to index
      %get3A_3086 = arith.constant 48 : index
      %get3A_3087 = tpu.vector_load %arg7[%get3A_3085, %get3A_3086] {strides = array<i32>} : memref<100x64xf32, #tpu.memory_space<vmem>>, vector<1x16xf32>,
      %get3A_3088 = vector.shape_cast %get3A_3087 : vector<1x16xf32> to vector<16xf32>
      %add3A_3089 = arith.addf %add3A_3065, %get3A_3088 : vector<16xf32>
      %get3A_3090 = arith.constant 25 : i32
      %get3A_3091 = arith.index_cast %get3A_3090 : i32 to index
      %get3A_3092 = arith.constant 0 : index
      %get3A_3093 = tpu.vector_load %arg7[%get3A_3091, %get3A_3092] {strides = array<i32>} : memref<100x64xf32, #tpu.memory_space<vmem>>, vector<1x16xf32>,
      %get3A_3094 = vector.shape_cast %get3A_3093 : vector<1x16xf32> to vector<16xf32>
      %add3A_3095 = arith.addf %add3A_3071, %get3A_3094 : vector<16xf32>
      %get3A_3096 = arith.constant 25 : i32
      %get3A_3097 = arith.index_cast %get3A_3096 : i32 to index
      %get3A_3098 = arith.constant 16 : index
      %get3A_3099 = tpu.vector_load %arg7[%get3A_3097, %get3A_3098] {strides = array<i32>} : memref<100x64xf32, #tpu.memory_space<vmem>>, vector<1x16xf32>,
      %get3A_3100 = vector.shape_cast %get3A_3099 : vector<1x16xf32> to vector<16xf32>
      %add3A_3101 = arith.addf %add3A_3077, %get3A_3100 : vector<16xf32>
      %get3A_3102 = arith.constant 25 : i32
      %get3A_3103 = arith.index_cast %get3A_3102 : i32 to index
      %get3A_3104 = arith.constant 32 : index
      %get3A_3105 = tpu.vector_load %arg7[%get3A_3103, %get3A_3104] {strides = array<i32>} : memref<100x64xf32, #tpu.memory_space<vmem>>, vector<1x16xf32>,
      %get3A_3106 = vector.shape_cast %get3A_3105 : vector<1x16xf32> to vector<16xf32>
      %add3A_3107 = arith.addf %add3A_3083, %get3A_3106 : vector<16xf32>
      %get3A_3108 = arith.constant 25 : i32
      %get3A_3109 = arith.index_cast %get3A_3108 : i32 to index
      %get3A_3110 = arith.constant 48 : index
      %get3A_3111 = tpu.vector_load %arg7[%get3A_3109, %get3A_3110] {strides = array<i32>} : memref<100x64xf32, #tpu.memory_space<vmem>>, vector<1x16xf32>,
      %get3A_3112 = vector.shape_cast %get3A_3111 : vector<1x16xf32> to vector<16xf32>
      %add3A_3113 = arith.addf %add3A_3089, %get3A_3112 : vector<16xf32>
      %get3A_3114 = arith.constant 26 : i32
      %get3A_3115 = arith.index_cast %get3A_3114 : i32 to index
      %get3A_3116 = arith.constant 0 : index
      %get3A_3117 = tpu.vector_load %arg7[%get3A_3115, %get3A_3116] {strides = array<i32>} : memref<100x64xf32, #tpu.memory_space<vmem>>, vector<1x16xf32>,
      %get3A_3118 = vector.shape_cast %get3A_3117 : vector<1x16xf32> to vector<16xf32>
      %add3A_3119 = arith.addf %add3A_3095, %get3A_3118 : vector<16xf32>
      %get3A_3120 = arith.constant 26 : i32
      %get3A_3121 = arith.index_cast %get3A_3120 : i32 to index
      %get3A_3122 = arith.constant 16 : index
      %get3A_3123 = tpu.vector_load %arg7[%get3A_3121, %get3A_3122] {strides = array<i32>} : memref<100x64xf32, #tpu.memory_space<vmem>>, vector<1x16xf32>,
      %get3A_3124 = vector.shape_cast %get3A_3123 : vector<1x16xf32> to vector<16xf32>
      %add3A_3125 = arith.addf %add3A_3101, %get3A_3124 : vector<16xf32>
      %get3A_3126 = arith.constant 26 : i32
      %get3A_3127 = arith.index_cast %get3A_3126 : i32 to index
      %get3A_3128 = arith.constant 32 : index
      %get3A_3129 = tpu.vector_load %arg7[%get3A_3127, %get3A_3128] {strides = array<i32>} : memref<100x64xf32, #tpu.memory_space<vmem>>, vector<1x16xf32>,
      %get3A_3130 = vector.shape_cast %get3A_3129 : vector<1x16xf32> to vector<16xf32>
      %add3A_3131 = arith.addf %add3A_3107, %get3A_3130 : vector<16xf32>
      %get3A_3132 = arith.constant 26 : i32
      %get3A_3133 = arith.index_cast %get3A_3132 : i32 to index
      %get3A_3134 = arith.constant 48 : index
      %get3A_3135 = tpu.vector_load %arg7[%get3A_3133, %get3A_3134] {strides = array<i32>} : memref<100x64xf32, #tpu.memory_space<vmem>>, vector<1x16xf32>,
      %get3A_3136 = vector.shape_cast %get3A_3135 : vector<1x16xf32> to vector<16xf32>
      %add3A_3137 = arith.addf %add3A_3113, %get3A_3136 : vector<16xf32>
      %get3A_3138 = arith.constant 27 : i32
      %get3A_3139 = arith.index_cast %get3A_3138 : i32 to index
      %get3A_3140 = arith.constant 0 : index
      %get3A_3141 = tpu.vector_load %arg7[%get3A_3139, %get3A_3140] {strides = array<i32>} : memref<100x64xf32, #tpu.memory_space<vmem>>, vector<1x16xf32>,
      %get3A_3142 = vector.shape_cast %get3A_3141 : vector<1x16xf32> to vector<16xf32>
      %add3A_3143 = arith.addf %add3A_3119, %get3A_3142 : vector<16xf32>
      %get3A_3144 = arith.constant 27 : i32
      %get3A_3145 = arith.index_cast %get3A_3144 : i32 to index
      %get3A_3146 = arith.constant 16 : index
      %get3A_3147 = tpu.vector_load %arg7[%get3A_3145, %get3A_3146] {strides = array<i32>} : memref<100x64xf32, #tpu.memory_space<vmem>>, vector<1x16xf32>,
      %get3A_3148 = vector.shape_cast %get3A_3147 : vector<1x16xf32> to vector<16xf32>
      %add3A_3149 = arith.addf %add3A_3125, %get3A_3148 : vector<16xf32>
      %get3A_3150 = arith.constant 27 : i32
      %get3A_3151 = arith.index_cast %get3A_3150 : i32 to index
      %get3A_3152 = arith.constant 32 : index
      %get3A_3153 = tpu.vector_load %arg7[%get3A_3151, %get3A_3152] {strides = array<i32>} : memref<100x64xf32, #tpu.memory_space<vmem>>, vector<1x16xf32>,
      %get3A_3154 = vector.shape_cast %get3A_3153 : vector<1x16xf32> to vector<16xf32>
      %add3A_3155 = arith.addf %add3A_3131, %get3A_3154 : vector<16xf32>
      %get3A_3156 = arith.constant 27 : i32
      %get3A_3157 = arith.index_cast %get3A_3156 : i32 to index
      %get3A_3158 = arith.constant 48 : index
      %get3A_3159 = tpu.vector_load %arg7[%get3A_3157, %get3A_3158] {strides = array<i32>} : memref<100x64xf32, #tpu.memory_space<vmem>>, vector<1x16xf32>,
      %get3A_3160 = vector.shape_cast %get3A_3159 : vector<1x16xf32> to vector<16xf32>
      %add3A_3161 = arith.addf %add3A_3137, %get3A_3160 : vector<16xf32>
      %get3A_3162 = arith.constant 28 : i32
      %get3A_3163 = arith.index_cast %get3A_3162 : i32 to index
      %get3A_3164 = arith.constant 0 : index
      %get3A_3165 = tpu.vector_load %arg7[%get3A_3163, %get3A_3164] {strides = array<i32>} : memref<100x64xf32, #tpu.memory_space<vmem>>, vector<1x16xf32>,
      %get3A_3166 = vector.shape_cast %get3A_3165 : vector<1x16xf32> to vector<16xf32>
      %add3A_3167 = arith.addf %add3A_3143, %get3A_3166 : vector<16xf32>
      %get3A_3168 = arith.constant 28 : i32
      %get3A_3169 = arith.index_cast %get3A_3168 : i32 to index
      %get3A_3170 = arith.constant 16 : index
      %get3A_3171 = tpu.vector_load %arg7[%get3A_3169, %get3A_3170] {strides = array<i32>} : memref<100x64xf32, #tpu.memory_space<vmem>>, vector<1x16xf32>,
      %get3A_3172 = vector.shape_cast %get3A_3171 : vector<1x16xf32> to vector<16xf32>
      %add3A_3173 = arith.addf %add3A_3149, %get3A_3172 : vector<16xf32>
      %get3A_3174 = arith.constant 28 : i32
      %get3A_3175 = arith.index_cast %get3A_3174 : i32 to index
      %get3A_3176 = arith.constant 32 : index
      %get3A_3177 = tpu.vector_load %arg7[%get3A_3175, %get3A_3176] {strides = array<i32>} : memref<100x64xf32, #tpu.memory_space<vmem>>, vector<1x16xf32>,
      %get3A_3178 = vector.shape_cast %get3A_3177 : vector<1x16xf32> to vector<16xf32>
      %add3A_3179 = arith.addf %add3A_3155, %get3A_3178 : vector<16xf32>
      %get3A_3180 = arith.constant 28 : i32
      %get3A_3181 = arith.index_cast %get3A_3180 : i32 to index
      %get3A_3182 = arith.constant 48 : index
      %get3A_3183 = tpu.vector_load %arg7[%get3A_3181, %get3A_3182] {strides = array<i32>} : memref<100x64xf32, #tpu.memory_space<vmem>>, vector<1x16xf32>,
      %get3A_3184 = vector.shape_cast %get3A_3183 : vector<1x16xf32> to vector<16xf32>
      %add3A_3185 = arith.addf %add3A_3161, %get3A_3184 : vector<16xf32>
      %get3A_3186 = arith.constant 29 : i32
      %get3A_3187 = arith.index_cast %get3A_3186 : i32 to index
      %get3A_3188 = arith.constant 0 : index
      %get3A_3189 = tpu.vector_load %arg7[%get3A_3187, %get3A_3188] {strides = array<i32>} : memref<100x64xf32, #tpu.memory_space<vmem>>, vector<1x16xf32>,
      %get3A_3190 = vector.shape_cast %get3A_3189 : vector<1x16xf32> to vector<16xf32>
      %add3A_3191 = arith.addf %add3A_3167, %get3A_3190 : vector<16xf32>
      %get3A_3192 = arith.constant 29 : i32
      %get3A_3193 = arith.index_cast %get3A_3192 : i32 to index
      %get3A_3194 = arith.constant 16 : index
      %get3A_3195 = tpu.vector_load %arg7[%get3A_3193, %get3A_3194] {strides = array<i32>} : memref<100x64xf32, #tpu.memory_space<vmem>>, vector<1x16xf32>,
      %get3A_3196 = vector.shape_cast %get3A_3195 : vector<1x16xf32> to vector<16xf32>
      %add3A_3197 = arith.addf %add3A_3173, %get3A_3196 : vector<16xf32>
      %get3A_3198 = arith.constant 29 : i32
      %get3A_3199 = arith.index_cast %get3A_3198 : i32 to index
      %get3A_3200 = arith.constant 32 : index
      %get3A_3201 = tpu.vector_load %arg7[%get3A_3199, %get3A_3200] {strides = array<i32>} : memref<100x64xf32, #tpu.memory_space<vmem>>, vector<1x16xf32>,
      %get3A_3202 = vector.shape_cast %get3A_3201 : vector<1x16xf32> to vector<16xf32>
      %add3A_3203 = arith.addf %add3A_3179, %get3A_3202 : vector<16xf32>
      %get3A_3204 = arith.constant 29 : i32
      %get3A_3205 = arith.index_cast %get3A_3204 : i32 to index
      %get3A_3206 = arith.constant 48 : index
      %get3A_3207 = tpu.vector_load %arg7[%get3A_3205, %get3A_3206] {strides = array<i32>} : memref<100x64xf32, #tpu.memory_space<vmem>>, vector<1x16xf32>,
      %get3A_3208 = vector.shape_cast %get3A_3207 : vector<1x16xf32> to vector<16xf32>
      %add3A_3209 = arith.addf %add3A_3185, %get3A_3208 : vector<16xf32>
      %get3A_3210 = arith.constant 30 : i32
      %get3A_3211 = arith.index_cast %get3A_3210 : i32 to index
      %get3A_3212 = arith.constant 0 : index
      %get3A_3213 = tpu.vector_load %arg7[%get3A_3211, %get3A_3212] {strides = array<i32>} : memref<100x64xf32, #tpu.memory_space<vmem>>, vector<1x16xf32>,
      %get3A_3214 = vector.shape_cast %get3A_3213 : vector<1x16xf32> to vector<16xf32>
      %add3A_3215 = arith.addf %add3A_3191, %get3A_3214 : vector<16xf32>
      %get3A_3216 = arith.constant 30 : i32
      %get3A_3217 = arith.index_cast %get3A_3216 : i32 to index
      %get3A_3218 = arith.constant 16 : index
      %get3A_3219 = tpu.vector_load %arg7[%get3A_3217, %get3A_3218] {strides = array<i32>} : memref<100x64xf32, #tpu.memory_space<vmem>>, vector<1x16xf32>,
      %get3A_3220 = vector.shape_cast %get3A_3219 : vector<1x16xf32> to vector<16xf32>
      %add3A_3221 = arith.addf %add3A_3197, %get3A_3220 : vector<16xf32>
      %get3A_3222 = arith.constant 30 : i32
      %get3A_3223 = arith.index_cast %get3A_3222 : i32 to index
      %get3A_3224 = arith.constant 32 : index
      %get3A_3225 = tpu.vector_load %arg7[%get3A_3223, %get3A_3224] {strides = array<i32>} : memref<100x64xf32, #tpu.memory_space<vmem>>, vector<1x16xf32>,
      %get3A_3226 = vector.shape_cast %get3A_3225 : vector<1x16xf32> to vector<16xf32>
      %add3A_3227 = arith.addf %add3A_3203, %get3A_3226 : vector<16xf32>
      %get3A_3228 = arith.constant 30 : i32
      %get3A_3229 = arith.index_cast %get3A_3228 : i32 to index
      %get3A_3230 = arith.constant 48 : index
      %get3A_3231 = tpu.vector_load %arg7[%get3A_3229, %get3A_3230] {strides = array<i32>} : memref<100x64xf32, #tpu.memory_space<vmem>>, vector<1x16xf32>,
      %get3A_3232 = vector.shape_cast %get3A_3231 : vector<1x16xf32> to vector<16xf32>
      %add3A_3233 = arith.addf %add3A_3209, %get3A_3232 : vector<16xf32>
      %get3A_3234 = arith.constant 31 : i32
      %get3A_3235 = arith.index_cast %get3A_3234 : i32 to index
      %get3A_3236 = arith.constant 0 : index
      %get3A_3237 = tpu.vector_load %arg7[%get3A_3235, %get3A_3236] {strides = array<i32>} : memref<100x64xf32, #tpu.memory_space<vmem>>, vector<1x16xf32>,
      %get3A_3238 = vector.shape_cast %get3A_3237 : vector<1x16xf32> to vector<16xf32>
      %add3A_3239 = arith.addf %add3A_3215, %get3A_3238 : vector<16xf32>
      %get3A_3240 = arith.constant 31 : i32
      %get3A_3241 = arith.index_cast %get3A_3240 : i32 to index
      %get3A_3242 = arith.constant 16 : index
      %get3A_3243 = tpu.vector_load %arg7[%get3A_3241, %get3A_3242] {strides = array<i32>} : memref<100x64xf32, #tpu.memory_space<vmem>>, vector<1x16xf32>,
      %get3A_3244 = vector.shape_cast %get3A_3243 : vector<1x16xf32> to vector<16xf32>
      %add3A_3245 = arith.addf %add3A_3221, %get3A_3244 : vector<16xf32>
      %get3A_3246 = arith.constant 31 : i32
      %get3A_3247 = arith.index_cast %get3A_3246 : i32 to index
      %get3A_3248 = arith.constant 32 : index
      %get3A_3249 = tpu.vector_load %arg7[%get3A_3247, %get3A_3248] {strides = array<i32>} : memref<100x64xf32, #tpu.memory_space<vmem>>, vector<1x16xf32>,
      %get3A_3250 = vector.shape_cast %get3A_3249 : vector<1x16xf32> to vector<16xf32>
      %add3A_3251 = arith.addf %add3A_3227, %get3A_3250 : vector<16xf32>
      %get3A_3252 = arith.constant 31 : i32
      %get3A_3253 = arith.index_cast %get3A_3252 : i32 to index
      %get3A_3254 = arith.constant 48 : index
      %get3A_3255 = tpu.vector_load %arg7[%get3A_3253, %get3A_3254] {strides = array<i32>} : memref<100x64xf32, #tpu.memory_space<vmem>>, vector<1x16xf32>,
      %get3A_3256 = vector.shape_cast %get3A_3255 : vector<1x16xf32> to vector<16xf32>
      %add3A_3257 = arith.addf %add3A_3233, %get3A_3256 : vector<16xf32>
      %get3A_3258 = arith.constant 32 : i32
      %get3A_3259 = arith.index_cast %get3A_3258 : i32 to index
      %get3A_3260 = arith.constant 0 : index
      %get3A_3261 = tpu.vector_load %arg7[%get3A_3259, %get3A_3260] {strides = array<i32>} : memref<100x64xf32, #tpu.memory_space<vmem>>, vector<1x16xf32>,
      %get3A_3262 = vector.shape_cast %get3A_3261 : vector<1x16xf32> to vector<16xf32>
      %add3A_3263 = arith.addf %add3A_3239, %get3A_3262 : vector<16xf32>
      %get3A_3264 = arith.constant 32 : i32
      %get3A_3265 = arith.index_cast %get3A_3264 : i32 to index
      %get3A_3266 = arith.constant 16 : index
      %get3A_3267 = tpu.vector_load %arg7[%get3A_3265, %get3A_3266] {strides = array<i32>} : memref<100x64xf32, #tpu.memory_space<vmem>>, vector<1x16xf32>,
      %get3A_3268 = vector.shape_cast %get3A_3267 : vector<1x16xf32> to vector<16xf32>
      %add3A_3269 = arith.addf %add3A_3245, %get3A_3268 : vector<16xf32>
      %get3A_3270 = arith.constant 32 : i32
      %get3A_3271 = arith.index_cast %get3A_3270 : i32 to index
      %get3A_3272 = arith.constant 32 : index
      %get3A_3273 = tpu.vector_load %arg7[%get3A_3271, %get3A_3272] {strides = array<i32>} : memref<100x64xf32, #tpu.memory_space<vmem>>, vector<1x16xf32>,
      %get3A_3274 = vector.shape_cast %get3A_3273 : vector<1x16xf32> to vector<16xf32>
      %add3A_3275 = arith.addf %add3A_3251, %get3A_3274 : vector<16xf32>
      %get3A_3276 = arith.constant 32 : i32
      %get3A_3277 = arith.index_cast %get3A_3276 : i32 to index
      %get3A_3278 = arith.constant 48 : index
      %get3A_3279 = tpu.vector_load %arg7[%get3A_3277, %get3A_3278] {strides = array<i32>} : memref<100x64xf32, #tpu.memory_space<vmem>>, vector<1x16xf32>,
      %get3A_3280 = vector.shape_cast %get3A_3279 : vector<1x16xf32> to vector<16xf32>
      %add3A_3281 = arith.addf %add3A_3257, %get3A_3280 : vector<16xf32>
      %get3A_3282 = arith.constant 33 : i32
      %get3A_3283 = arith.index_cast %get3A_3282 : i32 to index
      %get3A_3284 = arith.constant 0 : index
      %get3A_3285 = tpu.vector_load %arg7[%get3A_3283, %get3A_3284] {strides = array<i32>} : memref<100x64xf32, #tpu.memory_space<vmem>>, vector<1x16xf32>,
      %get3A_3286 = vector.shape_cast %get3A_3285 : vector<1x16xf32> to vector<16xf32>
      %add3A_3287 = arith.addf %add3A_3263, %get3A_3286 : vector<16xf32>
      %get3A_3288 = arith.constant 33 : i32
      %get3A_3289 = arith.index_cast %get3A_3288 : i32 to index
      %get3A_3290 = arith.constant 16 : index
      %get3A_3291 = tpu.vector_load %arg7[%get3A_3289, %get3A_3290] {strides = array<i32>} : memref<100x64xf32, #tpu.memory_space<vmem>>, vector<1x16xf32>,
      %get3A_3292 = vector.shape_cast %get3A_3291 : vector<1x16xf32> to vector<16xf32>
      %add3A_3293 = arith.addf %add3A_3269, %get3A_3292 : vector<16xf32>
      %get3A_3294 = arith.constant 33 : i32
      %get3A_3295 = arith.index_cast %get3A_3294 : i32 to index
      %get3A_3296 = arith.constant 32 : index
      %get3A_3297 = tpu.vector_load %arg7[%get3A_3295, %get3A_3296] {strides = array<i32>} : memref<100x64xf32, #tpu.memory_space<vmem>>, vector<1x16xf32>,
      %get3A_3298 = vector.shape_cast %get3A_3297 : vector<1x16xf32> to vector<16xf32>
      %add3A_3299 = arith.addf %add3A_3275, %get3A_3298 : vector<16xf32>
      %get3A_3300 = arith.constant 33 : i32
      %get3A_3301 = arith.index_cast %get3A_3300 : i32 to index
      %get3A_3302 = arith.constant 48 : index
      %get3A_3303 = tpu.vector_load %arg7[%get3A_3301, %get3A_3302] {strides = array<i32>} : memref<100x64xf32, #tpu.memory_space<vmem>>, vector<1x16xf32>,
      %get3A_3304 = vector.shape_cast %get3A_3303 : vector<1x16xf32> to vector<16xf32>
      %add3A_3305 = arith.addf %add3A_3281, %get3A_3304 : vector<16xf32>
      %get3A_3306 = arith.constant 34 : i32
      %get3A_3307 = arith.index_cast %get3A_3306 : i32 to index
      %get3A_3308 = arith.constant 0 : index
      %get3A_3309 = tpu.vector_load %arg7[%get3A_3307, %get3A_3308] {strides = array<i32>} : memref<100x64xf32, #tpu.memory_space<vmem>>, vector<1x16xf32>,
      %get3A_3310 = vector.shape_cast %get3A_3309 : vector<1x16xf32> to vector<16xf32>
      %add3A_3311 = arith.addf %add3A_3287, %get3A_3310 : vector<16xf32>
      %get3A_3312 = arith.constant 34 : i32
      %get3A_3313 = arith.index_cast %get3A_3312 : i32 to index
      %get3A_3314 = arith.constant 16 : index
      %get3A_3315 = tpu.vector_load %arg7[%get3A_3313, %get3A_3314] {strides = array<i32>} : memref<100x64xf32, #tpu.memory_space<vmem>>, vector<1x16xf32>,
      %get3A_3316 = vector.shape_cast %get3A_3315 : vector<1x16xf32> to vector<16xf32>
      %add3A_3317 = arith.addf %add3A_3293, %get3A_3316 : vector<16xf32>
      %get3A_3318 = arith.constant 34 : i32
      %get3A_3319 = arith.index_cast %get3A_3318 : i32 to index
      %get3A_3320 = arith.constant 32 : index
      %get3A_3321 = tpu.vector_load %arg7[%get3A_3319, %get3A_3320] {strides = array<i32>} : memref<100x64xf32, #tpu.memory_space<vmem>>, vector<1x16xf32>,
      %get3A_3322 = vector.shape_cast %get3A_3321 : vector<1x16xf32> to vector<16xf32>
      %add3A_3323 = arith.addf %add3A_3299, %get3A_3322 : vector<16xf32>
      %get3A_3324 = arith.constant 34 : i32
      %get3A_3325 = arith.index_cast %get3A_3324 : i32 to index
      %get3A_3326 = arith.constant 48 : index
      %get3A_3327 = tpu.vector_load %arg7[%get3A_3325, %get3A_3326] {strides = array<i32>} : memref<100x64xf32, #tpu.memory_space<vmem>>, vector<1x16xf32>,
      %get3A_3328 = vector.shape_cast %get3A_3327 : vector<1x16xf32> to vector<16xf32>
      %add3A_3329 = arith.addf %add3A_3305, %get3A_3328 : vector<16xf32>
      %get3A_3330 = arith.constant 35 : i32
      %get3A_3331 = arith.index_cast %get3A_3330 : i32 to index
      %get3A_3332 = arith.constant 0 : index
      %get3A_3333 = tpu.vector_load %arg7[%get3A_3331, %get3A_3332] {strides = array<i32>} : memref<100x64xf32, #tpu.memory_space<vmem>>, vector<1x16xf32>,
      %get3A_3334 = vector.shape_cast %get3A_3333 : vector<1x16xf32> to vector<16xf32>
      %add3A_3335 = arith.addf %add3A_3311, %get3A_3334 : vector<16xf32>
      %get3A_3336 = arith.constant 35 : i32
      %get3A_3337 = arith.index_cast %get3A_3336 : i32 to index
      %get3A_3338 = arith.constant 16 : index
      %get3A_3339 = tpu.vector_load %arg7[%get3A_3337, %get3A_3338] {strides = array<i32>} : memref<100x64xf32, #tpu.memory_space<vmem>>, vector<1x16xf32>,
      %get3A_3340 = vector.shape_cast %get3A_3339 : vector<1x16xf32> to vector<16xf32>
      %add3A_3341 = arith.addf %add3A_3317, %get3A_3340 : vector<16xf32>
      %get3A_3342 = arith.constant 35 : i32
      %get3A_3343 = arith.index_cast %get3A_3342 : i32 to index
      %get3A_3344 = arith.constant 32 : index
      %get3A_3345 = tpu.vector_load %arg7[%get3A_3343, %get3A_3344] {strides = array<i32>} : memref<100x64xf32, #tpu.memory_space<vmem>>, vector<1x16xf32>,
      %get3A_3346 = vector.shape_cast %get3A_3345 : vector<1x16xf32> to vector<16xf32>
      %add3A_3347 = arith.addf %add3A_3323, %get3A_3346 : vector<16xf32>
      %get3A_3348 = arith.constant 35 : i32
      %get3A_3349 = arith.index_cast %get3A_3348 : i32 to index
      %get3A_3350 = arith.constant 48 : index
      %get3A_3351 = tpu.vector_load %arg7[%get3A_3349, %get3A_3350] {strides = array<i32>} : memref<100x64xf32, #tpu.memory_space<vmem>>, vector<1x16xf32>,
      %get3A_3352 = vector.shape_cast %get3A_3351 : vector<1x16xf32> to vector<16xf32>
      %add3A_3353 = arith.addf %add3A_3329, %get3A_3352 : vector<16xf32>
      %get3A_3354 = arith.constant 36 : i32
      %get3A_3355 = arith.index_cast %get3A_3354 : i32 to index
      %get3A_3356 = arith.constant 0 : index
      %get3A_3357 = tpu.vector_load %arg7[%get3A_3355, %get3A_3356] {strides = array<i32>} : memref<100x64xf32, #tpu.memory_space<vmem>>, vector<1x16xf32>,
      %get3A_3358 = vector.shape_cast %get3A_3357 : vector<1x16xf32> to vector<16xf32>
      %add3A_3359 = arith.addf %add3A_3335, %get3A_3358 : vector<16xf32>
      %get3A_3360 = arith.constant 36 : i32
      %get3A_3361 = arith.index_cast %get3A_3360 : i32 to index
      %get3A_3362 = arith.constant 16 : index
      %get3A_3363 = tpu.vector_load %arg7[%get3A_3361, %get3A_3362] {strides = array<i32>} : memref<100x64xf32, #tpu.memory_space<vmem>>, vector<1x16xf32>,
      %get3A_3364 = vector.shape_cast %get3A_3363 : vector<1x16xf32> to vector<16xf32>
      %add3A_3365 = arith.addf %add3A_3341, %get3A_3364 : vector<16xf32>
      %get3A_3366 = arith.constant 36 : i32
      %get3A_3367 = arith.index_cast %get3A_3366 : i32 to index
      %get3A_3368 = arith.constant 32 : index
      %get3A_3369 = tpu.vector_load %arg7[%get3A_3367, %get3A_3368] {strides = array<i32>} : memref<100x64xf32, #tpu.memory_space<vmem>>, vector<1x16xf32>,
      %get3A_3370 = vector.shape_cast %get3A_3369 : vector<1x16xf32> to vector<16xf32>
      %add3A_3371 = arith.addf %add3A_3347, %get3A_3370 : vector<16xf32>
      %get3A_3372 = arith.constant 36 : i32
      %get3A_3373 = arith.index_cast %get3A_3372 : i32 to index
      %get3A_3374 = arith.constant 48 : index
      %get3A_3375 = tpu.vector_load %arg7[%get3A_3373, %get3A_3374] {strides = array<i32>} : memref<100x64xf32, #tpu.memory_space<vmem>>, vector<1x16xf32>,
      %get3A_3376 = vector.shape_cast %get3A_3375 : vector<1x16xf32> to vector<16xf32>
      %add3A_3377 = arith.addf %add3A_3353, %get3A_3376 : vector<16xf32>
      %get3A_3378 = arith.constant 37 : i32
      %get3A_3379 = arith.index_cast %get3A_3378 : i32 to index
      %get3A_3380 = arith.constant 0 : index
      %get3A_3381 = tpu.vector_load %arg7[%get3A_3379, %get3A_3380] {strides = array<i32>} : memref<100x64xf32, #tpu.memory_space<vmem>>, vector<1x16xf32>,
      %get3A_3382 = vector.shape_cast %get3A_3381 : vector<1x16xf32> to vector<16xf32>
      %add3A_3383 = arith.addf %add3A_3359, %get3A_3382 : vector<16xf32>
      %get3A_3384 = arith.constant 37 : i32
      %get3A_3385 = arith.index_cast %get3A_3384 : i32 to index
      %get3A_3386 = arith.constant 16 : index
      %get3A_3387 = tpu.vector_load %arg7[%get3A_3385, %get3A_3386] {strides = array<i32>} : memref<100x64xf32, #tpu.memory_space<vmem>>, vector<1x16xf32>,
      %get3A_3388 = vector.shape_cast %get3A_3387 : vector<1x16xf32> to vector<16xf32>
      %add3A_3389 = arith.addf %add3A_3365, %get3A_3388 : vector<16xf32>
      %get3A_3390 = arith.constant 37 : i32
      %get3A_3391 = arith.index_cast %get3A_3390 : i32 to index
      %get3A_3392 = arith.constant 32 : index
      %get3A_3393 = tpu.vector_load %arg7[%get3A_3391, %get3A_3392] {strides = array<i32>} : memref<100x64xf32, #tpu.memory_space<vmem>>, vector<1x16xf32>,
      %get3A_3394 = vector.shape_cast %get3A_3393 : vector<1x16xf32> to vector<16xf32>
      %add3A_3395 = arith.addf %add3A_3371, %get3A_3394 : vector<16xf32>
      %get3A_3396 = arith.constant 37 : i32
      %get3A_3397 = arith.index_cast %get3A_3396 : i32 to index
      %get3A_3398 = arith.constant 48 : index
      %get3A_3399 = tpu.vector_load %arg7[%get3A_3397, %get3A_3398] {strides = array<i32>} : memref<100x64xf32, #tpu.memory_space<vmem>>, vector<1x16xf32>,
      %get3A_3400 = vector.shape_cast %get3A_3399 : vector<1x16xf32> to vector<16xf32>
      %add3A_3401 = arith.addf %add3A_3377, %get3A_3400 : vector<16xf32>
      %get3A_3402 = arith.constant 38 : i32
      %get3A_3403 = arith.index_cast %get3A_3402 : i32 to index
      %get3A_3404 = arith.constant 0 : index
      %get3A_3405 = tpu.vector_load %arg7[%get3A_3403, %get3A_3404] {strides = array<i32>} : memref<100x64xf32, #tpu.memory_space<vmem>>, vector<1x16xf32>,
      %get3A_3406 = vector.shape_cast %get3A_3405 : vector<1x16xf32> to vector<16xf32>
      %add3A_3407 = arith.addf %add3A_3383, %get3A_3406 : vector<16xf32>
      %get3A_3408 = arith.constant 38 : i32
      %get3A_3409 = arith.index_cast %get3A_3408 : i32 to index
      %get3A_3410 = arith.constant 16 : index
      %get3A_3411 = tpu.vector_load %arg7[%get3A_3409, %get3A_3410] {strides = array<i32>} : memref<100x64xf32, #tpu.memory_space<vmem>>, vector<1x16xf32>,
      %get3A_3412 = vector.shape_cast %get3A_3411 : vector<1x16xf32> to vector<16xf32>
      %add3A_3413 = arith.addf %add3A_3389, %get3A_3412 : vector<16xf32>
      %get3A_3414 = arith.constant 38 : i32
      %get3A_3415 = arith.index_cast %get3A_3414 : i32 to index
      %get3A_3416 = arith.constant 32 : index
      %get3A_3417 = tpu.vector_load %arg7[%get3A_3415, %get3A_3416] {strides = array<i32>} : memref<100x64xf32, #tpu.memory_space<vmem>>, vector<1x16xf32>,
      %get3A_3418 = vector.shape_cast %get3A_3417 : vector<1x16xf32> to vector<16xf32>
      %add3A_3419 = arith.addf %add3A_3395, %get3A_3418 : vector<16xf32>
      %get3A_3420 = arith.constant 38 : i32
      %get3A_3421 = arith.index_cast %get3A_3420 : i32 to index
      %get3A_3422 = arith.constant 48 : index
      %get3A_3423 = tpu.vector_load %arg7[%get3A_3421, %get3A_3422] {strides = array<i32>} : memref<100x64xf32, #tpu.memory_space<vmem>>, vector<1x16xf32>,
      %get3A_3424 = vector.shape_cast %get3A_3423 : vector<1x16xf32> to vector<16xf32>
      %add3A_3425 = arith.addf %add3A_3401, %get3A_3424 : vector<16xf32>
      %get3A_3426 = arith.constant 39 : i32
      %get3A_3427 = arith.index_cast %get3A_3426 : i32 to index
      %get3A_3428 = arith.constant 0 : index
      %get3A_3429 = tpu.vector_load %arg7[%get3A_3427, %get3A_3428] {strides = array<i32>} : memref<100x64xf32, #tpu.memory_space<vmem>>, vector<1x16xf32>,
      %get3A_3430 = vector.shape_cast %get3A_3429 : vector<1x16xf32> to vector<16xf32>
      %add3A_3431 = arith.addf %add3A_3407, %get3A_3430 : vector<16xf32>
      %get3A_3432 = arith.constant 39 : i32
      %get3A_3433 = arith.index_cast %get3A_3432 : i32 to index
      %get3A_3434 = arith.constant 16 : index
      %get3A_3435 = tpu.vector_load %arg7[%get3A_3433, %get3A_3434] {strides = array<i32>} : memref<100x64xf32, #tpu.memory_space<vmem>>, vector<1x16xf32>,
      %get3A_3436 = vector.shape_cast %get3A_3435 : vector<1x16xf32> to vector<16xf32>
      %add3A_3437 = arith.addf %add3A_3413, %get3A_3436 : vector<16xf32>
      %get3A_3438 = arith.constant 39 : i32
      %get3A_3439 = arith.index_cast %get3A_3438 : i32 to index
      %get3A_3440 = arith.constant 32 : index
      %get3A_3441 = tpu.vector_load %arg7[%get3A_3439, %get3A_3440] {strides = array<i32>} : memref<100x64xf32, #tpu.memory_space<vmem>>, vector<1x16xf32>,
      %get3A_3442 = vector.shape_cast %get3A_3441 : vector<1x16xf32> to vector<16xf32>
      %add3A_3443 = arith.addf %add3A_3419, %get3A_3442 : vector<16xf32>
      %get3A_3444 = arith.constant 39 : i32
      %get3A_3445 = arith.index_cast %get3A_3444 : i32 to index
      %get3A_3446 = arith.constant 48 : index
      %get3A_3447 = tpu.vector_load %arg7[%get3A_3445, %get3A_3446] {strides = array<i32>} : memref<100x64xf32, #tpu.memory_space<vmem>>, vector<1x16xf32>,
      %get3A_3448 = vector.shape_cast %get3A_3447 : vector<1x16xf32> to vector<16xf32>
      %add3A_3449 = arith.addf %add3A_3425, %get3A_3448 : vector<16xf32>
      %get3A_3450 = arith.constant 40 : i32
      %get3A_3451 = arith.index_cast %get3A_3450 : i32 to index
      %get3A_3452 = arith.constant 0 : index
      %get3A_3453 = tpu.vector_load %arg7[%get3A_3451, %get3A_3452] {strides = array<i32>} : memref<100x64xf32, #tpu.memory_space<vmem>>, vector<1x16xf32>,
      %get3A_3454 = vector.shape_cast %get3A_3453 : vector<1x16xf32> to vector<16xf32>
      %add3A_3455 = arith.addf %add3A_3431, %get3A_3454 : vector<16xf32>
      %get3A_3456 = arith.constant 40 : i32
      %get3A_3457 = arith.index_cast %get3A_3456 : i32 to index
      %get3A_3458 = arith.constant 16 : index
      %get3A_3459 = tpu.vector_load %arg7[%get3A_3457, %get3A_3458] {strides = array<i32>} : memref<100x64xf32, #tpu.memory_space<vmem>>, vector<1x16xf32>,
      %get3A_3460 = vector.shape_cast %get3A_3459 : vector<1x16xf32> to vector<16xf32>
      %add3A_3461 = arith.addf %add3A_3437, %get3A_3460 : vector<16xf32>
      %get3A_3462 = arith.constant 40 : i32
      %get3A_3463 = arith.index_cast %get3A_3462 : i32 to index
      %get3A_3464 = arith.constant 32 : index
      %get3A_3465 = tpu.vector_load %arg7[%get3A_3463, %get3A_3464] {strides = array<i32>} : memref<100x64xf32, #tpu.memory_space<vmem>>, vector<1x16xf32>,
      %get3A_3466 = vector.shape_cast %get3A_3465 : vector<1x16xf32> to vector<16xf32>
      %add3A_3467 = arith.addf %add3A_3443, %get3A_3466 : vector<16xf32>
      %get3A_3468 = arith.constant 40 : i32
      %get3A_3469 = arith.index_cast %get3A_3468 : i32 to index
      %get3A_3470 = arith.constant 48 : index
      %get3A_3471 = tpu.vector_load %arg7[%get3A_3469, %get3A_3470] {strides = array<i32>} : memref<100x64xf32, #tpu.memory_space<vmem>>, vector<1x16xf32>,
      %get3A_3472 = vector.shape_cast %get3A_3471 : vector<1x16xf32> to vector<16xf32>
      %add3A_3473 = arith.addf %add3A_3449, %get3A_3472 : vector<16xf32>
      %get3A_3474 = arith.constant 41 : i32
      %get3A_3475 = arith.index_cast %get3A_3474 : i32 to index
      %get3A_3476 = arith.constant 0 : index
      %get3A_3477 = tpu.vector_load %arg7[%get3A_3475, %get3A_3476] {strides = array<i32>} : memref<100x64xf32, #tpu.memory_space<vmem>>, vector<1x16xf32>,
      %get3A_3478 = vector.shape_cast %get3A_3477 : vector<1x16xf32> to vector<16xf32>
      %add3A_3479 = arith.addf %add3A_3455, %get3A_3478 : vector<16xf32>
      %get3A_3480 = arith.constant 41 : i32
      %get3A_3481 = arith.index_cast %get3A_3480 : i32 to index
      %get3A_3482 = arith.constant 16 : index
      %get3A_3483 = tpu.vector_load %arg7[%get3A_3481, %get3A_3482] {strides = array<i32>} : memref<100x64xf32, #tpu.memory_space<vmem>>, vector<1x16xf32>,
      %get3A_3484 = vector.shape_cast %get3A_3483 : vector<1x16xf32> to vector<16xf32>
      %add3A_3485 = arith.addf %add3A_3461, %get3A_3484 : vector<16xf32>
      %get3A_3486 = arith.constant 41 : i32
      %get3A_3487 = arith.index_cast %get3A_3486 : i32 to index
      %get3A_3488 = arith.constant 32 : index
      %get3A_3489 = tpu.vector_load %arg7[%get3A_3487, %get3A_3488] {strides = array<i32>} : memref<100x64xf32, #tpu.memory_space<vmem>>, vector<1x16xf32>,
      %get3A_3490 = vector.shape_cast %get3A_3489 : vector<1x16xf32> to vector<16xf32>
      %add3A_3491 = arith.addf %add3A_3467, %get3A_3490 : vector<16xf32>
      %get3A_3492 = arith.constant 41 : i32
      %get3A_3493 = arith.index_cast %get3A_3492 : i32 to index
      %get3A_3494 = arith.constant 48 : index
      %get3A_3495 = tpu.vector_load %arg7[%get3A_3493, %get3A_3494] {strides = array<i32>} : memref<100x64xf32, #tpu.memory_space<vmem>>, vector<1x16xf32>,
      %get3A_3496 = vector.shape_cast %get3A_3495 : vector<1x16xf32> to vector<16xf32>
      %add3A_3497 = arith.addf %add3A_3473, %get3A_3496 : vector<16xf32>
      %get3A_3498 = arith.constant 42 : i32
      %get3A_3499 = arith.index_cast %get3A_3498 : i32 to index
      %get3A_3500 = arith.constant 0 : index
      %get3A_3501 = tpu.vector_load %arg7[%get3A_3499, %get3A_3500] {strides = array<i32>} : memref<100x64xf32, #tpu.memory_space<vmem>>, vector<1x16xf32>,
      %get3A_3502 = vector.shape_cast %get3A_3501 : vector<1x16xf32> to vector<16xf32>
      %add3A_3503 = arith.addf %add3A_3479, %get3A_3502 : vector<16xf32>
      %get3A_3504 = arith.constant 42 : i32
      %get3A_3505 = arith.index_cast %get3A_3504 : i32 to index
      %get3A_3506 = arith.constant 16 : index
      %get3A_3507 = tpu.vector_load %arg7[%get3A_3505, %get3A_3506] {strides = array<i32>} : memref<100x64xf32, #tpu.memory_space<vmem>>, vector<1x16xf32>,
      %get3A_3508 = vector.shape_cast %get3A_3507 : vector<1x16xf32> to vector<16xf32>
      %add3A_3509 = arith.addf %add3A_3485, %get3A_3508 : vector<16xf32>
      %get3A_3510 = arith.constant 42 : i32
      %get3A_3511 = arith.index_cast %get3A_3510 : i32 to index
      %get3A_3512 = arith.constant 32 : index
      %get3A_3513 = tpu.vector_load %arg7[%get3A_3511, %get3A_3512] {strides = array<i32>} : memref<100x64xf32, #tpu.memory_space<vmem>>, vector<1x16xf32>,
      %get3A_3514 = vector.shape_cast %get3A_3513 : vector<1x16xf32> to vector<16xf32>
      %add3A_3515 = arith.addf %add3A_3491, %get3A_3514 : vector<16xf32>
      %get3A_3516 = arith.constant 42 : i32
      %get3A_3517 = arith.index_cast %get3A_3516 : i32 to index
      %get3A_3518 = arith.constant 48 : index
      %get3A_3519 = tpu.vector_load %arg7[%get3A_3517, %get3A_3518] {strides = array<i32>} : memref<100x64xf32, #tpu.memory_space<vmem>>, vector<1x16xf32>,
      %get3A_3520 = vector.shape_cast %get3A_3519 : vector<1x16xf32> to vector<16xf32>
      %add3A_3521 = arith.addf %add3A_3497, %get3A_3520 : vector<16xf32>
      %get3A_3522 = arith.constant 43 : i32
      %get3A_3523 = arith.index_cast %get3A_3522 : i32 to index
      %get3A_3524 = arith.constant 0 : index
      %get3A_3525 = tpu.vector_load %arg7[%get3A_3523, %get3A_3524] {strides = array<i32>} : memref<100x64xf32, #tpu.memory_space<vmem>>, vector<1x16xf32>,
      %get3A_3526 = vector.shape_cast %get3A_3525 : vector<1x16xf32> to vector<16xf32>
      %add3A_3527 = arith.addf %add3A_3503, %get3A_3526 : vector<16xf32>
      %get3A_3528 = arith.constant 43 : i32
      %get3A_3529 = arith.index_cast %get3A_3528 : i32 to index
      %get3A_3530 = arith.constant 16 : index
      %get3A_3531 = tpu.vector_load %arg7[%get3A_3529, %get3A_3530] {strides = array<i32>} : memref<100x64xf32, #tpu.memory_space<vmem>>, vector<1x16xf32>,
      %get3A_3532 = vector.shape_cast %get3A_3531 : vector<1x16xf32> to vector<16xf32>
      %add3A_3533 = arith.addf %add3A_3509, %get3A_3532 : vector<16xf32>
      %get3A_3534 = arith.constant 43 : i32
      %get3A_3535 = arith.index_cast %get3A_3534 : i32 to index
      %get3A_3536 = arith.constant 32 : index
      %get3A_3537 = tpu.vector_load %arg7[%get3A_3535, %get3A_3536] {strides = array<i32>} : memref<100x64xf32, #tpu.memory_space<vmem>>, vector<1x16xf32>,
      %get3A_3538 = vector.shape_cast %get3A_3537 : vector<1x16xf32> to vector<16xf32>
      %add3A_3539 = arith.addf %add3A_3515, %get3A_3538 : vector<16xf32>
      %get3A_3540 = arith.constant 43 : i32
      %get3A_3541 = arith.index_cast %get3A_3540 : i32 to index
      %get3A_3542 = arith.constant 48 : index
      %get3A_3543 = tpu.vector_load %arg7[%get3A_3541, %get3A_3542] {strides = array<i32>} : memref<100x64xf32, #tpu.memory_space<vmem>>, vector<1x16xf32>,
      %get3A_3544 = vector.shape_cast %get3A_3543 : vector<1x16xf32> to vector<16xf32>
      %add3A_3545 = arith.addf %add3A_3521, %get3A_3544 : vector<16xf32>
      %get3A_3546 = arith.constant 44 : i32
      %get3A_3547 = arith.index_cast %get3A_3546 : i32 to index
      %get3A_3548 = arith.constant 0 : index
      %get3A_3549 = tpu.vector_load %arg7[%get3A_3547, %get3A_3548] {strides = array<i32>} : memref<100x64xf32, #tpu.memory_space<vmem>>, vector<1x16xf32>,
      %get3A_3550 = vector.shape_cast %get3A_3549 : vector<1x16xf32> to vector<16xf32>
      %add3A_3551 = arith.addf %add3A_3527, %get3A_3550 : vector<16xf32>
      %get3A_3552 = arith.constant 44 : i32
      %get3A_3553 = arith.index_cast %get3A_3552 : i32 to index
      %get3A_3554 = arith.constant 16 : index
      %get3A_3555 = tpu.vector_load %arg7[%get3A_3553, %get3A_3554] {strides = array<i32>} : memref<100x64xf32, #tpu.memory_space<vmem>>, vector<1x16xf32>,
      %get3A_3556 = vector.shape_cast %get3A_3555 : vector<1x16xf32> to vector<16xf32>
      %add3A_3557 = arith.addf %add3A_3533, %get3A_3556 : vector<16xf32>
      %get3A_3558 = arith.constant 44 : i32
      %get3A_3559 = arith.index_cast %get3A_3558 : i32 to index
      %get3A_3560 = arith.constant 32 : index
      %get3A_3561 = tpu.vector_load %arg7[%get3A_3559, %get3A_3560] {strides = array<i32>} : memref<100x64xf32, #tpu.memory_space<vmem>>, vector<1x16xf32>,
      %get3A_3562 = vector.shape_cast %get3A_3561 : vector<1x16xf32> to vector<16xf32>
      %add3A_3563 = arith.addf %add3A_3539, %get3A_3562 : vector<16xf32>
      %get3A_3564 = arith.constant 44 : i32
      %get3A_3565 = arith.index_cast %get3A_3564 : i32 to index
      %get3A_3566 = arith.constant 48 : index
      %get3A_3567 = tpu.vector_load %arg7[%get3A_3565, %get3A_3566] {strides = array<i32>} : memref<100x64xf32, #tpu.memory_space<vmem>>, vector<1x16xf32>,
      %get3A_3568 = vector.shape_cast %get3A_3567 : vector<1x16xf32> to vector<16xf32>
      %add3A_3569 = arith.addf %add3A_3545, %get3A_3568 : vector<16xf32>
      %get3A_3570 = arith.constant 45 : i32
      %get3A_3571 = arith.index_cast %get3A_3570 : i32 to index
      %get3A_3572 = arith.constant 0 : index
      %get3A_3573 = tpu.vector_load %arg7[%get3A_3571, %get3A_3572] {strides = array<i32>} : memref<100x64xf32, #tpu.memory_space<vmem>>, vector<1x16xf32>,
      %get3A_3574 = vector.shape_cast %get3A_3573 : vector<1x16xf32> to vector<16xf32>
      %add3A_3575 = arith.addf %add3A_3551, %get3A_3574 : vector<16xf32>
      %get3A_3576 = arith.constant 45 : i32
      %get3A_3577 = arith.index_cast %get3A_3576 : i32 to index
      %get3A_3578 = arith.constant 16 : index
      %get3A_3579 = tpu.vector_load %arg7[%get3A_3577, %get3A_3578] {strides = array<i32>} : memref<100x64xf32, #tpu.memory_space<vmem>>, vector<1x16xf32>,
      %get3A_3580 = vector.shape_cast %get3A_3579 : vector<1x16xf32> to vector<16xf32>
      %add3A_3581 = arith.addf %add3A_3557, %get3A_3580 : vector<16xf32>
      %get3A_3582 = arith.constant 45 : i32
      %get3A_3583 = arith.index_cast %get3A_3582 : i32 to index
      %get3A_3584 = arith.constant 32 : index
      %get3A_3585 = tpu.vector_load %arg7[%get3A_3583, %get3A_3584] {strides = array<i32>} : memref<100x64xf32, #tpu.memory_space<vmem>>, vector<1x16xf32>,
      %get3A_3586 = vector.shape_cast %get3A_3585 : vector<1x16xf32> to vector<16xf32>
      %add3A_3587 = arith.addf %add3A_3563, %get3A_3586 : vector<16xf32>
      %get3A_3588 = arith.constant 45 : i32
      %get3A_3589 = arith.index_cast %get3A_3588 : i32 to index
      %get3A_3590 = arith.constant 48 : index
      %get3A_3591 = tpu.vector_load %arg7[%get3A_3589, %get3A_3590] {strides = array<i32>} : memref<100x64xf32, #tpu.memory_space<vmem>>, vector<1x16xf32>,
      %get3A_3592 = vector.shape_cast %get3A_3591 : vector<1x16xf32> to vector<16xf32>
      %add3A_3593 = arith.addf %add3A_3569, %get3A_3592 : vector<16xf32>
      %get3A_3594 = arith.constant 46 : i32
      %get3A_3595 = arith.index_cast %get3A_3594 : i32 to index
      %get3A_3596 = arith.constant 0 : index
      %get3A_3597 = tpu.vector_load %arg7[%get3A_3595, %get3A_3596] {strides = array<i32>} : memref<100x64xf32, #tpu.memory_space<vmem>>, vector<1x16xf32>,
      %get3A_3598 = vector.shape_cast %get3A_3597 : vector<1x16xf32> to vector<16xf32>
      %add3A_3599 = arith.addf %add3A_3575, %get3A_3598 : vector<16xf32>
      %get3A_3600 = arith.constant 46 : i32
      %get3A_3601 = arith.index_cast %get3A_3600 : i32 to index
      %get3A_3602 = arith.constant 16 : index
      %get3A_3603 = tpu.vector_load %arg7[%get3A_3601, %get3A_3602] {strides = array<i32>} : memref<100x64xf32, #tpu.memory_space<vmem>>, vector<1x16xf32>,
      %get3A_3604 = vector.shape_cast %get3A_3603 : vector<1x16xf32> to vector<16xf32>
      %add3A_3605 = arith.addf %add3A_3581, %get3A_3604 : vector<16xf32>
      %get3A_3606 = arith.constant 46 : i32
      %get3A_3607 = arith.index_cast %get3A_3606 : i32 to index
      %get3A_3608 = arith.constant 32 : index
      %get3A_3609 = tpu.vector_load %arg7[%get3A_3607, %get3A_3608] {strides = array<i32>} : memref<100x64xf32, #tpu.memory_space<vmem>>, vector<1x16xf32>,
      %get3A_3610 = vector.shape_cast %get3A_3609 : vector<1x16xf32> to vector<16xf32>
      %add3A_3611 = arith.addf %add3A_3587, %get3A_3610 : vector<16xf32>
      %get3A_3612 = arith.constant 46 : i32
      %get3A_3613 = arith.index_cast %get3A_3612 : i32 to index
      %get3A_3614 = arith.constant 48 : index
      %get3A_3615 = tpu.vector_load %arg7[%get3A_3613, %get3A_3614] {strides = array<i32>} : memref<100x64xf32, #tpu.memory_space<vmem>>, vector<1x16xf32>,
      %get3A_3616 = vector.shape_cast %get3A_3615 : vector<1x16xf32> to vector<16xf32>
      %add3A_3617 = arith.addf %add3A_3593, %get3A_3616 : vector<16xf32>
      %get3A_3618 = arith.constant 47 : i32
      %get3A_3619 = arith.index_cast %get3A_3618 : i32 to index
      %get3A_3620 = arith.constant 0 : index
      %get3A_3621 = tpu.vector_load %arg7[%get3A_3619, %get3A_3620] {strides = array<i32>} : memref<100x64xf32, #tpu.memory_space<vmem>>, vector<1x16xf32>,
      %get3A_3622 = vector.shape_cast %get3A_3621 : vector<1x16xf32> to vector<16xf32>
      %add3A_3623 = arith.addf %add3A_3599, %get3A_3622 : vector<16xf32>
      %get3A_3624 = arith.constant 47 : i32
      %get3A_3625 = arith.index_cast %get3A_3624 : i32 to index
      %get3A_3626 = arith.constant 16 : index
      %get3A_3627 = tpu.vector_load %arg7[%get3A_3625, %get3A_3626] {strides = array<i32>} : memref<100x64xf32, #tpu.memory_space<vmem>>, vector<1x16xf32>,
      %get3A_3628 = vector.shape_cast %get3A_3627 : vector<1x16xf32> to vector<16xf32>
      %add3A_3629 = arith.addf %add3A_3605, %get3A_3628 : vector<16xf32>
      %get3A_3630 = arith.constant 47 : i32
      %get3A_3631 = arith.index_cast %get3A_3630 : i32 to index
      %get3A_3632 = arith.constant 32 : index
      %get3A_3633 = tpu.vector_load %arg7[%get3A_3631, %get3A_3632] {strides = array<i32>} : memref<100x64xf32, #tpu.memory_space<vmem>>, vector<1x16xf32>,
      %get3A_3634 = vector.shape_cast %get3A_3633 : vector<1x16xf32> to vector<16xf32>
      %add3A_3635 = arith.addf %add3A_3611, %get3A_3634 : vector<16xf32>
      %get3A_3636 = arith.constant 47 : i32
      %get3A_3637 = arith.index_cast %get3A_3636 : i32 to index
      %get3A_3638 = arith.constant 48 : index
      %get3A_3639 = tpu.vector_load %arg7[%get3A_3637, %get3A_3638] {strides = array<i32>} : memref<100x64xf32, #tpu.memory_space<vmem>>, vector<1x16xf32>,
      %get3A_3640 = vector.shape_cast %get3A_3639 : vector<1x16xf32> to vector<16xf32>
      %add3A_3641 = arith.addf %add3A_3617, %get3A_3640 : vector<16xf32>
      %get3A_3642 = arith.constant 48 : i32
      %get3A_3643 = arith.index_cast %get3A_3642 : i32 to index
      %get3A_3644 = arith.constant 0 : index
      %get3A_3645 = tpu.vector_load %arg7[%get3A_3643, %get3A_3644] {strides = array<i32>} : memref<100x64xf32, #tpu.memory_space<vmem>>, vector<1x16xf32>,
      %get3A_3646 = vector.shape_cast %get3A_3645 : vector<1x16xf32> to vector<16xf32>
      %add3A_3647 = arith.addf %add3A_3623, %get3A_3646 : vector<16xf32>
      %get3A_3648 = arith.constant 48 : i32
      %get3A_3649 = arith.index_cast %get3A_3648 : i32 to index
      %get3A_3650 = arith.constant 16 : index
      %get3A_3651 = tpu.vector_load %arg7[%get3A_3649, %get3A_3650] {strides = array<i32>} : memref<100x64xf32, #tpu.memory_space<vmem>>, vector<1x16xf32>,
      %get3A_3652 = vector.shape_cast %get3A_3651 : vector<1x16xf32> to vector<16xf32>
      %add3A_3653 = arith.addf %add3A_3629, %get3A_3652 : vector<16xf32>
      %get3A_3654 = arith.constant 48 : i32
      %get3A_3655 = arith.index_cast %get3A_3654 : i32 to index
      %get3A_3656 = arith.constant 32 : index
      %get3A_3657 = tpu.vector_load %arg7[%get3A_3655, %get3A_3656] {strides = array<i32>} : memref<100x64xf32, #tpu.memory_space<vmem>>, vector<1x16xf32>,
      %get3A_3658 = vector.shape_cast %get3A_3657 : vector<1x16xf32> to vector<16xf32>
      %add3A_3659 = arith.addf %add3A_3635, %get3A_3658 : vector<16xf32>
      %get3A_3660 = arith.constant 48 : i32
      %get3A_3661 = arith.index_cast %get3A_3660 : i32 to index
      %get3A_3662 = arith.constant 48 : index
      %get3A_3663 = tpu.vector_load %arg7[%get3A_3661, %get3A_3662] {strides = array<i32>} : memref<100x64xf32, #tpu.memory_space<vmem>>, vector<1x16xf32>,
      %get3A_3664 = vector.shape_cast %get3A_3663 : vector<1x16xf32> to vector<16xf32>
      %add3A_3665 = arith.addf %add3A_3641, %get3A_3664 : vector<16xf32>
      %get3A_3666 = arith.constant 49 : i32
      %get3A_3667 = arith.index_cast %get3A_3666 : i32 to index
      %get3A_3668 = arith.constant 0 : index
      %get3A_3669 = tpu.vector_load %arg7[%get3A_3667, %get3A_3668] {strides = array<i32>} : memref<100x64xf32, #tpu.memory_space<vmem>>, vector<1x16xf32>,
      %get3A_3670 = vector.shape_cast %get3A_3669 : vector<1x16xf32> to vector<16xf32>
      %add3A_3671 = arith.addf %add3A_3647, %get3A_3670 : vector<16xf32>
      %get3A_3672 = arith.constant 49 : i32
      %get3A_3673 = arith.index_cast %get3A_3672 : i32 to index
      %get3A_3674 = arith.constant 16 : index
      %get3A_3675 = tpu.vector_load %arg7[%get3A_3673, %get3A_3674] {strides = array<i32>} : memref<100x64xf32, #tpu.memory_space<vmem>>, vector<1x16xf32>,
      %get3A_3676 = vector.shape_cast %get3A_3675 : vector<1x16xf32> to vector<16xf32>
      %add3A_3677 = arith.addf %add3A_3653, %get3A_3676 : vector<16xf32>
      %get3A_3678 = arith.constant 49 : i32
      %get3A_3679 = arith.index_cast %get3A_3678 : i32 to index
      %get3A_3680 = arith.constant 32 : index
      %get3A_3681 = tpu.vector_load %arg7[%get3A_3679, %get3A_3680] {strides = array<i32>} : memref<100x64xf32, #tpu.memory_space<vmem>>, vector<1x16xf32>,
      %get3A_3682 = vector.shape_cast %get3A_3681 : vector<1x16xf32> to vector<16xf32>
      %add3A_3683 = arith.addf %add3A_3659, %get3A_3682 : vector<16xf32>
      %get3A_3684 = arith.constant 49 : i32
      %get3A_3685 = arith.index_cast %get3A_3684 : i32 to index
      %get3A_3686 = arith.constant 48 : index
      %get3A_3687 = tpu.vector_load %arg7[%get3A_3685, %get3A_3686] {strides = array<i32>} : memref<100x64xf32, #tpu.memory_space<vmem>>, vector<1x16xf32>,
      %get3A_3688 = vector.shape_cast %get3A_3687 : vector<1x16xf32> to vector<16xf32>
      %add3A_3689 = arith.addf %add3A_3665, %get3A_3688 : vector<16xf32>
      %add3A_3690 = arith.constant 0 : i32
      %add3A_3691 = arith.addi %add3A_2493, %add3A_3690 : i32
      %swap3A_3692 = arith.index_cast %add3A_3691 : i32 to index
      %swap3A_3693 = arith.constant 0 : index
      %swap3A_3694 = tpu.vector_load %arg8[%swap3A_3692, %swap3A_3693] {strides = array<i32>} : memref<128x64xf32, #tpu.memory_space<vmem>>, vector<1x16xf32>,
      %swap3A_3695 = vector.shape_cast %swap3A_3694 : vector<1x16xf32> to vector<16xf32>
      %swap3A_3696 = vector.shape_cast %add3A_3671 : vector<16xf32> to vector<1x16xf32>
      tpu.vector_store %arg8[%swap3A_3692, %swap3A_3693], %swap3A_3696 {strides = array<i32>} : memref<128x64xf32, #tpu.memory_space<vmem>>, vector<1x16xf32>,
      %add3A_3697 = arith.constant 0 : i32
      %add3A_3698 = arith.addi %add3A_2493, %add3A_3697 : i32
      %swap3A_3699 = arith.index_cast %add3A_3698 : i32 to index
      %swap3A_3700 = arith.constant 16 : index
      %swap3A_3701 = tpu.vector_load %arg8[%swap3A_3699, %swap3A_3700] {strides = array<i32>} : memref<128x64xf32, #tpu.memory_space<vmem>>, vector<1x16xf32>,
      %swap3A_3702 = vector.shape_cast %swap3A_3701 : vector<1x16xf32> to vector<16xf32>
      %swap3A_3703 = vector.shape_cast %add3A_3677 : vector<16xf32> to vector<1x16xf32>
      tpu.vector_store %arg8[%swap3A_3699, %swap3A_3700], %swap3A_3703 {strides = array<i32>} : memref<128x64xf32, #tpu.memory_space<vmem>>, vector<1x16xf32>,
      %add3A_3704 = arith.constant 0 : i32
      %add3A_3705 = arith.addi %add3A_2493, %add3A_3704 : i32
      %swap3A_3706 = arith.index_cast %add3A_3705 : i32 to index
      %swap3A_3707 = arith.constant 32 : index
      %swap3A_3708 = tpu.vector_load %arg8[%swap3A_3706, %swap3A_3707] {strides = array<i32>} : memref<128x64xf32, #tpu.memory_space<vmem>>, vector<1x16xf32>,
      %swap3A_3709 = vector.shape_cast %swap3A_3708 : vector<1x16xf32> to vector<16xf32>
      %swap3A_3710 = vector.shape_cast %add3A_3683 : vector<16xf32> to vector<1x16xf32>
      tpu.vector_store %arg8[%swap3A_3706, %swap3A_3707], %swap3A_3710 {strides = array<i32>} : memref<128x64xf32, #tpu.memory_space<vmem>>, vector<1x16xf32>,
      %add3A_3711 = arith.constant 0 : i32
      %add3A_3712 = arith.addi %add3A_2493, %add3A_3711 : i32
      %swap3A_3713 = arith.index_cast %add3A_3712 : i32 to index
      %swap3A_3714 = arith.constant 48 : index
      %swap3A_3715 = tpu.vector_load %arg8[%swap3A_3713, %swap3A_3714] {strides = array<i32>} : memref<128x64xf32, #tpu.memory_space<vmem>>, vector<1x16xf32>,
      %swap3A_3716 = vector.shape_cast %swap3A_3715 : vector<1x16xf32> to vector<16xf32>
      %swap3A_3717 = vector.shape_cast %add3A_3689 : vector<16xf32> to vector<1x16xf32>
      tpu.vector_store %arg8[%swap3A_3713, %swap3A_3714], %swap3A_3717 {strides = array<i32>} : memref<128x64xf32, #tpu.memory_space<vmem>>, vector<1x16xf32>,
      %get3A_3718 = arith.constant 50 : i32
      %get3A_3719 = arith.index_cast %get3A_3718 : i32 to index
      %get3A_3720 = arith.constant 0 : index
      %get3A_3721 = tpu.vector_load %arg7[%get3A_3719, %get3A_3720] {strides = array<i32>} : memref<100x64xf32, #tpu.memory_space<vmem>>, vector<1x16xf32>,
      %get3A_3722 = vector.shape_cast %get3A_3721 : vector<1x16xf32> to vector<16xf32>
      %get3A_3723 = arith.constant 50 : i32
      %get3A_3724 = arith.index_cast %get3A_3723 : i32 to index
      %get3A_3725 = arith.constant 16 : index
      %get3A_3726 = tpu.vector_load %arg7[%get3A_3724, %get3A_3725] {strides = array<i32>} : memref<100x64xf32, #tpu.memory_space<vmem>>, vector<1x16xf32>,
      %get3A_3727 = vector.shape_cast %get3A_3726 : vector<1x16xf32> to vector<16xf32>
      %get3A_3728 = arith.constant 50 : i32
      %get3A_3729 = arith.index_cast %get3A_3728 : i32 to index
      %get3A_3730 = arith.constant 32 : index
      %get3A_3731 = tpu.vector_load %arg7[%get3A_3729, %get3A_3730] {strides = array<i32>} : memref<100x64xf32, #tpu.memory_space<vmem>>, vector<1x16xf32>,
      %get3A_3732 = vector.shape_cast %get3A_3731 : vector<1x16xf32> to vector<16xf32>
      %get3A_3733 = arith.constant 50 : i32
      %get3A_3734 = arith.index_cast %get3A_3733 : i32 to index
      %get3A_3735 = arith.constant 48 : index
      %get3A_3736 = tpu.vector_load %arg7[%get3A_3734, %get3A_3735] {strides = array<i32>} : memref<100x64xf32, #tpu.memory_space<vmem>>, vector<1x16xf32>,
      %get3A_3737 = vector.shape_cast %get3A_3736 : vector<1x16xf32> to vector<16xf32>
      %get3A_3738 = arith.constant 51 : i32
      %get3A_3739 = arith.index_cast %get3A_3738 : i32 to index
      %get3A_3740 = arith.constant 0 : index
      %get3A_3741 = tpu.vector_load %arg7[%get3A_3739, %get3A_3740] {strides = array<i32>} : memref<100x64xf32, #tpu.memory_space<vmem>>, vector<1x16xf32>,
      %get3A_3742 = vector.shape_cast %get3A_3741 : vector<1x16xf32> to vector<16xf32>
      %add3A_3743 = arith.addf %get3A_3722, %get3A_3742 : vector<16xf32>
      %get3A_3744 = arith.constant 51 : i32
      %get3A_3745 = arith.index_cast %get3A_3744 : i32 to index
      %get3A_3746 = arith.constant 16 : index
      %get3A_3747 = tpu.vector_load %arg7[%get3A_3745, %get3A_3746] {strides = array<i32>} : memref<100x64xf32, #tpu.memory_space<vmem>>, vector<1x16xf32>,
      %get3A_3748 = vector.shape_cast %get3A_3747 : vector<1x16xf32> to vector<16xf32>
      %add3A_3749 = arith.addf %get3A_3727, %get3A_3748 : vector<16xf32>
      %get3A_3750 = arith.constant 51 : i32
      %get3A_3751 = arith.index_cast %get3A_3750 : i32 to index
      %get3A_3752 = arith.constant 32 : index
      %get3A_3753 = tpu.vector_load %arg7[%get3A_3751, %get3A_3752] {strides = array<i32>} : memref<100x64xf32, #tpu.memory_space<vmem>>, vector<1x16xf32>,
      %get3A_3754 = vector.shape_cast %get3A_3753 : vector<1x16xf32> to vector<16xf32>
      %add3A_3755 = arith.addf %get3A_3732, %get3A_3754 : vector<16xf32>
      %get3A_3756 = arith.constant 51 : i32
      %get3A_3757 = arith.index_cast %get3A_3756 : i32 to index
      %get3A_3758 = arith.constant 48 : index
      %get3A_3759 = tpu.vector_load %arg7[%get3A_3757, %get3A_3758] {strides = array<i32>} : memref<100x64xf32, #tpu.memory_space<vmem>>, vector<1x16xf32>,
      %get3A_3760 = vector.shape_cast %get3A_3759 : vector<1x16xf32> to vector<16xf32>
      %add3A_3761 = arith.addf %get3A_3737, %get3A_3760 : vector<16xf32>
      %get3A_3762 = arith.constant 52 : i32
      %get3A_3763 = arith.index_cast %get3A_3762 : i32 to index
      %get3A_3764 = arith.constant 0 : index
      %get3A_3765 = tpu.vector_load %arg7[%get3A_3763, %get3A_3764] {strides = array<i32>} : memref<100x64xf32, #tpu.memory_space<vmem>>, vector<1x16xf32>,
      %get3A_3766 = vector.shape_cast %get3A_3765 : vector<1x16xf32> to vector<16xf32>
      %add3A_3767 = arith.addf %add3A_3743, %get3A_3766 : vector<16xf32>
      %get3A_3768 = arith.constant 52 : i32
      %get3A_3769 = arith.index_cast %get3A_3768 : i32 to index
      %get3A_3770 = arith.constant 16 : index
      %get3A_3771 = tpu.vector_load %arg7[%get3A_3769, %get3A_3770] {strides = array<i32>} : memref<100x64xf32, #tpu.memory_space<vmem>>, vector<1x16xf32>,
      %get3A_3772 = vector.shape_cast %get3A_3771 : vector<1x16xf32> to vector<16xf32>
      %add3A_3773 = arith.addf %add3A_3749, %get3A_3772 : vector<16xf32>
      %get3A_3774 = arith.constant 52 : i32
      %get3A_3775 = arith.index_cast %get3A_3774 : i32 to index
      %get3A_3776 = arith.constant 32 : index
      %get3A_3777 = tpu.vector_load %arg7[%get3A_3775, %get3A_3776] {strides = array<i32>} : memref<100x64xf32, #tpu.memory_space<vmem>>, vector<1x16xf32>,
      %get3A_3778 = vector.shape_cast %get3A_3777 : vector<1x16xf32> to vector<16xf32>
      %add3A_3779 = arith.addf %add3A_3755, %get3A_3778 : vector<16xf32>
      %get3A_3780 = arith.constant 52 : i32
      %get3A_3781 = arith.index_cast %get3A_3780 : i32 to index
      %get3A_3782 = arith.constant 48 : index
      %get3A_3783 = tpu.vector_load %arg7[%get3A_3781, %get3A_3782] {strides = array<i32>} : memref<100x64xf32, #tpu.memory_space<vmem>>, vector<1x16xf32>,
      %get3A_3784 = vector.shape_cast %get3A_3783 : vector<1x16xf32> to vector<16xf32>
      %add3A_3785 = arith.addf %add3A_3761, %get3A_3784 : vector<16xf32>
      %get3A_3786 = arith.constant 53 : i32
      %get3A_3787 = arith.index_cast %get3A_3786 : i32 to index
      %get3A_3788 = arith.constant 0 : index
      %get3A_3789 = tpu.vector_load %arg7[%get3A_3787, %get3A_3788] {strides = array<i32>} : memref<100x64xf32, #tpu.memory_space<vmem>>, vector<1x16xf32>,
      %get3A_3790 = vector.shape_cast %get3A_3789 : vector<1x16xf32> to vector<16xf32>
      %add3A_3791 = arith.addf %add3A_3767, %get3A_3790 : vector<16xf32>
      %get3A_3792 = arith.constant 53 : i32
      %get3A_3793 = arith.index_cast %get3A_3792 : i32 to index
      %get3A_3794 = arith.constant 16 : index
      %get3A_3795 = tpu.vector_load %arg7[%get3A_3793, %get3A_3794] {strides = array<i32>} : memref<100x64xf32, #tpu.memory_space<vmem>>, vector<1x16xf32>,
      %get3A_3796 = vector.shape_cast %get3A_3795 : vector<1x16xf32> to vector<16xf32>
      %add3A_3797 = arith.addf %add3A_3773, %get3A_3796 : vector<16xf32>
      %get3A_3798 = arith.constant 53 : i32
      %get3A_3799 = arith.index_cast %get3A_3798 : i32 to index
      %get3A_3800 = arith.constant 32 : index
      %get3A_3801 = tpu.vector_load %arg7[%get3A_3799, %get3A_3800] {strides = array<i32>} : memref<100x64xf32, #tpu.memory_space<vmem>>, vector<1x16xf32>,
      %get3A_3802 = vector.shape_cast %get3A_3801 : vector<1x16xf32> to vector<16xf32>
      %add3A_3803 = arith.addf %add3A_3779, %get3A_3802 : vector<16xf32>
      %get3A_3804 = arith.constant 53 : i32
      %get3A_3805 = arith.index_cast %get3A_3804 : i32 to index
      %get3A_3806 = arith.constant 48 : index
      %get3A_3807 = tpu.vector_load %arg7[%get3A_3805, %get3A_3806] {strides = array<i32>} : memref<100x64xf32, #tpu.memory_space<vmem>>, vector<1x16xf32>,
      %get3A_3808 = vector.shape_cast %get3A_3807 : vector<1x16xf32> to vector<16xf32>
      %add3A_3809 = arith.addf %add3A_3785, %get3A_3808 : vector<16xf32>
      %get3A_3810 = arith.constant 54 : i32
      %get3A_3811 = arith.index_cast %get3A_3810 : i32 to index
      %get3A_3812 = arith.constant 0 : index
      %get3A_3813 = tpu.vector_load %arg7[%get3A_3811, %get3A_3812] {strides = array<i32>} : memref<100x64xf32, #tpu.memory_space<vmem>>, vector<1x16xf32>,
      %get3A_3814 = vector.shape_cast %get3A_3813 : vector<1x16xf32> to vector<16xf32>
      %add3A_3815 = arith.addf %add3A_3791, %get3A_3814 : vector<16xf32>
      %get3A_3816 = arith.constant 54 : i32
      %get3A_3817 = arith.index_cast %get3A_3816 : i32 to index
      %get3A_3818 = arith.constant 16 : index
      %get3A_3819 = tpu.vector_load %arg7[%get3A_3817, %get3A_3818] {strides = array<i32>} : memref<100x64xf32, #tpu.memory_space<vmem>>, vector<1x16xf32>,
      %get3A_3820 = vector.shape_cast %get3A_3819 : vector<1x16xf32> to vector<16xf32>
      %add3A_3821 = arith.addf %add3A_3797, %get3A_3820 : vector<16xf32>
      %get3A_3822 = arith.constant 54 : i32
      %get3A_3823 = arith.index_cast %get3A_3822 : i32 to index
      %get3A_3824 = arith.constant 32 : index
      %get3A_3825 = tpu.vector_load %arg7[%get3A_3823, %get3A_3824] {strides = array<i32>} : memref<100x64xf32, #tpu.memory_space<vmem>>, vector<1x16xf32>,
      %get3A_3826 = vector.shape_cast %get3A_3825 : vector<1x16xf32> to vector<16xf32>
      %add3A_3827 = arith.addf %add3A_3803, %get3A_3826 : vector<16xf32>
      %get3A_3828 = arith.constant 54 : i32
      %get3A_3829 = arith.index_cast %get3A_3828 : i32 to index
      %get3A_3830 = arith.constant 48 : index
      %get3A_3831 = tpu.vector_load %arg7[%get3A_3829, %get3A_3830] {strides = array<i32>} : memref<100x64xf32, #tpu.memory_space<vmem>>, vector<1x16xf32>,
      %get3A_3832 = vector.shape_cast %get3A_3831 : vector<1x16xf32> to vector<16xf32>
      %add3A_3833 = arith.addf %add3A_3809, %get3A_3832 : vector<16xf32>
      %get3A_3834 = arith.constant 55 : i32
      %get3A_3835 = arith.index_cast %get3A_3834 : i32 to index
      %get3A_3836 = arith.constant 0 : index
      %get3A_3837 = tpu.vector_load %arg7[%get3A_3835, %get3A_3836] {strides = array<i32>} : memref<100x64xf32, #tpu.memory_space<vmem>>, vector<1x16xf32>,
      %get3A_3838 = vector.shape_cast %get3A_3837 : vector<1x16xf32> to vector<16xf32>
      %add3A_3839 = arith.addf %add3A_3815, %get3A_3838 : vector<16xf32>
      %get3A_3840 = arith.constant 55 : i32
      %get3A_3841 = arith.index_cast %get3A_3840 : i32 to index
      %get3A_3842 = arith.constant 16 : index
      %get3A_3843 = tpu.vector_load %arg7[%get3A_3841, %get3A_3842] {strides = array<i32>} : memref<100x64xf32, #tpu.memory_space<vmem>>, vector<1x16xf32>,
      %get3A_3844 = vector.shape_cast %get3A_3843 : vector<1x16xf32> to vector<16xf32>
      %add3A_3845 = arith.addf %add3A_3821, %get3A_3844 : vector<16xf32>
      %get3A_3846 = arith.constant 55 : i32
      %get3A_3847 = arith.index_cast %get3A_3846 : i32 to index
      %get3A_3848 = arith.constant 32 : index
      %get3A_3849 = tpu.vector_load %arg7[%get3A_3847, %get3A_3848] {strides = array<i32>} : memref<100x64xf32, #tpu.memory_space<vmem>>, vector<1x16xf32>,
      %get3A_3850 = vector.shape_cast %get3A_3849 : vector<1x16xf32> to vector<16xf32>
      %add3A_3851 = arith.addf %add3A_3827, %get3A_3850 : vector<16xf32>
      %get3A_3852 = arith.constant 55 : i32
      %get3A_3853 = arith.index_cast %get3A_3852 : i32 to index
      %get3A_3854 = arith.constant 48 : index
      %get3A_3855 = tpu.vector_load %arg7[%get3A_3853, %get3A_3854] {strides = array<i32>} : memref<100x64xf32, #tpu.memory_space<vmem>>, vector<1x16xf32>,
      %get3A_3856 = vector.shape_cast %get3A_3855 : vector<1x16xf32> to vector<16xf32>
      %add3A_3857 = arith.addf %add3A_3833, %get3A_3856 : vector<16xf32>
      %get3A_3858 = arith.constant 56 : i32
      %get3A_3859 = arith.index_cast %get3A_3858 : i32 to index
      %get3A_3860 = arith.constant 0 : index
      %get3A_3861 = tpu.vector_load %arg7[%get3A_3859, %get3A_3860] {strides = array<i32>} : memref<100x64xf32, #tpu.memory_space<vmem>>, vector<1x16xf32>,
      %get3A_3862 = vector.shape_cast %get3A_3861 : vector<1x16xf32> to vector<16xf32>
      %add3A_3863 = arith.addf %add3A_3839, %get3A_3862 : vector<16xf32>
      %get3A_3864 = arith.constant 56 : i32
      %get3A_3865 = arith.index_cast %get3A_3864 : i32 to index
      %get3A_3866 = arith.constant 16 : index
      %get3A_3867 = tpu.vector_load %arg7[%get3A_3865, %get3A_3866] {strides = array<i32>} : memref<100x64xf32, #tpu.memory_space<vmem>>, vector<1x16xf32>,
      %get3A_3868 = vector.shape_cast %get3A_3867 : vector<1x16xf32> to vector<16xf32>
      %add3A_3869 = arith.addf %add3A_3845, %get3A_3868 : vector<16xf32>
      %get3A_3870 = arith.constant 56 : i32
      %get3A_3871 = arith.index_cast %get3A_3870 : i32 to index
      %get3A_3872 = arith.constant 32 : index
      %get3A_3873 = tpu.vector_load %arg7[%get3A_3871, %get3A_3872] {strides = array<i32>} : memref<100x64xf32, #tpu.memory_space<vmem>>, vector<1x16xf32>,
      %get3A_3874 = vector.shape_cast %get3A_3873 : vector<1x16xf32> to vector<16xf32>
      %add3A_3875 = arith.addf %add3A_3851, %get3A_3874 : vector<16xf32>
      %get3A_3876 = arith.constant 56 : i32
      %get3A_3877 = arith.index_cast %get3A_3876 : i32 to index
      %get3A_3878 = arith.constant 48 : index
      %get3A_3879 = tpu.vector_load %arg7[%get3A_3877, %get3A_3878] {strides = array<i32>} : memref<100x64xf32, #tpu.memory_space<vmem>>, vector<1x16xf32>,
      %get3A_3880 = vector.shape_cast %get3A_3879 : vector<1x16xf32> to vector<16xf32>
      %add3A_3881 = arith.addf %add3A_3857, %get3A_3880 : vector<16xf32>
      %get3A_3882 = arith.constant 57 : i32
      %get3A_3883 = arith.index_cast %get3A_3882 : i32 to index
      %get3A_3884 = arith.constant 0 : index
      %get3A_3885 = tpu.vector_load %arg7[%get3A_3883, %get3A_3884] {strides = array<i32>} : memref<100x64xf32, #tpu.memory_space<vmem>>, vector<1x16xf32>,
      %get3A_3886 = vector.shape_cast %get3A_3885 : vector<1x16xf32> to vector<16xf32>
      %add3A_3887 = arith.addf %add3A_3863, %get3A_3886 : vector<16xf32>
      %get3A_3888 = arith.constant 57 : i32
      %get3A_3889 = arith.index_cast %get3A_3888 : i32 to index
      %get3A_3890 = arith.constant 16 : index
      %get3A_3891 = tpu.vector_load %arg7[%get3A_3889, %get3A_3890] {strides = array<i32>} : memref<100x64xf32, #tpu.memory_space<vmem>>, vector<1x16xf32>,
      %get3A_3892 = vector.shape_cast %get3A_3891 : vector<1x16xf32> to vector<16xf32>
      %add3A_3893 = arith.addf %add3A_3869, %get3A_3892 : vector<16xf32>
      %get3A_3894 = arith.constant 57 : i32
      %get3A_3895 = arith.index_cast %get3A_3894 : i32 to index
      %get3A_3896 = arith.constant 32 : index
      %get3A_3897 = tpu.vector_load %arg7[%get3A_3895, %get3A_3896] {strides = array<i32>} : memref<100x64xf32, #tpu.memory_space<vmem>>, vector<1x16xf32>,
      %get3A_3898 = vector.shape_cast %get3A_3897 : vector<1x16xf32> to vector<16xf32>
      %add3A_3899 = arith.addf %add3A_3875, %get3A_3898 : vector<16xf32>
      %get3A_3900 = arith.constant 57 : i32
      %get3A_3901 = arith.index_cast %get3A_3900 : i32 to index
      %get3A_3902 = arith.constant 48 : index
      %get3A_3903 = tpu.vector_load %arg7[%get3A_3901, %get3A_3902] {strides = array<i32>} : memref<100x64xf32, #tpu.memory_space<vmem>>, vector<1x16xf32>,
      %get3A_3904 = vector.shape_cast %get3A_3903 : vector<1x16xf32> to vector<16xf32>
      %add3A_3905 = arith.addf %add3A_3881, %get3A_3904 : vector<16xf32>
      %get3A_3906 = arith.constant 58 : i32
      %get3A_3907 = arith.index_cast %get3A_3906 : i32 to index
      %get3A_3908 = arith.constant 0 : index
      %get3A_3909 = tpu.vector_load %arg7[%get3A_3907, %get3A_3908] {strides = array<i32>} : memref<100x64xf32, #tpu.memory_space<vmem>>, vector<1x16xf32>,
      %get3A_3910 = vector.shape_cast %get3A_3909 : vector<1x16xf32> to vector<16xf32>
      %add3A_3911 = arith.addf %add3A_3887, %get3A_3910 : vector<16xf32>
      %get3A_3912 = arith.constant 58 : i32
      %get3A_3913 = arith.index_cast %get3A_3912 : i32 to index
      %get3A_3914 = arith.constant 16 : index
      %get3A_3915 = tpu.vector_load %arg7[%get3A_3913, %get3A_3914] {strides = array<i32>} : memref<100x64xf32, #tpu.memory_space<vmem>>, vector<1x16xf32>,
      %get3A_3916 = vector.shape_cast %get3A_3915 : vector<1x16xf32> to vector<16xf32>
      %add3A_3917 = arith.addf %add3A_3893, %get3A_3916 : vector<16xf32>
      %get3A_3918 = arith.constant 58 : i32
      %get3A_3919 = arith.index_cast %get3A_3918 : i32 to index
      %get3A_3920 = arith.constant 32 : index
      %get3A_3921 = tpu.vector_load %arg7[%get3A_3919, %get3A_3920] {strides = array<i32>} : memref<100x64xf32, #tpu.memory_space<vmem>>, vector<1x16xf32>,
      %get3A_3922 = vector.shape_cast %get3A_3921 : vector<1x16xf32> to vector<16xf32>
      %add3A_3923 = arith.addf %add3A_3899, %get3A_3922 : vector<16xf32>
      %get3A_3924 = arith.constant 58 : i32
      %get3A_3925 = arith.index_cast %get3A_3924 : i32 to index
      %get3A_3926 = arith.constant 48 : index
      %get3A_3927 = tpu.vector_load %arg7[%get3A_3925, %get3A_3926] {strides = array<i32>} : memref<100x64xf32, #tpu.memory_space<vmem>>, vector<1x16xf32>,
      %get3A_3928 = vector.shape_cast %get3A_3927 : vector<1x16xf32> to vector<16xf32>
      %add3A_3929 = arith.addf %add3A_3905, %get3A_3928 : vector<16xf32>
      %get3A_3930 = arith.constant 59 : i32
      %get3A_3931 = arith.index_cast %get3A_3930 : i32 to index
      %get3A_3932 = arith.constant 0 : index
      %get3A_3933 = tpu.vector_load %arg7[%get3A_3931, %get3A_3932] {strides = array<i32>} : memref<100x64xf32, #tpu.memory_space<vmem>>, vector<1x16xf32>,
      %get3A_3934 = vector.shape_cast %get3A_3933 : vector<1x16xf32> to vector<16xf32>
      %add3A_3935 = arith.addf %add3A_3911, %get3A_3934 : vector<16xf32>
      %get3A_3936 = arith.constant 59 : i32
      %get3A_3937 = arith.index_cast %get3A_3936 : i32 to index
      %get3A_3938 = arith.constant 16 : index
      %get3A_3939 = tpu.vector_load %arg7[%get3A_3937, %get3A_3938] {strides = array<i32>} : memref<100x64xf32, #tpu.memory_space<vmem>>, vector<1x16xf32>,
      %get3A_3940 = vector.shape_cast %get3A_3939 : vector<1x16xf32> to vector<16xf32>
      %add3A_3941 = arith.addf %add3A_3917, %get3A_3940 : vector<16xf32>
      %get3A_3942 = arith.constant 59 : i32
      %get3A_3943 = arith.index_cast %get3A_3942 : i32 to index
      %get3A_3944 = arith.constant 32 : index
      %get3A_3945 = tpu.vector_load %arg7[%get3A_3943, %get3A_3944] {strides = array<i32>} : memref<100x64xf32, #tpu.memory_space<vmem>>, vector<1x16xf32>,
      %get3A_3946 = vector.shape_cast %get3A_3945 : vector<1x16xf32> to vector<16xf32>
      %add3A_3947 = arith.addf %add3A_3923, %get3A_3946 : vector<16xf32>
      %get3A_3948 = arith.constant 59 : i32
      %get3A_3949 = arith.index_cast %get3A_3948 : i32 to index
      %get3A_3950 = arith.constant 48 : index
      %get3A_3951 = tpu.vector_load %arg7[%get3A_3949, %get3A_3950] {strides = array<i32>} : memref<100x64xf32, #tpu.memory_space<vmem>>, vector<1x16xf32>,
      %get3A_3952 = vector.shape_cast %get3A_3951 : vector<1x16xf32> to vector<16xf32>
      %add3A_3953 = arith.addf %add3A_3929, %get3A_3952 : vector<16xf32>
      %get3A_3954 = arith.constant 60 : i32
      %get3A_3955 = arith.index_cast %get3A_3954 : i32 to index
      %get3A_3956 = arith.constant 0 : index
      %get3A_3957 = tpu.vector_load %arg7[%get3A_3955, %get3A_3956] {strides = array<i32>} : memref<100x64xf32, #tpu.memory_space<vmem>>, vector<1x16xf32>,
      %get3A_3958 = vector.shape_cast %get3A_3957 : vector<1x16xf32> to vector<16xf32>
      %add3A_3959 = arith.addf %add3A_3935, %get3A_3958 : vector<16xf32>
      %get3A_3960 = arith.constant 60 : i32
      %get3A_3961 = arith.index_cast %get3A_3960 : i32 to index
      %get3A_3962 = arith.constant 16 : index
      %get3A_3963 = tpu.vector_load %arg7[%get3A_3961, %get3A_3962] {strides = array<i32>} : memref<100x64xf32, #tpu.memory_space<vmem>>, vector<1x16xf32>,
      %get3A_3964 = vector.shape_cast %get3A_3963 : vector<1x16xf32> to vector<16xf32>
      %add3A_3965 = arith.addf %add3A_3941, %get3A_3964 : vector<16xf32>
      %get3A_3966 = arith.constant 60 : i32
      %get3A_3967 = arith.index_cast %get3A_3966 : i32 to index
      %get3A_3968 = arith.constant 32 : index
      %get3A_3969 = tpu.vector_load %arg7[%get3A_3967, %get3A_3968] {strides = array<i32>} : memref<100x64xf32, #tpu.memory_space<vmem>>, vector<1x16xf32>,
      %get3A_3970 = vector.shape_cast %get3A_3969 : vector<1x16xf32> to vector<16xf32>
      %add3A_3971 = arith.addf %add3A_3947, %get3A_3970 : vector<16xf32>
      %get3A_3972 = arith.constant 60 : i32
      %get3A_3973 = arith.index_cast %get3A_3972 : i32 to index
      %get3A_3974 = arith.constant 48 : index
      %get3A_3975 = tpu.vector_load %arg7[%get3A_3973, %get3A_3974] {strides = array<i32>} : memref<100x64xf32, #tpu.memory_space<vmem>>, vector<1x16xf32>,
      %get3A_3976 = vector.shape_cast %get3A_3975 : vector<1x16xf32> to vector<16xf32>
      %add3A_3977 = arith.addf %add3A_3953, %get3A_3976 : vector<16xf32>
      %get3A_3978 = arith.constant 61 : i32
      %get3A_3979 = arith.index_cast %get3A_3978 : i32 to index
      %get3A_3980 = arith.constant 0 : index
      %get3A_3981 = tpu.vector_load %arg7[%get3A_3979, %get3A_3980] {strides = array<i32>} : memref<100x64xf32, #tpu.memory_space<vmem>>, vector<1x16xf32>,
      %get3A_3982 = vector.shape_cast %get3A_3981 : vector<1x16xf32> to vector<16xf32>
      %add3A_3983 = arith.addf %add3A_3959, %get3A_3982 : vector<16xf32>
      %get3A_3984 = arith.constant 61 : i32
      %get3A_3985 = arith.index_cast %get3A_3984 : i32 to index
      %get3A_3986 = arith.constant 16 : index
      %get3A_3987 = tpu.vector_load %arg7[%get3A_3985, %get3A_3986] {strides = array<i32>} : memref<100x64xf32, #tpu.memory_space<vmem>>, vector<1x16xf32>,
      %get3A_3988 = vector.shape_cast %get3A_3987 : vector<1x16xf32> to vector<16xf32>
      %add3A_3989 = arith.addf %add3A_3965, %get3A_3988 : vector<16xf32>
      %get3A_3990 = arith.constant 61 : i32
      %get3A_3991 = arith.index_cast %get3A_3990 : i32 to index
      %get3A_3992 = arith.constant 32 : index
      %get3A_3993 = tpu.vector_load %arg7[%get3A_3991, %get3A_3992] {strides = array<i32>} : memref<100x64xf32, #tpu.memory_space<vmem>>, vector<1x16xf32>,
      %get3A_3994 = vector.shape_cast %get3A_3993 : vector<1x16xf32> to vector<16xf32>
      %add3A_3995 = arith.addf %add3A_3971, %get3A_3994 : vector<16xf32>
      %get3A_3996 = arith.constant 61 : i32
      %get3A_3997 = arith.index_cast %get3A_3996 : i32 to index
      %get3A_3998 = arith.constant 48 : index
      %get3A_3999 = tpu.vector_load %arg7[%get3A_3997, %get3A_3998] {strides = array<i32>} : memref<100x64xf32, #tpu.memory_space<vmem>>, vector<1x16xf32>,
      %get3A_4000 = vector.shape_cast %get3A_3999 : vector<1x16xf32> to vector<16xf32>
      %add3A_4001 = arith.addf %add3A_3977, %get3A_4000 : vector<16xf32>
      %get3A_4002 = arith.constant 62 : i32
      %get3A_4003 = arith.index_cast %get3A_4002 : i32 to index
      %get3A_4004 = arith.constant 0 : index
      %get3A_4005 = tpu.vector_load %arg7[%get3A_4003, %get3A_4004] {strides = array<i32>} : memref<100x64xf32, #tpu.memory_space<vmem>>, vector<1x16xf32>,
      %get3A_4006 = vector.shape_cast %get3A_4005 : vector<1x16xf32> to vector<16xf32>
      %add3A_4007 = arith.addf %add3A_3983, %get3A_4006 : vector<16xf32>
      %get3A_4008 = arith.constant 62 : i32
      %get3A_4009 = arith.index_cast %get3A_4008 : i32 to index
      %get3A_4010 = arith.constant 16 : index
      %get3A_4011 = tpu.vector_load %arg7[%get3A_4009, %get3A_4010] {strides = array<i32>} : memref<100x64xf32, #tpu.memory_space<vmem>>, vector<1x16xf32>,
      %get3A_4012 = vector.shape_cast %get3A_4011 : vector<1x16xf32> to vector<16xf32>
      %add3A_4013 = arith.addf %add3A_3989, %get3A_4012 : vector<16xf32>
      %get3A_4014 = arith.constant 62 : i32
      %get3A_4015 = arith.index_cast %get3A_4014 : i32 to index
      %get3A_4016 = arith.constant 32 : index
      %get3A_4017 = tpu.vector_load %arg7[%get3A_4015, %get3A_4016] {strides = array<i32>} : memref<100x64xf32, #tpu.memory_space<vmem>>, vector<1x16xf32>,
      %get3A_4018 = vector.shape_cast %get3A_4017 : vector<1x16xf32> to vector<16xf32>
      %add3A_4019 = arith.addf %add3A_3995, %get3A_4018 : vector<16xf32>
      %get3A_4020 = arith.constant 62 : i32
      %get3A_4021 = arith.index_cast %get3A_4020 : i32 to index
      %get3A_4022 = arith.constant 48 : index
      %get3A_4023 = tpu.vector_load %arg7[%get3A_4021, %get3A_4022] {strides = array<i32>} : memref<100x64xf32, #tpu.memory_space<vmem>>, vector<1x16xf32>,
      %get3A_4024 = vector.shape_cast %get3A_4023 : vector<1x16xf32> to vector<16xf32>
      %add3A_4025 = arith.addf %add3A_4001, %get3A_4024 : vector<16xf32>
      %get3A_4026 = arith.constant 63 : i32
      %get3A_4027 = arith.index_cast %get3A_4026 : i32 to index
      %get3A_4028 = arith.constant 0 : index
      %get3A_4029 = tpu.vector_load %arg7[%get3A_4027, %get3A_4028] {strides = array<i32>} : memref<100x64xf32, #tpu.memory_space<vmem>>, vector<1x16xf32>,
      %get3A_4030 = vector.shape_cast %get3A_4029 : vector<1x16xf32> to vector<16xf32>
      %add3A_4031 = arith.addf %add3A_4007, %get3A_4030 : vector<16xf32>
      %get3A_4032 = arith.constant 63 : i32
      %get3A_4033 = arith.index_cast %get3A_4032 : i32 to index
      %get3A_4034 = arith.constant 16 : index
      %get3A_4035 = tpu.vector_load %arg7[%get3A_4033, %get3A_4034] {strides = array<i32>} : memref<100x64xf32, #tpu.memory_space<vmem>>, vector<1x16xf32>,
      %get3A_4036 = vector.shape_cast %get3A_4035 : vector<1x16xf32> to vector<16xf32>
      %add3A_4037 = arith.addf %add3A_4013, %get3A_4036 : vector<16xf32>
      %get3A_4038 = arith.constant 63 : i32
      %get3A_4039 = arith.index_cast %get3A_4038 : i32 to index
      %get3A_4040 = arith.constant 32 : index
      %get3A_4041 = tpu.vector_load %arg7[%get3A_4039, %get3A_4040] {strides = array<i32>} : memref<100x64xf32, #tpu.memory_space<vmem>>, vector<1x16xf32>,
      %get3A_4042 = vector.shape_cast %get3A_4041 : vector<1x16xf32> to vector<16xf32>
      %add3A_4043 = arith.addf %add3A_4019, %get3A_4042 : vector<16xf32>
      %get3A_4044 = arith.constant 63 : i32
      %get3A_4045 = arith.index_cast %get3A_4044 : i32 to index
      %get3A_4046 = arith.constant 48 : index
      %get3A_4047 = tpu.vector_load %arg7[%get3A_4045, %get3A_4046] {strides = array<i32>} : memref<100x64xf32, #tpu.memory_space<vmem>>, vector<1x16xf32>,
      %get3A_4048 = vector.shape_cast %get3A_4047 : vector<1x16xf32> to vector<16xf32>
      %add3A_4049 = arith.addf %add3A_4025, %get3A_4048 : vector<16xf32>
      %get3A_4050 = arith.constant 64 : i32
      %get3A_4051 = arith.index_cast %get3A_4050 : i32 to index
      %get3A_4052 = arith.constant 0 : index
      %get3A_4053 = tpu.vector_load %arg7[%get3A_4051, %get3A_4052] {strides = array<i32>} : memref<100x64xf32, #tpu.memory_space<vmem>>, vector<1x16xf32>,
      %get3A_4054 = vector.shape_cast %get3A_4053 : vector<1x16xf32> to vector<16xf32>
      %add3A_4055 = arith.addf %add3A_4031, %get3A_4054 : vector<16xf32>
      %get3A_4056 = arith.constant 64 : i32
      %get3A_4057 = arith.index_cast %get3A_4056 : i32 to index
      %get3A_4058 = arith.constant 16 : index
      %get3A_4059 = tpu.vector_load %arg7[%get3A_4057, %get3A_4058] {strides = array<i32>} : memref<100x64xf32, #tpu.memory_space<vmem>>, vector<1x16xf32>,
      %get3A_4060 = vector.shape_cast %get3A_4059 : vector<1x16xf32> to vector<16xf32>
      %add3A_4061 = arith.addf %add3A_4037, %get3A_4060 : vector<16xf32>
      %get3A_4062 = arith.constant 64 : i32
      %get3A_4063 = arith.index_cast %get3A_4062 : i32 to index
      %get3A_4064 = arith.constant 32 : index
      %get3A_4065 = tpu.vector_load %arg7[%get3A_4063, %get3A_4064] {strides = array<i32>} : memref<100x64xf32, #tpu.memory_space<vmem>>, vector<1x16xf32>,
      %get3A_4066 = vector.shape_cast %get3A_4065 : vector<1x16xf32> to vector<16xf32>
      %add3A_4067 = arith.addf %add3A_4043, %get3A_4066 : vector<16xf32>
      %get3A_4068 = arith.constant 64 : i32
      %get3A_4069 = arith.index_cast %get3A_4068 : i32 to index
      %get3A_4070 = arith.constant 48 : index
      %get3A_4071 = tpu.vector_load %arg7[%get3A_4069, %get3A_4070] {strides = array<i32>} : memref<100x64xf32, #tpu.memory_space<vmem>>, vector<1x16xf32>,
      %get3A_4072 = vector.shape_cast %get3A_4071 : vector<1x16xf32> to vector<16xf32>
      %add3A_4073 = arith.addf %add3A_4049, %get3A_4072 : vector<16xf32>
      %get3A_4074 = arith.constant 65 : i32
      %get3A_4075 = arith.index_cast %get3A_4074 : i32 to index
      %get3A_4076 = arith.constant 0 : index
      %get3A_4077 = tpu.vector_load %arg7[%get3A_4075, %get3A_4076] {strides = array<i32>} : memref<100x64xf32, #tpu.memory_space<vmem>>, vector<1x16xf32>,
      %get3A_4078 = vector.shape_cast %get3A_4077 : vector<1x16xf32> to vector<16xf32>
      %add3A_4079 = arith.addf %add3A_4055, %get3A_4078 : vector<16xf32>
      %get3A_4080 = arith.constant 65 : i32
      %get3A_4081 = arith.index_cast %get3A_4080 : i32 to index
      %get3A_4082 = arith.constant 16 : index
      %get3A_4083 = tpu.vector_load %arg7[%get3A_4081, %get3A_4082] {strides = array<i32>} : memref<100x64xf32, #tpu.memory_space<vmem>>, vector<1x16xf32>,
      %get3A_4084 = vector.shape_cast %get3A_4083 : vector<1x16xf32> to vector<16xf32>
      %add3A_4085 = arith.addf %add3A_4061, %get3A_4084 : vector<16xf32>
      %get3A_4086 = arith.constant 65 : i32
      %get3A_4087 = arith.index_cast %get3A_4086 : i32 to index
      %get3A_4088 = arith.constant 32 : index
      %get3A_4089 = tpu.vector_load %arg7[%get3A_4087, %get3A_4088] {strides = array<i32>} : memref<100x64xf32, #tpu.memory_space<vmem>>, vector<1x16xf32>,
      %get3A_4090 = vector.shape_cast %get3A_4089 : vector<1x16xf32> to vector<16xf32>
      %add3A_4091 = arith.addf %add3A_4067, %get3A_4090 : vector<16xf32>
      %get3A_4092 = arith.constant 65 : i32
      %get3A_4093 = arith.index_cast %get3A_4092 : i32 to index
      %get3A_4094 = arith.constant 48 : index
      %get3A_4095 = tpu.vector_load %arg7[%get3A_4093, %get3A_4094] {strides = array<i32>} : memref<100x64xf32, #tpu.memory_space<vmem>>, vector<1x16xf32>,
      %get3A_4096 = vector.shape_cast %get3A_4095 : vector<1x16xf32> to vector<16xf32>
      %add3A_4097 = arith.addf %add3A_4073, %get3A_4096 : vector<16xf32>
      %get3A_4098 = arith.constant 66 : i32
      %get3A_4099 = arith.index_cast %get3A_4098 : i32 to index
      %get3A_4100 = arith.constant 0 : index
      %get3A_4101 = tpu.vector_load %arg7[%get3A_4099, %get3A_4100] {strides = array<i32>} : memref<100x64xf32, #tpu.memory_space<vmem>>, vector<1x16xf32>,
      %get3A_4102 = vector.shape_cast %get3A_4101 : vector<1x16xf32> to vector<16xf32>
      %add3A_4103 = arith.addf %add3A_4079, %get3A_4102 : vector<16xf32>
      %get3A_4104 = arith.constant 66 : i32
      %get3A_4105 = arith.index_cast %get3A_4104 : i32 to index
      %get3A_4106 = arith.constant 16 : index
      %get3A_4107 = tpu.vector_load %arg7[%get3A_4105, %get3A_4106] {strides = array<i32>} : memref<100x64xf32, #tpu.memory_space<vmem>>, vector<1x16xf32>,
      %get3A_4108 = vector.shape_cast %get3A_4107 : vector<1x16xf32> to vector<16xf32>
      %add3A_4109 = arith.addf %add3A_4085, %get3A_4108 : vector<16xf32>
      %get3A_4110 = arith.constant 66 : i32
      %get3A_4111 = arith.index_cast %get3A_4110 : i32 to index
      %get3A_4112 = arith.constant 32 : index
      %get3A_4113 = tpu.vector_load %arg7[%get3A_4111, %get3A_4112] {strides = array<i32>} : memref<100x64xf32, #tpu.memory_space<vmem>>, vector<1x16xf32>,
      %get3A_4114 = vector.shape_cast %get3A_4113 : vector<1x16xf32> to vector<16xf32>
      %add3A_4115 = arith.addf %add3A_4091, %get3A_4114 : vector<16xf32>
      %get3A_4116 = arith.constant 66 : i32
      %get3A_4117 = arith.index_cast %get3A_4116 : i32 to index
      %get3A_4118 = arith.constant 48 : index
      %get3A_4119 = tpu.vector_load %arg7[%get3A_4117, %get3A_4118] {strides = array<i32>} : memref<100x64xf32, #tpu.memory_space<vmem>>, vector<1x16xf32>,
      %get3A_4120 = vector.shape_cast %get3A_4119 : vector<1x16xf32> to vector<16xf32>
      %add3A_4121 = arith.addf %add3A_4097, %get3A_4120 : vector<16xf32>
      %get3A_4122 = arith.constant 67 : i32
      %get3A_4123 = arith.index_cast %get3A_4122 : i32 to index
      %get3A_4124 = arith.constant 0 : index
      %get3A_4125 = tpu.vector_load %arg7[%get3A_4123, %get3A_4124] {strides = array<i32>} : memref<100x64xf32, #tpu.memory_space<vmem>>, vector<1x16xf32>,
      %get3A_4126 = vector.shape_cast %get3A_4125 : vector<1x16xf32> to vector<16xf32>
      %add3A_4127 = arith.addf %add3A_4103, %get3A_4126 : vector<16xf32>
      %get3A_4128 = arith.constant 67 : i32
      %get3A_4129 = arith.index_cast %get3A_4128 : i32 to index
      %get3A_4130 = arith.constant 16 : index
      %get3A_4131 = tpu.vector_load %arg7[%get3A_4129, %get3A_4130] {strides = array<i32>} : memref<100x64xf32, #tpu.memory_space<vmem>>, vector<1x16xf32>,
      %get3A_4132 = vector.shape_cast %get3A_4131 : vector<1x16xf32> to vector<16xf32>
      %add3A_4133 = arith.addf %add3A_4109, %get3A_4132 : vector<16xf32>
      %get3A_4134 = arith.constant 67 : i32
      %get3A_4135 = arith.index_cast %get3A_4134 : i32 to index
      %get3A_4136 = arith.constant 32 : index
      %get3A_4137 = tpu.vector_load %arg7[%get3A_4135, %get3A_4136] {strides = array<i32>} : memref<100x64xf32, #tpu.memory_space<vmem>>, vector<1x16xf32>,
      %get3A_4138 = vector.shape_cast %get3A_4137 : vector<1x16xf32> to vector<16xf32>
      %add3A_4139 = arith.addf %add3A_4115, %get3A_4138 : vector<16xf32>
      %get3A_4140 = arith.constant 67 : i32
      %get3A_4141 = arith.index_cast %get3A_4140 : i32 to index
      %get3A_4142 = arith.constant 48 : index
      %get3A_4143 = tpu.vector_load %arg7[%get3A_4141, %get3A_4142] {strides = array<i32>} : memref<100x64xf32, #tpu.memory_space<vmem>>, vector<1x16xf32>,
      %get3A_4144 = vector.shape_cast %get3A_4143 : vector<1x16xf32> to vector<16xf32>
      %add3A_4145 = arith.addf %add3A_4121, %get3A_4144 : vector<16xf32>
      %get3A_4146 = arith.constant 68 : i32
      %get3A_4147 = arith.index_cast %get3A_4146 : i32 to index
      %get3A_4148 = arith.constant 0 : index
      %get3A_4149 = tpu.vector_load %arg7[%get3A_4147, %get3A_4148] {strides = array<i32>} : memref<100x64xf32, #tpu.memory_space<vmem>>, vector<1x16xf32>,
      %get3A_4150 = vector.shape_cast %get3A_4149 : vector<1x16xf32> to vector<16xf32>
      %add3A_4151 = arith.addf %add3A_4127, %get3A_4150 : vector<16xf32>
      %get3A_4152 = arith.constant 68 : i32
      %get3A_4153 = arith.index_cast %get3A_4152 : i32 to index
      %get3A_4154 = arith.constant 16 : index
      %get3A_4155 = tpu.vector_load %arg7[%get3A_4153, %get3A_4154] {strides = array<i32>} : memref<100x64xf32, #tpu.memory_space<vmem>>, vector<1x16xf32>,
      %get3A_4156 = vector.shape_cast %get3A_4155 : vector<1x16xf32> to vector<16xf32>
      %add3A_4157 = arith.addf %add3A_4133, %get3A_4156 : vector<16xf32>
      %get3A_4158 = arith.constant 68 : i32
      %get3A_4159 = arith.index_cast %get3A_4158 : i32 to index
      %get3A_4160 = arith.constant 32 : index
      %get3A_4161 = tpu.vector_load %arg7[%get3A_4159, %get3A_4160] {strides = array<i32>} : memref<100x64xf32, #tpu.memory_space<vmem>>, vector<1x16xf32>,
      %get3A_4162 = vector.shape_cast %get3A_4161 : vector<1x16xf32> to vector<16xf32>
      %add3A_4163 = arith.addf %add3A_4139, %get3A_4162 : vector<16xf32>
      %get3A_4164 = arith.constant 68 : i32
      %get3A_4165 = arith.index_cast %get3A_4164 : i32 to index
      %get3A_4166 = arith.constant 48 : index
      %get3A_4167 = tpu.vector_load %arg7[%get3A_4165, %get3A_4166] {strides = array<i32>} : memref<100x64xf32, #tpu.memory_space<vmem>>, vector<1x16xf32>,
      %get3A_4168 = vector.shape_cast %get3A_4167 : vector<1x16xf32> to vector<16xf32>
      %add3A_4169 = arith.addf %add3A_4145, %get3A_4168 : vector<16xf32>
      %get3A_4170 = arith.constant 69 : i32
      %get3A_4171 = arith.index_cast %get3A_4170 : i32 to index
      %get3A_4172 = arith.constant 0 : index
      %get3A_4173 = tpu.vector_load %arg7[%get3A_4171, %get3A_4172] {strides = array<i32>} : memref<100x64xf32, #tpu.memory_space<vmem>>, vector<1x16xf32>,
      %get3A_4174 = vector.shape_cast %get3A_4173 : vector<1x16xf32> to vector<16xf32>
      %add3A_4175 = arith.addf %add3A_4151, %get3A_4174 : vector<16xf32>
      %get3A_4176 = arith.constant 69 : i32
      %get3A_4177 = arith.index_cast %get3A_4176 : i32 to index
      %get3A_4178 = arith.constant 16 : index
      %get3A_4179 = tpu.vector_load %arg7[%get3A_4177, %get3A_4178] {strides = array<i32>} : memref<100x64xf32, #tpu.memory_space<vmem>>, vector<1x16xf32>,
      %get3A_4180 = vector.shape_cast %get3A_4179 : vector<1x16xf32> to vector<16xf32>
      %add3A_4181 = arith.addf %add3A_4157, %get3A_4180 : vector<16xf32>
      %get3A_4182 = arith.constant 69 : i32
      %get3A_4183 = arith.index_cast %get3A_4182 : i32 to index
      %get3A_4184 = arith.constant 32 : index
      %get3A_4185 = tpu.vector_load %arg7[%get3A_4183, %get3A_4184] {strides = array<i32>} : memref<100x64xf32, #tpu.memory_space<vmem>>, vector<1x16xf32>,
      %get3A_4186 = vector.shape_cast %get3A_4185 : vector<1x16xf32> to vector<16xf32>
      %add3A_4187 = arith.addf %add3A_4163, %get3A_4186 : vector<16xf32>
      %get3A_4188 = arith.constant 69 : i32
      %get3A_4189 = arith.index_cast %get3A_4188 : i32 to index
      %get3A_4190 = arith.constant 48 : index
      %get3A_4191 = tpu.vector_load %arg7[%get3A_4189, %get3A_4190] {strides = array<i32>} : memref<100x64xf32, #tpu.memory_space<vmem>>, vector<1x16xf32>,
      %get3A_4192 = vector.shape_cast %get3A_4191 : vector<1x16xf32> to vector<16xf32>
      %add3A_4193 = arith.addf %add3A_4169, %get3A_4192 : vector<16xf32>
      %get3A_4194 = arith.constant 70 : i32
      %get3A_4195 = arith.index_cast %get3A_4194 : i32 to index
      %get3A_4196 = arith.constant 0 : index
      %get3A_4197 = tpu.vector_load %arg7[%get3A_4195, %get3A_4196] {strides = array<i32>} : memref<100x64xf32, #tpu.memory_space<vmem>>, vector<1x16xf32>,
      %get3A_4198 = vector.shape_cast %get3A_4197 : vector<1x16xf32> to vector<16xf32>
      %add3A_4199 = arith.addf %add3A_4175, %get3A_4198 : vector<16xf32>
      %get3A_4200 = arith.constant 70 : i32
      %get3A_4201 = arith.index_cast %get3A_4200 : i32 to index
      %get3A_4202 = arith.constant 16 : index
      %get3A_4203 = tpu.vector_load %arg7[%get3A_4201, %get3A_4202] {strides = array<i32>} : memref<100x64xf32, #tpu.memory_space<vmem>>, vector<1x16xf32>,
      %get3A_4204 = vector.shape_cast %get3A_4203 : vector<1x16xf32> to vector<16xf32>
      %add3A_4205 = arith.addf %add3A_4181, %get3A_4204 : vector<16xf32>
      %get3A_4206 = arith.constant 70 : i32
      %get3A_4207 = arith.index_cast %get3A_4206 : i32 to index
      %get3A_4208 = arith.constant 32 : index
      %get3A_4209 = tpu.vector_load %arg7[%get3A_4207, %get3A_4208] {strides = array<i32>} : memref<100x64xf32, #tpu.memory_space<vmem>>, vector<1x16xf32>,
      %get3A_4210 = vector.shape_cast %get3A_4209 : vector<1x16xf32> to vector<16xf32>
      %add3A_4211 = arith.addf %add3A_4187, %get3A_4210 : vector<16xf32>
      %get3A_4212 = arith.constant 70 : i32
      %get3A_4213 = arith.index_cast %get3A_4212 : i32 to index
      %get3A_4214 = arith.constant 48 : index
      %get3A_4215 = tpu.vector_load %arg7[%get3A_4213, %get3A_4214] {strides = array<i32>} : memref<100x64xf32, #tpu.memory_space<vmem>>, vector<1x16xf32>,
      %get3A_4216 = vector.shape_cast %get3A_4215 : vector<1x16xf32> to vector<16xf32>
      %add3A_4217 = arith.addf %add3A_4193, %get3A_4216 : vector<16xf32>
      %get3A_4218 = arith.constant 71 : i32
      %get3A_4219 = arith.index_cast %get3A_4218 : i32 to index
      %get3A_4220 = arith.constant 0 : index
      %get3A_4221 = tpu.vector_load %arg7[%get3A_4219, %get3A_4220] {strides = array<i32>} : memref<100x64xf32, #tpu.memory_space<vmem>>, vector<1x16xf32>,
      %get3A_4222 = vector.shape_cast %get3A_4221 : vector<1x16xf32> to vector<16xf32>
      %add3A_4223 = arith.addf %add3A_4199, %get3A_4222 : vector<16xf32>
      %get3A_4224 = arith.constant 71 : i32
      %get3A_4225 = arith.index_cast %get3A_4224 : i32 to index
      %get3A_4226 = arith.constant 16 : index
      %get3A_4227 = tpu.vector_load %arg7[%get3A_4225, %get3A_4226] {strides = array<i32>} : memref<100x64xf32, #tpu.memory_space<vmem>>, vector<1x16xf32>,
      %get3A_4228 = vector.shape_cast %get3A_4227 : vector<1x16xf32> to vector<16xf32>
      %add3A_4229 = arith.addf %add3A_4205, %get3A_4228 : vector<16xf32>
      %get3A_4230 = arith.constant 71 : i32
      %get3A_4231 = arith.index_cast %get3A_4230 : i32 to index
      %get3A_4232 = arith.constant 32 : index
      %get3A_4233 = tpu.vector_load %arg7[%get3A_4231, %get3A_4232] {strides = array<i32>} : memref<100x64xf32, #tpu.memory_space<vmem>>, vector<1x16xf32>,
      %get3A_4234 = vector.shape_cast %get3A_4233 : vector<1x16xf32> to vector<16xf32>
      %add3A_4235 = arith.addf %add3A_4211, %get3A_4234 : vector<16xf32>
      %get3A_4236 = arith.constant 71 : i32
      %get3A_4237 = arith.index_cast %get3A_4236 : i32 to index
      %get3A_4238 = arith.constant 48 : index
      %get3A_4239 = tpu.vector_load %arg7[%get3A_4237, %get3A_4238] {strides = array<i32>} : memref<100x64xf32, #tpu.memory_space<vmem>>, vector<1x16xf32>,
      %get3A_4240 = vector.shape_cast %get3A_4239 : vector<1x16xf32> to vector<16xf32>
      %add3A_4241 = arith.addf %add3A_4217, %get3A_4240 : vector<16xf32>
      %get3A_4242 = arith.constant 72 : i32
      %get3A_4243 = arith.index_cast %get3A_4242 : i32 to index
      %get3A_4244 = arith.constant 0 : index
      %get3A_4245 = tpu.vector_load %arg7[%get3A_4243, %get3A_4244] {strides = array<i32>} : memref<100x64xf32, #tpu.memory_space<vmem>>, vector<1x16xf32>,
      %get3A_4246 = vector.shape_cast %get3A_4245 : vector<1x16xf32> to vector<16xf32>
      %add3A_4247 = arith.addf %add3A_4223, %get3A_4246 : vector<16xf32>
      %get3A_4248 = arith.constant 72 : i32
      %get3A_4249 = arith.index_cast %get3A_4248 : i32 to index
      %get3A_4250 = arith.constant 16 : index
      %get3A_4251 = tpu.vector_load %arg7[%get3A_4249, %get3A_4250] {strides = array<i32>} : memref<100x64xf32, #tpu.memory_space<vmem>>, vector<1x16xf32>,
      %get3A_4252 = vector.shape_cast %get3A_4251 : vector<1x16xf32> to vector<16xf32>
      %add3A_4253 = arith.addf %add3A_4229, %get3A_4252 : vector<16xf32>
      %get3A_4254 = arith.constant 72 : i32
      %get3A_4255 = arith.index_cast %get3A_4254 : i32 to index
      %get3A_4256 = arith.constant 32 : index
      %get3A_4257 = tpu.vector_load %arg7[%get3A_4255, %get3A_4256] {strides = array<i32>} : memref<100x64xf32, #tpu.memory_space<vmem>>, vector<1x16xf32>,
      %get3A_4258 = vector.shape_cast %get3A_4257 : vector<1x16xf32> to vector<16xf32>
      %add3A_4259 = arith.addf %add3A_4235, %get3A_4258 : vector<16xf32>
      %get3A_4260 = arith.constant 72 : i32
      %get3A_4261 = arith.index_cast %get3A_4260 : i32 to index
      %get3A_4262 = arith.constant 48 : index
      %get3A_4263 = tpu.vector_load %arg7[%get3A_4261, %get3A_4262] {strides = array<i32>} : memref<100x64xf32, #tpu.memory_space<vmem>>, vector<1x16xf32>,
      %get3A_4264 = vector.shape_cast %get3A_4263 : vector<1x16xf32> to vector<16xf32>
      %add3A_4265 = arith.addf %add3A_4241, %get3A_4264 : vector<16xf32>
      %get3A_4266 = arith.constant 73 : i32
      %get3A_4267 = arith.index_cast %get3A_4266 : i32 to index
      %get3A_4268 = arith.constant 0 : index
      %get3A_4269 = tpu.vector_load %arg7[%get3A_4267, %get3A_4268] {strides = array<i32>} : memref<100x64xf32, #tpu.memory_space<vmem>>, vector<1x16xf32>,
      %get3A_4270 = vector.shape_cast %get3A_4269 : vector<1x16xf32> to vector<16xf32>
      %add3A_4271 = arith.addf %add3A_4247, %get3A_4270 : vector<16xf32>
      %get3A_4272 = arith.constant 73 : i32
      %get3A_4273 = arith.index_cast %get3A_4272 : i32 to index
      %get3A_4274 = arith.constant 16 : index
      %get3A_4275 = tpu.vector_load %arg7[%get3A_4273, %get3A_4274] {strides = array<i32>} : memref<100x64xf32, #tpu.memory_space<vmem>>, vector<1x16xf32>,
      %get3A_4276 = vector.shape_cast %get3A_4275 : vector<1x16xf32> to vector<16xf32>
      %add3A_4277 = arith.addf %add3A_4253, %get3A_4276 : vector<16xf32>
      %get3A_4278 = arith.constant 73 : i32
      %get3A_4279 = arith.index_cast %get3A_4278 : i32 to index
      %get3A_4280 = arith.constant 32 : index
      %get3A_4281 = tpu.vector_load %arg7[%get3A_4279, %get3A_4280] {strides = array<i32>} : memref<100x64xf32, #tpu.memory_space<vmem>>, vector<1x16xf32>,
      %get3A_4282 = vector.shape_cast %get3A_4281 : vector<1x16xf32> to vector<16xf32>
      %add3A_4283 = arith.addf %add3A_4259, %get3A_4282 : vector<16xf32>
      %get3A_4284 = arith.constant 73 : i32
      %get3A_4285 = arith.index_cast %get3A_4284 : i32 to index
      %get3A_4286 = arith.constant 48 : index
      %get3A_4287 = tpu.vector_load %arg7[%get3A_4285, %get3A_4286] {strides = array<i32>} : memref<100x64xf32, #tpu.memory_space<vmem>>, vector<1x16xf32>,
      %get3A_4288 = vector.shape_cast %get3A_4287 : vector<1x16xf32> to vector<16xf32>
      %add3A_4289 = arith.addf %add3A_4265, %get3A_4288 : vector<16xf32>
      %get3A_4290 = arith.constant 74 : i32
      %get3A_4291 = arith.index_cast %get3A_4290 : i32 to index
      %get3A_4292 = arith.constant 0 : index
      %get3A_4293 = tpu.vector_load %arg7[%get3A_4291, %get3A_4292] {strides = array<i32>} : memref<100x64xf32, #tpu.memory_space<vmem>>, vector<1x16xf32>,
      %get3A_4294 = vector.shape_cast %get3A_4293 : vector<1x16xf32> to vector<16xf32>
      %add3A_4295 = arith.addf %add3A_4271, %get3A_4294 : vector<16xf32>
      %get3A_4296 = arith.constant 74 : i32
      %get3A_4297 = arith.index_cast %get3A_4296 : i32 to index
      %get3A_4298 = arith.constant 16 : index
      %get3A_4299 = tpu.vector_load %arg7[%get3A_4297, %get3A_4298] {strides = array<i32>} : memref<100x64xf32, #tpu.memory_space<vmem>>, vector<1x16xf32>,
      %get3A_4300 = vector.shape_cast %get3A_4299 : vector<1x16xf32> to vector<16xf32>
      %add3A_4301 = arith.addf %add3A_4277, %get3A_4300 : vector<16xf32>
      %get3A_4302 = arith.constant 74 : i32
      %get3A_4303 = arith.index_cast %get3A_4302 : i32 to index
      %get3A_4304 = arith.constant 32 : index
      %get3A_4305 = tpu.vector_load %arg7[%get3A_4303, %get3A_4304] {strides = array<i32>} : memref<100x64xf32, #tpu.memory_space<vmem>>, vector<1x16xf32>,
      %get3A_4306 = vector.shape_cast %get3A_4305 : vector<1x16xf32> to vector<16xf32>
      %add3A_4307 = arith.addf %add3A_4283, %get3A_4306 : vector<16xf32>
      %get3A_4308 = arith.constant 74 : i32
      %get3A_4309 = arith.index_cast %get3A_4308 : i32 to index
      %get3A_4310 = arith.constant 48 : index
      %get3A_4311 = tpu.vector_load %arg7[%get3A_4309, %get3A_4310] {strides = array<i32>} : memref<100x64xf32, #tpu.memory_space<vmem>>, vector<1x16xf32>,
      %get3A_4312 = vector.shape_cast %get3A_4311 : vector<1x16xf32> to vector<16xf32>
      %add3A_4313 = arith.addf %add3A_4289, %get3A_4312 : vector<16xf32>
      %get3A_4314 = arith.constant 75 : i32
      %get3A_4315 = arith.index_cast %get3A_4314 : i32 to index
      %get3A_4316 = arith.constant 0 : index
      %get3A_4317 = tpu.vector_load %arg7[%get3A_4315, %get3A_4316] {strides = array<i32>} : memref<100x64xf32, #tpu.memory_space<vmem>>, vector<1x16xf32>,
      %get3A_4318 = vector.shape_cast %get3A_4317 : vector<1x16xf32> to vector<16xf32>
      %add3A_4319 = arith.addf %add3A_4295, %get3A_4318 : vector<16xf32>
      %get3A_4320 = arith.constant 75 : i32
      %get3A_4321 = arith.index_cast %get3A_4320 : i32 to index
      %get3A_4322 = arith.constant 16 : index
      %get3A_4323 = tpu.vector_load %arg7[%get3A_4321, %get3A_4322] {strides = array<i32>} : memref<100x64xf32, #tpu.memory_space<vmem>>, vector<1x16xf32>,
      %get3A_4324 = vector.shape_cast %get3A_4323 : vector<1x16xf32> to vector<16xf32>
      %add3A_4325 = arith.addf %add3A_4301, %get3A_4324 : vector<16xf32>
      %get3A_4326 = arith.constant 75 : i32
      %get3A_4327 = arith.index_cast %get3A_4326 : i32 to index
      %get3A_4328 = arith.constant 32 : index
      %get3A_4329 = tpu.vector_load %arg7[%get3A_4327, %get3A_4328] {strides = array<i32>} : memref<100x64xf32, #tpu.memory_space<vmem>>, vector<1x16xf32>,
      %get3A_4330 = vector.shape_cast %get3A_4329 : vector<1x16xf32> to vector<16xf32>
      %add3A_4331 = arith.addf %add3A_4307, %get3A_4330 : vector<16xf32>
      %get3A_4332 = arith.constant 75 : i32
      %get3A_4333 = arith.index_cast %get3A_4332 : i32 to index
      %get3A_4334 = arith.constant 48 : index
      %get3A_4335 = tpu.vector_load %arg7[%get3A_4333, %get3A_4334] {strides = array<i32>} : memref<100x64xf32, #tpu.memory_space<vmem>>, vector<1x16xf32>,
      %get3A_4336 = vector.shape_cast %get3A_4335 : vector<1x16xf32> to vector<16xf32>
      %add3A_4337 = arith.addf %add3A_4313, %get3A_4336 : vector<16xf32>
      %get3A_4338 = arith.constant 76 : i32
      %get3A_4339 = arith.index_cast %get3A_4338 : i32 to index
      %get3A_4340 = arith.constant 0 : index
      %get3A_4341 = tpu.vector_load %arg7[%get3A_4339, %get3A_4340] {strides = array<i32>} : memref<100x64xf32, #tpu.memory_space<vmem>>, vector<1x16xf32>,
      %get3A_4342 = vector.shape_cast %get3A_4341 : vector<1x16xf32> to vector<16xf32>
      %add3A_4343 = arith.addf %add3A_4319, %get3A_4342 : vector<16xf32>
      %get3A_4344 = arith.constant 76 : i32
      %get3A_4345 = arith.index_cast %get3A_4344 : i32 to index
      %get3A_4346 = arith.constant 16 : index
      %get3A_4347 = tpu.vector_load %arg7[%get3A_4345, %get3A_4346] {strides = array<i32>} : memref<100x64xf32, #tpu.memory_space<vmem>>, vector<1x16xf32>,
      %get3A_4348 = vector.shape_cast %get3A_4347 : vector<1x16xf32> to vector<16xf32>
      %add3A_4349 = arith.addf %add3A_4325, %get3A_4348 : vector<16xf32>
      %get3A_4350 = arith.constant 76 : i32
      %get3A_4351 = arith.index_cast %get3A_4350 : i32 to index
      %get3A_4352 = arith.constant 32 : index
      %get3A_4353 = tpu.vector_load %arg7[%get3A_4351, %get3A_4352] {strides = array<i32>} : memref<100x64xf32, #tpu.memory_space<vmem>>, vector<1x16xf32>,
      %get3A_4354 = vector.shape_cast %get3A_4353 : vector<1x16xf32> to vector<16xf32>
      %add3A_4355 = arith.addf %add3A_4331, %get3A_4354 : vector<16xf32>
      %get3A_4356 = arith.constant 76 : i32
      %get3A_4357 = arith.index_cast %get3A_4356 : i32 to index
      %get3A_4358 = arith.constant 48 : index
      %get3A_4359 = tpu.vector_load %arg7[%get3A_4357, %get3A_4358] {strides = array<i32>} : memref<100x64xf32, #tpu.memory_space<vmem>>, vector<1x16xf32>,
      %get3A_4360 = vector.shape_cast %get3A_4359 : vector<1x16xf32> to vector<16xf32>
      %add3A_4361 = arith.addf %add3A_4337, %get3A_4360 : vector<16xf32>
      %get3A_4362 = arith.constant 77 : i32
      %get3A_4363 = arith.index_cast %get3A_4362 : i32 to index
      %get3A_4364 = arith.constant 0 : index
      %get3A_4365 = tpu.vector_load %arg7[%get3A_4363, %get3A_4364] {strides = array<i32>} : memref<100x64xf32, #tpu.memory_space<vmem>>, vector<1x16xf32>,
      %get3A_4366 = vector.shape_cast %get3A_4365 : vector<1x16xf32> to vector<16xf32>
      %add3A_4367 = arith.addf %add3A_4343, %get3A_4366 : vector<16xf32>
      %get3A_4368 = arith.constant 77 : i32
      %get3A_4369 = arith.index_cast %get3A_4368 : i32 to index
      %get3A_4370 = arith.constant 16 : index
      %get3A_4371 = tpu.vector_load %arg7[%get3A_4369, %get3A_4370] {strides = array<i32>} : memref<100x64xf32, #tpu.memory_space<vmem>>, vector<1x16xf32>,
      %get3A_4372 = vector.shape_cast %get3A_4371 : vector<1x16xf32> to vector<16xf32>
      %add3A_4373 = arith.addf %add3A_4349, %get3A_4372 : vector<16xf32>
      %get3A_4374 = arith.constant 77 : i32
      %get3A_4375 = arith.index_cast %get3A_4374 : i32 to index
      %get3A_4376 = arith.constant 32 : index
      %get3A_4377 = tpu.vector_load %arg7[%get3A_4375, %get3A_4376] {strides = array<i32>} : memref<100x64xf32, #tpu.memory_space<vmem>>, vector<1x16xf32>,
      %get3A_4378 = vector.shape_cast %get3A_4377 : vector<1x16xf32> to vector<16xf32>
      %add3A_4379 = arith.addf %add3A_4355, %get3A_4378 : vector<16xf32>
      %get3A_4380 = arith.constant 77 : i32
      %get3A_4381 = arith.index_cast %get3A_4380 : i32 to index
      %get3A_4382 = arith.constant 48 : index
      %get3A_4383 = tpu.vector_load %arg7[%get3A_4381, %get3A_4382] {strides = array<i32>} : memref<100x64xf32, #tpu.memory_space<vmem>>, vector<1x16xf32>,
      %get3A_4384 = vector.shape_cast %get3A_4383 : vector<1x16xf32> to vector<16xf32>
      %add3A_4385 = arith.addf %add3A_4361, %get3A_4384 : vector<16xf32>
      %get3A_4386 = arith.constant 78 : i32
      %get3A_4387 = arith.index_cast %get3A_4386 : i32 to index
      %get3A_4388 = arith.constant 0 : index
      %get3A_4389 = tpu.vector_load %arg7[%get3A_4387, %get3A_4388] {strides = array<i32>} : memref<100x64xf32, #tpu.memory_space<vmem>>, vector<1x16xf32>,
      %get3A_4390 = vector.shape_cast %get3A_4389 : vector<1x16xf32> to vector<16xf32>
      %add3A_4391 = arith.addf %add3A_4367, %get3A_4390 : vector<16xf32>
      %get3A_4392 = arith.constant 78 : i32
      %get3A_4393 = arith.index_cast %get3A_4392 : i32 to index
      %get3A_4394 = arith.constant 16 : index
      %get3A_4395 = tpu.vector_load %arg7[%get3A_4393, %get3A_4394] {strides = array<i32>} : memref<100x64xf32, #tpu.memory_space<vmem>>, vector<1x16xf32>,
      %get3A_4396 = vector.shape_cast %get3A_4395 : vector<1x16xf32> to vector<16xf32>
      %add3A_4397 = arith.addf %add3A_4373, %get3A_4396 : vector<16xf32>
      %get3A_4398 = arith.constant 78 : i32
      %get3A_4399 = arith.index_cast %get3A_4398 : i32 to index
      %get3A_4400 = arith.constant 32 : index
      %get3A_4401 = tpu.vector_load %arg7[%get3A_4399, %get3A_4400] {strides = array<i32>} : memref<100x64xf32, #tpu.memory_space<vmem>>, vector<1x16xf32>,
      %get3A_4402 = vector.shape_cast %get3A_4401 : vector<1x16xf32> to vector<16xf32>
      %add3A_4403 = arith.addf %add3A_4379, %get3A_4402 : vector<16xf32>
      %get3A_4404 = arith.constant 78 : i32
      %get3A_4405 = arith.index_cast %get3A_4404 : i32 to index
      %get3A_4406 = arith.constant 48 : index
      %get3A_4407 = tpu.vector_load %arg7[%get3A_4405, %get3A_4406] {strides = array<i32>} : memref<100x64xf32, #tpu.memory_space<vmem>>, vector<1x16xf32>,
      %get3A_4408 = vector.shape_cast %get3A_4407 : vector<1x16xf32> to vector<16xf32>
      %add3A_4409 = arith.addf %add3A_4385, %get3A_4408 : vector<16xf32>
      %get3A_4410 = arith.constant 79 : i32
      %get3A_4411 = arith.index_cast %get3A_4410 : i32 to index
      %get3A_4412 = arith.constant 0 : index
      %get3A_4413 = tpu.vector_load %arg7[%get3A_4411, %get3A_4412] {strides = array<i32>} : memref<100x64xf32, #tpu.memory_space<vmem>>, vector<1x16xf32>,
      %get3A_4414 = vector.shape_cast %get3A_4413 : vector<1x16xf32> to vector<16xf32>
      %add3A_4415 = arith.addf %add3A_4391, %get3A_4414 : vector<16xf32>
      %get3A_4416 = arith.constant 79 : i32
      %get3A_4417 = arith.index_cast %get3A_4416 : i32 to index
      %get3A_4418 = arith.constant 16 : index
      %get3A_4419 = tpu.vector_load %arg7[%get3A_4417, %get3A_4418] {strides = array<i32>} : memref<100x64xf32, #tpu.memory_space<vmem>>, vector<1x16xf32>,
      %get3A_4420 = vector.shape_cast %get3A_4419 : vector<1x16xf32> to vector<16xf32>
      %add3A_4421 = arith.addf %add3A_4397, %get3A_4420 : vector<16xf32>
      %get3A_4422 = arith.constant 79 : i32
      %get3A_4423 = arith.index_cast %get3A_4422 : i32 to index
      %get3A_4424 = arith.constant 32 : index
      %get3A_4425 = tpu.vector_load %arg7[%get3A_4423, %get3A_4424] {strides = array<i32>} : memref<100x64xf32, #tpu.memory_space<vmem>>, vector<1x16xf32>,
      %get3A_4426 = vector.shape_cast %get3A_4425 : vector<1x16xf32> to vector<16xf32>
      %add3A_4427 = arith.addf %add3A_4403, %get3A_4426 : vector<16xf32>
      %get3A_4428 = arith.constant 79 : i32
      %get3A_4429 = arith.index_cast %get3A_4428 : i32 to index
      %get3A_4430 = arith.constant 48 : index
      %get3A_4431 = tpu.vector_load %arg7[%get3A_4429, %get3A_4430] {strides = array<i32>} : memref<100x64xf32, #tpu.memory_space<vmem>>, vector<1x16xf32>,
      %get3A_4432 = vector.shape_cast %get3A_4431 : vector<1x16xf32> to vector<16xf32>
      %add3A_4433 = arith.addf %add3A_4409, %get3A_4432 : vector<16xf32>
      %get3A_4434 = arith.constant 80 : i32
      %get3A_4435 = arith.index_cast %get3A_4434 : i32 to index
      %get3A_4436 = arith.constant 0 : index
      %get3A_4437 = tpu.vector_load %arg7[%get3A_4435, %get3A_4436] {strides = array<i32>} : memref<100x64xf32, #tpu.memory_space<vmem>>, vector<1x16xf32>,
      %get3A_4438 = vector.shape_cast %get3A_4437 : vector<1x16xf32> to vector<16xf32>
      %add3A_4439 = arith.addf %add3A_4415, %get3A_4438 : vector<16xf32>
      %get3A_4440 = arith.constant 80 : i32
      %get3A_4441 = arith.index_cast %get3A_4440 : i32 to index
      %get3A_4442 = arith.constant 16 : index
      %get3A_4443 = tpu.vector_load %arg7[%get3A_4441, %get3A_4442] {strides = array<i32>} : memref<100x64xf32, #tpu.memory_space<vmem>>, vector<1x16xf32>,
      %get3A_4444 = vector.shape_cast %get3A_4443 : vector<1x16xf32> to vector<16xf32>
      %add3A_4445 = arith.addf %add3A_4421, %get3A_4444 : vector<16xf32>
      %get3A_4446 = arith.constant 80 : i32
      %get3A_4447 = arith.index_cast %get3A_4446 : i32 to index
      %get3A_4448 = arith.constant 32 : index
      %get3A_4449 = tpu.vector_load %arg7[%get3A_4447, %get3A_4448] {strides = array<i32>} : memref<100x64xf32, #tpu.memory_space<vmem>>, vector<1x16xf32>,
      %get3A_4450 = vector.shape_cast %get3A_4449 : vector<1x16xf32> to vector<16xf32>
      %add3A_4451 = arith.addf %add3A_4427, %get3A_4450 : vector<16xf32>
      %get3A_4452 = arith.constant 80 : i32
      %get3A_4453 = arith.index_cast %get3A_4452 : i32 to index
      %get3A_4454 = arith.constant 48 : index
      %get3A_4455 = tpu.vector_load %arg7[%get3A_4453, %get3A_4454] {strides = array<i32>} : memref<100x64xf32, #tpu.memory_space<vmem>>, vector<1x16xf32>,
      %get3A_4456 = vector.shape_cast %get3A_4455 : vector<1x16xf32> to vector<16xf32>
      %add3A_4457 = arith.addf %add3A_4433, %get3A_4456 : vector<16xf32>
      %get3A_4458 = arith.constant 81 : i32
      %get3A_4459 = arith.index_cast %get3A_4458 : i32 to index
      %get3A_4460 = arith.constant 0 : index
      %get3A_4461 = tpu.vector_load %arg7[%get3A_4459, %get3A_4460] {strides = array<i32>} : memref<100x64xf32, #tpu.memory_space<vmem>>, vector<1x16xf32>,
      %get3A_4462 = vector.shape_cast %get3A_4461 : vector<1x16xf32> to vector<16xf32>
      %add3A_4463 = arith.addf %add3A_4439, %get3A_4462 : vector<16xf32>
      %get3A_4464 = arith.constant 81 : i32
      %get3A_4465 = arith.index_cast %get3A_4464 : i32 to index
      %get3A_4466 = arith.constant 16 : index
      %get3A_4467 = tpu.vector_load %arg7[%get3A_4465, %get3A_4466] {strides = array<i32>} : memref<100x64xf32, #tpu.memory_space<vmem>>, vector<1x16xf32>,
      %get3A_4468 = vector.shape_cast %get3A_4467 : vector<1x16xf32> to vector<16xf32>
      %add3A_4469 = arith.addf %add3A_4445, %get3A_4468 : vector<16xf32>
      %get3A_4470 = arith.constant 81 : i32
      %get3A_4471 = arith.index_cast %get3A_4470 : i32 to index
      %get3A_4472 = arith.constant 32 : index
      %get3A_4473 = tpu.vector_load %arg7[%get3A_4471, %get3A_4472] {strides = array<i32>} : memref<100x64xf32, #tpu.memory_space<vmem>>, vector<1x16xf32>,
      %get3A_4474 = vector.shape_cast %get3A_4473 : vector<1x16xf32> to vector<16xf32>
      %add3A_4475 = arith.addf %add3A_4451, %get3A_4474 : vector<16xf32>
      %get3A_4476 = arith.constant 81 : i32
      %get3A_4477 = arith.index_cast %get3A_4476 : i32 to index
      %get3A_4478 = arith.constant 48 : index
      %get3A_4479 = tpu.vector_load %arg7[%get3A_4477, %get3A_4478] {strides = array<i32>} : memref<100x64xf32, #tpu.memory_space<vmem>>, vector<1x16xf32>,
      %get3A_4480 = vector.shape_cast %get3A_4479 : vector<1x16xf32> to vector<16xf32>
      %add3A_4481 = arith.addf %add3A_4457, %get3A_4480 : vector<16xf32>
      %get3A_4482 = arith.constant 82 : i32
      %get3A_4483 = arith.index_cast %get3A_4482 : i32 to index
      %get3A_4484 = arith.constant 0 : index
      %get3A_4485 = tpu.vector_load %arg7[%get3A_4483, %get3A_4484] {strides = array<i32>} : memref<100x64xf32, #tpu.memory_space<vmem>>, vector<1x16xf32>,
      %get3A_4486 = vector.shape_cast %get3A_4485 : vector<1x16xf32> to vector<16xf32>
      %add3A_4487 = arith.addf %add3A_4463, %get3A_4486 : vector<16xf32>
      %get3A_4488 = arith.constant 82 : i32
      %get3A_4489 = arith.index_cast %get3A_4488 : i32 to index
      %get3A_4490 = arith.constant 16 : index
      %get3A_4491 = tpu.vector_load %arg7[%get3A_4489, %get3A_4490] {strides = array<i32>} : memref<100x64xf32, #tpu.memory_space<vmem>>, vector<1x16xf32>,
      %get3A_4492 = vector.shape_cast %get3A_4491 : vector<1x16xf32> to vector<16xf32>
      %add3A_4493 = arith.addf %add3A_4469, %get3A_4492 : vector<16xf32>
      %get3A_4494 = arith.constant 82 : i32
      %get3A_4495 = arith.index_cast %get3A_4494 : i32 to index
      %get3A_4496 = arith.constant 32 : index
      %get3A_4497 = tpu.vector_load %arg7[%get3A_4495, %get3A_4496] {strides = array<i32>} : memref<100x64xf32, #tpu.memory_space<vmem>>, vector<1x16xf32>,
      %get3A_4498 = vector.shape_cast %get3A_4497 : vector<1x16xf32> to vector<16xf32>
      %add3A_4499 = arith.addf %add3A_4475, %get3A_4498 : vector<16xf32>
      %get3A_4500 = arith.constant 82 : i32
      %get3A_4501 = arith.index_cast %get3A_4500 : i32 to index
      %get3A_4502 = arith.constant 48 : index
      %get3A_4503 = tpu.vector_load %arg7[%get3A_4501, %get3A_4502] {strides = array<i32>} : memref<100x64xf32, #tpu.memory_space<vmem>>, vector<1x16xf32>,
      %get3A_4504 = vector.shape_cast %get3A_4503 : vector<1x16xf32> to vector<16xf32>
      %add3A_4505 = arith.addf %add3A_4481, %get3A_4504 : vector<16xf32>
      %get3A_4506 = arith.constant 83 : i32
      %get3A_4507 = arith.index_cast %get3A_4506 : i32 to index
      %get3A_4508 = arith.constant 0 : index
      %get3A_4509 = tpu.vector_load %arg7[%get3A_4507, %get3A_4508] {strides = array<i32>} : memref<100x64xf32, #tpu.memory_space<vmem>>, vector<1x16xf32>,
      %get3A_4510 = vector.shape_cast %get3A_4509 : vector<1x16xf32> to vector<16xf32>
      %add3A_4511 = arith.addf %add3A_4487, %get3A_4510 : vector<16xf32>
      %get3A_4512 = arith.constant 83 : i32
      %get3A_4513 = arith.index_cast %get3A_4512 : i32 to index
      %get3A_4514 = arith.constant 16 : index
      %get3A_4515 = tpu.vector_load %arg7[%get3A_4513, %get3A_4514] {strides = array<i32>} : memref<100x64xf32, #tpu.memory_space<vmem>>, vector<1x16xf32>,
      %get3A_4516 = vector.shape_cast %get3A_4515 : vector<1x16xf32> to vector<16xf32>
      %add3A_4517 = arith.addf %add3A_4493, %get3A_4516 : vector<16xf32>
      %get3A_4518 = arith.constant 83 : i32
      %get3A_4519 = arith.index_cast %get3A_4518 : i32 to index
      %get3A_4520 = arith.constant 32 : index
      %get3A_4521 = tpu.vector_load %arg7[%get3A_4519, %get3A_4520] {strides = array<i32>} : memref<100x64xf32, #tpu.memory_space<vmem>>, vector<1x16xf32>,
      %get3A_4522 = vector.shape_cast %get3A_4521 : vector<1x16xf32> to vector<16xf32>
      %add3A_4523 = arith.addf %add3A_4499, %get3A_4522 : vector<16xf32>
      %get3A_4524 = arith.constant 83 : i32
      %get3A_4525 = arith.index_cast %get3A_4524 : i32 to index
      %get3A_4526 = arith.constant 48 : index
      %get3A_4527 = tpu.vector_load %arg7[%get3A_4525, %get3A_4526] {strides = array<i32>} : memref<100x64xf32, #tpu.memory_space<vmem>>, vector<1x16xf32>,
      %get3A_4528 = vector.shape_cast %get3A_4527 : vector<1x16xf32> to vector<16xf32>
      %add3A_4529 = arith.addf %add3A_4505, %get3A_4528 : vector<16xf32>
      %get3A_4530 = arith.constant 84 : i32
      %get3A_4531 = arith.index_cast %get3A_4530 : i32 to index
      %get3A_4532 = arith.constant 0 : index
      %get3A_4533 = tpu.vector_load %arg7[%get3A_4531, %get3A_4532] {strides = array<i32>} : memref<100x64xf32, #tpu.memory_space<vmem>>, vector<1x16xf32>,
      %get3A_4534 = vector.shape_cast %get3A_4533 : vector<1x16xf32> to vector<16xf32>
      %add3A_4535 = arith.addf %add3A_4511, %get3A_4534 : vector<16xf32>
      %get3A_4536 = arith.constant 84 : i32
      %get3A_4537 = arith.index_cast %get3A_4536 : i32 to index
      %get3A_4538 = arith.constant 16 : index
      %get3A_4539 = tpu.vector_load %arg7[%get3A_4537, %get3A_4538] {strides = array<i32>} : memref<100x64xf32, #tpu.memory_space<vmem>>, vector<1x16xf32>,
      %get3A_4540 = vector.shape_cast %get3A_4539 : vector<1x16xf32> to vector<16xf32>
      %add3A_4541 = arith.addf %add3A_4517, %get3A_4540 : vector<16xf32>
      %get3A_4542 = arith.constant 84 : i32
      %get3A_4543 = arith.index_cast %get3A_4542 : i32 to index
      %get3A_4544 = arith.constant 32 : index
      %get3A_4545 = tpu.vector_load %arg7[%get3A_4543, %get3A_4544] {strides = array<i32>} : memref<100x64xf32, #tpu.memory_space<vmem>>, vector<1x16xf32>,
      %get3A_4546 = vector.shape_cast %get3A_4545 : vector<1x16xf32> to vector<16xf32>
      %add3A_4547 = arith.addf %add3A_4523, %get3A_4546 : vector<16xf32>
      %get3A_4548 = arith.constant 84 : i32
      %get3A_4549 = arith.index_cast %get3A_4548 : i32 to index
      %get3A_4550 = arith.constant 48 : index
      %get3A_4551 = tpu.vector_load %arg7[%get3A_4549, %get3A_4550] {strides = array<i32>} : memref<100x64xf32, #tpu.memory_space<vmem>>, vector<1x16xf32>,
      %get3A_4552 = vector.shape_cast %get3A_4551 : vector<1x16xf32> to vector<16xf32>
      %add3A_4553 = arith.addf %add3A_4529, %get3A_4552 : vector<16xf32>
      %get3A_4554 = arith.constant 85 : i32
      %get3A_4555 = arith.index_cast %get3A_4554 : i32 to index
      %get3A_4556 = arith.constant 0 : index
      %get3A_4557 = tpu.vector_load %arg7[%get3A_4555, %get3A_4556] {strides = array<i32>} : memref<100x64xf32, #tpu.memory_space<vmem>>, vector<1x16xf32>,
      %get3A_4558 = vector.shape_cast %get3A_4557 : vector<1x16xf32> to vector<16xf32>
      %add3A_4559 = arith.addf %add3A_4535, %get3A_4558 : vector<16xf32>
      %get3A_4560 = arith.constant 85 : i32
      %get3A_4561 = arith.index_cast %get3A_4560 : i32 to index
      %get3A_4562 = arith.constant 16 : index
      %get3A_4563 = tpu.vector_load %arg7[%get3A_4561, %get3A_4562] {strides = array<i32>} : memref<100x64xf32, #tpu.memory_space<vmem>>, vector<1x16xf32>,
      %get3A_4564 = vector.shape_cast %get3A_4563 : vector<1x16xf32> to vector<16xf32>
      %add3A_4565 = arith.addf %add3A_4541, %get3A_4564 : vector<16xf32>
      %get3A_4566 = arith.constant 85 : i32
      %get3A_4567 = arith.index_cast %get3A_4566 : i32 to index
      %get3A_4568 = arith.constant 32 : index
      %get3A_4569 = tpu.vector_load %arg7[%get3A_4567, %get3A_4568] {strides = array<i32>} : memref<100x64xf32, #tpu.memory_space<vmem>>, vector<1x16xf32>,
      %get3A_4570 = vector.shape_cast %get3A_4569 : vector<1x16xf32> to vector<16xf32>
      %add3A_4571 = arith.addf %add3A_4547, %get3A_4570 : vector<16xf32>
      %get3A_4572 = arith.constant 85 : i32
      %get3A_4573 = arith.index_cast %get3A_4572 : i32 to index
      %get3A_4574 = arith.constant 48 : index
      %get3A_4575 = tpu.vector_load %arg7[%get3A_4573, %get3A_4574] {strides = array<i32>} : memref<100x64xf32, #tpu.memory_space<vmem>>, vector<1x16xf32>,
      %get3A_4576 = vector.shape_cast %get3A_4575 : vector<1x16xf32> to vector<16xf32>
      %add3A_4577 = arith.addf %add3A_4553, %get3A_4576 : vector<16xf32>
      %get3A_4578 = arith.constant 86 : i32
      %get3A_4579 = arith.index_cast %get3A_4578 : i32 to index
      %get3A_4580 = arith.constant 0 : index
      %get3A_4581 = tpu.vector_load %arg7[%get3A_4579, %get3A_4580] {strides = array<i32>} : memref<100x64xf32, #tpu.memory_space<vmem>>, vector<1x16xf32>,
      %get3A_4582 = vector.shape_cast %get3A_4581 : vector<1x16xf32> to vector<16xf32>
      %add3A_4583 = arith.addf %add3A_4559, %get3A_4582 : vector<16xf32>
      %get3A_4584 = arith.constant 86 : i32
      %get3A_4585 = arith.index_cast %get3A_4584 : i32 to index
      %get3A_4586 = arith.constant 16 : index
      %get3A_4587 = tpu.vector_load %arg7[%get3A_4585, %get3A_4586] {strides = array<i32>} : memref<100x64xf32, #tpu.memory_space<vmem>>, vector<1x16xf32>,
      %get3A_4588 = vector.shape_cast %get3A_4587 : vector<1x16xf32> to vector<16xf32>
      %add3A_4589 = arith.addf %add3A_4565, %get3A_4588 : vector<16xf32>
      %get3A_4590 = arith.constant 86 : i32
      %get3A_4591 = arith.index_cast %get3A_4590 : i32 to index
      %get3A_4592 = arith.constant 32 : index
      %get3A_4593 = tpu.vector_load %arg7[%get3A_4591, %get3A_4592] {strides = array<i32>} : memref<100x64xf32, #tpu.memory_space<vmem>>, vector<1x16xf32>,
      %get3A_4594 = vector.shape_cast %get3A_4593 : vector<1x16xf32> to vector<16xf32>
      %add3A_4595 = arith.addf %add3A_4571, %get3A_4594 : vector<16xf32>
      %get3A_4596 = arith.constant 86 : i32
      %get3A_4597 = arith.index_cast %get3A_4596 : i32 to index
      %get3A_4598 = arith.constant 48 : index
      %get3A_4599 = tpu.vector_load %arg7[%get3A_4597, %get3A_4598] {strides = array<i32>} : memref<100x64xf32, #tpu.memory_space<vmem>>, vector<1x16xf32>,
      %get3A_4600 = vector.shape_cast %get3A_4599 : vector<1x16xf32> to vector<16xf32>
      %add3A_4601 = arith.addf %add3A_4577, %get3A_4600 : vector<16xf32>
      %get3A_4602 = arith.constant 87 : i32
      %get3A_4603 = arith.index_cast %get3A_4602 : i32 to index
      %get3A_4604 = arith.constant 0 : index
      %get3A_4605 = tpu.vector_load %arg7[%get3A_4603, %get3A_4604] {strides = array<i32>} : memref<100x64xf32, #tpu.memory_space<vmem>>, vector<1x16xf32>,
      %get3A_4606 = vector.shape_cast %get3A_4605 : vector<1x16xf32> to vector<16xf32>
      %add3A_4607 = arith.addf %add3A_4583, %get3A_4606 : vector<16xf32>
      %get3A_4608 = arith.constant 87 : i32
      %get3A_4609 = arith.index_cast %get3A_4608 : i32 to index
      %get3A_4610 = arith.constant 16 : index
      %get3A_4611 = tpu.vector_load %arg7[%get3A_4609, %get3A_4610] {strides = array<i32>} : memref<100x64xf32, #tpu.memory_space<vmem>>, vector<1x16xf32>,
      %get3A_4612 = vector.shape_cast %get3A_4611 : vector<1x16xf32> to vector<16xf32>
      %add3A_4613 = arith.addf %add3A_4589, %get3A_4612 : vector<16xf32>
      %get3A_4614 = arith.constant 87 : i32
      %get3A_4615 = arith.index_cast %get3A_4614 : i32 to index
      %get3A_4616 = arith.constant 32 : index
      %get3A_4617 = tpu.vector_load %arg7[%get3A_4615, %get3A_4616] {strides = array<i32>} : memref<100x64xf32, #tpu.memory_space<vmem>>, vector<1x16xf32>,
      %get3A_4618 = vector.shape_cast %get3A_4617 : vector<1x16xf32> to vector<16xf32>
      %add3A_4619 = arith.addf %add3A_4595, %get3A_4618 : vector<16xf32>
      %get3A_4620 = arith.constant 87 : i32
      %get3A_4621 = arith.index_cast %get3A_4620 : i32 to index
      %get3A_4622 = arith.constant 48 : index
      %get3A_4623 = tpu.vector_load %arg7[%get3A_4621, %get3A_4622] {strides = array<i32>} : memref<100x64xf32, #tpu.memory_space<vmem>>, vector<1x16xf32>,
      %get3A_4624 = vector.shape_cast %get3A_4623 : vector<1x16xf32> to vector<16xf32>
      %add3A_4625 = arith.addf %add3A_4601, %get3A_4624 : vector<16xf32>
      %get3A_4626 = arith.constant 88 : i32
      %get3A_4627 = arith.index_cast %get3A_4626 : i32 to index
      %get3A_4628 = arith.constant 0 : index
      %get3A_4629 = tpu.vector_load %arg7[%get3A_4627, %get3A_4628] {strides = array<i32>} : memref<100x64xf32, #tpu.memory_space<vmem>>, vector<1x16xf32>,
      %get3A_4630 = vector.shape_cast %get3A_4629 : vector<1x16xf32> to vector<16xf32>
      %add3A_4631 = arith.addf %add3A_4607, %get3A_4630 : vector<16xf32>
      %get3A_4632 = arith.constant 88 : i32
      %get3A_4633 = arith.index_cast %get3A_4632 : i32 to index
      %get3A_4634 = arith.constant 16 : index
      %get3A_4635 = tpu.vector_load %arg7[%get3A_4633, %get3A_4634] {strides = array<i32>} : memref<100x64xf32, #tpu.memory_space<vmem>>, vector<1x16xf32>,
      %get3A_4636 = vector.shape_cast %get3A_4635 : vector<1x16xf32> to vector<16xf32>
      %add3A_4637 = arith.addf %add3A_4613, %get3A_4636 : vector<16xf32>
      %get3A_4638 = arith.constant 88 : i32
      %get3A_4639 = arith.index_cast %get3A_4638 : i32 to index
      %get3A_4640 = arith.constant 32 : index
      %get3A_4641 = tpu.vector_load %arg7[%get3A_4639, %get3A_4640] {strides = array<i32>} : memref<100x64xf32, #tpu.memory_space<vmem>>, vector<1x16xf32>,
      %get3A_4642 = vector.shape_cast %get3A_4641 : vector<1x16xf32> to vector<16xf32>
      %add3A_4643 = arith.addf %add3A_4619, %get3A_4642 : vector<16xf32>
      %get3A_4644 = arith.constant 88 : i32
      %get3A_4645 = arith.index_cast %get3A_4644 : i32 to index
      %get3A_4646 = arith.constant 48 : index
      %get3A_4647 = tpu.vector_load %arg7[%get3A_4645, %get3A_4646] {strides = array<i32>} : memref<100x64xf32, #tpu.memory_space<vmem>>, vector<1x16xf32>,
      %get3A_4648 = vector.shape_cast %get3A_4647 : vector<1x16xf32> to vector<16xf32>
      %add3A_4649 = arith.addf %add3A_4625, %get3A_4648 : vector<16xf32>
      %get3A_4650 = arith.constant 89 : i32
      %get3A_4651 = arith.index_cast %get3A_4650 : i32 to index
      %get3A_4652 = arith.constant 0 : index
      %get3A_4653 = tpu.vector_load %arg7[%get3A_4651, %get3A_4652] {strides = array<i32>} : memref<100x64xf32, #tpu.memory_space<vmem>>, vector<1x16xf32>,
      %get3A_4654 = vector.shape_cast %get3A_4653 : vector<1x16xf32> to vector<16xf32>
      %add3A_4655 = arith.addf %add3A_4631, %get3A_4654 : vector<16xf32>
      %get3A_4656 = arith.constant 89 : i32
      %get3A_4657 = arith.index_cast %get3A_4656 : i32 to index
      %get3A_4658 = arith.constant 16 : index
      %get3A_4659 = tpu.vector_load %arg7[%get3A_4657, %get3A_4658] {strides = array<i32>} : memref<100x64xf32, #tpu.memory_space<vmem>>, vector<1x16xf32>,
      %get3A_4660 = vector.shape_cast %get3A_4659 : vector<1x16xf32> to vector<16xf32>
      %add3A_4661 = arith.addf %add3A_4637, %get3A_4660 : vector<16xf32>
      %get3A_4662 = arith.constant 89 : i32
      %get3A_4663 = arith.index_cast %get3A_4662 : i32 to index
      %get3A_4664 = arith.constant 32 : index
      %get3A_4665 = tpu.vector_load %arg7[%get3A_4663, %get3A_4664] {strides = array<i32>} : memref<100x64xf32, #tpu.memory_space<vmem>>, vector<1x16xf32>,
      %get3A_4666 = vector.shape_cast %get3A_4665 : vector<1x16xf32> to vector<16xf32>
      %add3A_4667 = arith.addf %add3A_4643, %get3A_4666 : vector<16xf32>
      %get3A_4668 = arith.constant 89 : i32
      %get3A_4669 = arith.index_cast %get3A_4668 : i32 to index
      %get3A_4670 = arith.constant 48 : index
      %get3A_4671 = tpu.vector_load %arg7[%get3A_4669, %get3A_4670] {strides = array<i32>} : memref<100x64xf32, #tpu.memory_space<vmem>>, vector<1x16xf32>,
      %get3A_4672 = vector.shape_cast %get3A_4671 : vector<1x16xf32> to vector<16xf32>
      %add3A_4673 = arith.addf %add3A_4649, %get3A_4672 : vector<16xf32>
      %get3A_4674 = arith.constant 90 : i32
      %get3A_4675 = arith.index_cast %get3A_4674 : i32 to index
      %get3A_4676 = arith.constant 0 : index
      %get3A_4677 = tpu.vector_load %arg7[%get3A_4675, %get3A_4676] {strides = array<i32>} : memref<100x64xf32, #tpu.memory_space<vmem>>, vector<1x16xf32>,
      %get3A_4678 = vector.shape_cast %get3A_4677 : vector<1x16xf32> to vector<16xf32>
      %add3A_4679 = arith.addf %add3A_4655, %get3A_4678 : vector<16xf32>
      %get3A_4680 = arith.constant 90 : i32
      %get3A_4681 = arith.index_cast %get3A_4680 : i32 to index
      %get3A_4682 = arith.constant 16 : index
      %get3A_4683 = tpu.vector_load %arg7[%get3A_4681, %get3A_4682] {strides = array<i32>} : memref<100x64xf32, #tpu.memory_space<vmem>>, vector<1x16xf32>,
      %get3A_4684 = vector.shape_cast %get3A_4683 : vector<1x16xf32> to vector<16xf32>
      %add3A_4685 = arith.addf %add3A_4661, %get3A_4684 : vector<16xf32>
      %get3A_4686 = arith.constant 90 : i32
      %get3A_4687 = arith.index_cast %get3A_4686 : i32 to index
      %get3A_4688 = arith.constant 32 : index
      %get3A_4689 = tpu.vector_load %arg7[%get3A_4687, %get3A_4688] {strides = array<i32>} : memref<100x64xf32, #tpu.memory_space<vmem>>, vector<1x16xf32>,
      %get3A_4690 = vector.shape_cast %get3A_4689 : vector<1x16xf32> to vector<16xf32>
      %add3A_4691 = arith.addf %add3A_4667, %get3A_4690 : vector<16xf32>
      %get3A_4692 = arith.constant 90 : i32
      %get3A_4693 = arith.index_cast %get3A_4692 : i32 to index
      %get3A_4694 = arith.constant 48 : index
      %get3A_4695 = tpu.vector_load %arg7[%get3A_4693, %get3A_4694] {strides = array<i32>} : memref<100x64xf32, #tpu.memory_space<vmem>>, vector<1x16xf32>,
      %get3A_4696 = vector.shape_cast %get3A_4695 : vector<1x16xf32> to vector<16xf32>
      %add3A_4697 = arith.addf %add3A_4673, %get3A_4696 : vector<16xf32>
      %get3A_4698 = arith.constant 91 : i32
      %get3A_4699 = arith.index_cast %get3A_4698 : i32 to index
      %get3A_4700 = arith.constant 0 : index
      %get3A_4701 = tpu.vector_load %arg7[%get3A_4699, %get3A_4700] {strides = array<i32>} : memref<100x64xf32, #tpu.memory_space<vmem>>, vector<1x16xf32>,
      %get3A_4702 = vector.shape_cast %get3A_4701 : vector<1x16xf32> to vector<16xf32>
      %add3A_4703 = arith.addf %add3A_4679, %get3A_4702 : vector<16xf32>
      %get3A_4704 = arith.constant 91 : i32
      %get3A_4705 = arith.index_cast %get3A_4704 : i32 to index
      %get3A_4706 = arith.constant 16 : index
      %get3A_4707 = tpu.vector_load %arg7[%get3A_4705, %get3A_4706] {strides = array<i32>} : memref<100x64xf32, #tpu.memory_space<vmem>>, vector<1x16xf32>,
      %get3A_4708 = vector.shape_cast %get3A_4707 : vector<1x16xf32> to vector<16xf32>
      %add3A_4709 = arith.addf %add3A_4685, %get3A_4708 : vector<16xf32>
      %get3A_4710 = arith.constant 91 : i32
      %get3A_4711 = arith.index_cast %get3A_4710 : i32 to index
      %get3A_4712 = arith.constant 32 : index
      %get3A_4713 = tpu.vector_load %arg7[%get3A_4711, %get3A_4712] {strides = array<i32>} : memref<100x64xf32, #tpu.memory_space<vmem>>, vector<1x16xf32>,
      %get3A_4714 = vector.shape_cast %get3A_4713 : vector<1x16xf32> to vector<16xf32>
      %add3A_4715 = arith.addf %add3A_4691, %get3A_4714 : vector<16xf32>
      %get3A_4716 = arith.constant 91 : i32
      %get3A_4717 = arith.index_cast %get3A_4716 : i32 to index
      %get3A_4718 = arith.constant 48 : index
      %get3A_4719 = tpu.vector_load %arg7[%get3A_4717, %get3A_4718] {strides = array<i32>} : memref<100x64xf32, #tpu.memory_space<vmem>>, vector<1x16xf32>,
      %get3A_4720 = vector.shape_cast %get3A_4719 : vector<1x16xf32> to vector<16xf32>
      %add3A_4721 = arith.addf %add3A_4697, %get3A_4720 : vector<16xf32>
      %get3A_4722 = arith.constant 92 : i32
      %get3A_4723 = arith.index_cast %get3A_4722 : i32 to index
      %get3A_4724 = arith.constant 0 : index
      %get3A_4725 = tpu.vector_load %arg7[%get3A_4723, %get3A_4724] {strides = array<i32>} : memref<100x64xf32, #tpu.memory_space<vmem>>, vector<1x16xf32>,
      %get3A_4726 = vector.shape_cast %get3A_4725 : vector<1x16xf32> to vector<16xf32>
      %add3A_4727 = arith.addf %add3A_4703, %get3A_4726 : vector<16xf32>
      %get3A_4728 = arith.constant 92 : i32
      %get3A_4729 = arith.index_cast %get3A_4728 : i32 to index
      %get3A_4730 = arith.constant 16 : index
      %get3A_4731 = tpu.vector_load %arg7[%get3A_4729, %get3A_4730] {strides = array<i32>} : memref<100x64xf32, #tpu.memory_space<vmem>>, vector<1x16xf32>,
      %get3A_4732 = vector.shape_cast %get3A_4731 : vector<1x16xf32> to vector<16xf32>
      %add3A_4733 = arith.addf %add3A_4709, %get3A_4732 : vector<16xf32>
      %get3A_4734 = arith.constant 92 : i32
      %get3A_4735 = arith.index_cast %get3A_4734 : i32 to index
      %get3A_4736 = arith.constant 32 : index
      %get3A_4737 = tpu.vector_load %arg7[%get3A_4735, %get3A_4736] {strides = array<i32>} : memref<100x64xf32, #tpu.memory_space<vmem>>, vector<1x16xf32>,
      %get3A_4738 = vector.shape_cast %get3A_4737 : vector<1x16xf32> to vector<16xf32>
      %add3A_4739 = arith.addf %add3A_4715, %get3A_4738 : vector<16xf32>
      %get3A_4740 = arith.constant 92 : i32
      %get3A_4741 = arith.index_cast %get3A_4740 : i32 to index
      %get3A_4742 = arith.constant 48 : index
      %get3A_4743 = tpu.vector_load %arg7[%get3A_4741, %get3A_4742] {strides = array<i32>} : memref<100x64xf32, #tpu.memory_space<vmem>>, vector<1x16xf32>,
      %get3A_4744 = vector.shape_cast %get3A_4743 : vector<1x16xf32> to vector<16xf32>
      %add3A_4745 = arith.addf %add3A_4721, %get3A_4744 : vector<16xf32>
      %get3A_4746 = arith.constant 93 : i32
      %get3A_4747 = arith.index_cast %get3A_4746 : i32 to index
      %get3A_4748 = arith.constant 0 : index
      %get3A_4749 = tpu.vector_load %arg7[%get3A_4747, %get3A_4748] {strides = array<i32>} : memref<100x64xf32, #tpu.memory_space<vmem>>, vector<1x16xf32>,
      %get3A_4750 = vector.shape_cast %get3A_4749 : vector<1x16xf32> to vector<16xf32>
      %add3A_4751 = arith.addf %add3A_4727, %get3A_4750 : vector<16xf32>
      %get3A_4752 = arith.constant 93 : i32
      %get3A_4753 = arith.index_cast %get3A_4752 : i32 to index
      %get3A_4754 = arith.constant 16 : index
      %get3A_4755 = tpu.vector_load %arg7[%get3A_4753, %get3A_4754] {strides = array<i32>} : memref<100x64xf32, #tpu.memory_space<vmem>>, vector<1x16xf32>,
      %get3A_4756 = vector.shape_cast %get3A_4755 : vector<1x16xf32> to vector<16xf32>
      %add3A_4757 = arith.addf %add3A_4733, %get3A_4756 : vector<16xf32>
      %get3A_4758 = arith.constant 93 : i32
      %get3A_4759 = arith.index_cast %get3A_4758 : i32 to index
      %get3A_4760 = arith.constant 32 : index
      %get3A_4761 = tpu.vector_load %arg7[%get3A_4759, %get3A_4760] {strides = array<i32>} : memref<100x64xf32, #tpu.memory_space<vmem>>, vector<1x16xf32>,
      %get3A_4762 = vector.shape_cast %get3A_4761 : vector<1x16xf32> to vector<16xf32>
      %add3A_4763 = arith.addf %add3A_4739, %get3A_4762 : vector<16xf32>
      %get3A_4764 = arith.constant 93 : i32
      %get3A_4765 = arith.index_cast %get3A_4764 : i32 to index
      %get3A_4766 = arith.constant 48 : index
      %get3A_4767 = tpu.vector_load %arg7[%get3A_4765, %get3A_4766] {strides = array<i32>} : memref<100x64xf32, #tpu.memory_space<vmem>>, vector<1x16xf32>,
      %get3A_4768 = vector.shape_cast %get3A_4767 : vector<1x16xf32> to vector<16xf32>
      %add3A_4769 = arith.addf %add3A_4745, %get3A_4768 : vector<16xf32>
      %get3A_4770 = arith.constant 94 : i32
      %get3A_4771 = arith.index_cast %get3A_4770 : i32 to index
      %get3A_4772 = arith.constant 0 : index
      %get3A_4773 = tpu.vector_load %arg7[%get3A_4771, %get3A_4772] {strides = array<i32>} : memref<100x64xf32, #tpu.memory_space<vmem>>, vector<1x16xf32>,
      %get3A_4774 = vector.shape_cast %get3A_4773 : vector<1x16xf32> to vector<16xf32>
      %add3A_4775 = arith.addf %add3A_4751, %get3A_4774 : vector<16xf32>
      %get3A_4776 = arith.constant 94 : i32
      %get3A_4777 = arith.index_cast %get3A_4776 : i32 to index
      %get3A_4778 = arith.constant 16 : index
      %get3A_4779 = tpu.vector_load %arg7[%get3A_4777, %get3A_4778] {strides = array<i32>} : memref<100x64xf32, #tpu.memory_space<vmem>>, vector<1x16xf32>,
      %get3A_4780 = vector.shape_cast %get3A_4779 : vector<1x16xf32> to vector<16xf32>
      %add3A_4781 = arith.addf %add3A_4757, %get3A_4780 : vector<16xf32>
      %get3A_4782 = arith.constant 94 : i32
      %get3A_4783 = arith.index_cast %get3A_4782 : i32 to index
      %get3A_4784 = arith.constant 32 : index
      %get3A_4785 = tpu.vector_load %arg7[%get3A_4783, %get3A_4784] {strides = array<i32>} : memref<100x64xf32, #tpu.memory_space<vmem>>, vector<1x16xf32>,
      %get3A_4786 = vector.shape_cast %get3A_4785 : vector<1x16xf32> to vector<16xf32>
      %add3A_4787 = arith.addf %add3A_4763, %get3A_4786 : vector<16xf32>
      %get3A_4788 = arith.constant 94 : i32
      %get3A_4789 = arith.index_cast %get3A_4788 : i32 to index
      %get3A_4790 = arith.constant 48 : index
      %get3A_4791 = tpu.vector_load %arg7[%get3A_4789, %get3A_4790] {strides = array<i32>} : memref<100x64xf32, #tpu.memory_space<vmem>>, vector<1x16xf32>,
      %get3A_4792 = vector.shape_cast %get3A_4791 : vector<1x16xf32> to vector<16xf32>
      %add3A_4793 = arith.addf %add3A_4769, %get3A_4792 : vector<16xf32>
      %get3A_4794 = arith.constant 95 : i32
      %get3A_4795 = arith.index_cast %get3A_4794 : i32 to index
      %get3A_4796 = arith.constant 0 : index
      %get3A_4797 = tpu.vector_load %arg7[%get3A_4795, %get3A_4796] {strides = array<i32>} : memref<100x64xf32, #tpu.memory_space<vmem>>, vector<1x16xf32>,
      %get3A_4798 = vector.shape_cast %get3A_4797 : vector<1x16xf32> to vector<16xf32>
      %add3A_4799 = arith.addf %add3A_4775, %get3A_4798 : vector<16xf32>
      %get3A_4800 = arith.constant 95 : i32
      %get3A_4801 = arith.index_cast %get3A_4800 : i32 to index
      %get3A_4802 = arith.constant 16 : index
      %get3A_4803 = tpu.vector_load %arg7[%get3A_4801, %get3A_4802] {strides = array<i32>} : memref<100x64xf32, #tpu.memory_space<vmem>>, vector<1x16xf32>,
      %get3A_4804 = vector.shape_cast %get3A_4803 : vector<1x16xf32> to vector<16xf32>
      %add3A_4805 = arith.addf %add3A_4781, %get3A_4804 : vector<16xf32>
      %get3A_4806 = arith.constant 95 : i32
      %get3A_4807 = arith.index_cast %get3A_4806 : i32 to index
      %get3A_4808 = arith.constant 32 : index
      %get3A_4809 = tpu.vector_load %arg7[%get3A_4807, %get3A_4808] {strides = array<i32>} : memref<100x64xf32, #tpu.memory_space<vmem>>, vector<1x16xf32>,
      %get3A_4810 = vector.shape_cast %get3A_4809 : vector<1x16xf32> to vector<16xf32>
      %add3A_4811 = arith.addf %add3A_4787, %get3A_4810 : vector<16xf32>
      %get3A_4812 = arith.constant 95 : i32
      %get3A_4813 = arith.index_cast %get3A_4812 : i32 to index
      %get3A_4814 = arith.constant 48 : index
      %get3A_4815 = tpu.vector_load %arg7[%get3A_4813, %get3A_4814] {strides = array<i32>} : memref<100x64xf32, #tpu.memory_space<vmem>>, vector<1x16xf32>,
      %get3A_4816 = vector.shape_cast %get3A_4815 : vector<1x16xf32> to vector<16xf32>
      %add3A_4817 = arith.addf %add3A_4793, %get3A_4816 : vector<16xf32>
      %get3A_4818 = arith.constant 96 : i32
      %get3A_4819 = arith.index_cast %get3A_4818 : i32 to index
      %get3A_4820 = arith.constant 0 : index
      %get3A_4821 = tpu.vector_load %arg7[%get3A_4819, %get3A_4820] {strides = array<i32>} : memref<100x64xf32, #tpu.memory_space<vmem>>, vector<1x16xf32>,
      %get3A_4822 = vector.shape_cast %get3A_4821 : vector<1x16xf32> to vector<16xf32>
      %add3A_4823 = arith.addf %add3A_4799, %get3A_4822 : vector<16xf32>
      %get3A_4824 = arith.constant 96 : i32
      %get3A_4825 = arith.index_cast %get3A_4824 : i32 to index
      %get3A_4826 = arith.constant 16 : index
      %get3A_4827 = tpu.vector_load %arg7[%get3A_4825, %get3A_4826] {strides = array<i32>} : memref<100x64xf32, #tpu.memory_space<vmem>>, vector<1x16xf32>,
      %get3A_4828 = vector.shape_cast %get3A_4827 : vector<1x16xf32> to vector<16xf32>
      %add3A_4829 = arith.addf %add3A_4805, %get3A_4828 : vector<16xf32>
      %get3A_4830 = arith.constant 96 : i32
      %get3A_4831 = arith.index_cast %get3A_4830 : i32 to index
      %get3A_4832 = arith.constant 32 : index
      %get3A_4833 = tpu.vector_load %arg7[%get3A_4831, %get3A_4832] {strides = array<i32>} : memref<100x64xf32, #tpu.memory_space<vmem>>, vector<1x16xf32>,
      %get3A_4834 = vector.shape_cast %get3A_4833 : vector<1x16xf32> to vector<16xf32>
      %add3A_4835 = arith.addf %add3A_4811, %get3A_4834 : vector<16xf32>
      %get3A_4836 = arith.constant 96 : i32
      %get3A_4837 = arith.index_cast %get3A_4836 : i32 to index
      %get3A_4838 = arith.constant 48 : index
      %get3A_4839 = tpu.vector_load %arg7[%get3A_4837, %get3A_4838] {strides = array<i32>} : memref<100x64xf32, #tpu.memory_space<vmem>>, vector<1x16xf32>,
      %get3A_4840 = vector.shape_cast %get3A_4839 : vector<1x16xf32> to vector<16xf32>
      %add3A_4841 = arith.addf %add3A_4817, %get3A_4840 : vector<16xf32>
      %get3A_4842 = arith.constant 97 : i32
      %get3A_4843 = arith.index_cast %get3A_4842 : i32 to index
      %get3A_4844 = arith.constant 0 : index
      %get3A_4845 = tpu.vector_load %arg7[%get3A_4843, %get3A_4844] {strides = array<i32>} : memref<100x64xf32, #tpu.memory_space<vmem>>, vector<1x16xf32>,
      %get3A_4846 = vector.shape_cast %get3A_4845 : vector<1x16xf32> to vector<16xf32>
      %add3A_4847 = arith.addf %add3A_4823, %get3A_4846 : vector<16xf32>
      %get3A_4848 = arith.constant 97 : i32
      %get3A_4849 = arith.index_cast %get3A_4848 : i32 to index
      %get3A_4850 = arith.constant 16 : index
      %get3A_4851 = tpu.vector_load %arg7[%get3A_4849, %get3A_4850] {strides = array<i32>} : memref<100x64xf32, #tpu.memory_space<vmem>>, vector<1x16xf32>,
      %get3A_4852 = vector.shape_cast %get3A_4851 : vector<1x16xf32> to vector<16xf32>
      %add3A_4853 = arith.addf %add3A_4829, %get3A_4852 : vector<16xf32>
      %get3A_4854 = arith.constant 97 : i32
      %get3A_4855 = arith.index_cast %get3A_4854 : i32 to index
      %get3A_4856 = arith.constant 32 : index
      %get3A_4857 = tpu.vector_load %arg7[%get3A_4855, %get3A_4856] {strides = array<i32>} : memref<100x64xf32, #tpu.memory_space<vmem>>, vector<1x16xf32>,
      %get3A_4858 = vector.shape_cast %get3A_4857 : vector<1x16xf32> to vector<16xf32>
      %add3A_4859 = arith.addf %add3A_4835, %get3A_4858 : vector<16xf32>
      %get3A_4860 = arith.constant 97 : i32
      %get3A_4861 = arith.index_cast %get3A_4860 : i32 to index
      %get3A_4862 = arith.constant 48 : index
      %get3A_4863 = tpu.vector_load %arg7[%get3A_4861, %get3A_4862] {strides = array<i32>} : memref<100x64xf32, #tpu.memory_space<vmem>>, vector<1x16xf32>,
      %get3A_4864 = vector.shape_cast %get3A_4863 : vector<1x16xf32> to vector<16xf32>
      %add3A_4865 = arith.addf %add3A_4841, %get3A_4864 : vector<16xf32>
      %get3A_4866 = arith.constant 98 : i32
      %get3A_4867 = arith.index_cast %get3A_4866 : i32 to index
      %get3A_4868 = arith.constant 0 : index
      %get3A_4869 = tpu.vector_load %arg7[%get3A_4867, %get3A_4868] {strides = array<i32>} : memref<100x64xf32, #tpu.memory_space<vmem>>, vector<1x16xf32>,
      %get3A_4870 = vector.shape_cast %get3A_4869 : vector<1x16xf32> to vector<16xf32>
      %add3A_4871 = arith.addf %add3A_4847, %get3A_4870 : vector<16xf32>
      %get3A_4872 = arith.constant 98 : i32
      %get3A_4873 = arith.index_cast %get3A_4872 : i32 to index
      %get3A_4874 = arith.constant 16 : index
      %get3A_4875 = tpu.vector_load %arg7[%get3A_4873, %get3A_4874] {strides = array<i32>} : memref<100x64xf32, #tpu.memory_space<vmem>>, vector<1x16xf32>,
      %get3A_4876 = vector.shape_cast %get3A_4875 : vector<1x16xf32> to vector<16xf32>
      %add3A_4877 = arith.addf %add3A_4853, %get3A_4876 : vector<16xf32>
      %get3A_4878 = arith.constant 98 : i32
      %get3A_4879 = arith.index_cast %get3A_4878 : i32 to index
      %get3A_4880 = arith.constant 32 : index
      %get3A_4881 = tpu.vector_load %arg7[%get3A_4879, %get3A_4880] {strides = array<i32>} : memref<100x64xf32, #tpu.memory_space<vmem>>, vector<1x16xf32>,
      %get3A_4882 = vector.shape_cast %get3A_4881 : vector<1x16xf32> to vector<16xf32>
      %add3A_4883 = arith.addf %add3A_4859, %get3A_4882 : vector<16xf32>
      %get3A_4884 = arith.constant 98 : i32
      %get3A_4885 = arith.index_cast %get3A_4884 : i32 to index
      %get3A_4886 = arith.constant 48 : index
      %get3A_4887 = tpu.vector_load %arg7[%get3A_4885, %get3A_4886] {strides = array<i32>} : memref<100x64xf32, #tpu.memory_space<vmem>>, vector<1x16xf32>,
      %get3A_4888 = vector.shape_cast %get3A_4887 : vector<1x16xf32> to vector<16xf32>
      %add3A_4889 = arith.addf %add3A_4865, %get3A_4888 : vector<16xf32>
      %get3A_4890 = arith.constant 99 : i32
      %get3A_4891 = arith.index_cast %get3A_4890 : i32 to index
      %get3A_4892 = arith.constant 0 : index
      %get3A_4893 = tpu.vector_load %arg7[%get3A_4891, %get3A_4892] {strides = array<i32>} : memref<100x64xf32, #tpu.memory_space<vmem>>, vector<1x16xf32>,
      %get3A_4894 = vector.shape_cast %get3A_4893 : vector<1x16xf32> to vector<16xf32>
      %add3A_4895 = arith.addf %add3A_4871, %get3A_4894 : vector<16xf32>
      %get3A_4896 = arith.constant 99 : i32
      %get3A_4897 = arith.index_cast %get3A_4896 : i32 to index
      %get3A_4898 = arith.constant 16 : index
      %get3A_4899 = tpu.vector_load %arg7[%get3A_4897, %get3A_4898] {strides = array<i32>} : memref<100x64xf32, #tpu.memory_space<vmem>>, vector<1x16xf32>,
      %get3A_4900 = vector.shape_cast %get3A_4899 : vector<1x16xf32> to vector<16xf32>
      %add3A_4901 = arith.addf %add3A_4877, %get3A_4900 : vector<16xf32>
      %get3A_4902 = arith.constant 99 : i32
      %get3A_4903 = arith.index_cast %get3A_4902 : i32 to index
      %get3A_4904 = arith.constant 32 : index
      %get3A_4905 = tpu.vector_load %arg7[%get3A_4903, %get3A_4904] {strides = array<i32>} : memref<100x64xf32, #tpu.memory_space<vmem>>, vector<1x16xf32>,
      %get3A_4906 = vector.shape_cast %get3A_4905 : vector<1x16xf32> to vector<16xf32>
      %add3A_4907 = arith.addf %add3A_4883, %get3A_4906 : vector<16xf32>
      %get3A_4908 = arith.constant 99 : i32
      %get3A_4909 = arith.index_cast %get3A_4908 : i32 to index
      %get3A_4910 = arith.constant 48 : index
      %get3A_4911 = tpu.vector_load %arg7[%get3A_4909, %get3A_4910] {strides = array<i32>} : memref<100x64xf32, #tpu.memory_space<vmem>>, vector<1x16xf32>,
      %get3A_4912 = vector.shape_cast %get3A_4911 : vector<1x16xf32> to vector<16xf32>
      %add3A_4913 = arith.addf %add3A_4889, %get3A_4912 : vector<16xf32>
      %add3A_4914 = arith.constant 1 : i32
      %add3A_4915 = arith.addi %add3A_2493, %add3A_4914 : i32
      %swap3A_4916 = arith.index_cast %add3A_4915 : i32 to index
      %swap3A_4917 = arith.constant 0 : index
      %swap3A_4918 = tpu.vector_load %arg8[%swap3A_4916, %swap3A_4917] {strides = array<i32>} : memref<128x64xf32, #tpu.memory_space<vmem>>, vector<1x16xf32>,
      %swap3A_4919 = vector.shape_cast %swap3A_4918 : vector<1x16xf32> to vector<16xf32>
      %swap3A_4920 = vector.shape_cast %add3A_4895 : vector<16xf32> to vector<1x16xf32>
      tpu.vector_store %arg8[%swap3A_4916, %swap3A_4917], %swap3A_4920 {strides = array<i32>} : memref<128x64xf32, #tpu.memory_space<vmem>>, vector<1x16xf32>,
      %add3A_4921 = arith.constant 1 : i32
      %add3A_4922 = arith.addi %add3A_2493, %add3A_4921 : i32
      %swap3A_4923 = arith.index_cast %add3A_4922 : i32 to index
      %swap3A_4924 = arith.constant 16 : index
      %swap3A_4925 = tpu.vector_load %arg8[%swap3A_4923, %swap3A_4924] {strides = array<i32>} : memref<128x64xf32, #tpu.memory_space<vmem>>, vector<1x16xf32>,
      %swap3A_4926 = vector.shape_cast %swap3A_4925 : vector<1x16xf32> to vector<16xf32>
      %swap3A_4927 = vector.shape_cast %add3A_4901 : vector<16xf32> to vector<1x16xf32>
      tpu.vector_store %arg8[%swap3A_4923, %swap3A_4924], %swap3A_4927 {strides = array<i32>} : memref<128x64xf32, #tpu.memory_space<vmem>>, vector<1x16xf32>,
      %add3A_4928 = arith.constant 1 : i32
      %add3A_4929 = arith.addi %add3A_2493, %add3A_4928 : i32
      %swap3A_4930 = arith.index_cast %add3A_4929 : i32 to index
      %swap3A_4931 = arith.constant 32 : index
      %swap3A_4932 = tpu.vector_load %arg8[%swap3A_4930, %swap3A_4931] {strides = array<i32>} : memref<128x64xf32, #tpu.memory_space<vmem>>, vector<1x16xf32>,
      %swap3A_4933 = vector.shape_cast %swap3A_4932 : vector<1x16xf32> to vector<16xf32>
      %swap3A_4934 = vector.shape_cast %add3A_4907 : vector<16xf32> to vector<1x16xf32>
      tpu.vector_store %arg8[%swap3A_4930, %swap3A_4931], %swap3A_4934 {strides = array<i32>} : memref<128x64xf32, #tpu.memory_space<vmem>>, vector<1x16xf32>,
      %add3A_4935 = arith.constant 1 : i32
      %add3A_4936 = arith.addi %add3A_2493, %add3A_4935 : i32
      %swap3A_4937 = arith.index_cast %add3A_4936 : i32 to index
      %swap3A_4938 = arith.constant 48 : index
      %swap3A_4939 = tpu.vector_load %arg8[%swap3A_4937, %swap3A_4938] {strides = array<i32>} : memref<128x64xf32, #tpu.memory_space<vmem>>, vector<1x16xf32>,
      %swap3A_4940 = vector.shape_cast %swap3A_4939 : vector<1x16xf32> to vector<16xf32>
      %swap3A_4941 = vector.shape_cast %add3A_4913 : vector<16xf32> to vector<1x16xf32>
      tpu.vector_store %arg8[%swap3A_4937, %swap3A_4938], %swap3A_4941 {strides = array<i32>} : memref<128x64xf32, #tpu.memory_space<vmem>>, vector<1x16xf32>,
    }
    %scan3A_13 = arith.constant 32 : i32
    %mul3A_14 = arith.constant 128 : i32
    %mul3A_15 = arith.muli %add3A, %mul3A_14 : i32
    "tpu.region"() ({
      %run_scoped3A = tpu.sem_alloc : memref<!tpu.dma_semaphore, #tpu.memory_space<semaphore_mem>>
      %dma_start3A_16 = arith.constant 0 : i32
      %dma_start3A_17 = tpu.memref_slice %arg4[%mul3A_15, %dma_start3A_16] : memref<4096x64xf32, #tpu.memory_space<hbm>> -> memref<128x64xf32, #tpu.memory_space<hbm>>
      %dma_start3A_18 = arith.constant 0 : i32
      %dma_start3A_19 = tpu.memref_slice %arg4[%mul3A_15, %dma_start3A_18] : memref<4096x64xf32, #tpu.memory_space<hbm>> -> memref<128x64xf32, #tpu.memory_space<hbm>>
      tpu.enqueue_dma source(%arg8 : memref<128x64xf32, #tpu.memory_space<vmem>>) target(%dma_start3A_19 : memref<128x64xf32, #tpu.memory_space<hbm>>) target_semaphore(%run_scoped3A : memref<!tpu.dma_semaphore, #tpu.memory_space<semaphore_mem>>)
      %dma_wait3A = arith.constant 0 : i32
      %dma_wait3A_20 = tpu.memref_slice %arg4[%mul3A_15, %dma_wait3A] : memref<4096x64xf32, #tpu.memory_space<hbm>> -> memref<128x64xf32, #tpu.memory_space<hbm>>
      %dma_wait3A_21 = arith.constant 0 : i32
      %dma_wait3A_22 = tpu.memref_slice %arg4[%mul3A_15, %dma_wait3A_21] : memref<4096x64xf32, #tpu.memory_space<hbm>> -> memref<128x64xf32, #tpu.memory_space<hbm>>
      tpu.wait_dma2 semaphore(%run_scoped3A : memref<!tpu.dma_semaphore, #tpu.memory_space<semaphore_mem>>) src(%arg8 : memref<128x64xf32, #tpu.memory_space<vmem>>) dst(%dma_wait3A_22 : memref<128x64xf32, #tpu.memory_space<hbm>>)
      tpu.yield
    }) : () -> ()
    return
  }
}

module attributes {stable_mosaic.version = 14 : i64} {
  func.func @_fc_body(%arg0: memref<4096x64xf32, #tpu.memory_space<vmem>>, %arg1: memref<64x4xf32, #tpu.memory_space<vmem>>, %arg2: memref<1x4xf32, #tpu.memory_space<vmem>>, %arg3: memref<4096x4xf32, #tpu.memory_space<vmem>>) attributes {dimension_semantics = [], scalar_prefetch = 0 : i64, scratch_operands = 0 : i64, tpu.core_type = #tpu.core_type<tc>} {
    %get3A = arith.constant 0 : index
    %get3A_0 = arith.constant 0 : index
    %get3A_1 = vector.load %arg0[%get3A, %get3A_0] : memref<4096x64xf32, #tpu.memory_space<vmem>>, vector<4096x64xf32>
    %mul3A = arith.constant 2.000000e-02 : f32
    %mul3A_2 = vector.broadcast %mul3A : f32 to vector<4096x64xf32>
    %mul3A_3 = arith.mulf %get3A_1, %mul3A_2 : vector<4096x64xf32>
    %get3A_4 = arith.constant 0 : index
    %get3A_5 = arith.constant 0 : index
    %get3A_6 = vector.load %arg1[%get3A_4, %get3A_5] : memref<64x4xf32, #tpu.memory_space<vmem>>, vector<64x4xf32>
    %dot_general3A = arith.constant dense<0.000000e+00> : vector<4096x4xf32>
    %dot_general3A_7 = tpu.matmul %mul3A_3, %get3A_6, %dot_general3A {dimension_numbers = #tpu.dot_dimension_numbers<[1], [0], [0], [1], [0, 0, 1, 1], [], []>, transpose_lhs_hint = false} : vector<4096x64xf32>, vector<64x4xf32>, vector<4096x4xf32> -> vector<4096x4xf32>
    %get3A_8 = arith.constant 0 : index
    %get3A_9 = arith.constant 0 : index
    %get3A_10 = vector.load %arg2[%get3A_8, %get3A_9] : memref<1x4xf32, #tpu.memory_space<vmem>>, vector<1x4xf32>
    %add3A = vector.broadcast %get3A_10 : vector<1x4xf32> to vector<4096x4xf32>
    %add3A_11 = arith.addf %dot_general3A_7, %add3A : vector<4096x4xf32>
    %swap3A = arith.constant 0 : index
    %swap3A_12 = arith.constant 0 : index
    %swap3A_13 = vector.load %arg3[%swap3A, %swap3A_12] : memref<4096x4xf32, #tpu.memory_space<vmem>>, vector<4096x4xf32>
    tpu.vector_store %arg3[%swap3A, %swap3A_12], %add3A_11 {strides = array<i32>} : memref<4096x4xf32, #tpu.memory_space<vmem>>, vector<4096x4xf32>,
    return
  }
}

</mosaic_0001>

<sc_bundles>
// kernel: kernel.4.cloned.1.call-start
scs
__scs_entry_jumppad:
0x0: {  	(pc) =	sbr.rel $0x88, $3  }
0x1: {  	(tag) =	ssettag $0x0;
	lr =	simm.s32 $0x1  }
0x2: {  	[smem:$0x3F9D] =	sst lr;
	_ =	strace $0xD0000000  }
0x3: {  	_ = 	snop  }
0x4: {  	_ = 	snop  }
0x5: {  	_ = 	snop  }
0x6: {  	_ = 	snop  }
0x7: {  	_ = 	snop  }
__scs_overlays_trampoline_lowered:
0x8: {  	[smem:$0x3FAC] =	sst s0  }
0x9: {  	[smem:$0x3FAD] =	sst s1  }
0xa: {  	[smem:$0x3FAE] =	sst s2  }
0xb: {  	[smem:$0x3FAF] =	sst s3  }
0xc: {  	[smem:$0x3FB0] =	sst s4  }
0xd: {  	[smem:$0x3FB1] =	sst s5  }
0xe: {  	[smem:$0x3FB2] =	sst s6  }
0xf: {  	[smem:$0x3FB3] =	sst s7  }
0x10: {  	[smem:$0x3FB4] =	sst s8  }
0x11: {  	[smem:$0x3FB5] =	sst s9;
	s0 =	simm.s32 @!p0 $0x0  }
0x12: {  	s1 =	sld [smem:$0x3F9B];
	s0 =	simm.s32 @p0 $0x1  }
0x13: {  	[smem:$0x3FB6] =	sst s0;
	s0 =	simm.s32 @!p1 $0x0  }
0x14: {  	s2 =	sld [smem:$0x3F9A];
	s0 =	simm.s32 @p1 $0x1  }
0x15: {  	[smem:$0x3FB7] =	sst s0;
	s0 =	simm.s32 @!p2 $0x0  }
0x16: {  	s3 =	sld [smem:$0x3FDB];
	s0 =	simm.s32 @p2 $0x1  }
0x17: {  	s4 =	simm.s32 $0x1BF5;
	[smem:$0x3FB9] =	sst s0  }
0x18: {  	s0 =	sld [smem:$0x3F9C];
	_ =	swait.ge [sflag:s4], $0x0  }
0x19: {  	s7 =	sld [smem:$0x3F9D]  }
0x1a: {  	s8 =	sadd.s32 $0xFFFFE003, lr  }
0x1b: {  	s9 =	sadd.s32 $0xFFFFFEF7, lr;
	s5 =	simm.s32 $0xFFFFFFFF;
	p2 =	slt.u32 s8, $0xFFFFF086  }
0x1c: {  	p1 =	slt.u32 s9, $0xF7A;
	s5 =	simm.s32 @!p2 $0x0  }
0x1d: {  	s5 =	simm.s32 @p1 $0x1;
	p0 =	seq.s32 s7, s2  }
0x1e: {  	s7 =	smul.u32 @!p0 $0xF7A, s2;
	p2 =	seq.s32 @!p0 s5, $0x0  }
0x1f: {  	s9 =	smul.u32 $0xF7A, s1;
	s8 =	simm.s32 @!p0 $0x1BF5;
	p2 =	por !p2, p0  }
0x20: {  	[sflag:s8] =	ssyncset.s32 @!p0 $0xFFFFF086;
	s6 =	sadd.s32 @!p0 s3, s7;
	s7 =	simm.s32 @!p0 $0x108  }
0x21: {  	s3 =	sadd.s32 s3, s9;
	s6 =	sadd.s32 @!p0 $0x88, s6;
	s7 =	simm.s32 @p2 $0x1082  }
0x22: {  	[simem:s7], [sflag:s8] =	dma.local @!p0 [hbm:s6], $0xF7A  }
0x23: {  	s9 =	sor.u32 $0xD0000000, s2;
	s6 =	simm.s32 $0x108;
	_ =	swait.ge @!p0 [sflag:s8], $0x0  }
0x24: {  	s3 =	sadd.s32 $0x88, s3;
	s6 =	simm.s32 @!p1 $0x1082;
	[sflag:s4] =	ssyncset.s32 $0xFFFFF086  }
0x25: {  	[simem:s6], [sflag:s4] =	dma.local [hbm:s3], $0xF7A  }
0x26: {  	[smem:$0x3F9D] =	sst s1;
	(tag) =	ssettag s2;
	_ =	strace s9  }
0x27: {  	s1 =	sld [smem:$0x3FAD]  }
0x28: {  	s2 =	sld [smem:$0x3FAE]  }
0x29: {  	s4 =	sld [smem:$0x3FB0]  }
0x2a: {  	p0 =	seq.s32 s5, $0x0;
	s5 =	sld [smem:$0x3FB1]  }
0x2b: {  	s6 =	sld [smem:$0x3FB2]  }
0x2c: {  	s7 =	sld [smem:$0x3FB3]  }
0x2d: {  	s3 =	simm.s32 $0x108;
	s8 =	sld [smem:$0x3FB4]  }
0x2e: {  	s3 =	simm.s32 @!p0 $0x1082;
	s9 =	sld [smem:$0x3FB5]  }
0x2f: {  	lr =	sadd.s32 s0, s3;
	s0 =	sld [smem:$0x3FAC]  }
0x30: {  	s3 =	sld [smem:$0x3FAF]  }
0x31: {  	[smem:$0x3FB8] =	sst s10  }
0x32: {  	s10 =	sld [smem:$0x3FB6];
	_ =	sdelay $0x3  }
0x33: {  	p0 =	seq.s32 s10, $0x1;
	s10 =	sld [smem:$0x3FB8];
	_ =	sdelay $0x3  }
0x34: {  	[smem:$0x3FB8] =	sst s10  }
0x35: {  	s10 =	sld [smem:$0x3FB7];
	_ =	sdelay $0x3  }
0x36: {  	p1 =	seq.s32 s10, $0x1;
	s10 =	sld [smem:$0x3FB8];
	_ =	sdelay $0x3  }
0x37: {  	[smem:$0x3FB8] =	sst s10  }
0x38: {  	s10 =	sld [smem:$0x3FB9]  }
0x39: {  	_ = 	snop;
	(pc) =	sbr.ind lr, $3  }
0x3a: {  	_ = 	snop  }
0x3b: {  	_ = 	snop  }
0x3c: {  	p2 =	seq.s32 s10, $0x1;
	s10 =	sld [smem:$0x3FB8]  }
0x3d: {  	_ =	shalt  }
0x3e: {  	_ =	shalt  }
0x3f: {  	_ =	shalt  }
0x40: {  	_ =	shalt  }
0x41: {  	_ =	shalt  }
0x42: {  	_ =	shalt  }
0x43: {  	_ =	shalt  }
0x44: {  	_ =	shalt  }
0x45: {  	_ =	shalt  }
0x46: {  	_ =	shalt  }
0x47: {  	_ =	shalt  }
0x48: {  	_ =	shalt  }
0x49: {  	_ =	shalt  }
0x4a: {  	_ =	shalt  }
0x4b: {  	_ =	shalt  }
0x4c: {  	_ =	shalt  }
0x4d: {  	_ =	shalt  }
0x4e: {  	_ =	shalt  }
0x4f: {  	_ =	shalt  }
0x50: {  	_ =	shalt  }
0x51: {  	_ =	shalt  }
0x52: {  	_ =	shalt  }
0x53: {  	_ =	shalt  }
0x54: {  	_ =	shalt  }
0x55: {  	_ =	shalt  }
0x56: {  	_ =	shalt  }
0x57: {  	_ =	shalt  }
0x58: {  	_ =	shalt  }
0x59: {  	_ =	shalt  }
0x5a: {  	_ =	shalt  }
0x5b: {  	_ =	shalt  }
0x5c: {  	_ =	shalt  }
0x5d: {  	_ =	shalt  }
0x5e: {  	_ =	shalt  }
0x5f: {  	_ =	shalt  }
0x60: {  	_ =	shalt  }
0x61: {  	_ =	shalt  }
0x62: {  	_ =	shalt  }
0x63: {  	_ =	shalt  }
0x64: {  	_ =	shalt  }
0x65: {  	_ =	shalt  }
0x66: {  	_ =	shalt  }
0x67: {  	_ =	shalt  }
0x68: {  	_ =	shalt  }
0x69: {  	_ =	shalt  }
0x6a: {  	_ =	shalt  }
0x6b: {  	_ =	shalt  }
0x6c: {  	_ =	shalt  }
0x6d: {  	_ =	shalt  }
0x6e: {  	_ =	shalt  }
0x6f: {  	_ =	shalt  }
0x70: {  	_ =	shalt  }
0x71: {  	_ =	shalt  }
0x72: {  	_ =	shalt  }
0x73: {  	_ =	shalt  }
0x74: {  	_ =	shalt  }
0x75: {  	_ =	shalt  }
0x76: {  	_ =	shalt  }
0x77: {  	_ =	shalt  }
0x78: {  	_ =	shalt  }
0x79: {  	_ =	shalt  }
0x7a: {  	_ =	shalt  }
0x7b: {  	_ =	shalt  }
0x7c: {  	_ =	shalt  }
0x7d: {  	_ =	shalt  }
0x7e: {  	_ =	shalt  }
0x7f: {  	_ =	shalt  }
0x80: {  	_ =	shalt  }
0x81: {  	_ =	shalt  }
0x82: {  	_ =	shalt  }
0x83: {  	_ =	shalt  }
0x84: {  	_ =	shalt  }
0x85: {  	_ =	shalt  }
0x86: {  	_ =	shalt  }
0x87: {  	_ =	shalt  }
.Lfunc_end0:
.L_simem_size_0:
called_computation_lowered:
.L_overlay_start_0:
0x88: {  	s2 =	sld [smem:$0x3FD9]  }
0x89: {  	s3 =	sld [smem:$0x3FFE];
	_ =	sdelay $0x1  }
0x8a: {  	s1 =	srdreg.scid  }
0x8b: {  	s0 =	sand.u32 $0x1, s1  }
0x8c: {  	s16 =	sshll.u32 s0, $0xA;
	s2 =	sadd.s32 s3, s2  }
0x8d: {  	s2 =	sadd.s32 s2, s16  }
0x8e: {  	[smem:$0x3FC4] =	sst s2  }
0x8f: {  	_ = 	snop  }
0x90: {  	(tm) =	ssettm $0x1  }
0x91: {  	s17 =	sld [smem:$0x3FFB];
	_ =	sdelay $0x3  }
0x92: {  	_ =	strace s17  }
0x93: {  	s2 =	sld [smem:$0x3FFC];
	_ =	sdelay $0x3  }
0x94: {  	_ =	strace s2  }
0x95: {  	s2 =	sld [smem:$0x3FFD];
	_ =	sdelay $0x3  }
0x96: {  	_ =	strace s2  }
0x97: {  	_ =	strace $0x8FFFFFFF  }
0x98: {  	s18 =	sld [smem:$0x3FDB];
	_ =	sdelay $0x1  }
0x99: {  	s19 =	simm.s32 $_scs_section_size  }
0x9a: {  	s4 =	simm.s32 $_size__tile_overlayer_lowered;
	s5 =	simm.s32 $_tile_overlayer_lowered  }
0x9b: {  	s22 =	simm.s32 $0x1BFF;
	s21 =	sshll.u32 s5, $0x1;
	s2 =	sadd.s32 s19, s18  }
0x9c: {  	s6 =	simm.s32 $0x0;
	s20 =	sshll.u32 s4, $0x1;
	s4 =	sadd.s32 s21, s2  }
0x9d: {  	[timem:s6], [sflag:s22] =	dma.local [hbm:s4], s20  }
0x9e: {  	_ =	swait.ge [sflag:s22], s20  }
0x9f: {  	s3 =	ssub.s32 $0x0, s20;
	[sflag:s22] =	ssyncset.done $0x0  }
0xa0: {  	[sflag:s22] =	ssyncadd.s32 s3;
	_ =	sdelay $0x1  }
0xa1: {  	s23 =	simm.s32 $0x1B8B  }
0xa2: {  	_ =	swait.ge [sflag:s23], $0x1  }
0xa3: {  	[sflag:s23] =	ssyncset.done $0x0  }
0xa4: {  	s25 =	simm.s32 $0x1B8E;
	s24 =	sld [smem:$0x3FFE];
	[sflag:s23] =	ssyncadd.s32 $0xFFFFFFFF  }
0xa5: {  	s26 =	simm.s32 $execute0_lowered;
	[smem:$0x3FD2] =	sst s25  }
0xa6: {  	s4 =	sshll.u32 s26, $0x1;
	_ =	strace $0x80000046;
	[dreg:$0x1] =	wrdreg $0xFFFFFFFF  }
0xa7: {  	s28 =	simm.s32 $_size_execute0_lowered;
	s2 =	sadd.s32 s2, s4;
	[dreg:$0x0] =	wrdreg $0x0  }
0xa8: {  	s4 =	sshll.u32 s28, $0x1;
	[dreg:$0x2] =	wrdreg s2  }
0xa9: {  	[dreg:$0x3] =	wrdreg s4  }
0xaa: {  	[dreg:$0x4] =	wrdreg $0xC0  }
0xab: {  	_ =	task [dreg:s6], $0x5FFFF  }
0xac: {  	[dreg:$0x1] =	wrdreg $0xFFFFFFFF  }
0xad: {  	[dreg:$0x0] =	wrdreg $0x60  }
0xae: {  	[dreg:$0x2] =	wrdreg s24  }
0xaf: {  	[dreg:$0x3] =	wrdreg $0x9  }
0xb0: {  	_ =	task.clear_ibuf [dreg:s6], $0x4FFFF;
	_ =	strace $0x90000046  }
0xb1: {  	s29 =	simm.s32 $0x9;
	_ =	strace $0x80000048  }
0xb2: {  	_ =	swait.ge [sflag:s29], $0x1  }
0xb3: {  	[sflag:s29] =	ssyncadd.s32 $0xFFFFFFFF  }
0xb4: {  	_ =	strace $0x90000048  }
0xb5: {  	_ =	sfence  }
0xb6: {  	s30 =	sld [smem:$0x0];
	_ =	sdelay $0x2  }
0xb7: {  	s31 =	sshll.u32 s1, $0xD;
	s1 =	sshrl.u32 s1, $0x2  }
0xb8: {  	s3 =	sand.u32 $0x4000, s31;
	s1 =	sadd.s32 s1, s30  }
0xb9: {  	s0 =	sor.u32 s3, s0;
	s1 =	sshll.u32 s1, $0x11  }
0xba: {  	s0 =	sor.u32 s1, s0  }
0xbb: {  	s0 =	sadd.s32 $0x8F2B, s0  }
0xbc: {  	[sflag:s0] =	ssyncadd.remote.s32 $0x1  }
0xbd: {  	_ =	sfence.sel $0xFFFF  }
0xbe: {  	[dreg:$0x0] =	wrdreg $0xFFFFFFFF;
	(pc) =	sbr.abs _section_cstart, $3  }
0xbf: {  	[dreg:$0x1] =	wrdreg $0xFFFFFFFF  }
0xc0: {  	_ =	task.clear_ibuf [dreg:s6], $0x2FFFF;
	_ =	strace $0x9FFFFFFF  }
0xc1: {  	(tm) =	ssettm $0x7FFFFFFF  }
tec
execute0_lowered:
.L_overlay_start_1:
0x0: {  	(tag) =	ssettag $0x1  }
0x1: {  	s1 =	srdreg.scid;
	s0 =	stileid.u32  }
0x2: {  	s4 =	rddreg [dreg:$0x0];
	s2 =	simm.s32 $0x0;
	s8 =	simm.s32 $0x64  }
0x3: {  	s9 =	simm.s32 $0x1A00;
	s10 =	simm.s32 $0x3300;
	s11 =	simm.s32 $0x1  }
0x4: {  	s12 =	simm.s32 $0x2;
	s13 =	simm.s32 $0x4C00;
	s14 =	simm.s32 $0x0  }
0x5: {  	s3 =	sand.u32 $0x1, s1;
	s5 =	sshll.u32 s0, $0x1;
	[smem:$0x7FF] =	sst s2  }
0x6: {  	s1 =	rddreg [dreg:$0x1];
	s5 =	sor.u32 s3, s5;
	_ =	strace $0x80000047  }
0x7: {  	s7 =	ssub.s32 $0x2, s3;
	s6 =	smul.u32 $0x340, s5;
	s5 =	sshll.u32 s5, $0xA  }
0x8: {  	s3 =	sadd.s32 $0xF42E00, s4;
	s31 =	sshrl.u32 s7, $0x1;
	s5 =	sadd.s32 s5, s4  }
0x9: {  	s7 =	ssub.s32 s7, s31;
	s6 =	sadd.s32 s6, s4;
	s5 =	sadd.s32 $0x7200, s5  }
0xa: {  	s4 =	sadd.s32 $0xA00, s6;
	s6 =	smax.u32 s7, $0x1;
	s7 =	simm.s32 $0x3  }
.LBB2_1:
0xb: {  	[tilespmem:s2], [sflag:$0x3] =	stream.linear.gather [hbm4b:s4+s2], $0x1A00, $0x38;
	[tilespmem:$0x6C00] =	vst v63  }
0xc: {  	_ =	swait.ge [sflag:s7], $0x1A00  }
0xd: {  	[sflag:s7] =	ssyncset.done $0x0  }
0xe: {  	s15 =	simm.s32 $0xFFFF9800;
	s16 =	simm.s32 $0x4C80;
	[sflag:s7] =	ssyncadd.s32 $0xFFFFE600  }
0xf: {  	[tilespmem:s9], [sflag:$0x1] =	stream.indirect.gather [hbm4b:s3+s8], $0x40, s2, s8, $0xb8;
	[tilespmem:$0x6C00] =	vst v63  }
.LBB2_2:
0x10: {  	s17 =	sshra.s32 s15, $0x2  }
0x11: {  	s17 =	sadd.s32 $0x1A68, s17  }
0x12: {  	[tilespmem:s10], [sflag:$0x2] =	stream.indirect.gather [hbm4b:s3+s8], $0x40, s17, s8, $0xb8;
	[tilespmem:$0x6C00] =	vst v63  }
0x13: {  	_ =	swait.ge [sflag:s11], $0x1900  }
0x14: {  	[sflag:s11] =	ssyncset.done $0x0  }
0x15: {  	[sflag:s11] =	ssyncadd.s32 $0xFFFFE700  }
0x16: {  	v56 =	vld [tilespmem:$0x1DF0];
	_ =	sdelay $0x4  }
0x17: {  	[tilespmem:$0x1F5D0] =	vst v56;
	v56 =	vld [tilespmem:$0x1E10];
	_ =	sdelay $0x4  }
0x18: {  	[tilespmem:$0x1F5E0] =	vst v56;
	v56 =	vld [tilespmem:$0x1E20];
	_ =	sdelay $0x4  }
0x19: {  	[tilespmem:$0x1F5F0] =	vst v56;
	v56 =	vld [tilespmem:$0x1E30];
	_ =	sdelay $0x4  }
0x1a: {  	[tilespmem:$0x1F610] =	vst v56;
	v56 =	vld [tilespmem:$0x1E40];
	_ =	sdelay $0x4  }
0x1b: {  	[tilespmem:$0x1F600] =	vst v56;
	v56 =	vld [tilespmem:$0x1E50];
	_ =	sdelay $0x4  }
0x1c: {  	[tilespmem:$0x1F620] =	vst v56;
	v56 =	vld [tilespmem:$0x1E60];
	_ =	sdelay $0x4  }
0x1d: {  	[tilespmem:$0x1F630] =	vst v56;
	v56 =	vld [tilespmem:$0x1E70];
	_ =	sdelay $0x4  }
0x1e: {  	[tilespmem:$0x1F650] =	vst v56;
	v56 =	vld [tilespmem:$0x1E80];
	_ =	sdelay $0x4  }
0x1f: {  	[tilespmem:$0x1F640] =	vst v56;
	v56 =	vld [tilespmem:$0x1E90];
	_ =	sdelay $0x4  }
0x20: {  	[tilespmem:$0x1F660] =	vst v56;
	v56 =	vld [tilespmem:$0x1EA0];
	_ =	sdelay $0x4  }
0x21: {  	[tilespmem:$0x1F670] =	vst v56;
	v56 =	vld [tilespmem:$0x1EB0];
	_ =	sdelay $0x4  }
0x22: {  	[tilespmem:$0x1F690] =	vst v56;
	v56 =	vld [tilespmem:$0x1EC0];
	_ =	sdelay $0x4  }
0x23: {  	[tilespmem:$0x1F680] =	vst v56;
	v56 =	vld [tilespmem:$0x1ED0];
	_ =	sdelay $0x4  }
0x24: {  	[tilespmem:$0x1F6A0] =	vst v56;
	v56 =	vld [tilespmem:$0x1EE0];
	_ =	sdelay $0x4  }
0x25: {  	[tilespmem:$0x1F6B0] =	vst v56;
	v56 =	vld [tilespmem:$0x1EF0];
	_ =	sdelay $0x4  }
0x26: {  	[tilespmem:$0x1F6D0] =	vst v56;
	v56 =	vld [tilespmem:$0x1F00];
	_ =	sdelay $0x4  }
0x27: {  	[tilespmem:$0x1F6C0] =	vst v56;
	v56 =	vld [tilespmem:$0x1F10];
	_ =	sdelay $0x4  }
0x28: {  	[tilespmem:$0x1F6E0] =	vst v56;
	v56 =	vld [tilespmem:$0x1F20];
	_ =	sdelay $0x4  }
0x29: {  	[tilespmem:$0x1F6F0] =	vst v56;
	v56 =	vld [tilespmem:$0x1F30];
	_ =	sdelay $0x4  }
0x2a: {  	[tilespmem:$0x1F710] =	vst v56;
	v56 =	vld [tilespmem:$0x1F40];
	_ =	sdelay $0x4  }
0x2b: {  	[tilespmem:$0x1F700] =	vst v56;
	v56 =	vld [tilespmem:$0x1F50];
	_ =	sdelay $0x4  }
0x2c: {  	[tilespmem:$0x1F720] =	vst v56;
	v56 =	vld [tilespmem:$0x1F60];
	_ =	sdelay $0x4  }
0x2d: {  	[tilespmem:$0x1F730] =	vst v56;
	v56 =	vld [tilespmem:$0x1F70];
	_ =	sdelay $0x3  }
0x2e: {  	v3 =	vld [tilespmem:$0x1A00]  }
0x2f: {  	[tilespmem:$0x1F750] =	vst v56;
	v56 =	vld [tilespmem:$0x1F80]  }
0x30: {  	v4 =	vld [tilespmem:$0x1A10]  }
0x31: {  	v5 =	vld [tilespmem:$0x1A20]  }
0x32: {  	v16 =	vld [tilespmem:$0x1A30]  }
0x33: {  	v17 =	vld [tilespmem:$0x1A40]  }
0x34: {  	[tilespmem:$0x1F740] =	vst v56;
	v56 =	vld [tilespmem:$0x1F90]  }
0x35: {  	v20 =	vld [tilespmem:$0x1A50]  }
0x36: {  	v21 =	vld [tilespmem:$0x1A60]  }
0x37: {  	v32 =	vld [tilespmem:$0x1A70]  }
0x38: {  	v33 =	vld [tilespmem:$0x1A80]  }
0x39: {  	[tilespmem:$0x1F760] =	vst v56;
	v56 =	vld [tilespmem:$0x1FA0]  }
0x3a: {  	v36 =	vld [tilespmem:$0x1A90]  }
0x3b: {  	v37 =	vld [tilespmem:$0x1AA0]  }
0x3c: {  	v48 =	vld [tilespmem:$0x1AB0]  }
0x3d: {  	v49 =	vld [tilespmem:$0x1AC0]  }
0x3e: {  	[tilespmem:$0x1F770] =	vst v56;
	v56 =	vld [tilespmem:$0x1FB0]  }
0x3f: {  	v52 =	vld [tilespmem:$0x1AD0]  }
0x40: {  	v53 =	vld [tilespmem:$0x1AE0]  }
0x41: {  	v62 =	vld [tilespmem:$0x1AF0]  }
0x42: {  	v63 =	vld [tilespmem:$0x1B00]  }
0x43: {  	[tilespmem:$0x1F790] =	vst v56;
	v56 =	vld [tilespmem:$0x1FC0]  }
0x44: {  	v0 =	vld [tilespmem:$0x1B10]  }
0x45: {  	v2 =	vld [tilespmem:$0x1B20]  }
0x46: {  	v9 =	vld [tilespmem:$0x1B30]  }
0x47: {  	v1 =	vld [tilespmem:$0x1B40]  }
0x48: {  	[tilespmem:$0x1F780] =	vst v56;
	v56 =	vld [tilespmem:$0x1FD0]  }
0x49: {  	v6 =	vld [tilespmem:$0x1B50]  }
0x4a: {  	v8 =	vld [tilespmem:$0x1B60]  }
0x4b: {  	v13 =	vld [tilespmem:$0x1B70]  }
0x4c: {  	v7 =	vld [tilespmem:$0x1B80]  }
0x4d: {  	[tilespmem:$0x1F7A0] =	vst v56;
	v56 =	vld [tilespmem:$0x1FE0]  }
0x4e: {  	v10 =	vld [tilespmem:$0x1B90]  }
0x4f: {  	v12 =	vld [tilespmem:$0x1BA0]  }
0x50: {  	v19 =	vld [tilespmem:$0x1BB0]  }
0x51: {  	v11 =	vld [tilespmem:$0x1BC0]  }
0x52: {  	[tilespmem:$0x1F7B0] =	vst v56;
	v56 =	vld [tilespmem:$0x1FF0]  }
0x53: {  	v14 =	vld [tilespmem:$0x1BD0]  }
0x54: {  	v18 =	vld [tilespmem:$0x1BE0]  }
0x55: {  	v25 =	vld [tilespmem:$0x1BF0]  }
0x56: {  	v15 =	vld [tilespmem:$0x1C00]  }
0x57: {  	[tilespmem:$0x1F7D0] =	vst v56;
	v56 =	vld [tilespmem:$0x2000]  }
0x58: {  	v22 =	vld [tilespmem:$0x1C10]  }
0x59: {  	v24 =	vld [tilespmem:$0x1C20]  }
0x5a: {  	v29 =	vld [tilespmem:$0x1C30]  }
0x5b: {  	v23 =	vld [tilespmem:$0x1C40]  }
0x5c: {  	[tilespmem:$0x1F7C0] =	vst v56;
	v56 =	vld [tilespmem:$0x2010]  }
0x5d: {  	v26 =	vld [tilespmem:$0x1C50]  }
0x5e: {  	v28 =	vld [tilespmem:$0x1C60]  }
0x5f: {  	v35 =	vld [tilespmem:$0x1C70]  }
0x60: {  	v27 =	vld [tilespmem:$0x1C80]  }
0x61: {  	[tilespmem:$0x1F7E0] =	vst v56;
	v56 =	vld [tilespmem:$0x2020]  }
0x62: {  	v30 =	vld [tilespmem:$0x1C90]  }
0x63: {  	v34 =	vld [tilespmem:$0x1CA0]  }
0x64: {  	v41 =	vld [tilespmem:$0x1CB0]  }
0x65: {  	v31 =	vld [tilespmem:$0x1CC0]  }
0x66: {  	[tilespmem:$0x1F7F0] =	vst v56;
	v56 =	vld [tilespmem:$0x2030]  }
0x67: {  	v38 =	vld [tilespmem:$0x1CD0]  }
0x68: {  	v40 =	vld [tilespmem:$0x1CE0]  }
0x69: {  	v45 =	vld [tilespmem:$0x1CF0]  }
0x6a: {  	v39 =	vld [tilespmem:$0x1D00]  }
0x6b: {  	[tilespmem:$0x1F810] =	vst v56;
	v56 =	vld [tilespmem:$0x2040]  }
0x6c: {  	v42 =	vld [tilespmem:$0x1D10]  }
0x6d: {  	v44 =	vld [tilespmem:$0x1D20]  }
0x6e: {  	v51 =	vld [tilespmem:$0x1D30]  }
0x6f: {  	v43 =	vld [tilespmem:$0x1D40]  }
0x70: {  	[tilespmem:$0x1F800] =	vst v56;
	v56 =	vld [tilespmem:$0x2050]  }
0x71: {  	v46 =	vld [tilespmem:$0x1D50]  }
0x72: {  	v50 =	vld [tilespmem:$0x1D60]  }
0x73: {  	v60 =	vld [tilespmem:$0x1D70]  }
0x74: {  	v47 =	vld [tilespmem:$0x1D80]  }
0x75: {  	[tilespmem:$0x1F820] =	vst v56;
	v56 =	vld [tilespmem:$0x2060]  }
0x76: {  	v54 =	vld [tilespmem:$0x1D90]  }
0x77: {  	v61 =	vld [tilespmem:$0x1DA0]  }
0x78: {  	v55 =	vld [tilespmem:$0x1DB0]  }
0x79: {  	v58 =	vld [tilespmem:$0x1DD0]  }
0x7a: {  	[tilespmem:$0x1F830] =	vst v56;
	v56 =	vld [tilespmem:$0x2070]  }
0x7b: {  	v57 =	vld [tilespmem:$0x1DE0]  }
0x7c: {  	v59 =	vld [tilespmem:$0x1E00]  }
0x7d: {  	[tilespmem:$0x1F5C0] =	vst v55;
	v55 =	vld [tilespmem:$0x1DC0]  }
0x7e: {  	v17 =	vadd.f32 v17, v3;
	v3 =	vld [tilespmem:$0x2090]  }
0x7f: {  	[tilespmem:$0x1F840] =	vst v56;
	v56 =	vld [tilespmem:$0x2080]  }
0x80: {  	v20 =	vadd.f32 v20, v4;
	v4 =	vld [tilespmem:$0x20A0]  }
0x81: {  	v21 =	vadd.f32 v21, v5;
	v17 =	vadd.f32 v33, v17;
	v5 =	vld [tilespmem:$0x20B0]  }
0x82: {  	v32 =	vadd.f32 v32, v16;
	v20 =	vadd.f32 v36, v20;
	v16 =	vld [tilespmem:$0x20C0]  }
0x83: {  	v21 =	vadd.f32 v37, v21;
	v33 =	vadd.f32 v49, v17;
	v17 =	vld [tilespmem:$0x20D0]  }
0x84: {  	v32 =	vadd.f32 v48, v32;
	v36 =	vadd.f32 v52, v20;
	v20 =	vld [tilespmem:$0x20E0]  }
0x85: {  	v37 =	vadd.f32 v53, v21;
	v33 =	vadd.f32 v63, v33;
	v21 =	vld [tilespmem:$0x20F0]  }
0x86: {  	v48 =	vadd.f32 v62, v32;
	v32 =	vld [tilespmem:$0x2100]  }
0x87: {  	v1 =	vadd.f32 v1, v33;
	v33 =	vld [tilespmem:$0x2110]  }
0x88: {  	v0 =	vadd.f32 v0, v36;
	v36 =	vld [tilespmem:$0x2120]  }
0x89: {  	v2 =	vadd.f32 v2, v37;
	v9 =	vadd.f32 v9, v48;
	v37 =	vld [tilespmem:$0x2130]  }
0x8a: {  	v1 =	vadd.f32 v7, v1;
	v48 =	vld [tilespmem:$0x2140]  }
0x8b: {  	v0 =	vadd.f32 v6, v0;
	v53 =	vadd.f32 v13, v9;
	v49 =	vld [tilespmem:$0x2150]  }
0x8c: {  	v1 =	vadd.f32 v11, v1;
	v52 =	vld [tilespmem:$0x2160]  }
0x8d: {  	v0 =	vadd.f32 v10, v0;
	v6 =	vadd.f32 v19, v53;
	v53 =	vld [tilespmem:$0x2170]  }
0x8e: {  	v1 =	vadd.f32 v15, v1;
	v7 =	vld [tilespmem:$0x2180]  }
0x8f: {  	v2 =	vadd.f32 v8, v2;
	v0 =	vadd.f32 v14, v0;
	v8 =	vld [tilespmem:$0x2190]  }
0x90: {  	v1 =	vadd.f32 v23, v1;
	v9 =	vld [tilespmem:$0x21A0]  }
0x91: {  	v0 =	vadd.f32 v22, v0;
	v10 =	vld [tilespmem:$0x21B0]  }
0x92: {  	v1 =	vadd.f32 v27, v1;
	v11 =	vld [tilespmem:$0x21C0]  }
0x93: {  	v2 =	vadd.f32 v12, v2;
	v0 =	vadd.f32 v26, v0;
	v12 =	vld [tilespmem:$0x21D0]  }
0x94: {  	v1 =	vadd.f32 v31, v1;
	v13 =	vld [tilespmem:$0x21E0]  }
0x95: {  	v2 =	vadd.f32 v18, v2;
	v0 =	vadd.f32 v30, v0;
	v14 =	vld [tilespmem:$0x21F0]  }
0x96: {  	v6 =	vadd.f32 v25, v6;
	v1 =	vadd.f32 v39, v1;
	v15 =	vld [tilespmem:$0x2200]  }
0x97: {  	v2 =	vadd.f32 v24, v2;
	v0 =	vadd.f32 v38, v0;
	v18 =	vld [tilespmem:$0x2210]  }
0x98: {  	v6 =	vadd.f32 v29, v6;
	v1 =	vadd.f32 v43, v1;
	v19 =	vld [tilespmem:$0x2220]  }
0x99: {  	v2 =	vadd.f32 v28, v2;
	v0 =	vadd.f32 v42, v0;
	v22 =	vld [tilespmem:$0x2230]  }
0x9a: {  	v6 =	vadd.f32 v35, v6;
	v1 =	vadd.f32 v47, v1;
	v23 =	vld [tilespmem:$0x2240]  }
0x9b: {  	v2 =	vadd.f32 v34, v2;
	v0 =	vadd.f32 v46, v0;
	v24 =	vld [tilespmem:$0x2250]  }
0x9c: {  	v6 =	vadd.f32 v41, v6;
	v1 =	vadd.f32 v55, v1;
	v55 =	vld [tilespmem:$0x1F5C0]  }
0x9d: {  	v2 =	vadd.f32 v40, v2;
	v0 =	vadd.f32 v54, v0;
	v25 =	vld [tilespmem:$0x2260]  }
0x9e: {  	v6 =	vadd.f32 v45, v6;
	v26 =	vld [tilespmem:$0x2270]  }
0x9f: {  	v2 =	vadd.f32 v44, v2;
	v0 =	vadd.f32 v58, v0;
	v58 =	vld [tilespmem:$0x1F5D0]  }
0xa0: {  	v6 =	vadd.f32 v51, v6;
	v1 =	vadd.f32 v59, v1;
	v59 =	vld [tilespmem:$0x1F5E0]  }
0xa1: {  	v2 =	vadd.f32 v50, v2;
	v27 =	vld [tilespmem:$0x2280]  }
0xa2: {  	v6 =	vadd.f32 v60, v6;
	v60 =	vld [tilespmem:$0x1F5F0]  }
0xa3: {  	v2 =	vadd.f32 v61, v2;
	v61 =	vld [tilespmem:$0x1F600]  }
0xa4: {  	v28 =	vld [tilespmem:$0x2290]  }
0xa5: {  	v62 =	vld [tilespmem:$0x1F610]  }
0xa6: {  	v63 =	vld [tilespmem:$0x1F620]  }
0xa7: {  	v29 =	vld [tilespmem:$0x22A0]  }
0xa8: {  	v34 =	vld [tilespmem:$0x1F630]  }
0xa9: {  	v35 =	vld [tilespmem:$0x1F640]  }
0xaa: {  	v30 =	vld [tilespmem:$0x22B0]  }
0xab: {  	v38 =	vld [tilespmem:$0x1F650]  }
0xac: {  	v39 =	vld [tilespmem:$0x1F660]  }
0xad: {  	v31 =	vld [tilespmem:$0x22C0]  }
0xae: {  	v40 =	vld [tilespmem:$0x1F670]  }
0xaf: {  	v41 =	vld [tilespmem:$0x1F680]  }
0xb0: {  	v42 =	vld [tilespmem:$0x1F690]  }
0xb1: {  	v43 =	vld [tilespmem:$0x1F6A0]  }
0xb2: {  	v44 =	vld [tilespmem:$0x1F6B0]  }
0xb3: {  	v45 =	vld [tilespmem:$0x1F6C0]  }
0xb4: {  	v46 =	vld [tilespmem:$0x1F6D0]  }
0xb5: {  	v47 =	vld [tilespmem:$0x1F6E0]  }
0xb6: {  	v50 =	vld [tilespmem:$0x1F6F0]  }
0xb7: {  	v51 =	vld [tilespmem:$0x1F700]  }
0xb8: {  	v54 =	vld [tilespmem:$0x1F710]  }
0xb9: {  	v2 =	vadd.f32 v57, v2;
	v57 =	vld [tilespmem:$0x1F730]  }
0xba: {  	v6 =	vadd.f32 v55, v6;
	v55 =	vld [tilespmem:$0x1F720]  }
0xbb: {  	v0 =	vadd.f32 v59, v0;
	v59 =	vld [tilespmem:$0x1F750]  }
0xbc: {  	v2 =	vadd.f32 v60, v2;
	v60 =	vld [tilespmem:$0x1F760]  }
0xbd: {  	v1 =	vadd.f32 v61, v1;
	v61 =	vld [tilespmem:$0x1F770]  }
0xbe: {  	v2 =	vadd.f32 v34, v2;
	v34 =	vld [tilespmem:$0x22D0]  }
0xbf: {  	v1 =	vadd.f32 v35, v1;
	v35 =	vld [tilespmem:$0x22E0]  }
0xc0: {  	v6 =	vadd.f32 v58, v6;
	v0 =	vadd.f32 v63, v0;
	v58 =	vld [tilespmem:$0x1F740]  }
0xc1: {  	v63 =	vld [tilespmem:$0x1F790]  }
0xc2: {  	v0 =	vadd.f32 v39, v0;
	v39 =	vld [tilespmem:$0x2300]  }
0xc3: {  	v2 =	vadd.f32 v40, v2;
	v40 =	vld [tilespmem:$0x2310]  }
0xc4: {  	v6 =	vadd.f32 v62, v6;
	v1 =	vadd.f32 v41, v1;
	v41 =	vld [tilespmem:$0x2320]  }
0xc5: {  	v62 =	vld [tilespmem:$0x1F780]  }
0xc6: {  	v6 =	vadd.f32 v38, v6;
	v38 =	vld [tilespmem:$0x22F0]  }
0xc7: {  	v0 =	vadd.f32 v43, v0;
	v43 =	vld [tilespmem:$0x2340]  }
0xc8: {  	v2 =	vadd.f32 v44, v2;
	v44 =	vld [tilespmem:$0x2350]  }
0xc9: {  	v1 =	vadd.f32 v45, v1;
	v45 =	vld [tilespmem:$0x2360]  }
0xca: {  	v6 =	vadd.f32 v42, v6;
	v42 =	vld [tilespmem:$0x2330]  }
0xcb: {  	v2 =	vadd.f32 v50, v2;
	v50 =	vld [tilespmem:$0x1F7A0]  }
0xcc: {  	v0 =	vadd.f32 v47, v0;
	v1 =	vadd.f32 v51, v1;
	v51 =	vld [tilespmem:$0x1F7B0]  }
0xcd: {  	v47 =	vld [tilespmem:$0x2380]  }
0xce: {  	v0 =	vadd.f32 v55, v0;
	v55 =	vld [tilespmem:$0x1F7D0]  }
0xcf: {  	v6 =	vadd.f32 v46, v6;
	v2 =	vadd.f32 v57, v2;
	v57 =	vld [tilespmem:$0x1F7E0]  }
0xd0: {  	v1 =	vadd.f32 v58, v1;
	v58 =	vld [tilespmem:$0x1F7F0]  }
0xd1: {  	v6 =	vadd.f32 v54, v6;
	v54 =	vld [tilespmem:$0x1F7C0]  }
0xd2: {  	v0 =	vadd.f32 v60, v0;
	v60 =	vld [tilespmem:$0x1F810]  }
0xd3: {  	v2 =	vadd.f32 v61, v2;
	v61 =	vld [tilespmem:$0x1F820];
	v6 =	vadd.f32 v59, v6  }
0xd4: {  	v1 =	vadd.f32 v62, v1;
	v62 =	vld [tilespmem:$0x1F830];
	v0 =	vadd.f32 v50, v0  }
0xd5: {  	v2 =	vadd.f32 v51, v2;
	v59 =	vld [tilespmem:$0x1F800];
	v6 =	vadd.f32 v63, v6  }
0xd6: {  	v0 =	vadd.f32 v57, v0;
	v63 =	vld [tilespmem:$0x1F840]  }
0xd7: {  	v46 =	vld [tilespmem:$0x2370];
	v2 =	vadd.f32 v58, v2;
	v6 =	vadd.f32 v55, v6  }
0xd8: {  	v50 =	vld [tilespmem:$0x2390];
	v1 =	vadd.f32 v54, v1;
	v0 =	vadd.f32 v61, v0  }
0xd9: {  	v51 =	vld [tilespmem:$0x23A0];
	v2 =	vadd.f32 v62, v2;
	v6 =	vadd.f32 v60, v6  }
0xda: {  	v57 =	vld [tilespmem:$0x2480];
	v1 =	vadd.f32 v59, v1;
	v0 =	vadd.f32 v3, v0  }
0xdb: {  	v58 =	vld [tilespmem:$0x2490];
	v2 =	vadd.f32 v4, v2;
	v6 =	vadd.f32 v63, v6  }
0xdc: {  	v54 =	vld [tilespmem:$0x23B0];
	v1 =	vadd.f32 v56, v1;
	v0 =	vadd.f32 v17, v0  }
0xdd: {  	v55 =	vld [tilespmem:$0x2460];
	v2 =	vadd.f32 v20, v2;
	v5 =	vadd.f32 v5, v6  }
0xde: {  	v61 =	vld [tilespmem:$0x24C0];
	v1 =	vadd.f32 v16, v1;
	v0 =	vadd.f32 v33, v0  }
0xdf: {  	v62 =	vld [tilespmem:$0x24D0];
	v2 =	vadd.f32 v36, v2;
	v5 =	vadd.f32 v21, v5  }
0xe0: {  	v59 =	vld [tilespmem:$0x24A0];
	v1 =	vadd.f32 v32, v1;
	v0 =	vadd.f32 v49, v0  }
0xe1: {  	v3 =	vld [tilespmem:$0x23C0];
	v2 =	vadd.f32 v52, v2;
	v5 =	vadd.f32 v37, v5  }
0xe2: {  	v4 =	vld [tilespmem:$0x23D0];
	v1 =	vadd.f32 v48, v1;
	v0 =	vadd.f32 v8, v0  }
0xe3: {  	v60 =	vld [tilespmem:$0x24B0];
	v2 =	vadd.f32 v9, v2;
	v5 =	vadd.f32 v53, v5  }
0xe4: {  	v56 =	vld [tilespmem:$0x2470];
	v1 =	vadd.f32 v7, v1;
	v0 =	vadd.f32 v12, v0  }
0xe5: {  	v17 =	vld [tilespmem:$0x2400];
	v2 =	vadd.f32 v13, v2;
	v5 =	vadd.f32 v10, v5  }
0xe6: {  	v20 =	vld [tilespmem:$0x2410];
	v1 =	vadd.f32 v11, v1;
	v0 =	vadd.f32 v18, v0  }
0xe7: {  	v63 =	vld [tilespmem:$0x24E0];
	v2 =	vadd.f32 v19, v2;
	v5 =	vadd.f32 v14, v5  }
0xe8: {  	v16 =	vld [tilespmem:$0x23F0];
	v1 =	vadd.f32 v15, v1;
	v0 =	vadd.f32 v24, v0  }
0xe9: {  	v6 =	vld [tilespmem:$0x23E0];
	v2 =	vadd.f32 v25, v2;
	v5 =	vadd.f32 v22, v5  }
0xea: {  	v33 =	vld [tilespmem:$0x2500];
	v1 =	vadd.f32 v23, v1;
	v0 =	vadd.f32 v28, v0  }
0xeb: {  	v36 =	vld [tilespmem:$0x2530];
	v2 =	vadd.f32 v29, v2;
	v5 =	vadd.f32 v26, v5  }
0xec: {  	v32 =	vld [tilespmem:$0x24F0];
	v1 =	vadd.f32 v27, v1;
	v0 =	vadd.f32 v34, v0  }
0xed: {  	v49 =	vld [tilespmem:$0x2430];
	v2 =	vadd.f32 v35, v2;
	v5 =	vadd.f32 v30, v5  }
0xee: {  	v52 =	vld [tilespmem:$0x2440];
	v1 =	vadd.f32 v31, v1;
	v0 =	vadd.f32 v40, v0  }
0xef: {  	v48 =	vld [tilespmem:$0x2420];
	v2 =	vadd.f32 v41, v2;
	v5 =	vadd.f32 v38, v5  }
0xf0: {  	v37 =	vld [tilespmem:$0x2540];
	v1 =	vadd.f32 v39, v1;
	v0 =	vadd.f32 v44, v0  }
0xf1: {  	v53 =	vld [tilespmem:$0x2450];
	v2 =	vadd.f32 v45, v2;
	v5 =	vadd.f32 v42, v5  }
0xf2: {  	v34 =	vld [tilespmem:$0x2510];
	v1 =	vadd.f32 v43, v1;
	v0 =	vadd.f32 v50, v0  }
0xf3: {  	v35 =	vld [tilespmem:$0x2520];
	v2 =	vadd.f32 v51, v2;
	v5 =	vadd.f32 v46, v5  }
0xf4: {  	v40 =	vld [tilespmem:$0x2570];
	v1 =	vadd.f32 v47, v1;
	v0 =	vadd.f32 v4, v0  }
0xf5: {  	v41 =	vld [tilespmem:$0x2580];
	v2 =	vadd.f32 v6, v2;
	v5 =	vadd.f32 v54, v5  }
0xf6: {  	v39 =	vld [tilespmem:$0x2560];
	v1 =	vadd.f32 v3, v1;
	v0 =	vadd.f32 v20, v0  }
0xf7: {  	v38 =	vld [tilespmem:$0x2550];
	v2 =	vadd.f32 v48, v2;
	v5 =	vadd.f32 v16, v5  }
0xf8: {  	v44 =	vld [tilespmem:$0x25B0];
	v1 =	vadd.f32 v17, v1;
	v0 =	vadd.f32 v53, v0  }
0xf9: {  	v45 =	vld [tilespmem:$0x25C0];
	v2 =	vadd.f32 v55, v2;
	v5 =	vadd.f32 v49, v5  }
0xfa: {  	v43 =	vld [tilespmem:$0x25A0];
	v1 =	vadd.f32 v52, v1;
	v0 =	vadd.f32 v58, v0  }
0xfb: {  	v42 =	vld [tilespmem:$0x2590];
	v2 =	vadd.f32 v59, v2;
	v5 =	vadd.f32 v56, v5  }
0xfc: {  	v50 =	vld [tilespmem:$0x2610];
	v1 =	vadd.f32 v57, v1;
	v0 =	vadd.f32 v62, v0  }
0xfd: {  	v51 =	vld [tilespmem:$0x2620];
	v2 =	vadd.f32 v63, v2;
	v5 =	vadd.f32 v60, v5  }
0xfe: {  	v47 =	vld [tilespmem:$0x25E0];
	v1 =	vadd.f32 v61, v1;
	v0 =	vadd.f32 v34, v0  }
0xff: {  	v46 =	vld [tilespmem:$0x25D0];
	v2 =	vadd.f32 v35, v2;
	v5 =	vadd.f32 v32, v5  }
0x100: {  	v48 =	vld [tilespmem:$0x25F0];
	v1 =	vadd.f32 v33, v1;
	v0 =	vadd.f32 v38, v0  }
0x101: {  	v54 =	vld [tilespmem:$0x2650];
	v2 =	vadd.f32 v39, v2;
	v5 =	vadd.f32 v36, v5  }
0x102: {  	v55 =	vld [tilespmem:$0x2660];
	v1 =	vadd.f32 v37, v1;
	v0 =	vadd.f32 v42, v0  }
0x103: {  	v49 =	vld [tilespmem:$0x2600];
	v2 =	vadd.f32 v43, v2;
	v5 =	vadd.f32 v40, v5  }
0x104: {  	v52 =	vld [tilespmem:$0x2630];
	v1 =	vadd.f32 v41, v1;
	v0 =	vadd.f32 v46, v0  }
0x105: {  	v53 =	vld [tilespmem:$0x2640];
	v2 =	vadd.f32 v47, v2;
	v5 =	vadd.f32 v44, v5  }
0x106: {  	v56 =	vld [tilespmem:$0x2670];
	v1 =	vadd.f32 v45, v1;
	v0 =	vadd.f32 v50, v0  }
0x107: {  	v2 =	vadd.f32 v51, v2;
	v5 =	vadd.f32 v48, v5  }
0x108: {  	v1 =	vadd.f32 v49, v1;
	v0 =	vadd.f32 v54, v0  }
0x109: {  	v2 =	vadd.f32 v55, v2;
	v57 =	vadd.f32 v52, v5  }
0x10a: {  	v1 =	vadd.f32 v53, v1;
	[tilespmem:s16+$0xFFFFFF90] =	vst v0  }
0x10b: {  	[tilespmem:s16+$0xFFFFFFA0] =	vst v2;
	v58 =	vadd.f32 v56, v57  }
0x10c: {  	[tilespmem:s16+$0xFFFFFF80] =	vst v1  }
0x10d: {  	[tilespmem:s16+$0xFFFFFFB0] =	vst v58  }
0x10e: {  	v56 =	vld [tilespmem:$0x2A70];
	_ =	sdelay $0x4  }
0x10f: {  	[tilespmem:$0x1F860] =	vst v56;
	v56 =	vld [tilespmem:$0x2A90];
	_ =	sdelay $0x4  }
0x110: {  	[tilespmem:$0x1F870] =	vst v56;
	v56 =	vld [tilespmem:$0x2AA0];
	_ =	sdelay $0x1  }
0x111: {  	v3 =	vld [tilespmem:$0x2680]  }
0x112: {  	v4 =	vld [tilespmem:$0x2690]  }
0x113: {  	v5 =	vld [tilespmem:$0x26A0]  }
0x114: {  	[tilespmem:$0x1F880] =	vst v56;
	v56 =	vld [tilespmem:$0x2AB0]  }
0x115: {  	v16 =	vld [tilespmem:$0x26B0]  }
0x116: {  	v17 =	vld [tilespmem:$0x26C0]  }
0x117: {  	v20 =	vld [tilespmem:$0x26D0]  }
0x118: {  	v21 =	vld [tilespmem:$0x26E0]  }
0x119: {  	[tilespmem:$0x1F8A0] =	vst v56;
	v56 =	vld [tilespmem:$0x2AC0]  }
0x11a: {  	v32 =	vld [tilespmem:$0x26F0]  }
0x11b: {  	v33 =	vld [tilespmem:$0x2700]  }
0x11c: {  	v36 =	vld [tilespmem:$0x2710]  }
0x11d: {  	v37 =	vld [tilespmem:$0x2720]  }
0x11e: {  	[tilespmem:$0x1F890] =	vst v56;
	v56 =	vld [tilespmem:$0x2AD0]  }
0x11f: {  	v48 =	vld [tilespmem:$0x2730]  }
0x120: {  	v49 =	vld [tilespmem:$0x2740]  }
0x121: {  	v52 =	vld [tilespmem:$0x2750]  }
0x122: {  	v53 =	vld [tilespmem:$0x2760]  }
0x123: {  	[tilespmem:$0x1F8B0] =	vst v56;
	v56 =	vld [tilespmem:$0x2AE0]  }
0x124: {  	v62 =	vld [tilespmem:$0x2770]  }
0x125: {  	v63 =	vld [tilespmem:$0x2780]  }
0x126: {  	v0 =	vld [tilespmem:$0x2790]  }
0x127: {  	v2 =	vld [tilespmem:$0x27A0]  }
0x128: {  	[tilespmem:$0x1F8C0] =	vst v56;
	v56 =	vld [tilespmem:$0x2AF0]  }
0x129: {  	v9 =	vld [tilespmem:$0x27B0]  }
0x12a: {  	v1 =	vld [tilespmem:$0x27C0]  }
0x12b: {  	v6 =	vld [tilespmem:$0x27D0]  }
0x12c: {  	v8 =	vld [tilespmem:$0x27E0]  }
0x12d: {  	[tilespmem:$0x1F8E0] =	vst v56;
	v56 =	vld [tilespmem:$0x2B00]  }
0x12e: {  	v13 =	vld [tilespmem:$0x27F0]  }
0x12f: {  	v7 =	vld [tilespmem:$0x2800]  }
0x130: {  	v10 =	vld [tilespmem:$0x2810]  }
0x131: {  	v12 =	vld [tilespmem:$0x2820]  }
0x132: {  	[tilespmem:$0x1F8D0] =	vst v56;
	v56 =	vld [tilespmem:$0x2B10]  }
0x133: {  	v19 =	vld [tilespmem:$0x2830]  }
0x134: {  	v11 =	vld [tilespmem:$0x2840]  }
0x135: {  	v14 =	vld [tilespmem:$0x2850]  }
0x136: {  	v18 =	vld [tilespmem:$0x2860]  }
0x137: {  	[tilespmem:$0x1F8F0] =	vst v56;
	v56 =	vld [tilespmem:$0x2B20]  }
0x138: {  	v25 =	vld [tilespmem:$0x2870]  }
0x139: {  	v15 =	vld [tilespmem:$0x2880]  }
0x13a: {  	v22 =	vld [tilespmem:$0x2890]  }
0x13b: {  	v24 =	vld [tilespmem:$0x28A0]  }
0x13c: {  	[tilespmem:$0x1F900] =	vst v56;
	v56 =	vld [tilespmem:$0x2B30]  }
0x13d: {  	v29 =	vld [tilespmem:$0x28B0]  }
0x13e: {  	v23 =	vld [tilespmem:$0x28C0]  }
0x13f: {  	v26 =	vld [tilespmem:$0x28D0]  }
0x140: {  	v28 =	vld [tilespmem:$0x28E0]  }
0x141: {  	[tilespmem:$0x1F920] =	vst v56;
	v56 =	vld [tilespmem:$0x2B40]  }
0x142: {  	v35 =	vld [tilespmem:$0x28F0]  }
0x143: {  	v27 =	vld [tilespmem:$0x2900]  }
0x144: {  	v30 =	vld [tilespmem:$0x2910]  }
0x145: {  	v34 =	vld [tilespmem:$0x2920]  }
0x146: {  	[tilespmem:$0x1F910] =	vst v56;
	v56 =	vld [tilespmem:$0x2B50]  }
0x147: {  	v41 =	vld [tilespmem:$0x2930]  }
0x148: {  	v31 =	vld [tilespmem:$0x2940]  }
0x149: {  	v38 =	vld [tilespmem:$0x2950]  }
0x14a: {  	v40 =	vld [tilespmem:$0x2960]  }
0x14b: {  	[tilespmem:$0x1F930] =	vst v56;
	v56 =	vld [tilespmem:$0x2B60]  }
0x14c: {  	v45 =	vld [tilespmem:$0x2970]  }
0x14d: {  	v39 =	vld [tilespmem:$0x2980]  }
0x14e: {  	v42 =	vld [tilespmem:$0x2990]  }
0x14f: {  	v44 =	vld [tilespmem:$0x29A0]  }
0x150: {  	[tilespmem:$0x1F940] =	vst v56;
	v56 =	vld [tilespmem:$0x2B70]  }
0x151: {  	v51 =	vld [tilespmem:$0x29B0]  }
0x152: {  	v43 =	vld [tilespmem:$0x29C0]  }
0x153: {  	v46 =	vld [tilespmem:$0x29D0]  }
0x154: {  	v50 =	vld [tilespmem:$0x29E0]  }
0x155: {  	[tilespmem:$0x1F960] =	vst v56;
	v56 =	vld [tilespmem:$0x2B80]  }
0x156: {  	v60 =	vld [tilespmem:$0x29F0]  }
0x157: {  	v47 =	vld [tilespmem:$0x2A00]  }
0x158: {  	v54 =	vld [tilespmem:$0x2A10]  }
0x159: {  	v61 =	vld [tilespmem:$0x2A20]  }
0x15a: {  	[tilespmem:$0x1F950] =	vst v56;
	v56 =	vld [tilespmem:$0x2B90]  }
0x15b: {  	v59 =	vld [tilespmem:$0x2A30]  }
0x15c: {  	v55 =	vld [tilespmem:$0x2A40]  }
0x15d: {  	v58 =	vld [tilespmem:$0x2A50]  }
0x15e: {  	v57 =	vld [tilespmem:$0x2A60]  }
0x15f: {  	[tilespmem:$0x1F970] =	vst v56;
	v56 =	vld [tilespmem:$0x2BA0]  }
0x160: {  	[tilespmem:$0x1F850] =	vst v59;
	v59 =	vld [tilespmem:$0x2A80]  }
0x161: {  	v17 =	vadd.f32 v17, v3;
	v3 =	vld [tilespmem:$0x2D10]  }
0x162: {  	v20 =	vadd.f32 v20, v4;
	v4 =	vld [tilespmem:$0x2D20]  }
0x163: {  	v21 =	vadd.f32 v21, v5;
	v5 =	vld [tilespmem:$0x2D30]  }
0x164: {  	v17 =	vadd.f32 v33, v17;
	[tilespmem:$0x1F980] =	vst v56;
	v56 =	vld [tilespmem:$0x2BB0]  }
0x165: {  	v32 =	vadd.f32 v32, v16;
	v16 =	vld [tilespmem:$0x2D40];
	v20 =	vadd.f32 v36, v20  }
0x166: {  	v21 =	vadd.f32 v37, v21;
	v33 =	vadd.f32 v49, v17;
	v17 =	vld [tilespmem:$0x2D50]  }
0x167: {  	v36 =	vadd.f32 v52, v20;
	v20 =	vld [tilespmem:$0x2D60]  }
0x168: {  	v32 =	vadd.f32 v48, v32;
	v37 =	vadd.f32 v53, v21;
	v21 =	vld [tilespmem:$0x2D70]  }
0x169: {  	[tilespmem:$0x1F9A0] =	vst v56;
	v56 =	vld [tilespmem:$0x2BC0]  }
0x16a: {  	v48 =	vadd.f32 v62, v32;
	v32 =	vld [tilespmem:$0x2D80]  }
0x16b: {  	v49 =	vld [tilespmem:$0x2DD0]  }
0x16c: {  	v52 =	vld [tilespmem:$0x2DE0]  }
0x16d: {  	v0 =	vadd.f32 v0, v36;
	v36 =	vld [tilespmem:$0x2DA0]  }
0x16e: {  	[tilespmem:$0x1F990] =	vst v56;
	v56 =	vld [tilespmem:$0x2BD0]  }
0x16f: {  	v33 =	vadd.f32 v63, v33;
	v2 =	vadd.f32 v2, v37;
	v37 =	vld [tilespmem:$0x2DB0]  }
0x170: {  	v9 =	vadd.f32 v9, v48;
	v48 =	vld [tilespmem:$0x2DC0]  }
0x171: {  	v1 =	vadd.f32 v1, v33;
	v33 =	vld [tilespmem:$0x2D90]  }
0x172: {  	v2 =	vadd.f32 v8, v2;
	v8 =	vld [tilespmem:$0x2E10]  }
0x173: {  	[tilespmem:$0x1F9B0] =	vst v56;
	v56 =	vld [tilespmem:$0x2BE0]  }
0x174: {  	v53 =	vadd.f32 v13, v9;
	v9 =	vld [tilespmem:$0x2E20]  }
0x175: {  	v13 =	vld [tilespmem:$0x2E60]  }
0x176: {  	v0 =	vadd.f32 v6, v0;
	v6 =	vadd.f32 v19, v53;
	v53 =	vld [tilespmem:$0x2DF0]  }
0x177: {  	v1 =	vadd.f32 v7, v1;
	v7 =	vld [tilespmem:$0x2E00]  }
0x178: {  	[tilespmem:$0x1F9C0] =	vst v56;
	v56 =	vld [tilespmem:$0x2BF0]  }
0x179: {  	v0 =	vadd.f32 v10, v0;
	v10 =	vld [tilespmem:$0x2E30]  }
0x17a: {  	v2 =	vadd.f32 v12, v2;
	v12 =	vld [tilespmem:$0x2E50]  }
0x17b: {  	v19 =	vld [tilespmem:$0x2EA0]  }
0x17c: {  	v1 =	vadd.f32 v11, v1;
	v11 =	vld [tilespmem:$0x2E40]  }
0x17d: {  	[tilespmem:$0x1F9E0] =	vst v56;
	v56 =	vld [tilespmem:$0x2C00]  }
0x17e: {  	v0 =	vadd.f32 v14, v0;
	v14 =	vld [tilespmem:$0x2E70]  }
0x17f: {  	v2 =	vadd.f32 v18, v2;
	v18 =	vld [tilespmem:$0x2E90]  }
0x180: {  	v6 =	vadd.f32 v25, v6;
	v25 =	vld [tilespmem:$0x2EE0]  }
0x181: {  	v1 =	vadd.f32 v15, v1;
	v15 =	vld [tilespmem:$0x2E80]  }
0x182: {  	[tilespmem:$0x1F9D0] =	vst v56;
	v56 =	vld [tilespmem:$0x2C10]  }
0x183: {  	v0 =	vadd.f32 v22, v0;
	v22 =	vld [tilespmem:$0x2EB0]  }
0x184: {  	v2 =	vadd.f32 v24, v2;
	v24 =	vld [tilespmem:$0x2ED0]  }
0x185: {  	v6 =	vadd.f32 v29, v6;
	v29 =	vld [tilespmem:$0x2F20]  }
0x186: {  	v1 =	vadd.f32 v23, v1;
	v2 =	vadd.f32 v28, v2;
	v23 =	vld [tilespmem:$0x2EC0]  }
0x187: {  	v0 =	vadd.f32 v26, v0;
	v6 =	vadd.f32 v35, v6;
	[tilespmem:$0x1F9F0] =	vst v56;
	v56 =	vld [tilespmem:$0x2C20]  }
0x188: {  	v26 =	vld [tilespmem:$0x2EF0];
	v1 =	vadd.f32 v27, v1;
	v2 =	vadd.f32 v34, v2  }
0x189: {  	v28 =	vld [tilespmem:$0x2F10];
	v0 =	vadd.f32 v30, v0;
	v6 =	vadd.f32 v41, v6  }
0x18a: {  	v62 =	vld [tilespmem:$0x1F8A0];
	v1 =	vadd.f32 v31, v1;
	v2 =	vadd.f32 v40, v2  }
0x18b: {  	v27 =	vld [tilespmem:$0x2F00];
	v0 =	vadd.f32 v38, v0;
	v6 =	vadd.f32 v45, v6  }
0x18c: {  	v1 =	vadd.f32 v39, v1;
	v2 =	vadd.f32 v44, v2;
	[tilespmem:$0x1FA00] =	vst v56;
	v56 =	vld [tilespmem:$0x2C30]  }
0x18d: {  	v30 =	vld [tilespmem:$0x2F30];
	v0 =	vadd.f32 v42, v0;
	v6 =	vadd.f32 v51, v6  }
0x18e: {  	v31 =	vld [tilespmem:$0x2F40];
	v1 =	vadd.f32 v43, v1;
	v2 =	vadd.f32 v50, v2  }
0x18f: {  	v0 =	vadd.f32 v46, v0;
	v6 =	vadd.f32 v60, v6;
	v60 =	vld [tilespmem:$0x1F880]  }
0x190: {  	v1 =	vadd.f32 v47, v1;
	v2 =	vadd.f32 v61, v2;
	v61 =	vld [tilespmem:$0x1F890]  }
0x191: {  	[tilespmem:$0x1FA20] =	vst v56;
	v56 =	vld [tilespmem:$0x2C40]  }
0x192: {  	v0 =	vadd.f32 v54, v0;
	v1 =	vadd.f32 v55, v1;
	v55 =	vld [tilespmem:$0x1F850]  }
0x193: {  	v63 =	vld [tilespmem:$0x1F8B0]  }
0x194: {  	v0 =	vadd.f32 v58, v0;
	v58 =	vld [tilespmem:$0x1F860]  }
0x195: {  	v34 =	vld [tilespmem:$0x1F8C0]  }
0x196: {  	v2 =	vadd.f32 v57, v2;
	[tilespmem:$0x1FA10] =	vst v56;
	v56 =	vld [tilespmem:$0x2C50]  }
0x197: {  	v1 =	vadd.f32 v59, v1;
	v59 =	vld [tilespmem:$0x1F870];
	v6 =	vadd.f32 v55, v6  }
0x198: {  	v2 =	vadd.f32 v60, v2;
	v38 =	vld [tilespmem:$0x1F8E0]  }
0x199: {  	v6 =	vadd.f32 v58, v6;
	v35 =	vld [tilespmem:$0x1F8D0]  }
0x19a: {  	v2 =	vadd.f32 v34, v2;
	v34 =	vld [tilespmem:$0x2F50]  }
0x19b: {  	v6 =	vadd.f32 v62, v6;
	[tilespmem:$0x1FA30] =	vst v56;
	v56 =	vld [tilespmem:$0x2C60]  }
0x19c: {  	v1 =	vadd.f32 v61, v1;
	v39 =	vld [tilespmem:$0x1F8F0]  }
0x19d: {  	v0 =	vadd.f32 v59, v0;
	v6 =	vadd.f32 v38, v6;
	v38 =	vld [tilespmem:$0x2F70]  }
0x19e: {  	v1 =	vadd.f32 v35, v1;
	v35 =	vld [tilespmem:$0x2F60]  }
0x19f: {  	v0 =	vadd.f32 v63, v0;
	v40 =	vld [tilespmem:$0x1F900]  }
0x1a0: {  	[tilespmem:$0x1FA40] =	vst v56;
	v56 =	vld [tilespmem:$0x2C70]  }
0x1a1: {  	v0 =	vadd.f32 v39, v0;
	v39 =	vld [tilespmem:$0x2F80]  }
0x1a2: {  	v42 =	vld [tilespmem:$0x1F920]  }
0x1a3: {  	v41 =	vld [tilespmem:$0x1F910]  }
0x1a4: {  	v2 =	vadd.f32 v40, v2;
	v40 =	vld [tilespmem:$0x2F90]  }
0x1a5: {  	[tilespmem:$0x1FA60] =	vst v56;
	v56 =	vld [tilespmem:$0x2C80]  }
0x1a6: {  	v43 =	vld [tilespmem:$0x1F930]  }
0x1a7: {  	v6 =	vadd.f32 v42, v6;
	v42 =	vld [tilespmem:$0x2FB0]  }
0x1a8: {  	v1 =	vadd.f32 v41, v1;
	v41 =	vld [tilespmem:$0x2FA0]  }
0x1a9: {  	v44 =	vld [tilespmem:$0x1F940]  }
0x1aa: {  	[tilespmem:$0x1FA50] =	vst v56;
	v56 =	vld [tilespmem:$0x2C90]  }
0x1ab: {  	v0 =	vadd.f32 v43, v0;
	v43 =	vld [tilespmem:$0x2FC0]  }
0x1ac: {  	v46 =	vld [tilespmem:$0x1F960]  }
0x1ad: {  	v45 =	vld [tilespmem:$0x1F950]  }
0x1ae: {  	v2 =	vadd.f32 v44, v2;
	v44 =	vld [tilespmem:$0x2FD0]  }
0x1af: {  	[tilespmem:$0x1FA70] =	vst v56;
	v56 =	vld [tilespmem:$0x2CA0]  }
0x1b0: {  	v47 =	vld [tilespmem:$0x1F970]  }
0x1b1: {  	v6 =	vadd.f32 v46, v6;
	v46 =	vld [tilespmem:$0x2FF0]  }
0x1b2: {  	v1 =	vadd.f32 v45, v1;
	v45 =	vld [tilespmem:$0x2FE0]  }
0x1b3: {  	v50 =	vld [tilespmem:$0x1F980]  }
0x1b4: {  	[tilespmem:$0x1FA80] =	vst v56;
	v56 =	vld [tilespmem:$0x2CB0]  }
0x1b5: {  	v0 =	vadd.f32 v47, v0;
	v47 =	vld [tilespmem:$0x3000]  }
0x1b6: {  	v54 =	vld [tilespmem:$0x1F9A0]  }
0x1b7: {  	v51 =	vld [tilespmem:$0x1F990]  }
0x1b8: {  	v55 =	vld [tilespmem:$0x1F9B0]  }
0x1b9: {  	[tilespmem:$0x1FAA0] =	vst v56;
	v56 =	vld [tilespmem:$0x2CC0]  }
0x1ba: {  	v57 =	vld [tilespmem:$0x1F9C0]  }
0x1bb: {  	v59 =	vld [tilespmem:$0x1F9E0]  }
0x1bc: {  	v58 =	vld [tilespmem:$0x1F9D0]  }
0x1bd: {  	v60 =	vld [tilespmem:$0x1F9F0]  }
0x1be: {  	[tilespmem:$0x1FA90] =	vst v56;
	v56 =	vld [tilespmem:$0x2CD0]  }
0x1bf: {  	v61 =	vld [tilespmem:$0x1FA00]  }
0x1c0: {  	v63 =	vld [tilespmem:$0x1FA20]  }
0x1c1: {  	v62 =	vld [tilespmem:$0x1FA10]  }
0x1c2: {  	v2 =	vadd.f32 v50, v2;
	v50 =	vld [tilespmem:$0x1FA30]  }
0x1c3: {  	[tilespmem:$0x1FAB0] =	vst v56;
	v56 =	vld [tilespmem:$0x2CE0]  }
0x1c4: {  	v1 =	vadd.f32 v51, v1;
	v51 =	vld [tilespmem:$0x1FA40]  }
0x1c5: {  	v0 =	vadd.f32 v55, v0;
	v55 =	vld [tilespmem:$0x1FA60]  }
0x1c6: {  	v6 =	vadd.f32 v54, v6;
	v54 =	vld [tilespmem:$0x1FA50]  }
0x1c7: {  	v2 =	vadd.f32 v57, v2;
	v57 =	vld [tilespmem:$0x1FA70]  }
0x1c8: {  	[tilespmem:$0x1FAC0] =	vst v56;
	v56 =	vld [tilespmem:$0x2CF0]  }
0x1c9: {  	v1 =	vadd.f32 v58, v1;
	v58 =	vld [tilespmem:$0x1FA80]  }
0x1ca: {  	v0 =	vadd.f32 v60, v0;
	v60 =	vld [tilespmem:$0x1FAA0]  }
0x1cb: {  	v6 =	vadd.f32 v59, v6;
	v2 =	vadd.f32 v61, v2;
	v61 =	vld [tilespmem:$0x1FAB0]  }
0x1cc: {  	v1 =	vadd.f32 v62, v1;
	v0 =	vadd.f32 v50, v0;
	v62 =	vld [tilespmem:$0x1FAC0]  }
0x1cd: {  	v6 =	vadd.f32 v63, v6;
	v2 =	vadd.f32 v51, v2;
	v59 =	vld [tilespmem:$0x1FA90];
	[tilespmem:$0x1FAD0] =	vst v56  }
0x1ce: {  	v0 =	vadd.f32 v57, v0;
	v63 =	vld [tilespmem:$0x1FAD0]  }
0x1cf: {  	v6 =	vadd.f32 v55, v6;
	v2 =	vadd.f32 v58, v2;
	v56 =	vld [tilespmem:$0x2D00]  }
0x1d0: {  	v50 =	vld [tilespmem:$0x3010];
	v1 =	vadd.f32 v54, v1;
	v0 =	vadd.f32 v61, v0  }
0x1d1: {  	v51 =	vld [tilespmem:$0x3020];
	v6 =	vadd.f32 v60, v6;
	v2 =	vadd.f32 v62, v2  }
0x1d2: {  	v55 =	vld [tilespmem:$0x30E0];
	v1 =	vadd.f32 v59, v1;
	v0 =	vadd.f32 v3, v0  }
0x1d3: {  	v54 =	vld [tilespmem:$0x3030];
	v2 =	vadd.f32 v4, v2;
	v6 =	vadd.f32 v63, v6  }
0x1d4: {  	v57 =	vld [tilespmem:$0x3100];
	v0 =	vadd.f32 v17, v0;
	v1 =	vadd.f32 v56, v1  }
0x1d5: {  	v58 =	vld [tilespmem:$0x3110];
	v2 =	vadd.f32 v20, v2;
	v5 =	vadd.f32 v5, v6  }
0x1d6: {  	v60 =	vld [tilespmem:$0x3130];
	v0 =	vadd.f32 v33, v0;
	v1 =	vadd.f32 v16, v1  }
0x1d7: {  	v59 =	vld [tilespmem:$0x3120];
	v2 =	vadd.f32 v36, v2;
	v5 =	vadd.f32 v21, v5  }
0x1d8: {  	v61 =	vld [tilespmem:$0x3140];
	v0 =	vadd.f32 v49, v0;
	v1 =	vadd.f32 v32, v1  }
0x1d9: {  	v3 =	vld [tilespmem:$0x3040];
	v2 =	vadd.f32 v52, v2;
	v5 =	vadd.f32 v37, v5  }
0x1da: {  	v17 =	vld [tilespmem:$0x3080];
	v0 =	vadd.f32 v8, v0;
	v1 =	vadd.f32 v48, v1  }
0x1db: {  	v62 =	vld [tilespmem:$0x3150];
	v2 =	vadd.f32 v9, v2;
	v5 =	vadd.f32 v53, v5  }
0x1dc: {  	v33 =	vld [tilespmem:$0x3180];
	v0 =	vadd.f32 v12, v0;
	v1 =	vadd.f32 v7, v1  }
0x1dd: {  	v4 =	vld [tilespmem:$0x3050];
	v2 =	vadd.f32 v13, v2;
	v5 =	vadd.f32 v10, v5  }
0x1de: {  	v49 =	vld [tilespmem:$0x30B0];
	v0 =	vadd.f32 v18, v0;
	v1 =	vadd.f32 v11, v1  }
0x1df: {  	v20 =	vld [tilespmem:$0x3090];
	v2 =	vadd.f32 v19, v2;
	v5 =	vadd.f32 v14, v5  }
0x1e0: {  	v56 =	vld [tilespmem:$0x30F0];
	v0 =	vadd.f32 v24, v0;
	v1 =	vadd.f32 v15, v1  }
0x1e1: {  	v63 =	vld [tilespmem:$0x3160];
	v2 =	vadd.f32 v25, v2;
	v5 =	vadd.f32 v22, v5  }
0x1e2: {  	v16 =	vld [tilespmem:$0x3070];
	v0 =	vadd.f32 v28, v0;
	v1 =	vadd.f32 v23, v1  }
0x1e3: {  	v36 =	vld [tilespmem:$0x31B0];
	v2 =	vadd.f32 v29, v2;
	v5 =	vadd.f32 v26, v5  }
0x1e4: {  	v6 =	vld [tilespmem:$0x3060];
	v0 =	vadd.f32 v34, v0;
	v1 =	vadd.f32 v27, v1  }
0x1e5: {  	v52 =	vld [tilespmem:$0x30C0];
	v2 =	vadd.f32 v35, v2;
	v5 =	vadd.f32 v30, v5  }
0x1e6: {  	v32 =	vld [tilespmem:$0x3170];
	v0 =	vadd.f32 v40, v0;
	v1 =	vadd.f32 v31, v1  }
0x1e7: {  	v48 =	vld [tilespmem:$0x30A0];
	v2 =	vadd.f32 v41, v2;
	v5 =	vadd.f32 v38, v5  }
0x1e8: {  	v37 =	vld [tilespmem:$0x31C0];
	v0 =	vadd.f32 v44, v0;
	v1 =	vadd.f32 v39, v1  }
0x1e9: {  	v53 =	vld [tilespmem:$0x30D0];
	v2 =	vadd.f32 v45, v2;
	v5 =	vadd.f32 v42, v5  }
0x1ea: {  	v34 =	vld [tilespmem:$0x3190];
	v0 =	vadd.f32 v50, v0;
	v1 =	vadd.f32 v43, v1  }
0x1eb: {  	v40 =	vld [tilespmem:$0x31F0];
	v2 =	vadd.f32 v51, v2;
	v5 =	vadd.f32 v46, v5  }
0x1ec: {  	v44 =	vld [tilespmem:$0x3230];
	v0 =	vadd.f32 v4, v0;
	v1 =	vadd.f32 v47, v1  }
0x1ed: {  	v35 =	vld [tilespmem:$0x31A0];
	v2 =	vadd.f32 v6, v2;
	v5 =	vadd.f32 v54, v5  }
0x1ee: {  	v50 =	vld [tilespmem:$0x3290];
	v0 =	vadd.f32 v20, v0;
	v1 =	vadd.f32 v3, v1  }
0x1ef: {  	v41 =	vld [tilespmem:$0x3200];
	v2 =	vadd.f32 v48, v2;
	v5 =	vadd.f32 v16, v5  }
0x1f0: {  	v39 =	vld [tilespmem:$0x31E0];
	v0 =	vadd.f32 v53, v0;
	v1 =	vadd.f32 v17, v1  }
0x1f1: {  	v45 =	vld [tilespmem:$0x3240];
	v2 =	vadd.f32 v55, v2;
	v5 =	vadd.f32 v49, v5  }
0x1f2: {  	v38 =	vld [tilespmem:$0x31D0];
	v0 =	vadd.f32 v58, v0;
	v1 =	vadd.f32 v52, v1  }
0x1f3: {  	v43 =	vld [tilespmem:$0x3220];
	v2 =	vadd.f32 v59, v2;
	v5 =	vadd.f32 v56, v5  }
0x1f4: {  	v51 =	vld [tilespmem:$0x32A0];
	v0 =	vadd.f32 v62, v0;
	v1 =	vadd.f32 v57, v1  }
0x1f5: {  	v42 =	vld [tilespmem:$0x3210];
	v2 =	vadd.f32 v63, v2;
	v5 =	vadd.f32 v60, v5  }
0x1f6: {  	v47 =	vld [tilespmem:$0x3260];
	v0 =	vadd.f32 v34, v0;
	v1 =	vadd.f32 v61, v1  }
0x1f7: {  	v46 =	vld [tilespmem:$0x3250];
	v2 =	vadd.f32 v35, v2;
	v5 =	vadd.f32 v32, v5  }
0x1f8: {  	v48 =	vld [tilespmem:$0x3270];
	v0 =	vadd.f32 v38, v0;
	v1 =	vadd.f32 v33, v1  }
0x1f9: {  	v54 =	vld [tilespmem:$0x32D0];
	v2 =	vadd.f32 v39, v2;
	v5 =	vadd.f32 v36, v5  }
0x1fa: {  	v55 =	vld [tilespmem:$0x32E0];
	v0 =	vadd.f32 v42, v0;
	v1 =	vadd.f32 v37, v1  }
0x1fb: {  	v49 =	vld [tilespmem:$0x3280];
	v2 =	vadd.f32 v43, v2;
	v5 =	vadd.f32 v40, v5  }
0x1fc: {  	v52 =	vld [tilespmem:$0x32B0];
	v0 =	vadd.f32 v46, v0;
	v1 =	vadd.f32 v41, v1  }
0x1fd: {  	v53 =	vld [tilespmem:$0x32C0];
	v2 =	vadd.f32 v47, v2;
	v5 =	vadd.f32 v44, v5  }
0x1fe: {  	v56 =	vld [tilespmem:$0x32F0];
	v0 =	vadd.f32 v50, v0;
	v1 =	vadd.f32 v45, v1  }
0x1ff: {  	v2 =	vadd.f32 v51, v2;
	v5 =	vadd.f32 v48, v5  }
0x200: {  	v0 =	vadd.f32 v54, v0;
	v1 =	vadd.f32 v49, v1  }
0x201: {  	v2 =	vadd.f32 v55, v2;
	v57 =	vadd.f32 v52, v5  }
0x202: {  	[tilespmem:s16+$0xFFFFFFD0] =	vst v0;
	v1 =	vadd.f32 v53, v1  }
0x203: {  	p0 =	seq.s32 s15, $0xFFFFFCC0;
	[tilespmem:s16+$0xFFFFFFE0] =	vst v2;
	v58 =	vadd.f32 v56, v57  }
0x204: {  	s17 =	sshra.s32 @!p0 s15, $0x2;
	[tilespmem:s16+$0xFFFFFFC0] =	vst v1  }
0x205: {  	s18 =	simm.s32 @!p0 $0x64;
	s19 =	simm.s32 @!p0 $0x1A00;
	s17 =	sadd.s32 @!p0 $0x1AD0, s17;
	[tilespmem:s16+$0xFFFFFFF0] =	vst v58  }
0x206: {  	[tilespmem:s19], [sflag:$0x1] =	stream.indirect.gather @!p0 [hbm4b:s3+s18], $0x40, s17, s18, $0xb8;
	[tilespmem:$0x6C00] =	vst v63  }
0x207: {  	_ =	swait.ge [sflag:s12], $0x1900  }
0x208: {  	[sflag:s12] =	ssyncset.done $0x0  }
0x209: {  	[sflag:s12] =	ssyncadd.s32 $0xFFFFE700  }
0x20a: {  	v3 =	vld [tilespmem:$0x3300]  }
0x20b: {  	v4 =	vld [tilespmem:$0x3310]  }
0x20c: {  	v5 =	vld [tilespmem:$0x3320]  }
0x20d: {  	v16 =	vld [tilespmem:$0x3330]  }
0x20e: {  	v17 =	vld [tilespmem:$0x3340]  }
0x20f: {  	v20 =	vld [tilespmem:$0x3350]  }
0x210: {  	v21 =	vld [tilespmem:$0x3360]  }
0x211: {  	v32 =	vld [tilespmem:$0x3370]  }
0x212: {  	v33 =	vld [tilespmem:$0x3380]  }
0x213: {  	v36 =	vld [tilespmem:$0x3390]  }
0x214: {  	v37 =	vld [tilespmem:$0x33A0]  }
0x215: {  	v48 =	vld [tilespmem:$0x33B0]  }
0x216: {  	v49 =	vld [tilespmem:$0x33C0]  }
0x217: {  	v52 =	vld [tilespmem:$0x33D0]  }
0x218: {  	v53 =	vld [tilespmem:$0x33E0]  }
0x219: {  	v62 =	vld [tilespmem:$0x33F0]  }
0x21a: {  	v63 =	vld [tilespmem:$0x3400]  }
0x21b: {  	v0 =	vld [tilespmem:$0x3410]  }
0x21c: {  	v2 =	vld [tilespmem:$0x3420]  }
0x21d: {  	v9 =	vld [tilespmem:$0x3430]  }
0x21e: {  	v1 =	vld [tilespmem:$0x3440]  }
0x21f: {  	v6 =	vld [tilespmem:$0x3450]  }
0x220: {  	v8 =	vld [tilespmem:$0x3460]  }
0x221: {  	v13 =	vld [tilespmem:$0x3470]  }
0x222: {  	v7 =	vld [tilespmem:$0x3480]  }
0x223: {  	v10 =	vld [tilespmem:$0x3490]  }
0x224: {  	v12 =	vld [tilespmem:$0x34A0]  }
0x225: {  	v19 =	vld [tilespmem:$0x34B0]  }
0x226: {  	v11 =	vld [tilespmem:$0x34C0]  }
0x227: {  	v14 =	vld [tilespmem:$0x34D0]  }
0x228: {  	v18 =	vld [tilespmem:$0x34E0]  }
0x229: {  	v25 =	vld [tilespmem:$0x34F0]  }
0x22a: {  	v15 =	vld [tilespmem:$0x3500]  }
0x22b: {  	v22 =	vld [tilespmem:$0x3510]  }
0x22c: {  	v24 =	vld [tilespmem:$0x3520]  }
0x22d: {  	v29 =	vld [tilespmem:$0x3530]  }
0x22e: {  	v23 =	vld [tilespmem:$0x3540]  }
0x22f: {  	v26 =	vld [tilespmem:$0x3550]  }
0x230: {  	v28 =	vld [tilespmem:$0x3560]  }
0x231: {  	v35 =	vld [tilespmem:$0x3570]  }
0x232: {  	v27 =	vld [tilespmem:$0x3580]  }
0x233: {  	v30 =	vld [tilespmem:$0x3590]  }
0x234: {  	v34 =	vld [tilespmem:$0x35A0]  }
0x235: {  	v41 =	vld [tilespmem:$0x35B0]  }
0x236: {  	v31 =	vld [tilespmem:$0x35C0]  }
0x237: {  	v38 =	vld [tilespmem:$0x35D0]  }
0x238: {  	v40 =	vld [tilespmem:$0x35E0]  }
0x239: {  	v56 =	vld [tilespmem:$0x36F0]  }
0x23a: {  	v45 =	vld [tilespmem:$0x35F0]  }
0x23b: {  	v39 =	vld [tilespmem:$0x3600]  }
0x23c: {  	v42 =	vld [tilespmem:$0x3610]  }
0x23d: {  	v44 =	vld [tilespmem:$0x3620]  }
0x23e: {  	[tilespmem:$0x1FAF0] =	vst v56;
	v56 =	vld [tilespmem:$0x3710]  }
0x23f: {  	v51 =	vld [tilespmem:$0x3630]  }
0x240: {  	v43 =	vld [tilespmem:$0x3640]  }
0x241: {  	v46 =	vld [tilespmem:$0x3650]  }
0x242: {  	v50 =	vld [tilespmem:$0x3660]  }
0x243: {  	[tilespmem:$0x1FB00] =	vst v56;
	v56 =	vld [tilespmem:$0x3720]  }
0x244: {  	v60 =	vld [tilespmem:$0x3670]  }
0x245: {  	v47 =	vld [tilespmem:$0x3680]  }
0x246: {  	v54 =	vld [tilespmem:$0x3690]  }
0x247: {  	v59 =	vld [tilespmem:$0x36B0]  }
0x248: {  	[tilespmem:$0x1FB10] =	vst v56;
	v56 =	vld [tilespmem:$0x3730]  }
0x249: {  	v61 =	vld [tilespmem:$0x36A0]  }
0x24a: {  	v55 =	vld [tilespmem:$0x36C0]  }
0x24b: {  	v58 =	vld [tilespmem:$0x36D0]  }
0x24c: {  	v57 =	vld [tilespmem:$0x36E0];
	[tilespmem:$0x1FAE0] =	vst v59  }
0x24d: {  	v59 =	vld [tilespmem:$0x3700];
	[tilespmem:$0x1FB30] =	vst v56  }
0x24e: {  	v56 =	vld [tilespmem:$0x3740];
	_ =	sdelay $0x4  }
0x24f: {  	[tilespmem:$0x1FB20] =	vst v56;
	v56 =	vld [tilespmem:$0x3750];
	_ =	sdelay $0x4  }
0x250: {  	[tilespmem:$0x1FB40] =	vst v56;
	v56 =	vld [tilespmem:$0x3760];
	_ =	sdelay $0x4  }
0x251: {  	[tilespmem:$0x1FB50] =	vst v56;
	v56 =	vld [tilespmem:$0x3770];
	_ =	sdelay $0x4  }
0x252: {  	[tilespmem:$0x1FB70] =	vst v56;
	v56 =	vld [tilespmem:$0x3780];
	_ =	sdelay $0x4  }
0x253: {  	[tilespmem:$0x1FB60] =	vst v56;
	v56 =	vld [tilespmem:$0x3790];
	_ =	sdelay $0x4  }
0x254: {  	[tilespmem:$0x1FB80] =	vst v56;
	v56 =	vld [tilespmem:$0x37A0];
	_ =	sdelay $0x4  }
0x255: {  	[tilespmem:$0x1FB90] =	vst v56;
	v56 =	vld [tilespmem:$0x37B0];
	_ =	sdelay $0x4  }
0x256: {  	[tilespmem:$0x1FBB0] =	vst v56;
	v56 =	vld [tilespmem:$0x37C0];
	_ =	sdelay $0x4  }
0x257: {  	[tilespmem:$0x1FBA0] =	vst v56;
	v56 =	vld [tilespmem:$0x37D0];
	_ =	sdelay $0x4  }
0x258: {  	[tilespmem:$0x1FBC0] =	vst v56;
	v56 =	vld [tilespmem:$0x37E0];
	_ =	sdelay $0x4  }
0x259: {  	[tilespmem:$0x1FBD0] =	vst v56;
	v56 =	vld [tilespmem:$0x37F0];
	_ =	sdelay $0x4  }
0x25a: {  	[tilespmem:$0x1FBF0] =	vst v56;
	v56 =	vld [tilespmem:$0x3800];
	_ =	sdelay $0x4  }
0x25b: {  	[tilespmem:$0x1FBE0] =	vst v56;
	v56 =	vld [tilespmem:$0x3810];
	_ =	sdelay $0x4  }
0x25c: {  	[tilespmem:$0x1FC00] =	vst v56;
	v56 =	vld [tilespmem:$0x3820];
	_ =	sdelay $0x1  }
0x25d: {  	v17 =	vadd.f32 v17, v3;
	v3 =	vld [tilespmem:$0x3990]  }
0x25e: {  	v20 =	vadd.f32 v20, v4;
	v4 =	vld [tilespmem:$0x39A0]  }
0x25f: {  	v21 =	vadd.f32 v21, v5;
	v5 =	vld [tilespmem:$0x39B0]  }
0x260: {  	v17 =	vadd.f32 v33, v17;
	[tilespmem:$0x1FC10] =	vst v56;
	v56 =	vld [tilespmem:$0x3830]  }
0x261: {  	v32 =	vadd.f32 v32, v16;
	v20 =	vadd.f32 v36, v20;
	v16 =	vld [tilespmem:$0x39C0]  }
0x262: {  	v21 =	vadd.f32 v37, v21;
	v33 =	vadd.f32 v49, v17;
	v17 =	vld [tilespmem:$0x39D0]  }
0x263: {  	v36 =	vadd.f32 v52, v20;
	v20 =	vld [tilespmem:$0x39E0]  }
0x264: {  	v32 =	vadd.f32 v48, v32;
	v37 =	vadd.f32 v53, v21;
	v21 =	vld [tilespmem:$0x39F0]  }
0x265: {  	v33 =	vadd.f32 v63, v33;
	[tilespmem:$0x1FC30] =	vst v56;
	v56 =	vld [tilespmem:$0x3840]  }
0x266: {  	v48 =	vadd.f32 v62, v32;
	v32 =	vld [tilespmem:$0x3A00]  }
0x267: {  	v1 =	vadd.f32 v1, v33;
	v33 =	vld [tilespmem:$0x3A10]  }
0x268: {  	v0 =	vadd.f32 v0, v36;
	v36 =	vld [tilespmem:$0x3A20]  }
0x269: {  	v2 =	vadd.f32 v2, v37;
	v37 =	vld [tilespmem:$0x3A30]  }
0x26a: {  	v9 =	vadd.f32 v9, v48;
	[tilespmem:$0x1FC20] =	vst v56;
	v56 =	vld [tilespmem:$0x3850]  }
0x26b: {  	v48 =	vld [tilespmem:$0x3A40]  }
0x26c: {  	v53 =	vadd.f32 v13, v9;
	v49 =	vld [tilespmem:$0x3A50]  }
0x26d: {  	v52 =	vld [tilespmem:$0x3A60]  }
0x26e: {  	v0 =	vadd.f32 v6, v0;
	v6 =	vadd.f32 v19, v53;
	v53 =	vld [tilespmem:$0x3A70]  }
0x26f: {  	[tilespmem:$0x1FC40] =	vst v56;
	v56 =	vld [tilespmem:$0x3860]  }
0x270: {  	v1 =	vadd.f32 v7, v1;
	v7 =	vld [tilespmem:$0x3A80]  }
0x271: {  	v2 =	vadd.f32 v8, v2;
	v8 =	vld [tilespmem:$0x3A90]  }
0x272: {  	v9 =	vld [tilespmem:$0x3AA0]  }
0x273: {  	v0 =	vadd.f32 v10, v0;
	v10 =	vld [tilespmem:$0x3AB0]  }
0x274: {  	[tilespmem:$0x1FC50] =	vst v56;
	v56 =	vld [tilespmem:$0x3870]  }
0x275: {  	v1 =	vadd.f32 v11, v1;
	v11 =	vld [tilespmem:$0x3AC0]  }
0x276: {  	v2 =	vadd.f32 v12, v2;
	v12 =	vld [tilespmem:$0x3AD0]  }
0x277: {  	v13 =	vld [tilespmem:$0x3AE0]  }
0x278: {  	v0 =	vadd.f32 v14, v0;
	v14 =	vld [tilespmem:$0x3AF0]  }
0x279: {  	[tilespmem:$0x1FC70] =	vst v56;
	v56 =	vld [tilespmem:$0x3880]  }
0x27a: {  	v1 =	vadd.f32 v15, v1;
	v15 =	vld [tilespmem:$0x3B00]  }
0x27b: {  	v2 =	vadd.f32 v18, v2;
	v18 =	vld [tilespmem:$0x3B10]  }
0x27c: {  	v19 =	vld [tilespmem:$0x3B20]  }
0x27d: {  	v0 =	vadd.f32 v22, v0;
	v22 =	vld [tilespmem:$0x3B30]  }
0x27e: {  	[tilespmem:$0x1FC60] =	vst v56;
	v56 =	vld [tilespmem:$0x3890]  }
0x27f: {  	v6 =	vadd.f32 v25, v6;
	v1 =	vadd.f32 v23, v1;
	v23 =	vld [tilespmem:$0x3B40]  }
0x280: {  	v2 =	vadd.f32 v24, v2;
	v24 =	vld [tilespmem:$0x3B50]  }
0x281: {  	v6 =	vadd.f32 v29, v6;
	v25 =	vld [tilespmem:$0x3B60]  }
0x282: {  	v0 =	vadd.f32 v26, v0;
	v2 =	vadd.f32 v28, v2;
	v26 =	vld [tilespmem:$0x3B70]  }
0x283: {  	v6 =	vadd.f32 v35, v6;
	[tilespmem:$0x1FC80] =	vst v56;
	v56 =	vld [tilespmem:$0x38A0]  }
0x284: {  	v28 =	vld [tilespmem:$0x3B90];
	v1 =	vadd.f32 v27, v1;
	v2 =	vadd.f32 v34, v2  }
0x285: {  	v62 =	vld [tilespmem:$0x1FB30];
	v0 =	vadd.f32 v30, v0;
	v6 =	vadd.f32 v41, v6  }
0x286: {  	v29 =	vld [tilespmem:$0x3BA0];
	v1 =	vadd.f32 v31, v1;
	v2 =	vadd.f32 v40, v2  }
0x287: {  	v27 =	vld [tilespmem:$0x3B80];
	v0 =	vadd.f32 v38, v0;
	v6 =	vadd.f32 v45, v6  }
0x288: {  	v1 =	vadd.f32 v39, v1;
	v2 =	vadd.f32 v44, v2;
	[tilespmem:$0x1FC90] =	vst v56;
	v56 =	vld [tilespmem:$0x38B0]  }
0x289: {  	v30 =	vld [tilespmem:$0x3BB0];
	v0 =	vadd.f32 v42, v0;
	v6 =	vadd.f32 v51, v6  }
0x28a: {  	v31 =	vld [tilespmem:$0x3BC0];
	v1 =	vadd.f32 v43, v1;
	v2 =	vadd.f32 v50, v2  }
0x28b: {  	v0 =	vadd.f32 v46, v0;
	v6 =	vadd.f32 v60, v6;
	v60 =	vld [tilespmem:$0x1FB10]  }
0x28c: {  	v1 =	vadd.f32 v47, v1;
	v2 =	vadd.f32 v61, v2;
	v61 =	vld [tilespmem:$0x1FB20]  }
0x28d: {  	[tilespmem:$0x1FCB0] =	vst v56;
	v56 =	vld [tilespmem:$0x38C0]  }
0x28e: {  	v0 =	vadd.f32 v54, v0;
	v1 =	vadd.f32 v55, v1;
	v55 =	vld [tilespmem:$0x1FAE0]  }
0x28f: {  	v63 =	vld [tilespmem:$0x1FB40]  }
0x290: {  	v0 =	vadd.f32 v58, v0;
	v58 =	vld [tilespmem:$0x1FAF0]  }
0x291: {  	v34 =	vld [tilespmem:$0x1FB50]  }
0x292: {  	v2 =	vadd.f32 v57, v2;
	[tilespmem:$0x1FCA0] =	vst v56;
	v56 =	vld [tilespmem:$0x38D0]  }
0x293: {  	v1 =	vadd.f32 v59, v1;
	v59 =	vld [tilespmem:$0x1FB00];
	v6 =	vadd.f32 v55, v6  }
0x294: {  	v2 =	vadd.f32 v60, v2;
	v38 =	vld [tilespmem:$0x1FB70]  }
0x295: {  	v6 =	vadd.f32 v58, v6;
	v35 =	vld [tilespmem:$0x1FB60]  }
0x296: {  	v2 =	vadd.f32 v34, v2;
	v34 =	vld [tilespmem:$0x3BD0]  }
0x297: {  	v6 =	vadd.f32 v62, v6;
	[tilespmem:$0x1FCC0] =	vst v56;
	v56 =	vld [tilespmem:$0x38E0]  }
0x298: {  	v1 =	vadd.f32 v61, v1;
	v39 =	vld [tilespmem:$0x1FB80]  }
0x299: {  	v0 =	vadd.f32 v59, v0;
	v6 =	vadd.f32 v38, v6;
	v38 =	vld [tilespmem:$0x3BF0]  }
0x29a: {  	v1 =	vadd.f32 v35, v1;
	v35 =	vld [tilespmem:$0x3BE0]  }
0x29b: {  	v0 =	vadd.f32 v63, v0;
	v40 =	vld [tilespmem:$0x1FB90]  }
0x29c: {  	[tilespmem:$0x1FCD0] =	vst v56;
	v56 =	vld [tilespmem:$0x38F0]  }
0x29d: {  	v0 =	vadd.f32 v39, v0;
	v39 =	vld [tilespmem:$0x3C00]  }
0x29e: {  	v42 =	vld [tilespmem:$0x1FBB0]  }
0x29f: {  	v41 =	vld [tilespmem:$0x1FBA0]  }
0x2a0: {  	v2 =	vadd.f32 v40, v2;
	v40 =	vld [tilespmem:$0x3C10]  }
0x2a1: {  	[tilespmem:$0x1FCF0] =	vst v56;
	v56 =	vld [tilespmem:$0x3900]  }
0x2a2: {  	v43 =	vld [tilespmem:$0x1FBC0]  }
0x2a3: {  	v6 =	vadd.f32 v42, v6;
	v42 =	vld [tilespmem:$0x3C30]  }
0x2a4: {  	v1 =	vadd.f32 v41, v1;
	v41 =	vld [tilespmem:$0x3C20]  }
0x2a5: {  	v44 =	vld [tilespmem:$0x1FBD0]  }
0x2a6: {  	[tilespmem:$0x1FCE0] =	vst v56;
	v56 =	vld [tilespmem:$0x3910]  }
0x2a7: {  	v0 =	vadd.f32 v43, v0;
	v43 =	vld [tilespmem:$0x3C40]  }
0x2a8: {  	v46 =	vld [tilespmem:$0x1FBF0]  }
0x2a9: {  	v45 =	vld [tilespmem:$0x1FBE0]  }
0x2aa: {  	v2 =	vadd.f32 v44, v2;
	v44 =	vld [tilespmem:$0x3C50]  }
0x2ab: {  	[tilespmem:$0x1FD00] =	vst v56;
	v56 =	vld [tilespmem:$0x3920]  }
0x2ac: {  	v47 =	vld [tilespmem:$0x1FC00]  }
0x2ad: {  	v6 =	vadd.f32 v46, v6;
	v46 =	vld [tilespmem:$0x3C70]  }
0x2ae: {  	v1 =	vadd.f32 v45, v1;
	v45 =	vld [tilespmem:$0x3C60]  }
0x2af: {  	v50 =	vld [tilespmem:$0x1FC10]  }
0x2b0: {  	[tilespmem:$0x1FD10] =	vst v56;
	v56 =	vld [tilespmem:$0x3930]  }
0x2b1: {  	v0 =	vadd.f32 v47, v0;
	v47 =	vld [tilespmem:$0x3C80]  }
0x2b2: {  	v54 =	vld [tilespmem:$0x1FC30]  }
0x2b3: {  	v51 =	vld [tilespmem:$0x1FC20]  }
0x2b4: {  	v55 =	vld [tilespmem:$0x1FC40]  }
0x2b5: {  	[tilespmem:$0x1FD30] =	vst v56;
	v56 =	vld [tilespmem:$0x3940]  }
0x2b6: {  	v57 =	vld [tilespmem:$0x1FC50]  }
0x2b7: {  	v59 =	vld [tilespmem:$0x1FC70]  }
0x2b8: {  	v58 =	vld [tilespmem:$0x1FC60]  }
0x2b9: {  	v60 =	vld [tilespmem:$0x1FC80]  }
0x2ba: {  	[tilespmem:$0x1FD20] =	vst v56;
	v56 =	vld [tilespmem:$0x3950]  }
0x2bb: {  	v61 =	vld [tilespmem:$0x1FC90]  }
0x2bc: {  	v63 =	vld [tilespmem:$0x1FCB0]  }
0x2bd: {  	v62 =	vld [tilespmem:$0x1FCA0]  }
0x2be: {  	v2 =	vadd.f32 v50, v2;
	v50 =	vld [tilespmem:$0x1FCC0]  }
0x2bf: {  	[tilespmem:$0x1FD40] =	vst v56;
	v56 =	vld [tilespmem:$0x3960]  }
0x2c0: {  	v1 =	vadd.f32 v51, v1;
	v51 =	vld [tilespmem:$0x1FCD0]  }
0x2c1: {  	v0 =	vadd.f32 v55, v0;
	v55 =	vld [tilespmem:$0x1FCF0]  }
0x2c2: {  	v6 =	vadd.f32 v54, v6;
	v54 =	vld [tilespmem:$0x1FCE0]  }
0x2c3: {  	v2 =	vadd.f32 v57, v2;
	v57 =	vld [tilespmem:$0x1FD00]  }
0x2c4: {  	[tilespmem:$0x1FD50] =	vst v56;
	v56 =	vld [tilespmem:$0x3970]  }
0x2c5: {  	v1 =	vadd.f32 v58, v1;
	v58 =	vld [tilespmem:$0x1FD10]  }
0x2c6: {  	v0 =	vadd.f32 v60, v0;
	v60 =	vld [tilespmem:$0x1FD30]  }
0x2c7: {  	v6 =	vadd.f32 v59, v6;
	v2 =	vadd.f32 v61, v2;
	v61 =	vld [tilespmem:$0x1FD40]  }
0x2c8: {  	v1 =	vadd.f32 v62, v1;
	v0 =	vadd.f32 v50, v0;
	v62 =	vld [tilespmem:$0x1FD50]  }
0x2c9: {  	v6 =	vadd.f32 v63, v6;
	v2 =	vadd.f32 v51, v2;
	v59 =	vld [tilespmem:$0x1FD20];
	[tilespmem:$0x1FD60] =	vst v56  }
0x2ca: {  	v0 =	vadd.f32 v57, v0;
	v63 =	vld [tilespmem:$0x1FD60]  }
0x2cb: {  	v6 =	vadd.f32 v55, v6;
	v2 =	vadd.f32 v58, v2;
	v56 =	vld [tilespmem:$0x3980]  }
0x2cc: {  	v50 =	vld [tilespmem:$0x3C90];
	v1 =	vadd.f32 v54, v1;
	v0 =	vadd.f32 v61, v0  }
0x2cd: {  	v51 =	vld [tilespmem:$0x3CA0];
	v6 =	vadd.f32 v60, v6;
	v2 =	vadd.f32 v62, v2  }
0x2ce: {  	v55 =	vld [tilespmem:$0x3D60];
	v1 =	vadd.f32 v59, v1;
	v0 =	vadd.f32 v3, v0  }
0x2cf: {  	v54 =	vld [tilespmem:$0x3CB0];
	v2 =	vadd.f32 v4, v2;
	v6 =	vadd.f32 v63, v6  }
0x2d0: {  	v57 =	vld [tilespmem:$0x3D80];
	v0 =	vadd.f32 v17, v0;
	v1 =	vadd.f32 v56, v1  }
0x2d1: {  	v58 =	vld [tilespmem:$0x3D90];
	v2 =	vadd.f32 v20, v2;
	v5 =	vadd.f32 v5, v6  }
0x2d2: {  	v60 =	vld [tilespmem:$0x3DB0];
	v0 =	vadd.f32 v33, v0;
	v1 =	vadd.f32 v16, v1  }
0x2d3: {  	v59 =	vld [tilespmem:$0x3DA0];
	v2 =	vadd.f32 v36, v2;
	v5 =	vadd.f32 v21, v5  }
0x2d4: {  	v61 =	vld [tilespmem:$0x3DC0];
	v0 =	vadd.f32 v49, v0;
	v1 =	vadd.f32 v32, v1  }
0x2d5: {  	v3 =	vld [tilespmem:$0x3CC0];
	v2 =	vadd.f32 v52, v2;
	v5 =	vadd.f32 v37, v5  }
0x2d6: {  	v17 =	vld [tilespmem:$0x3D00];
	v0 =	vadd.f32 v8, v0;
	v1 =	vadd.f32 v48, v1  }
0x2d7: {  	v62 =	vld [tilespmem:$0x3DD0];
	v2 =	vadd.f32 v9, v2;
	v5 =	vadd.f32 v53, v5  }
0x2d8: {  	v33 =	vld [tilespmem:$0x3E00];
	v0 =	vadd.f32 v12, v0;
	v1 =	vadd.f32 v7, v1  }
0x2d9: {  	v4 =	vld [tilespmem:$0x3CD0];
	v2 =	vadd.f32 v13, v2;
	v5 =	vadd.f32 v10, v5  }
0x2da: {  	v49 =	vld [tilespmem:$0x3D30];
	v0 =	vadd.f32 v18, v0;
	v1 =	vadd.f32 v11, v1  }
0x2db: {  	v20 =	vld [tilespmem:$0x3D10];
	v2 =	vadd.f32 v19, v2;
	v5 =	vadd.f32 v14, v5  }
0x2dc: {  	v56 =	vld [tilespmem:$0x3D70];
	v0 =	vadd.f32 v24, v0;
	v1 =	vadd.f32 v15, v1  }
0x2dd: {  	v63 =	vld [tilespmem:$0x3DE0];
	v2 =	vadd.f32 v25, v2;
	v5 =	vadd.f32 v22, v5  }
0x2de: {  	v16 =	vld [tilespmem:$0x3CF0];
	v0 =	vadd.f32 v28, v0;
	v1 =	vadd.f32 v23, v1  }
0x2df: {  	v36 =	vld [tilespmem:$0x3E30];
	v2 =	vadd.f32 v29, v2;
	v5 =	vadd.f32 v26, v5  }
0x2e0: {  	v6 =	vld [tilespmem:$0x3CE0];
	v0 =	vadd.f32 v34, v0;
	v1 =	vadd.f32 v27, v1  }
0x2e1: {  	v52 =	vld [tilespmem:$0x3D40];
	v2 =	vadd.f32 v35, v2;
	v5 =	vadd.f32 v30, v5  }
0x2e2: {  	v32 =	vld [tilespmem:$0x3DF0];
	v0 =	vadd.f32 v40, v0;
	v1 =	vadd.f32 v31, v1  }
0x2e3: {  	v48 =	vld [tilespmem:$0x3D20];
	v2 =	vadd.f32 v41, v2;
	v5 =	vadd.f32 v38, v5  }
0x2e4: {  	v37 =	vld [tilespmem:$0x3E40];
	v0 =	vadd.f32 v44, v0;
	v1 =	vadd.f32 v39, v1  }
0x2e5: {  	v53 =	vld [tilespmem:$0x3D50];
	v2 =	vadd.f32 v45, v2;
	v5 =	vadd.f32 v42, v5  }
0x2e6: {  	v34 =	vld [tilespmem:$0x3E10];
	v0 =	vadd.f32 v50, v0;
	v1 =	vadd.f32 v43, v1  }
0x2e7: {  	v40 =	vld [tilespmem:$0x3E70];
	v2 =	vadd.f32 v51, v2;
	v5 =	vadd.f32 v46, v5  }
0x2e8: {  	v44 =	vld [tilespmem:$0x3EB0];
	v0 =	vadd.f32 v4, v0;
	v1 =	vadd.f32 v47, v1  }
0x2e9: {  	v35 =	vld [tilespmem:$0x3E20];
	v2 =	vadd.f32 v6, v2;
	v5 =	vadd.f32 v54, v5  }
0x2ea: {  	v50 =	vld [tilespmem:$0x3F10];
	v0 =	vadd.f32 v20, v0;
	v1 =	vadd.f32 v3, v1  }
0x2eb: {  	v41 =	vld [tilespmem:$0x3E80];
	v2 =	vadd.f32 v48, v2;
	v5 =	vadd.f32 v16, v5  }
0x2ec: {  	v39 =	vld [tilespmem:$0x3E60];
	v0 =	vadd.f32 v53, v0;
	v1 =	vadd.f32 v17, v1  }
0x2ed: {  	v45 =	vld [tilespmem:$0x3EC0];
	v2 =	vadd.f32 v55, v2;
	v5 =	vadd.f32 v49, v5  }
0x2ee: {  	v38 =	vld [tilespmem:$0x3E50];
	v0 =	vadd.f32 v58, v0;
	v1 =	vadd.f32 v52, v1  }
0x2ef: {  	v43 =	vld [tilespmem:$0x3EA0];
	v2 =	vadd.f32 v59, v2;
	v5 =	vadd.f32 v56, v5  }
0x2f0: {  	v51 =	vld [tilespmem:$0x3F20];
	v0 =	vadd.f32 v62, v0;
	v1 =	vadd.f32 v57, v1  }
0x2f1: {  	v42 =	vld [tilespmem:$0x3E90];
	v2 =	vadd.f32 v63, v2;
	v5 =	vadd.f32 v60, v5  }
0x2f2: {  	v47 =	vld [tilespmem:$0x3EE0];
	v0 =	vadd.f32 v34, v0;
	v1 =	vadd.f32 v61, v1  }
0x2f3: {  	v46 =	vld [tilespmem:$0x3ED0];
	v2 =	vadd.f32 v35, v2;
	v5 =	vadd.f32 v32, v5  }
0x2f4: {  	v48 =	vld [tilespmem:$0x3EF0];
	v0 =	vadd.f32 v38, v0;
	v1 =	vadd.f32 v33, v1  }
0x2f5: {  	v54 =	vld [tilespmem:$0x3F50];
	v2 =	vadd.f32 v39, v2;
	v5 =	vadd.f32 v36, v5  }
0x2f6: {  	v55 =	vld [tilespmem:$0x3F60];
	v0 =	vadd.f32 v42, v0;
	v1 =	vadd.f32 v37, v1  }
0x2f7: {  	v49 =	vld [tilespmem:$0x3F00];
	v2 =	vadd.f32 v43, v2;
	v5 =	vadd.f32 v40, v5  }
0x2f8: {  	v52 =	vld [tilespmem:$0x3F30];
	v0 =	vadd.f32 v46, v0;
	v1 =	vadd.f32 v41, v1  }
0x2f9: {  	v53 =	vld [tilespmem:$0x3F40];
	v2 =	vadd.f32 v47, v2;
	v5 =	vadd.f32 v44, v5  }
0x2fa: {  	v56 =	vld [tilespmem:$0x3F70];
	v0 =	vadd.f32 v50, v0;
	v1 =	vadd.f32 v45, v1  }
0x2fb: {  	v2 =	vadd.f32 v51, v2;
	v5 =	vadd.f32 v48, v5  }
0x2fc: {  	v0 =	vadd.f32 v54, v0;
	v1 =	vadd.f32 v49, v1  }
0x2fd: {  	v2 =	vadd.f32 v55, v2;
	v57 =	vadd.f32 v52, v5  }
0x2fe: {  	[tilespmem:s16+$0x10] =	vst v0;
	v1 =	vadd.f32 v53, v1  }
0x2ff: {  	[tilespmem:s16+$0x20] =	vst v2;
	v58 =	vadd.f32 v56, v57  }
0x300: {  	[tilespmem:s16+$0x0] =	vst v1  }
0x301: {  	[tilespmem:s16+$0x30] =	vst v58  }
0x302: {  	v56 =	vld [tilespmem:$0x4370];
	_ =	sdelay $0x4  }
0x303: {  	[tilespmem:$0x1FD80] =	vst v56;
	v56 =	vld [tilespmem:$0x4390];
	_ =	sdelay $0x4  }
0x304: {  	[tilespmem:$0x1FD90] =	vst v56;
	v56 =	vld [tilespmem:$0x43A0];
	_ =	sdelay $0x1  }
0x305: {  	v3 =	vld [tilespmem:$0x3F80]  }
0x306: {  	v4 =	vld [tilespmem:$0x3F90]  }
0x307: {  	v5 =	vld [tilespmem:$0x3FA0]  }
0x308: {  	[tilespmem:$0x1FDA0] =	vst v56;
	v56 =	vld [tilespmem:$0x43B0]  }
0x309: {  	v16 =	vld [tilespmem:$0x3FB0]  }
0x30a: {  	v17 =	vld [tilespmem:$0x3FC0]  }
0x30b: {  	v20 =	vld [tilespmem:$0x3FD0]  }
0x30c: {  	v21 =	vld [tilespmem:$0x3FE0]  }
0x30d: {  	[tilespmem:$0x1FDC0] =	vst v56;
	v56 =	vld [tilespmem:$0x43C0]  }
0x30e: {  	v32 =	vld [tilespmem:$0x3FF0]  }
0x30f: {  	v33 =	vld [tilespmem:$0x4000]  }
0x310: {  	v36 =	vld [tilespmem:$0x4010]  }
0x311: {  	v37 =	vld [tilespmem:$0x4020]  }
0x312: {  	[tilespmem:$0x1FDB0] =	vst v56;
	v56 =	vld [tilespmem:$0x43D0]  }
0x313: {  	v48 =	vld [tilespmem:$0x4030]  }
0x314: {  	v49 =	vld [tilespmem:$0x4040]  }
0x315: {  	v52 =	vld [tilespmem:$0x4050]  }
0x316: {  	v53 =	vld [tilespmem:$0x4060]  }
0x317: {  	[tilespmem:$0x1FDD0] =	vst v56;
	v56 =	vld [tilespmem:$0x43E0]  }
0x318: {  	v62 =	vld [tilespmem:$0x4070]  }
0x319: {  	v63 =	vld [tilespmem:$0x4080]  }
0x31a: {  	v0 =	vld [tilespmem:$0x4090]  }
0x31b: {  	v2 =	vld [tilespmem:$0x40A0]  }
0x31c: {  	[tilespmem:$0x1FDE0] =	vst v56;
	v56 =	vld [tilespmem:$0x43F0]  }
0x31d: {  	v9 =	vld [tilespmem:$0x40B0]  }
0x31e: {  	v1 =	vld [tilespmem:$0x40C0]  }
0x31f: {  	v6 =	vld [tilespmem:$0x40D0]  }
0x320: {  	v8 =	vld [tilespmem:$0x40E0]  }
0x321: {  	[tilespmem:$0x1FE00] =	vst v56;
	v56 =	vld [tilespmem:$0x4400]  }
0x322: {  	v13 =	vld [tilespmem:$0x40F0]  }
0x323: {  	v7 =	vld [tilespmem:$0x4100]  }
0x324: {  	v10 =	vld [tilespmem:$0x4110]  }
0x325: {  	v12 =	vld [tilespmem:$0x4120]  }
0x326: {  	[tilespmem:$0x1FDF0] =	vst v56;
	v56 =	vld [tilespmem:$0x4410]  }
0x327: {  	v19 =	vld [tilespmem:$0x4130]  }
0x328: {  	v11 =	vld [tilespmem:$0x4140]  }
0x329: {  	v14 =	vld [tilespmem:$0x4150]  }
0x32a: {  	v18 =	vld [tilespmem:$0x4160]  }
0x32b: {  	[tilespmem:$0x1FE10] =	vst v56;
	v56 =	vld [tilespmem:$0x4420]  }
0x32c: {  	v25 =	vld [tilespmem:$0x4170]  }
0x32d: {  	v15 =	vld [tilespmem:$0x4180]  }
0x32e: {  	v22 =	vld [tilespmem:$0x4190]  }
0x32f: {  	v24 =	vld [tilespmem:$0x41A0]  }
0x330: {  	[tilespmem:$0x1FE20] =	vst v56;
	v56 =	vld [tilespmem:$0x4430]  }
0x331: {  	v29 =	vld [tilespmem:$0x41B0]  }
0x332: {  	v23 =	vld [tilespmem:$0x41C0]  }
0x333: {  	v26 =	vld [tilespmem:$0x41D0]  }
0x334: {  	v28 =	vld [tilespmem:$0x41E0]  }
0x335: {  	[tilespmem:$0x1FE40] =	vst v56;
	v56 =	vld [tilespmem:$0x4440]  }
0x336: {  	v35 =	vld [tilespmem:$0x41F0]  }
0x337: {  	v27 =	vld [tilespmem:$0x4200]  }
0x338: {  	v30 =	vld [tilespmem:$0x4210]  }
0x339: {  	v34 =	vld [tilespmem:$0x4220]  }
0x33a: {  	[tilespmem:$0x1FE30] =	vst v56;
	v56 =	vld [tilespmem:$0x4450]  }
0x33b: {  	v41 =	vld [tilespmem:$0x4230]  }
0x33c: {  	v31 =	vld [tilespmem:$0x4240]  }
0x33d: {  	v38 =	vld [tilespmem:$0x4250]  }
0x33e: {  	v40 =	vld [tilespmem:$0x4260]  }
0x33f: {  	[tilespmem:$0x1FE50] =	vst v56;
	v56 =	vld [tilespmem:$0x4460]  }
0x340: {  	v45 =	vld [tilespmem:$0x4270]  }
0x341: {  	v39 =	vld [tilespmem:$0x4280]  }
0x342: {  	v42 =	vld [tilespmem:$0x4290]  }
0x343: {  	v44 =	vld [tilespmem:$0x42A0]  }
0x344: {  	[tilespmem:$0x1FE60] =	vst v56;
	v56 =	vld [tilespmem:$0x4470]  }
0x345: {  	v51 =	vld [tilespmem:$0x42B0]  }
0x346: {  	v43 =	vld [tilespmem:$0x42C0]  }
0x347: {  	v46 =	vld [tilespmem:$0x42D0]  }
0x348: {  	v50 =	vld [tilespmem:$0x42E0]  }
0x349: {  	[tilespmem:$0x1FE80] =	vst v56;
	v56 =	vld [tilespmem:$0x4480]  }
0x34a: {  	v60 =	vld [tilespmem:$0x42F0]  }
0x34b: {  	v47 =	vld [tilespmem:$0x4300]  }
0x34c: {  	v54 =	vld [tilespmem:$0x4310]  }
0x34d: {  	v61 =	vld [tilespmem:$0x4320]  }
0x34e: {  	[tilespmem:$0x1FE70] =	vst v56;
	v56 =	vld [tilespmem:$0x4490]  }
0x34f: {  	v59 =	vld [tilespmem:$0x4330]  }
0x350: {  	v55 =	vld [tilespmem:$0x4340]  }
0x351: {  	v58 =	vld [tilespmem:$0x4350]  }
0x352: {  	v57 =	vld [tilespmem:$0x4360]  }
0x353: {  	[tilespmem:$0x1FE90] =	vst v56;
	v56 =	vld [tilespmem:$0x44A0]  }
0x354: {  	[tilespmem:$0x1FD70] =	vst v59;
	v59 =	vld [tilespmem:$0x4380]  }
0x355: {  	v17 =	vadd.f32 v17, v3;
	v3 =	vld [tilespmem:$0x4610]  }
0x356: {  	v20 =	vadd.f32 v20, v4;
	v4 =	vld [tilespmem:$0x4620]  }
0x357: {  	v21 =	vadd.f32 v21, v5;
	v5 =	vld [tilespmem:$0x4630]  }
0x358: {  	v17 =	vadd.f32 v33, v17;
	[tilespmem:$0x1FEA0] =	vst v56;
	v56 =	vld [tilespmem:$0x44B0]  }
0x359: {  	v32 =	vadd.f32 v32, v16;
	v16 =	vld [tilespmem:$0x4640];
	v20 =	vadd.f32 v36, v20  }
0x35a: {  	v21 =	vadd.f32 v37, v21;
	v33 =	vadd.f32 v49, v17;
	v17 =	vld [tilespmem:$0x4650]  }
0x35b: {  	v36 =	vadd.f32 v52, v20;
	v20 =	vld [tilespmem:$0x4660]  }
0x35c: {  	v32 =	vadd.f32 v48, v32;
	v37 =	vadd.f32 v53, v21;
	v21 =	vld [tilespmem:$0x4670]  }
0x35d: {  	[tilespmem:$0x1FEC0] =	vst v56;
	v56 =	vld [tilespmem:$0x44C0]  }
0x35e: {  	v48 =	vadd.f32 v62, v32;
	v32 =	vld [tilespmem:$0x4680]  }
0x35f: {  	v49 =	vld [tilespmem:$0x46D0]  }
0x360: {  	v52 =	vld [tilespmem:$0x46E0]  }
0x361: {  	v0 =	vadd.f32 v0, v36;
	v36 =	vld [tilespmem:$0x46A0]  }
0x362: {  	[tilespmem:$0x1FEB0] =	vst v56;
	v56 =	vld [tilespmem:$0x44D0]  }
0x363: {  	v33 =	vadd.f32 v63, v33;
	v2 =	vadd.f32 v2, v37;
	v37 =	vld [tilespmem:$0x46B0]  }
0x364: {  	v9 =	vadd.f32 v9, v48;
	v48 =	vld [tilespmem:$0x46C0]  }
0x365: {  	v1 =	vadd.f32 v1, v33;
	v33 =	vld [tilespmem:$0x4690]  }
0x366: {  	v2 =	vadd.f32 v8, v2;
	v8 =	vld [tilespmem:$0x4710]  }
0x367: {  	[tilespmem:$0x1FED0] =	vst v56;
	v56 =	vld [tilespmem:$0x44E0]  }
0x368: {  	v53 =	vadd.f32 v13, v9;
	v9 =	vld [tilespmem:$0x4720]  }
0x369: {  	v13 =	vld [tilespmem:$0x4760]  }
0x36a: {  	v0 =	vadd.f32 v6, v0;
	v6 =	vadd.f32 v19, v53;
	v53 =	vld [tilespmem:$0x46F0]  }
0x36b: {  	v1 =	vadd.f32 v7, v1;
	v7 =	vld [tilespmem:$0x4700]  }
0x36c: {  	[tilespmem:$0x1FEE0] =	vst v56;
	v56 =	vld [tilespmem:$0x44F0]  }
0x36d: {  	v0 =	vadd.f32 v10, v0;
	v10 =	vld [tilespmem:$0x4730]  }
0x36e: {  	v2 =	vadd.f32 v12, v2;
	v12 =	vld [tilespmem:$0x4750]  }
0x36f: {  	v19 =	vld [tilespmem:$0x47A0]  }
0x370: {  	v1 =	vadd.f32 v11, v1;
	v11 =	vld [tilespmem:$0x4740]  }
0x371: {  	[tilespmem:$0x1FF00] =	vst v56;
	v56 =	vld [tilespmem:$0x4500]  }
0x372: {  	v0 =	vadd.f32 v14, v0;
	v14 =	vld [tilespmem:$0x4770]  }
0x373: {  	v2 =	vadd.f32 v18, v2;
	v18 =	vld [tilespmem:$0x4790]  }
0x374: {  	v6 =	vadd.f32 v25, v6;
	v25 =	vld [tilespmem:$0x47E0]  }
0x375: {  	v1 =	vadd.f32 v15, v1;
	v15 =	vld [tilespmem:$0x4780]  }
0x376: {  	[tilespmem:$0x1FEF0] =	vst v56;
	v56 =	vld [tilespmem:$0x4510]  }
0x377: {  	v0 =	vadd.f32 v22, v0;
	v22 =	vld [tilespmem:$0x47B0]  }
0x378: {  	v2 =	vadd.f32 v24, v2;
	v24 =	vld [tilespmem:$0x47D0]  }
0x379: {  	v6 =	vadd.f32 v29, v6;
	v29 =	vld [tilespmem:$0x4820]  }
0x37a: {  	v1 =	vadd.f32 v23, v1;
	v2 =	vadd.f32 v28, v2;
	v23 =	vld [tilespmem:$0x47C0]  }
0x37b: {  	v0 =	vadd.f32 v26, v0;
	v6 =	vadd.f32 v35, v6;
	[tilespmem:$0x1FF10] =	vst v56;
	v56 =	vld [tilespmem:$0x4520]  }
0x37c: {  	v26 =	vld [tilespmem:$0x47F0];
	v1 =	vadd.f32 v27, v1;
	v2 =	vadd.f32 v34, v2  }
0x37d: {  	v28 =	vld [tilespmem:$0x4810];
	v0 =	vadd.f32 v30, v0;
	v6 =	vadd.f32 v41, v6  }
0x37e: {  	v62 =	vld [tilespmem:$0x1FDC0];
	v1 =	vadd.f32 v31, v1;
	v2 =	vadd.f32 v40, v2  }
0x37f: {  	v27 =	vld [tilespmem:$0x4800];
	v0 =	vadd.f32 v38, v0;
	v6 =	vadd.f32 v45, v6  }
0x380: {  	v1 =	vadd.f32 v39, v1;
	v2 =	vadd.f32 v44, v2;
	[tilespmem:$0x1FF20] =	vst v56;
	v56 =	vld [tilespmem:$0x4530]  }
0x381: {  	v30 =	vld [tilespmem:$0x4830];
	v0 =	vadd.f32 v42, v0;
	v6 =	vadd.f32 v51, v6  }
0x382: {  	v31 =	vld [tilespmem:$0x4840];
	v1 =	vadd.f32 v43, v1;
	v2 =	vadd.f32 v50, v2  }
0x383: {  	v0 =	vadd.f32 v46, v0;
	v6 =	vadd.f32 v60, v6;
	v60 =	vld [tilespmem:$0x1FDA0]  }
0x384: {  	v1 =	vadd.f32 v47, v1;
	v2 =	vadd.f32 v61, v2;
	v61 =	vld [tilespmem:$0x1FDB0]  }
0x385: {  	[tilespmem:$0x1FF40] =	vst v56;
	v56 =	vld [tilespmem:$0x4540]  }
0x386: {  	v0 =	vadd.f32 v54, v0;
	v1 =	vadd.f32 v55, v1;
	v55 =	vld [tilespmem:$0x1FD70]  }
0x387: {  	v63 =	vld [tilespmem:$0x1FDD0]  }
0x388: {  	v0 =	vadd.f32 v58, v0;
	v58 =	vld [tilespmem:$0x1FD80]  }
0x389: {  	v34 =	vld [tilespmem:$0x1FDE0]  }
0x38a: {  	v2 =	vadd.f32 v57, v2;
	[tilespmem:$0x1FF30] =	vst v56;
	v56 =	vld [tilespmem:$0x4550]  }
0x38b: {  	v1 =	vadd.f32 v59, v1;
	v59 =	vld [tilespmem:$0x1FD90];
	v6 =	vadd.f32 v55, v6  }
0x38c: {  	v2 =	vadd.f32 v60, v2;
	v38 =	vld [tilespmem:$0x1FE00]  }
0x38d: {  	v6 =	vadd.f32 v58, v6;
	v35 =	vld [tilespmem:$0x1FDF0]  }
0x38e: {  	v2 =	vadd.f32 v34, v2;
	v34 =	vld [tilespmem:$0x4850]  }
0x38f: {  	v6 =	vadd.f32 v62, v6;
	[tilespmem:$0x1FF50] =	vst v56;
	v56 =	vld [tilespmem:$0x4560]  }
0x390: {  	v1 =	vadd.f32 v61, v1;
	v39 =	vld [tilespmem:$0x1FE10]  }
0x391: {  	v0 =	vadd.f32 v59, v0;
	v6 =	vadd.f32 v38, v6;
	v38 =	vld [tilespmem:$0x4870]  }
0x392: {  	v1 =	vadd.f32 v35, v1;
	v35 =	vld [tilespmem:$0x4860]  }
0x393: {  	v0 =	vadd.f32 v63, v0;
	v40 =	vld [tilespmem:$0x1FE20]  }
0x394: {  	[tilespmem:$0x1FF60] =	vst v56;
	v56 =	vld [tilespmem:$0x4570]  }
0x395: {  	v0 =	vadd.f32 v39, v0;
	v39 =	vld [tilespmem:$0x4880]  }
0x396: {  	v42 =	vld [tilespmem:$0x1FE40]  }
0x397: {  	v41 =	vld [tilespmem:$0x1FE30]  }
0x398: {  	v2 =	vadd.f32 v40, v2;
	v40 =	vld [tilespmem:$0x4890]  }
0x399: {  	[tilespmem:$0x1FF80] =	vst v56;
	v56 =	vld [tilespmem:$0x4580]  }
0x39a: {  	v43 =	vld [tilespmem:$0x1FE50]  }
0x39b: {  	v6 =	vadd.f32 v42, v6;
	v42 =	vld [tilespmem:$0x48B0]  }
0x39c: {  	v1 =	vadd.f32 v41, v1;
	v41 =	vld [tilespmem:$0x48A0]  }
0x39d: {  	v44 =	vld [tilespmem:$0x1FE60]  }
0x39e: {  	[tilespmem:$0x1FF70] =	vst v56;
	v56 =	vld [tilespmem:$0x4590]  }
0x39f: {  	v0 =	vadd.f32 v43, v0;
	v43 =	vld [tilespmem:$0x48C0]  }
0x3a0: {  	v46 =	vld [tilespmem:$0x1FE80]  }
0x3a1: {  	v45 =	vld [tilespmem:$0x1FE70]  }
0x3a2: {  	v2 =	vadd.f32 v44, v2;
	v44 =	vld [tilespmem:$0x48D0]  }
0x3a3: {  	[tilespmem:$0x1FF90] =	vst v56;
	v56 =	vld [tilespmem:$0x45A0]  }
0x3a4: {  	v47 =	vld [tilespmem:$0x1FE90]  }
0x3a5: {  	v6 =	vadd.f32 v46, v6;
	v46 =	vld [tilespmem:$0x48F0]  }
0x3a6: {  	v1 =	vadd.f32 v45, v1;
	v45 =	vld [tilespmem:$0x48E0]  }
0x3a7: {  	v50 =	vld [tilespmem:$0x1FEA0]  }
0x3a8: {  	[tilespmem:$0x1FFA0] =	vst v56;
	v56 =	vld [tilespmem:$0x45B0]  }
0x3a9: {  	v0 =	vadd.f32 v47, v0;
	v47 =	vld [tilespmem:$0x4900]  }
0x3aa: {  	v54 =	vld [tilespmem:$0x1FEC0]  }
0x3ab: {  	v51 =	vld [tilespmem:$0x1FEB0]  }
0x3ac: {  	v55 =	vld [tilespmem:$0x1FED0]  }
0x3ad: {  	[tilespmem:$0x1FFC0] =	vst v56;
	v56 =	vld [tilespmem:$0x45C0]  }
0x3ae: {  	v57 =	vld [tilespmem:$0x1FEE0]  }
0x3af: {  	v59 =	vld [tilespmem:$0x1FF00]  }
0x3b0: {  	v58 =	vld [tilespmem:$0x1FEF0]  }
0x3b1: {  	v60 =	vld [tilespmem:$0x1FF10]  }
0x3b2: {  	[tilespmem:$0x1FFB0] =	vst v56;
	v56 =	vld [tilespmem:$0x45D0]  }
0x3b3: {  	v61 =	vld [tilespmem:$0x1FF20]  }
0x3b4: {  	v63 =	vld [tilespmem:$0x1FF40]  }
0x3b5: {  	v62 =	vld [tilespmem:$0x1FF30]  }
0x3b6: {  	v2 =	vadd.f32 v50, v2;
	v50 =	vld [tilespmem:$0x1FF50]  }
0x3b7: {  	[tilespmem:$0x1FFD0] =	vst v56;
	v56 =	vld [tilespmem:$0x45E0]  }
0x3b8: {  	v1 =	vadd.f32 v51, v1;
	v51 =	vld [tilespmem:$0x1FF60]  }
0x3b9: {  	v0 =	vadd.f32 v55, v0;
	v55 =	vld [tilespmem:$0x1FF80]  }
0x3ba: {  	v6 =	vadd.f32 v54, v6;
	v54 =	vld [tilespmem:$0x1FF70]  }
0x3bb: {  	v2 =	vadd.f32 v57, v2;
	v57 =	vld [tilespmem:$0x1FF90]  }
0x3bc: {  	[tilespmem:$0x1FFE0] =	vst v56;
	v56 =	vld [tilespmem:$0x45F0]  }
0x3bd: {  	v1 =	vadd.f32 v58, v1;
	v58 =	vld [tilespmem:$0x1FFA0]  }
0x3be: {  	v0 =	vadd.f32 v60, v0;
	v60 =	vld [tilespmem:$0x1FFC0]  }
0x3bf: {  	v6 =	vadd.f32 v59, v6;
	v2 =	vadd.f32 v61, v2;
	v61 =	vld [tilespmem:$0x1FFD0]  }
0x3c0: {  	v1 =	vadd.f32 v62, v1;
	v0 =	vadd.f32 v50, v0;
	v62 =	vld [tilespmem:$0x1FFE0]  }
0x3c1: {  	v6 =	vadd.f32 v63, v6;
	v2 =	vadd.f32 v51, v2;
	v59 =	vld [tilespmem:$0x1FFB0];
	[tilespmem:$0x1FFF0] =	vst v56  }
0x3c2: {  	v0 =	vadd.f32 v57, v0;
	v63 =	vld [tilespmem:$0x1FFF0]  }
0x3c3: {  	v6 =	vadd.f32 v55, v6;
	v2 =	vadd.f32 v58, v2;
	v56 =	vld [tilespmem:$0x4600]  }
0x3c4: {  	v50 =	vld [tilespmem:$0x4910];
	v1 =	vadd.f32 v54, v1;
	v0 =	vadd.f32 v61, v0  }
0x3c5: {  	v51 =	vld [tilespmem:$0x4920];
	v6 =	vadd.f32 v60, v6;
	v2 =	vadd.f32 v62, v2  }
0x3c6: {  	v55 =	vld [tilespmem:$0x49B0];
	v1 =	vadd.f32 v59, v1;
	v0 =	vadd.f32 v3, v0  }
0x3c7: {  	v54 =	vld [tilespmem:$0x4930];
	v2 =	vadd.f32 v4, v2;
	v6 =	vadd.f32 v63, v6  }
0x3c8: {  	v57 =	vld [tilespmem:$0x49D0];
	v0 =	vadd.f32 v17, v0;
	v1 =	vadd.f32 v56, v1  }
0x3c9: {  	v58 =	vld [tilespmem:$0x49E0];
	v2 =	vadd.f32 v20, v2;
	v5 =	vadd.f32 v5, v6  }
0x3ca: {  	v60 =	vld [tilespmem:$0x4A00];
	v0 =	vadd.f32 v33, v0;
	v1 =	vadd.f32 v16, v1  }
0x3cb: {  	v59 =	vld [tilespmem:$0x49F0];
	v2 =	vadd.f32 v36, v2;
	v5 =	vadd.f32 v21, v5  }
0x3cc: {  	v61 =	vld [tilespmem:$0x4A10];
	v0 =	vadd.f32 v49, v0;
	v1 =	vadd.f32 v32, v1  }
0x3cd: {  	v3 =	vld [tilespmem:$0x4940];
	v2 =	vadd.f32 v52, v2;
	v5 =	vadd.f32 v37, v5  }
0x3ce: {  	v17 =	vld [tilespmem:$0x4980];
	v0 =	vadd.f32 v8, v0;
	v1 =	vadd.f32 v48, v1  }
0x3cf: {  	v62 =	vld [tilespmem:$0x4A20];
	v2 =	vadd.f32 v9, v2;
	v5 =	vadd.f32 v53, v5  }
0x3d0: {  	v33 =	vld [tilespmem:$0x4A50];
	v0 =	vadd.f32 v12, v0;
	v1 =	vadd.f32 v7, v1  }
0x3d1: {  	v4 =	vld [tilespmem:$0x4950];
	v2 =	vadd.f32 v13, v2;
	v5 =	vadd.f32 v10, v5  }
0x3d2: {  	v49 =	vld [tilespmem:$0x49A0];
	v0 =	vadd.f32 v18, v0;
	v1 =	vadd.f32 v11, v1  }
0x3d3: {  	v56 =	vld [tilespmem:$0x49C0];
	v2 =	vadd.f32 v19, v2;
	v5 =	vadd.f32 v14, v5  }
0x3d4: {  	v63 =	vld [tilespmem:$0x4A30];
	v0 =	vadd.f32 v24, v0;
	v1 =	vadd.f32 v15, v1  }
0x3d5: {  	v16 =	vld [tilespmem:$0x4970];
	v2 =	vadd.f32 v25, v2;
	v5 =	vadd.f32 v22, v5  }
0x3d6: {  	v36 =	vld [tilespmem:$0x4A60];
	v0 =	vadd.f32 v28, v0;
	v1 =	vadd.f32 v23, v1  }
0x3d7: {  	v6 =	vld [tilespmem:$0x4960];
	v2 =	vadd.f32 v29, v2;
	v5 =	vadd.f32 v26, v5  }
0x3d8: {  	v32 =	vld [tilespmem:$0x4A40];
	v0 =	vadd.f32 v34, v0;
	v1 =	vadd.f32 v27, v1  }
0x3d9: {  	v52 =	vld [tilespmem:$0x4B60];
	v2 =	vadd.f32 v35, v2;
	v5 =	vadd.f32 v30, v5  }
0x3da: {  	v48 =	vld [tilespmem:$0x4990];
	v0 =	vadd.f32 v40, v0;
	v1 =	vadd.f32 v31, v1  }
0x3db: {  	v37 =	vld [tilespmem:$0x4A70];
	v2 =	vadd.f32 v41, v2;
	v5 =	vadd.f32 v38, v5  }
0x3dc: {  	v53 =	vld [tilespmem:$0x4B70];
	v0 =	vadd.f32 v44, v0;
	v1 =	vadd.f32 v39, v1  }
0x3dd: {  	v40 =	vld [tilespmem:$0x4AA0];
	v2 =	vadd.f32 v45, v2;
	v5 =	vadd.f32 v42, v5  }
0x3de: {  	v44 =	vld [tilespmem:$0x4AE0];
	v0 =	vadd.f32 v50, v0;
	v1 =	vadd.f32 v43, v1  }
0x3df: {  	v50 =	vld [tilespmem:$0x4B40];
	v2 =	vadd.f32 v51, v2;
	v5 =	vadd.f32 v46, v5  }
0x3e0: {  	v41 =	vld [tilespmem:$0x4AB0];
	v0 =	vadd.f32 v4, v0;
	v1 =	vadd.f32 v47, v1  }
0x3e1: {  	v39 =	vld [tilespmem:$0x4A90];
	v2 =	vadd.f32 v6, v2;
	v5 =	vadd.f32 v54, v5  }
0x3e2: {  	v45 =	vld [tilespmem:$0x4AF0];
	v0 =	vadd.f32 v48, v0;
	v1 =	vadd.f32 v3, v1  }
0x3e3: {  	v38 =	vld [tilespmem:$0x4A80];
	v2 =	vadd.f32 v49, v2;
	v5 =	vadd.f32 v16, v5  }
0x3e4: {  	v48 =	vld [tilespmem:$0x4B20];
	v0 =	vadd.f32 v57, v0;
	v1 =	vadd.f32 v17, v1  }
0x3e5: {  	v43 =	vld [tilespmem:$0x4AD0];
	v2 =	vadd.f32 v58, v2;
	v5 =	vadd.f32 v55, v5  }
0x3e6: {  	v51 =	vld [tilespmem:$0x4B50];
	v0 =	vadd.f32 v61, v0;
	v1 =	vadd.f32 v56, v1  }
0x3e7: {  	v42 =	vld [tilespmem:$0x4AC0];
	v2 =	vadd.f32 v62, v2;
	v5 =	vadd.f32 v59, v5  }
0x3e8: {  	v57 =	vld [tilespmem:$0x4BB0];
	v0 =	vadd.f32 v33, v0;
	v1 =	vadd.f32 v60, v1  }
0x3e9: {  	v47 =	vld [tilespmem:$0x4B10];
	v2 =	vadd.f32 v36, v2;
	v5 =	vadd.f32 v63, v5  }
0x3ea: {  	v46 =	vld [tilespmem:$0x4B00];
	v0 =	vadd.f32 v39, v0;
	v1 =	vadd.f32 v32, v1  }
0x3eb: {  	v49 =	vld [tilespmem:$0x4B30];
	v2 =	vadd.f32 v40, v2;
	v5 =	vadd.f32 v37, v5  }
0x3ec: {  	v54 =	vld [tilespmem:$0x4B80];
	v0 =	vadd.f32 v43, v0;
	v1 =	vadd.f32 v38, v1  }
0x3ed: {  	v55 =	vld [tilespmem:$0x4B90];
	v2 =	vadd.f32 v44, v2;
	v5 =	vadd.f32 v41, v5  }
0x3ee: {  	v56 =	vld [tilespmem:$0x4BA0];
	v0 =	vadd.f32 v47, v0;
	v1 =	vadd.f32 v42, v1  }
0x3ef: {  	v59 =	vld [tilespmem:$0x4BD0];
	v2 =	vadd.f32 v48, v2;
	v5 =	vadd.f32 v45, v5  }
0x3f0: {  	v60 =	vld [tilespmem:$0x4BE0];
	v0 =	vadd.f32 v51, v0;
	v1 =	vadd.f32 v46, v1  }
0x3f1: {  	v58 =	vld [tilespmem:$0x4BC0];
	v2 =	vadd.f32 v52, v2;
	v5 =	vadd.f32 v49, v5  }
0x3f2: {  	v61 =	vld [tilespmem:$0x4BF0];
	v0 =	vadd.f32 v55, v0;
	v1 =	vadd.f32 v50, v1  }
0x3f3: {  	s15 =	sadd.s32 $0x340, s15;
	v2 =	vadd.f32 v56, v2;
	v5 =	vadd.f32 v53, v5  }
0x3f4: {  	p0 =	sne.s32 s15, $0x0;
	v0 =	vadd.f32 v59, v0;
	v1 =	vadd.f32 v54, v1  }
.Ltmp0:
0x3f5: {  	v2 =	vadd.f32 v60, v2;
	v62 =	vadd.f32 v57, v5;
	(pc) =	sbr.rel @p0 .LBB2_2-.Ltmp0, $4  }
0x3f6: {  	[tilespmem:s16+$0x50] =	vst v0;
	v1 =	vadd.f32 v58, v1  }
0x3f7: {  	[tilespmem:s16+$0x60] =	vst v2;
	v63 =	vadd.f32 v61, v62  }
0x3f8: {  	[tilespmem:s16+$0x40] =	vst v1  }
0x3f9: {  	[tilespmem:s16+$0x70] =	vst v63;
	s16 =	sadd.s32 $0x100, s16  }
0x3fa: {  	s14 =	sadd.s32 $0x1, s14  }
0x3fb: {  	p0 =	sne.s32 s14, s6  }
.Ltmp1:
0x3fc: {  	_ = 	snop;
	(pc) =	sbr.rel @p0 .LBB2_1-.Ltmp1, $4  }
0x3fd: {  	[hbm4b:s5+s2] =	stream.linear.scatter [tilespmem:s13], [sflag:$0x3], $0x2000, $0x38;
	[tilespmem:$0x6C00] =	vst v63  }
0x3fe: {  	_ =	swait.ge [sflag:s7], $0x2000  }
0x3ff: {  	[sflag:s7] =	ssyncset.done $0x0  }
0x400: {  	[sflag:s7] =	ssyncadd.s32 $0xFFFFE000  }
0x401: {  	_ =	sfence.sel $0x180000  }
0x402: {  	[bflag:$0x0] =	sbarrier.arrive $0xFFFF  }
0x403: {  	p0 =	sne.s32 s0, $0x0;
	_ =	strace $0x90000047  }
0x404: {  	s0 =	sadd.s32 @!p0 $0x100000, s1;
	[bflag:$0x2] =	sbarrier.arrive $0xFFFF  }
0x405: {  	[sflag:s0] =	ssyncadd.tile.s32 @!p0 $0x1;
	_ =	shalt  }
.Lfunc_end2:
_tile_overlayer_lowered:
.L_overlay_start_2:
0x406: {  	(tag) =	ssettag $0x2  }
0x407: {  	s0 =	rddreg [dreg:$0x0];
	s2 =	stileid.u32  }
0x408: {  	s1 =	rddreg [dreg:$0x1];
	p0 =	sne.s32 s2, $0x0  }
0x409: {  	s3 =	rddreg [dreg:$0x2];
	[bflag:$0x3] =	sbarrier.arrive $0xFFFF;
	s2 =	simm.s32 @!p0 $0x1C03  }
0x40a: {  	[timem:s3], [sflag:s2] =	dma.local @!p0 [hbm:s0], s1  }
0x40b: {  	s0 =	simm.s32 @!p0 $0x3  }
0x40c: {  	_ =	swait.ge @!p0 [sflag:s0], s1  }
0x40d: {  	s1 =	ssub.s32 @!p0 $0x0, s1;
	[sflag:s0] =	ssyncset.done @!p0 $0x0  }
0x40e: {  	[sflag:s0] =	ssyncadd.s32 @!p0 s1  }
0x40f: {  	[bflag:$0x3] =	sbarrier.arrive $0xFFFF  }
0x410: {  	_ =	shalt  }

</sc_bundles>
